<compile_context>
chip_gen: v7x
topology: tpu7x:2x2x1
jax: 0.10.2.dev20260603
libtpu: 0.0.44.dev20260713+nightly
codegen_flags: <defaults>
</compile_context>

<pallas_src>
import functools

import jax
import jax.numpy as jnp
import numpy as np
from jax import lax
from jax.experimental import pallas as pl
from jax.experimental.pallas import tpu as pltpu
from jax.experimental.pallas import tpu_sc as plsc

D_MODEL = 1024
MAX_LEN = 8192
NC = 2
NS = 16
NW = NC * NS
LANES = 16
NBUF = 3


def _pos_encoding(max_len, d_model):
    pos = np.arange(max_len, dtype=np.float32)[:, None]
    _2i = np.arange(0, d_model, 2, dtype=np.float32)
    enc = np.zeros((max_len, d_model), dtype=np.float32)
    angle = (pos / np.float_power(10000.0, (_2i / d_model))).astype(np.float32)
    enc[:, 0::2] = np.sin(angle)
    enc[:, 1::2] = np.cos(angle)
    return enc


_PE = _pos_encoding(MAX_LEN, D_MODEL)


def _make_sc_kernel(bsz, seq, D, C):
    ppw = seq // NW
    nchunk = ppw // C
    rows_c = bsz * C
    groups = D // LANES
    GB = 16
    gblocks = groups // GB
    mesh = plsc.VectorSubcoreMesh(core_axis_name="c", subcore_axis_name="s")

    @functools.partial(
        pl.kernel,
        out_type=jax.ShapeDtypeStruct((bsz * seq, D), jnp.float32),
        mesh=mesh,
        scratch_types=(
            [pltpu.VMEM((bsz, ppw), jnp.int32)]
            + [pltpu.VMEM((rows_c, D), jnp.float32)] * NBUF
            + [pltpu.VMEM((C, D), jnp.float32)] * NBUF
            + [pltpu.SemaphoreType.DMA] * (3 * NBUF)
        ),
    )
    def k(x_hbm, tok_hbm, pe_hbm, out_hbm, idx_v, *bufs):
        rows = bufs[0:NBUF]
        pes = bufs[NBUF:2 * NBUF]
        sgs = bufs[2 * NBUF:3 * NBUF]
        sps = bufs[3 * NBUF:4 * NBUF]
        ws = bufs[4 * NBUF:5 * NBUF]

        wid = lax.axis_index("s") * NC + lax.axis_index("c")
        pbase = wid * ppw
        for b in range(bsz):
            pltpu.async_copy(x_hbm.at[b, pl.ds(pbase, ppw)],
                             idx_v.at[b], sps[0])
        pltpu.make_async_copy(
            x_hbm.at[pl.ds(0, bsz), pl.ds(0, ppw)], idx_v, sps[0]).wait()

        def issue(ci, q):
            for b in range(bsz):
                pltpu.async_copy(
                    tok_hbm.at[idx_v.at[b, pl.ds(ci * C, C)]],
                    rows[q].at[pl.ds(b * C, C)], sgs[q])
            pltpu.async_copy(pe_hbm.at[pl.ds(pbase + ci * C, C)],
                             pes[q], sps[q])

        def phase(ci, q):
            qn = (q + 1) % NBUF
            @pl.when(ci >= NBUF - 1)
            def _():
                pltpu.make_async_copy(
                    tok_hbm.at[pl.ds(0, rows_c)], rows[qn], ws[qn]).wait()

            @pl.when(ci + 1 < nchunk)
            def _():
                issue(ci + 1, qn)

            pltpu.make_async_copy(
                tok_hbm.at[pl.ds(0, rows_c)], rows[q], sgs[q]).wait()
            pltpu.make_async_copy(
                pe_hbm.at[pl.ds(0, C)], pes[q], sps[q]).wait()

            def add(t, carry):
                r = t // gblocks
                goff = (t % gblocks) * (GB * LANES)
                pv = [pes[q][r, pl.ds(goff + g * LANES, LANES)]
                      for g in range(GB)]
                for b in range(bsz):
                    rr = b * C + r
                    for g in range(GB):
                        sl = pl.ds(goff + g * LANES, LANES)
                        rows[q][rr, sl] = rows[q][rr, sl] + pv[g]
                return carry

            lax.fori_loop(0, C * gblocks, add, 0)

            for b in range(bsz):
                pltpu.async_copy(
                    rows[q].at[pl.ds(b * C, C)],
                    out_hbm.at[pl.ds(b * seq + pbase + ci * C, C)],
                    ws[q])

        issue(0, 0)

        def body(it, carry):
            for p in range(NBUF):
                phase(it * NBUF + p, p)
            return carry

        lax.fori_loop(0, nchunk // NBUF, body, 0)
        for ci in range(nchunk - nchunk % NBUF, nchunk):
            phase(ci, ci % NBUF)

        for ci in range(nchunk - NBUF + 1, nchunk):
            pltpu.make_async_copy(
                tok_hbm.at[pl.ds(0, rows_c)], rows[ci % NBUF],
                ws[ci % NBUF]).wait()

    return k


def kernel(x, tok_emb):
    bsz, seq = x.shape
    D = tok_emb.shape[1]
    C = 8
    pe = jnp.asarray(_PE[:seq, :])
    out = _make_sc_kernel(bsz, seq, D, C)(
        x.astype(jnp.int32), tok_emb, pe)
    return out.reshape(bsz, seq, D)

# --- scband reference (transcript-rebuilt; emitter-appended) ---
"""Pipeline reference for scband-transformer-embedding-85306640433602 (READ-ONLY COPY).

The authoritative reference and input builder live on the scoring server;
editing this copy changes nothing except your own understanding.
"""

import jax, jax.numpy as jnp
import numpy as np

D_MODEL = 1024
MAX_LEN = 8192
VOCAB = 100000

def _pos_encoding(max_len, d_model):
    pos = jnp.arange(max_len, dtype=jnp.float32)[:, None]
    _2i = jnp.arange(0, d_model, 2, dtype=jnp.float32)
    enc = jnp.zeros((max_len, d_model), dtype=jnp.float32)
    enc = enc.at[:, 0::2].set(jnp.sin(pos / 10000 ** (_2i / d_model)))
    enc = enc.at[:, 1::2].set(jnp.cos(pos / 10000 ** (_2i / d_model)))
    return enc

def setup_inputs(seed: int = 0) -> dict:
    key = jax.random.key(seed)
    k1, k2 = jax.random.split(key)
    x = jax.random.randint(k1, (4, 4096), 0, VOCAB, dtype=jnp.int64 if jax.config.jax_enable_x64 else jnp.int32)
    tok_emb = jax.random.normal(k2, (VOCAB, D_MODEL), dtype=jnp.float32)
    return {"x": x, "tok_emb": tok_emb}

def reference(x, tok_emb):
    seq_len = x.shape[1]
    pe = _pos_encoding(MAX_LEN, D_MODEL)
    tok = jnp.take(tok_emb, x, axis=0)
    return tok + pe[:seq_len, :]

if __name__ == "__main__":
    import jax
    _d = setup_inputs()
    print(jax.jit(kernel)(*tuple(_d.values())))

</pallas_src>

<mosaic_0001>
#map = affine_map<(d0, d1) -> (0, 0)>
module attributes {stable_mosaic.version = 14 : i64} {
  func.func @k(%arg0: i32, %arg1: i32, %arg2: memref<4x4096xi32, #tpu.memory_space<hbm>>, %arg3: memref<100000x1024xf32, #tpu.memory_space<hbm>>, %arg4: memref<4096x1024xf32, #tpu.memory_space<hbm>>, %arg5: memref<16384x1024xf32, #tpu.memory_space<hbm>>, %arg6: memref<4x128xi32, #tpu.memory_space<vmem>>, %arg7: memref<32x1024xf32, #tpu.memory_space<vmem>>, %arg8: memref<32x1024xf32, #tpu.memory_space<vmem>>, %arg9: memref<32x1024xf32, #tpu.memory_space<vmem>>, %arg10: memref<8x1024xf32, #tpu.memory_space<vmem>>, %arg11: memref<8x1024xf32, #tpu.memory_space<vmem>>, %arg12: memref<8x1024xf32, #tpu.memory_space<vmem>>, %arg13: memref<!tpu.dma_semaphore, #tpu.memory_space<semaphore_mem>>, %arg14: memref<!tpu.dma_semaphore, #tpu.memory_space<semaphore_mem>>, %arg15: memref<!tpu.dma_semaphore, #tpu.memory_space<semaphore_mem>>, %arg16: memref<!tpu.dma_semaphore, #tpu.memory_space<semaphore_mem>>, %arg17: memref<!tpu.dma_semaphore, #tpu.memory_space<semaphore_mem>>, %arg18: memref<!tpu.dma_semaphore, #tpu.memory_space<semaphore_mem>>, %arg19: memref<!tpu.dma_semaphore, #tpu.memory_space<semaphore_mem>>, %arg20: memref<!tpu.dma_semaphore, #tpu.memory_space<semaphore_mem>>, %arg21: memref<!tpu.dma_semaphore, #tpu.memory_space<semaphore_mem>>) attributes {dimension_semantics = [#tpu.dimension_semantics<core_parallel>, #tpu.dimension_semantics<subcore_parallel>], iteration_bounds = array<i64: 2, 16>, scalar_prefetch = 0 : i64, scratch_operands = 16 : i64, tpu.core_type = #tpu.core_type<sc_vector_subcore>, window_params = [{transform_indices = #map}, {transform_indices = #map}, {transform_indices = #map}, {transform_indices = #map}]} {
    %mul3A = arith.constant 2 : i32
    %mul3A_0 = arith.muli %arg1, %mul3A : i32
    %add3A = arith.addi %mul3A_0, %arg0 : i32
    %mul3A_1 = arith.constant 128 : i32
    %mul3A_2 = arith.muli %add3A, %mul3A_1 : i32
    %dma_start3A = arith.constant 0 : i32
    %dma_start3A_3 = arith.constant 0 : i32
    %dma_start3A_4 = arith.constant 0 : i32
    %dma_start3A_5 = tpu.memref_slice %arg6[%dma_start3A_3, %dma_start3A_4] : memref<4x128xi32, #tpu.memory_space<vmem>> -> memref<1x128xi32, #tpu.memory_space<vmem>>
    %dma_start3A_6 = tpu.memref_squeeze %dma_start3A_5 : memref<1x128xi32, #tpu.memory_space<vmem>> -> memref<128xi32, #tpu.memory_space<vmem>>
    %dma_start3A_7 = tpu.memref_slice %arg2[%dma_start3A, %mul3A_2] : memref<4x4096xi32, #tpu.memory_space<hbm>> -> memref<1x128xi32, #tpu.memory_space<hbm>>
    %dma_start3A_8 = tpu.memref_squeeze %dma_start3A_7 : memref<1x128xi32, #tpu.memory_space<hbm>> -> memref<128xi32, #tpu.memory_space<hbm>>
    %dma_start3A_9 = arith.constant 0 : i32
    %dma_start3A_10 = tpu.memref_slice %arg6[%dma_start3A_3, %dma_start3A_9] : memref<4x128xi32, #tpu.memory_space<vmem>> -> memref<1x128xi32, #tpu.memory_space<vmem>>
    %dma_start3A_11 = tpu.memref_squeeze %dma_start3A_10 : memref<1x128xi32, #tpu.memory_space<vmem>> -> memref<128xi32, #tpu.memory_space<vmem>>
    %dma_start3A_12 = tpu.memref_slice %arg2[%dma_start3A, %mul3A_2] : memref<4x4096xi32, #tpu.memory_space<hbm>> -> memref<1x128xi32, #tpu.memory_space<hbm>>
    %dma_start3A_13 = tpu.memref_squeeze %dma_start3A_12 : memref<1x128xi32, #tpu.memory_space<hbm>> -> memref<128xi32, #tpu.memory_space<hbm>>
    tpu.enqueue_dma source(%dma_start3A_13 : memref<128xi32, #tpu.memory_space<hbm>>) target(%dma_start3A_11 : memref<128xi32, #tpu.memory_space<vmem>>) target_semaphore(%arg16 : memref<!tpu.dma_semaphore, #tpu.memory_space<semaphore_mem>>)
    %dma_start3A_14 = arith.constant 1 : i32
    %dma_start3A_15 = arith.constant 1 : i32
    %dma_start3A_16 = arith.constant 0 : i32
    %dma_start3A_17 = tpu.memref_slice %arg6[%dma_start3A_15, %dma_start3A_16] : memref<4x128xi32, #tpu.memory_space<vmem>> -> memref<1x128xi32, #tpu.memory_space<vmem>>
    %dma_start3A_18 = tpu.memref_squeeze %dma_start3A_17 : memref<1x128xi32, #tpu.memory_space<vmem>> -> memref<128xi32, #tpu.memory_space<vmem>>
    %dma_start3A_19 = tpu.memref_slice %arg2[%dma_start3A_14, %mul3A_2] : memref<4x4096xi32, #tpu.memory_space<hbm>> -> memref<1x128xi32, #tpu.memory_space<hbm>>
    %dma_start3A_20 = tpu.memref_squeeze %dma_start3A_19 : memref<1x128xi32, #tpu.memory_space<hbm>> -> memref<128xi32, #tpu.memory_space<hbm>>
    %dma_start3A_21 = arith.constant 0 : i32
    %dma_start3A_22 = tpu.memref_slice %arg6[%dma_start3A_15, %dma_start3A_21] : memref<4x128xi32, #tpu.memory_space<vmem>> -> memref<1x128xi32, #tpu.memory_space<vmem>>
    %dma_start3A_23 = tpu.memref_squeeze %dma_start3A_22 : memref<1x128xi32, #tpu.memory_space<vmem>> -> memref<128xi32, #tpu.memory_space<vmem>>
    %dma_start3A_24 = tpu.memref_slice %arg2[%dma_start3A_14, %mul3A_2] : memref<4x4096xi32, #tpu.memory_space<hbm>> -> memref<1x128xi32, #tpu.memory_space<hbm>>
    %dma_start3A_25 = tpu.memref_squeeze %dma_start3A_24 : memref<1x128xi32, #tpu.memory_space<hbm>> -> memref<128xi32, #tpu.memory_space<hbm>>
    tpu.enqueue_dma source(%dma_start3A_25 : memref<128xi32, #tpu.memory_space<hbm>>) target(%dma_start3A_23 : memref<128xi32, #tpu.memory_space<vmem>>) target_semaphore(%arg16 : memref<!tpu.dma_semaphore, #tpu.memory_space<semaphore_mem>>)
    %dma_start3A_26 = arith.constant 2 : i32
    %dma_start3A_27 = arith.constant 2 : i32
    %dma_start3A_28 = arith.constant 0 : i32
    %dma_start3A_29 = tpu.memref_slice %arg6[%dma_start3A_27, %dma_start3A_28] : memref<4x128xi32, #tpu.memory_space<vmem>> -> memref<1x128xi32, #tpu.memory_space<vmem>>
    %dma_start3A_30 = tpu.memref_squeeze %dma_start3A_29 : memref<1x128xi32, #tpu.memory_space<vmem>> -> memref<128xi32, #tpu.memory_space<vmem>>
    %dma_start3A_31 = tpu.memref_slice %arg2[%dma_start3A_26, %mul3A_2] : memref<4x4096xi32, #tpu.memory_space<hbm>> -> memref<1x128xi32, #tpu.memory_space<hbm>>
    %dma_start3A_32 = tpu.memref_squeeze %dma_start3A_31 : memref<1x128xi32, #tpu.memory_space<hbm>> -> memref<128xi32, #tpu.memory_space<hbm>>
    %dma_start3A_33 = arith.constant 0 : i32
    %dma_start3A_34 = tpu.memref_slice %arg6[%dma_start3A_27, %dma_start3A_33] : memref<4x128xi32, #tpu.memory_space<vmem>> -> memref<1x128xi32, #tpu.memory_space<vmem>>
    %dma_start3A_35 = tpu.memref_squeeze %dma_start3A_34 : memref<1x128xi32, #tpu.memory_space<vmem>> -> memref<128xi32, #tpu.memory_space<vmem>>
    %dma_start3A_36 = tpu.memref_slice %arg2[%dma_start3A_26, %mul3A_2] : memref<4x4096xi32, #tpu.memory_space<hbm>> -> memref<1x128xi32, #tpu.memory_space<hbm>>
    %dma_start3A_37 = tpu.memref_squeeze %dma_start3A_36 : memref<1x128xi32, #tpu.memory_space<hbm>> -> memref<128xi32, #tpu.memory_space<hbm>>
    tpu.enqueue_dma source(%dma_start3A_37 : memref<128xi32, #tpu.memory_space<hbm>>) target(%dma_start3A_35 : memref<128xi32, #tpu.memory_space<vmem>>) target_semaphore(%arg16 : memref<!tpu.dma_semaphore, #tpu.memory_space<semaphore_mem>>)
    %dma_start3A_38 = arith.constant 3 : i32
    %dma_start3A_39 = arith.constant 3 : i32
    %dma_start3A_40 = arith.constant 0 : i32
    %dma_start3A_41 = tpu.memref_slice %arg6[%dma_start3A_39, %dma_start3A_40] : memref<4x128xi32, #tpu.memory_space<vmem>> -> memref<1x128xi32, #tpu.memory_space<vmem>>
    %dma_start3A_42 = tpu.memref_squeeze %dma_start3A_41 : memref<1x128xi32, #tpu.memory_space<vmem>> -> memref<128xi32, #tpu.memory_space<vmem>>
    %dma_start3A_43 = tpu.memref_slice %arg2[%dma_start3A_38, %mul3A_2] : memref<4x4096xi32, #tpu.memory_space<hbm>> -> memref<1x128xi32, #tpu.memory_space<hbm>>
    %dma_start3A_44 = tpu.memref_squeeze %dma_start3A_43 : memref<1x128xi32, #tpu.memory_space<hbm>> -> memref<128xi32, #tpu.memory_space<hbm>>
    %dma_start3A_45 = arith.constant 0 : i32
    %dma_start3A_46 = tpu.memref_slice %arg6[%dma_start3A_39, %dma_start3A_45] : memref<4x128xi32, #tpu.memory_space<vmem>> -> memref<1x128xi32, #tpu.memory_space<vmem>>
    %dma_start3A_47 = tpu.memref_squeeze %dma_start3A_46 : memref<1x128xi32, #tpu.memory_space<vmem>> -> memref<128xi32, #tpu.memory_space<vmem>>
    %dma_start3A_48 = tpu.memref_slice %arg2[%dma_start3A_38, %mul3A_2] : memref<4x4096xi32, #tpu.memory_space<hbm>> -> memref<1x128xi32, #tpu.memory_space<hbm>>
    %dma_start3A_49 = tpu.memref_squeeze %dma_start3A_48 : memref<1x128xi32, #tpu.memory_space<hbm>> -> memref<128xi32, #tpu.memory_space<hbm>>
    tpu.enqueue_dma source(%dma_start3A_49 : memref<128xi32, #tpu.memory_space<hbm>>) target(%dma_start3A_47 : memref<128xi32, #tpu.memory_space<vmem>>) target_semaphore(%arg16 : memref<!tpu.dma_semaphore, #tpu.memory_space<semaphore_mem>>)
    %dma_wait3A = arith.constant 0 : i32
    %dma_wait3A_50 = arith.constant 0 : i32
    %dma_wait3A_51 = tpu.memref_slice %arg2[%dma_wait3A, %dma_wait3A_50] : memref<4x4096xi32, #tpu.memory_space<hbm>> -> memref<4x128xi32, #tpu.memory_space<hbm>>
    %dma_wait3A_52 = arith.constant 0 : i32
    %dma_wait3A_53 = arith.constant 0 : i32
    %dma_wait3A_54 = tpu.memref_slice %arg2[%dma_wait3A_52, %dma_wait3A_53] : memref<4x4096xi32, #tpu.memory_space<hbm>> -> memref<4x128xi32, #tpu.memory_space<hbm>>
    tpu.wait_dma2 semaphore(%arg16 : memref<!tpu.dma_semaphore, #tpu.memory_space<semaphore_mem>>) src(%dma_wait3A_54 : memref<4x128xi32, #tpu.memory_space<hbm>>) dst(%arg6 : memref<4x128xi32, #tpu.memory_space<vmem>>)
    %dma_start3A_55 = arith.constant 0 : i32
    %dma_start3A_56 = arith.constant 0 : i32
    %dma_start3A_57 = arith.constant 0 : i32
    %dma_start3A_58 = tpu.memref_slice %arg7[%dma_start3A_56, %dma_start3A_57] : memref<32x1024xf32, #tpu.memory_space<vmem>> -> memref<8x1024xf32, #tpu.memory_space<vmem>>
    %dma_start3A_59 = arith.constant 0 : i32
    %dma_start3A_60 = tpu.memref_slice %arg6[%dma_start3A_55, %dma_start3A_59] : memref<4x128xi32, #tpu.memory_space<vmem>> -> memref<1x8xi32, #tpu.memory_space<vmem>>
    %dma_start3A_61 = tpu.memref_squeeze %dma_start3A_60 : memref<1x8xi32, #tpu.memory_space<vmem>> -> memref<8xi32, #tpu.memory_space<vmem>>
    %dma_start3A_62 = arith.constant 0 : i32
    %dma_start3A_63 = arith.constant 0 : i32
    %dma_start3A_64 = tpu.memref_slice %arg3[%dma_start3A_62, %dma_start3A_63] : memref<100000x1024xf32, #tpu.memory_space<hbm>> -> memref<100000x1024xf32, #tpu.memory_space<hbm>>
    tpu.enqueue_indirect_dma source(%dma_start3A_64 : memref<100000x1024xf32, #tpu.memory_space<hbm>>) target(%dma_start3A_58 : memref<8x1024xf32, #tpu.memory_space<vmem>>) offsets(%dma_start3A_61 : memref<8xi32, #tpu.memory_space<vmem>>) semaphore(%arg13 : memref<!tpu.dma_semaphore, #tpu.memory_space<semaphore_mem>>)
    %dma_start3A_65 = arith.constant 1 : i32
    %dma_start3A_66 = arith.constant 8 : i32
    %dma_start3A_67 = arith.constant 0 : i32
    %dma_start3A_68 = tpu.memref_slice %arg7[%dma_start3A_66, %dma_start3A_67] : memref<32x1024xf32, #tpu.memory_space<vmem>> -> memref<8x1024xf32, #tpu.memory_space<vmem>>
    %dma_start3A_69 = arith.constant 0 : i32
    %dma_start3A_70 = tpu.memref_slice %arg6[%dma_start3A_65, %dma_start3A_69] : memref<4x128xi32, #tpu.memory_space<vmem>> -> memref<1x8xi32, #tpu.memory_space<vmem>>
    %dma_start3A_71 = tpu.memref_squeeze %dma_start3A_70 : memref<1x8xi32, #tpu.memory_space<vmem>> -> memref<8xi32, #tpu.memory_space<vmem>>
    %dma_start3A_72 = arith.constant 0 : i32
    %dma_start3A_73 = arith.constant 0 : i32
    %dma_start3A_74 = tpu.memref_slice %arg3[%dma_start3A_72, %dma_start3A_73] : memref<100000x1024xf32, #tpu.memory_space<hbm>> -> memref<100000x1024xf32, #tpu.memory_space<hbm>>
    tpu.enqueue_indirect_dma source(%dma_start3A_74 : memref<100000x1024xf32, #tpu.memory_space<hbm>>) target(%dma_start3A_68 : memref<8x1024xf32, #tpu.memory_space<vmem>>) offsets(%dma_start3A_71 : memref<8xi32, #tpu.memory_space<vmem>>) semaphore(%arg13 : memref<!tpu.dma_semaphore, #tpu.memory_space<semaphore_mem>>)
    %dma_start3A_75 = arith.constant 2 : i32
    %dma_start3A_76 = arith.constant 16 : i32
    %dma_start3A_77 = arith.constant 0 : i32
    %dma_start3A_78 = tpu.memref_slice %arg7[%dma_start3A_76, %dma_start3A_77] : memref<32x1024xf32, #tpu.memory_space<vmem>> -> memref<8x1024xf32, #tpu.memory_space<vmem>>
    %dma_start3A_79 = arith.constant 0 : i32
    %dma_start3A_80 = tpu.memref_slice %arg6[%dma_start3A_75, %dma_start3A_79] : memref<4x128xi32, #tpu.memory_space<vmem>> -> memref<1x8xi32, #tpu.memory_space<vmem>>
    %dma_start3A_81 = tpu.memref_squeeze %dma_start3A_80 : memref<1x8xi32, #tpu.memory_space<vmem>> -> memref<8xi32, #tpu.memory_space<vmem>>
    %dma_start3A_82 = arith.constant 0 : i32
    %dma_start3A_83 = arith.constant 0 : i32
    %dma_start3A_84 = tpu.memref_slice %arg3[%dma_start3A_82, %dma_start3A_83] : memref<100000x1024xf32, #tpu.memory_space<hbm>> -> memref<100000x1024xf32, #tpu.memory_space<hbm>>
    tpu.enqueue_indirect_dma source(%dma_start3A_84 : memref<100000x1024xf32, #tpu.memory_space<hbm>>) target(%dma_start3A_78 : memref<8x1024xf32, #tpu.memory_space<vmem>>) offsets(%dma_start3A_81 : memref<8xi32, #tpu.memory_space<vmem>>) semaphore(%arg13 : memref<!tpu.dma_semaphore, #tpu.memory_space<semaphore_mem>>)
    %dma_start3A_85 = arith.constant 3 : i32
    %dma_start3A_86 = arith.constant 24 : i32
    %dma_start3A_87 = arith.constant 0 : i32
    %dma_start3A_88 = tpu.memref_slice %arg7[%dma_start3A_86, %dma_start3A_87] : memref<32x1024xf32, #tpu.memory_space<vmem>> -> memref<8x1024xf32, #tpu.memory_space<vmem>>
    %dma_start3A_89 = arith.constant 0 : i32
    %dma_start3A_90 = tpu.memref_slice %arg6[%dma_start3A_85, %dma_start3A_89] : memref<4x128xi32, #tpu.memory_space<vmem>> -> memref<1x8xi32, #tpu.memory_space<vmem>>
    %dma_start3A_91 = tpu.memref_squeeze %dma_start3A_90 : memref<1x8xi32, #tpu.memory_space<vmem>> -> memref<8xi32, #tpu.memory_space<vmem>>
    %dma_start3A_92 = arith.constant 0 : i32
    %dma_start3A_93 = arith.constant 0 : i32
    %dma_start3A_94 = tpu.memref_slice %arg3[%dma_start3A_92, %dma_start3A_93] : memref<100000x1024xf32, #tpu.memory_space<hbm>> -> memref<100000x1024xf32, #tpu.memory_space<hbm>>
    tpu.enqueue_indirect_dma source(%dma_start3A_94 : memref<100000x1024xf32, #tpu.memory_space<hbm>>) target(%dma_start3A_88 : memref<8x1024xf32, #tpu.memory_space<vmem>>) offsets(%dma_start3A_91 : memref<8xi32, #tpu.memory_space<vmem>>) semaphore(%arg13 : memref<!tpu.dma_semaphore, #tpu.memory_space<semaphore_mem>>)
    %add3A_95 = arith.constant 0 : i32
    %add3A_96 = arith.addi %mul3A_2, %add3A_95 : i32
    %dma_start3A_97 = arith.constant 0 : i32
    %dma_start3A_98 = tpu.memref_slice %arg4[%add3A_96, %dma_start3A_97] : memref<4096x1024xf32, #tpu.memory_space<hbm>> -> memref<8x1024xf32, #tpu.memory_space<hbm>>
    %dma_start3A_99 = arith.constant 0 : i32
    %dma_start3A_100 = tpu.memref_slice %arg4[%add3A_96, %dma_start3A_99] : memref<4096x1024xf32, #tpu.memory_space<hbm>> -> memref<8x1024xf32, #tpu.memory_space<hbm>>
    tpu.enqueue_dma source(%dma_start3A_100 : memref<8x1024xf32, #tpu.memory_space<hbm>>) target(%arg10 : memref<8x1024xf32, #tpu.memory_space<vmem>>) target_semaphore(%arg16 : memref<!tpu.dma_semaphore, #tpu.memory_space<semaphore_mem>>)
    %scan3A = arith.constant 0 : i32
    %scan3A_101 = arith.constant 0 : i32
    %scan3A_102 = arith.constant 5 : i32
    %scan3A_103 = arith.addi %scan3A_101, %scan3A_102 : i32
    %scan3A_104 = arith.constant 1 : i32
    scf.for %scan3A_198 = %scan3A_101 to %scan3A_103 step %scan3A_104  : i32 {
      %mul3A_199 = arith.constant 3 : i32
      %mul3A_200 = arith.muli %scan3A_198, %mul3A_199 : i32
      %add3A_201 = arith.constant 0 : i32
      %add3A_202 = arith.addi %mul3A_200, %add3A_201 : i32
      %ge3A = arith.constant 2 : i32
      %ge3A_203 = arith.cmpi sge, %add3A_202, %ge3A : i32
      %convert_element_type3A = arith.extui %ge3A_203 : i1 to i32
      %cond3A = arith.constant 0 : i32
      %cond3A_204 = arith.cmpi ne, %convert_element_type3A, %cond3A : i32
      scf.if %cond3A_204 {
        %dma_wait3A_477 = arith.constant 0 : i32
        %dma_wait3A_478 = arith.constant 0 : i32
        %dma_wait3A_479 = tpu.memref_slice %arg3[%dma_wait3A_477, %dma_wait3A_478] : memref<100000x1024xf32, #tpu.memory_space<hbm>> -> memref<32x1024xf32, #tpu.memory_space<hbm>>
        %dma_wait3A_480 = arith.constant 0 : i32
        %dma_wait3A_481 = arith.constant 0 : i32
        %dma_wait3A_482 = tpu.memref_slice %arg3[%dma_wait3A_480, %dma_wait3A_481] : memref<100000x1024xf32, #tpu.memory_space<hbm>> -> memref<32x1024xf32, #tpu.memory_space<hbm>>
        tpu.wait_dma2 semaphore(%arg20 : memref<!tpu.dma_semaphore, #tpu.memory_space<semaphore_mem>>) src(%dma_wait3A_482 : memref<32x1024xf32, #tpu.memory_space<hbm>>) dst(%arg8 : memref<32x1024xf32, #tpu.memory_space<vmem>>)
      } else {
      }
      %add3A_205 = arith.constant 1 : i32
      %add3A_206 = arith.addi %add3A_202, %add3A_205 : i32
      %lt3A = arith.constant 16 : i32
      %lt3A_207 = arith.cmpi slt, %add3A_206, %lt3A : i32
      %convert_element_type3A_208 = arith.extui %lt3A_207 : i1 to i32
      %cond3A_209 = arith.constant 0 : i32
      %cond3A_210 = arith.cmpi ne, %convert_element_type3A_208, %cond3A_209 : i32
      scf.if %cond3A_210 {
        %add3A_477 = arith.constant 1 : i32
        %add3A_478 = arith.addi %add3A_202, %add3A_477 : i32
        %mul3A_479 = arith.constant 8 : i32
        %mul3A_480 = arith.muli %add3A_478, %mul3A_479 : i32
        %dma_start3A_481 = arith.constant 0 : i32
        %dma_start3A_482 = arith.constant 0 : i32
        %dma_start3A_483 = arith.constant 0 : i32
        %dma_start3A_484 = tpu.memref_slice %arg8[%dma_start3A_482, %dma_start3A_483] : memref<32x1024xf32, #tpu.memory_space<vmem>> -> memref<8x1024xf32, #tpu.memory_space<vmem>>
        %dma_start3A_485 = tpu.memref_slice %arg6[%dma_start3A_481, %mul3A_480] : memref<4x128xi32, #tpu.memory_space<vmem>> -> memref<1x8xi32, #tpu.memory_space<vmem>>
        %dma_start3A_486 = tpu.memref_squeeze %dma_start3A_485 : memref<1x8xi32, #tpu.memory_space<vmem>> -> memref<8xi32, #tpu.memory_space<vmem>>
        %dma_start3A_487 = arith.constant 0 : i32
        %dma_start3A_488 = arith.constant 0 : i32
        %dma_start3A_489 = tpu.memref_slice %arg3[%dma_start3A_487, %dma_start3A_488] : memref<100000x1024xf32, #tpu.memory_space<hbm>> -> memref<100000x1024xf32, #tpu.memory_space<hbm>>
        tpu.enqueue_indirect_dma source(%dma_start3A_489 : memref<100000x1024xf32, #tpu.memory_space<hbm>>) target(%dma_start3A_484 : memref<8x1024xf32, #tpu.memory_space<vmem>>) offsets(%dma_start3A_486 : memref<8xi32, #tpu.memory_space<vmem>>) semaphore(%arg14 : memref<!tpu.dma_semaphore, #tpu.memory_space<semaphore_mem>>)
        %mul3A_490 = arith.constant 8 : i32
        %mul3A_491 = arith.muli %add3A_478, %mul3A_490 : i32
        %dma_start3A_492 = arith.constant 1 : i32
        %dma_start3A_493 = arith.constant 8 : i32
        %dma_start3A_494 = arith.constant 0 : i32
        %dma_start3A_495 = tpu.memref_slice %arg8[%dma_start3A_493, %dma_start3A_494] : memref<32x1024xf32, #tpu.memory_space<vmem>> -> memref<8x1024xf32, #tpu.memory_space<vmem>>
        %dma_start3A_496 = tpu.memref_slice %arg6[%dma_start3A_492, %mul3A_491] : memref<4x128xi32, #tpu.memory_space<vmem>> -> memref<1x8xi32, #tpu.memory_space<vmem>>
        %dma_start3A_497 = tpu.memref_squeeze %dma_start3A_496 : memref<1x8xi32, #tpu.memory_space<vmem>> -> memref<8xi32, #tpu.memory_space<vmem>>
        %dma_start3A_498 = arith.constant 0 : i32
        %dma_start3A_499 = arith.constant 0 : i32
        %dma_start3A_500 = tpu.memref_slice %arg3[%dma_start3A_498, %dma_start3A_499] : memref<100000x1024xf32, #tpu.memory_space<hbm>> -> memref<100000x1024xf32, #tpu.memory_space<hbm>>
        tpu.enqueue_indirect_dma source(%dma_start3A_500 : memref<100000x1024xf32, #tpu.memory_space<hbm>>) target(%dma_start3A_495 : memref<8x1024xf32, #tpu.memory_space<vmem>>) offsets(%dma_start3A_497 : memref<8xi32, #tpu.memory_space<vmem>>) semaphore(%arg14 : memref<!tpu.dma_semaphore, #tpu.memory_space<semaphore_mem>>)
        %mul3A_501 = arith.constant 8 : i32
        %mul3A_502 = arith.muli %add3A_478, %mul3A_501 : i32
        %dma_start3A_503 = arith.constant 2 : i32
        %dma_start3A_504 = arith.constant 16 : i32
        %dma_start3A_505 = arith.constant 0 : i32
        %dma_start3A_506 = tpu.memref_slice %arg8[%dma_start3A_504, %dma_start3A_505] : memref<32x1024xf32, #tpu.memory_space<vmem>> -> memref<8x1024xf32, #tpu.memory_space<vmem>>
        %dma_start3A_507 = tpu.memref_slice %arg6[%dma_start3A_503, %mul3A_502] : memref<4x128xi32, #tpu.memory_space<vmem>> -> memref<1x8xi32, #tpu.memory_space<vmem>>
        %dma_start3A_508 = tpu.memref_squeeze %dma_start3A_507 : memref<1x8xi32, #tpu.memory_space<vmem>> -> memref<8xi32, #tpu.memory_space<vmem>>
        %dma_start3A_509 = arith.constant 0 : i32
        %dma_start3A_510 = arith.constant 0 : i32
        %dma_start3A_511 = tpu.memref_slice %arg3[%dma_start3A_509, %dma_start3A_510] : memref<100000x1024xf32, #tpu.memory_space<hbm>> -> memref<100000x1024xf32, #tpu.memory_space<hbm>>
        tpu.enqueue_indirect_dma source(%dma_start3A_511 : memref<100000x1024xf32, #tpu.memory_space<hbm>>) target(%dma_start3A_506 : memref<8x1024xf32, #tpu.memory_space<vmem>>) offsets(%dma_start3A_508 : memref<8xi32, #tpu.memory_space<vmem>>) semaphore(%arg14 : memref<!tpu.dma_semaphore, #tpu.memory_space<semaphore_mem>>)
        %mul3A_512 = arith.constant 8 : i32
        %mul3A_513 = arith.muli %add3A_478, %mul3A_512 : i32
        %dma_start3A_514 = arith.constant 3 : i32
        %dma_start3A_515 = arith.constant 24 : i32
        %dma_start3A_516 = arith.constant 0 : i32
        %dma_start3A_517 = tpu.memref_slice %arg8[%dma_start3A_515, %dma_start3A_516] : memref<32x1024xf32, #tpu.memory_space<vmem>> -> memref<8x1024xf32, #tpu.memory_space<vmem>>
        %dma_start3A_518 = tpu.memref_slice %arg6[%dma_start3A_514, %mul3A_513] : memref<4x128xi32, #tpu.memory_space<vmem>> -> memref<1x8xi32, #tpu.memory_space<vmem>>
        %dma_start3A_519 = tpu.memref_squeeze %dma_start3A_518 : memref<1x8xi32, #tpu.memory_space<vmem>> -> memref<8xi32, #tpu.memory_space<vmem>>
        %dma_start3A_520 = arith.constant 0 : i32
        %dma_start3A_521 = arith.constant 0 : i32
        %dma_start3A_522 = tpu.memref_slice %arg3[%dma_start3A_520, %dma_start3A_521] : memref<100000x1024xf32, #tpu.memory_space<hbm>> -> memref<100000x1024xf32, #tpu.memory_space<hbm>>
        tpu.enqueue_indirect_dma source(%dma_start3A_522 : memref<100000x1024xf32, #tpu.memory_space<hbm>>) target(%dma_start3A_517 : memref<8x1024xf32, #tpu.memory_space<vmem>>) offsets(%dma_start3A_519 : memref<8xi32, #tpu.memory_space<vmem>>) semaphore(%arg14 : memref<!tpu.dma_semaphore, #tpu.memory_space<semaphore_mem>>)
        %mul3A_523 = arith.constant 8 : i32
        %mul3A_524 = arith.muli %add3A_478, %mul3A_523 : i32
        %add3A_525 = arith.addi %mul3A_2, %mul3A_524 : i32
        %dma_start3A_526 = arith.constant 0 : i32
        %dma_start3A_527 = tpu.memref_slice %arg4[%add3A_525, %dma_start3A_526] : memref<4096x1024xf32, #tpu.memory_space<hbm>> -> memref<8x1024xf32, #tpu.memory_space<hbm>>
        %dma_start3A_528 = arith.constant 0 : i32
        %dma_start3A_529 = tpu.memref_slice %arg4[%add3A_525, %dma_start3A_528] : memref<4096x1024xf32, #tpu.memory_space<hbm>> -> memref<8x1024xf32, #tpu.memory_space<hbm>>
        tpu.enqueue_dma source(%dma_start3A_529 : memref<8x1024xf32, #tpu.memory_space<hbm>>) target(%arg11 : memref<8x1024xf32, #tpu.memory_space<vmem>>) target_semaphore(%arg17 : memref<!tpu.dma_semaphore, #tpu.memory_space<semaphore_mem>>)
      } else {
      }
      %dma_wait3A_211 = arith.constant 0 : i32
      %dma_wait3A_212 = arith.constant 0 : i32
      %dma_wait3A_213 = tpu.memref_slice %arg3[%dma_wait3A_211, %dma_wait3A_212] : memref<100000x1024xf32, #tpu.memory_space<hbm>> -> memref<32x1024xf32, #tpu.memory_space<hbm>>
      %dma_wait3A_214 = arith.constant 0 : i32
      %dma_wait3A_215 = arith.constant 0 : i32
      %dma_wait3A_216 = tpu.memref_slice %arg3[%dma_wait3A_214, %dma_wait3A_215] : memref<100000x1024xf32, #tpu.memory_space<hbm>> -> memref<32x1024xf32, #tpu.memory_space<hbm>>
      tpu.wait_dma2 semaphore(%arg13 : memref<!tpu.dma_semaphore, #tpu.memory_space<semaphore_mem>>) src(%dma_wait3A_216 : memref<32x1024xf32, #tpu.memory_space<hbm>>) dst(%arg7 : memref<32x1024xf32, #tpu.memory_space<vmem>>)
      %dma_wait3A_217 = arith.constant 0 : i32
      %dma_wait3A_218 = arith.constant 0 : i32
      %dma_wait3A_219 = tpu.memref_slice %arg4[%dma_wait3A_217, %dma_wait3A_218] : memref<4096x1024xf32, #tpu.memory_space<hbm>> -> memref<8x1024xf32, #tpu.memory_space<hbm>>
      %dma_wait3A_220 = arith.constant 0 : i32
      %dma_wait3A_221 = arith.constant 0 : i32
      %dma_wait3A_222 = tpu.memref_slice %arg4[%dma_wait3A_220, %dma_wait3A_221] : memref<4096x1024xf32, #tpu.memory_space<hbm>> -> memref<8x1024xf32, #tpu.memory_space<hbm>>
      tpu.wait_dma2 semaphore(%arg16 : memref<!tpu.dma_semaphore, #tpu.memory_space<semaphore_mem>>) src(%dma_wait3A_222 : memref<8x1024xf32, #tpu.memory_space<hbm>>) dst(%arg10 : memref<8x1024xf32, #tpu.memory_space<vmem>>)
      %scan3A_223 = arith.constant 0 : i32
      %scan3A_224 = arith.constant 0 : i32
      %scan3A_225 = arith.constant 32 : i32
      %scan3A_226 = arith.addi %scan3A_224, %scan3A_225 : i32
      %scan3A_227 = arith.constant 1 : i32
      scf.for %scan3A_477 = %scan3A_224 to %scan3A_226 step %scan3A_227  : i32 {
        %jit3A = arith.constant 4 : i32
        %div3A = arith.divsi %scan3A_477, %jit3A : i32
        %sign3A = arith.constant 0 : i32
        %sign3A_478 = arith.cmpi sgt, %scan3A_477, %sign3A : i32
        %sign3A_479 = arith.extui %sign3A_478 : i1 to i32
        %sign3A_480 = arith.constant 0 : i32
        %sign3A_481 = arith.cmpi slt, %scan3A_477, %sign3A_480 : i32
        %sign3A_482 = arith.extui %sign3A_481 : i1 to i32
        %sign3A_483 = arith.subi %sign3A_479, %sign3A_482 : i32
        %sign3A_484 = arith.constant 0 : i32
        %sign3A_485 = arith.cmpi sgt, %jit3A, %sign3A_484 : i32
        %sign3A_486 = arith.extui %sign3A_485 : i1 to i32
        %sign3A_487 = arith.constant 0 : i32
        %sign3A_488 = arith.cmpi slt, %jit3A, %sign3A_487 : i32
        %sign3A_489 = arith.extui %sign3A_488 : i1 to i32
        %sign3A_490 = arith.subi %sign3A_486, %sign3A_489 : i32
        %ne3A = arith.cmpi ne, %sign3A_483, %sign3A_490 : i32
        %rem3A = arith.remsi %scan3A_477, %jit3A : i32
        %ne3A_491 = arith.constant 0 : i32
        %ne3A_492 = arith.cmpi ne, %rem3A, %ne3A_491 : i32
        %and3A = arith.andi %ne3A, %ne3A_492 : i1
        %sub3A = arith.constant 1 : i32
        %sub3A_493 = arith.subi %div3A, %sub3A : i32
        %select_n3A = arith.select %and3A, %sub3A_493, %div3A : i32
        %jit3A_494 = arith.constant 4 : i32
        %eq3A = arith.constant 0 : i32
        %eq3A_495 = arith.cmpi eq, %jit3A_494, %eq3A : i32
        %jit3A_496 = arith.constant 1 : i32
        %select_n3A_497 = arith.select %eq3A_495, %jit3A_496, %jit3A_494 : i32
        %rem3A_498 = arith.remsi %scan3A_477, %select_n3A_497 : i32
        %ne3A_499 = arith.constant 0 : i32
        %ne3A_500 = arith.cmpi ne, %rem3A_498, %ne3A_499 : i32
        %lt3A_501 = arith.constant 0 : i32
        %lt3A_502 = arith.cmpi slt, %rem3A_498, %lt3A_501 : i32
        %lt3A_503 = arith.constant 0 : i32
        %lt3A_504 = arith.cmpi slt, %select_n3A_497, %lt3A_503 : i32
        %ne3A_505 = arith.xori %lt3A_502, %lt3A_504 : i1
        %and3A_506 = arith.andi %ne3A_505, %ne3A_500 : i1
        %add3A_507 = arith.addi %rem3A_498, %select_n3A_497 : i32
        %select_n3A_508 = arith.select %and3A_506, %add3A_507, %rem3A_498 : i32
        %mul3A_509 = arith.constant 256 : i32
        %mul3A_510 = arith.muli %select_n3A_508, %mul3A_509 : i32
        %add3A_511 = arith.constant 0 : i32
        %add3A_512 = arith.addi %mul3A_510, %add3A_511 : i32
        %get3A = arith.index_cast %select_n3A : i32 to index
        %get3A_513 = arith.index_cast %add3A_512 : i32 to index
        %get3A_514 = tpu.vector_load %arg10[%get3A, %get3A_513] {strides = array<i32>} : memref<8x1024xf32, #tpu.memory_space<vmem>>, vector<1x16xf32>,
        %get3A_515 = vector.shape_cast %get3A_514 : vector<1x16xf32> to vector<16xf32>
        %add3A_516 = arith.constant 16 : i32
        %add3A_517 = arith.addi %mul3A_510, %add3A_516 : i32
        %get3A_518 = arith.index_cast %select_n3A : i32 to index
        %get3A_519 = arith.index_cast %add3A_517 : i32 to index
        %get3A_520 = tpu.vector_load %arg10[%get3A_518, %get3A_519] {strides = array<i32>} : memref<8x1024xf32, #tpu.memory_space<vmem>>, vector<1x16xf32>,
        %get3A_521 = vector.shape_cast %get3A_520 : vector<1x16xf32> to vector<16xf32>
        %add3A_522 = arith.constant 32 : i32
        %add3A_523 = arith.addi %mul3A_510, %add3A_522 : i32
        %get3A_524 = arith.index_cast %select_n3A : i32 to index
        %get3A_525 = arith.index_cast %add3A_523 : i32 to index
        %get3A_526 = tpu.vector_load %arg10[%get3A_524, %get3A_525] {strides = array<i32>} : memref<8x1024xf32, #tpu.memory_space<vmem>>, vector<1x16xf32>,
        %get3A_527 = vector.shape_cast %get3A_526 : vector<1x16xf32> to vector<16xf32>
        %add3A_528 = arith.constant 48 : i32
        %add3A_529 = arith.addi %mul3A_510, %add3A_528 : i32
        %get3A_530 = arith.index_cast %select_n3A : i32 to index
        %get3A_531 = arith.index_cast %add3A_529 : i32 to index
        %get3A_532 = tpu.vector_load %arg10[%get3A_530, %get3A_531] {strides = array<i32>} : memref<8x1024xf32, #tpu.memory_space<vmem>>, vector<1x16xf32>,
        %get3A_533 = vector.shape_cast %get3A_532 : vector<1x16xf32> to vector<16xf32>
        %add3A_534 = arith.constant 64 : i32
        %add3A_535 = arith.addi %mul3A_510, %add3A_534 : i32
        %get3A_536 = arith.index_cast %select_n3A : i32 to index
        %get3A_537 = arith.index_cast %add3A_535 : i32 to index
        %get3A_538 = tpu.vector_load %arg10[%get3A_536, %get3A_537] {strides = array<i32>} : memref<8x1024xf32, #tpu.memory_space<vmem>>, vector<1x16xf32>,
        %get3A_539 = vector.shape_cast %get3A_538 : vector<1x16xf32> to vector<16xf32>
        %add3A_540 = arith.constant 80 : i32
        %add3A_541 = arith.addi %mul3A_510, %add3A_540 : i32
        %get3A_542 = arith.index_cast %select_n3A : i32 to index
        %get3A_543 = arith.index_cast %add3A_541 : i32 to index
        %get3A_544 = tpu.vector_load %arg10[%get3A_542, %get3A_543] {strides = array<i32>} : memref<8x1024xf32, #tpu.memory_space<vmem>>, vector<1x16xf32>,
        %get3A_545 = vector.shape_cast %get3A_544 : vector<1x16xf32> to vector<16xf32>
        %add3A_546 = arith.constant 96 : i32
        %add3A_547 = arith.addi %mul3A_510, %add3A_546 : i32
        %get3A_548 = arith.index_cast %select_n3A : i32 to index
        %get3A_549 = arith.index_cast %add3A_547 : i32 to index
        %get3A_550 = tpu.vector_load %arg10[%get3A_548, %get3A_549] {strides = array<i32>} : memref<8x1024xf32, #tpu.memory_space<vmem>>, vector<1x16xf32>,
        %get3A_551 = vector.shape_cast %get3A_550 : vector<1x16xf32> to vector<16xf32>
        %add3A_552 = arith.constant 112 : i32
        %add3A_553 = arith.addi %mul3A_510, %add3A_552 : i32
        %get3A_554 = arith.index_cast %select_n3A : i32 to index
        %get3A_555 = arith.index_cast %add3A_553 : i32 to index
        %get3A_556 = tpu.vector_load %arg10[%get3A_554, %get3A_555] {strides = array<i32>} : memref<8x1024xf32, #tpu.memory_space<vmem>>, vector<1x16xf32>,
        %get3A_557 = vector.shape_cast %get3A_556 : vector<1x16xf32> to vector<16xf32>
        %add3A_558 = arith.constant 128 : i32
        %add3A_559 = arith.addi %mul3A_510, %add3A_558 : i32
        %get3A_560 = arith.index_cast %select_n3A : i32 to index
        %get3A_561 = arith.index_cast %add3A_559 : i32 to index
        %get3A_562 = tpu.vector_load %arg10[%get3A_560, %get3A_561] {strides = array<i32>} : memref<8x1024xf32, #tpu.memory_space<vmem>>, vector<1x16xf32>,
        %get3A_563 = vector.shape_cast %get3A_562 : vector<1x16xf32> to vector<16xf32>
        %add3A_564 = arith.constant 144 : i32
        %add3A_565 = arith.addi %mul3A_510, %add3A_564 : i32
        %get3A_566 = arith.index_cast %select_n3A : i32 to index
        %get3A_567 = arith.index_cast %add3A_565 : i32 to index
        %get3A_568 = tpu.vector_load %arg10[%get3A_566, %get3A_567] {strides = array<i32>} : memref<8x1024xf32, #tpu.memory_space<vmem>>, vector<1x16xf32>,
        %get3A_569 = vector.shape_cast %get3A_568 : vector<1x16xf32> to vector<16xf32>
        %add3A_570 = arith.constant 160 : i32
        %add3A_571 = arith.addi %mul3A_510, %add3A_570 : i32
        %get3A_572 = arith.index_cast %select_n3A : i32 to index
        %get3A_573 = arith.index_cast %add3A_571 : i32 to index
        %get3A_574 = tpu.vector_load %arg10[%get3A_572, %get3A_573] {strides = array<i32>} : memref<8x1024xf32, #tpu.memory_space<vmem>>, vector<1x16xf32>,
        %get3A_575 = vector.shape_cast %get3A_574 : vector<1x16xf32> to vector<16xf32>
        %add3A_576 = arith.constant 176 : i32
        %add3A_577 = arith.addi %mul3A_510, %add3A_576 : i32
        %get3A_578 = arith.index_cast %select_n3A : i32 to index
        %get3A_579 = arith.index_cast %add3A_577 : i32 to index
        %get3A_580 = tpu.vector_load %arg10[%get3A_578, %get3A_579] {strides = array<i32>} : memref<8x1024xf32, #tpu.memory_space<vmem>>, vector<1x16xf32>,
        %get3A_581 = vector.shape_cast %get3A_580 : vector<1x16xf32> to vector<16xf32>
        %add3A_582 = arith.constant 192 : i32
        %add3A_583 = arith.addi %mul3A_510, %add3A_582 : i32
        %get3A_584 = arith.index_cast %select_n3A : i32 to index
        %get3A_585 = arith.index_cast %add3A_583 : i32 to index
        %get3A_586 = tpu.vector_load %arg10[%get3A_584, %get3A_585] {strides = array<i32>} : memref<8x1024xf32, #tpu.memory_space<vmem>>, vector<1x16xf32>,
        %get3A_587 = vector.shape_cast %get3A_586 : vector<1x16xf32> to vector<16xf32>
        %add3A_588 = arith.constant 208 : i32
        %add3A_589 = arith.addi %mul3A_510, %add3A_588 : i32
        %get3A_590 = arith.index_cast %select_n3A : i32 to index
        %get3A_591 = arith.index_cast %add3A_589 : i32 to index
        %get3A_592 = tpu.vector_load %arg10[%get3A_590, %get3A_591] {strides = array<i32>} : memref<8x1024xf32, #tpu.memory_space<vmem>>, vector<1x16xf32>,
        %get3A_593 = vector.shape_cast %get3A_592 : vector<1x16xf32> to vector<16xf32>
        %add3A_594 = arith.constant 224 : i32
        %add3A_595 = arith.addi %mul3A_510, %add3A_594 : i32
        %get3A_596 = arith.index_cast %select_n3A : i32 to index
        %get3A_597 = arith.index_cast %add3A_595 : i32 to index
        %get3A_598 = tpu.vector_load %arg10[%get3A_596, %get3A_597] {strides = array<i32>} : memref<8x1024xf32, #tpu.memory_space<vmem>>, vector<1x16xf32>,
        %get3A_599 = vector.shape_cast %get3A_598 : vector<1x16xf32> to vector<16xf32>
        %add3A_600 = arith.constant 240 : i32
        %add3A_601 = arith.addi %mul3A_510, %add3A_600 : i32
        %get3A_602 = arith.index_cast %select_n3A : i32 to index
        %get3A_603 = arith.index_cast %add3A_601 : i32 to index
        %get3A_604 = tpu.vector_load %arg10[%get3A_602, %get3A_603] {strides = array<i32>} : memref<8x1024xf32, #tpu.memory_space<vmem>>, vector<1x16xf32>,
        %get3A_605 = vector.shape_cast %get3A_604 : vector<1x16xf32> to vector<16xf32>
        %add3A_606 = arith.constant 0 : i32
        %add3A_607 = arith.addi %add3A_606, %select_n3A : i32
        %add3A_608 = arith.constant 0 : i32
        %add3A_609 = arith.addi %mul3A_510, %add3A_608 : i32
        %get3A_610 = arith.index_cast %add3A_607 : i32 to index
        %get3A_611 = arith.index_cast %add3A_609 : i32 to index
        %get3A_612 = tpu.vector_load %arg7[%get3A_610, %get3A_611] {strides = array<i32>} : memref<32x1024xf32, #tpu.memory_space<vmem>>, vector<1x16xf32>,
        %get3A_613 = vector.shape_cast %get3A_612 : vector<1x16xf32> to vector<16xf32>
        %add3A_614 = arith.addf %get3A_613, %get3A_515 : vector<16xf32>
        %swap3A = arith.index_cast %add3A_607 : i32 to index
        %swap3A_615 = arith.index_cast %add3A_609 : i32 to index
        %swap3A_616 = tpu.vector_load %arg7[%swap3A, %swap3A_615] {strides = array<i32>} : memref<32x1024xf32, #tpu.memory_space<vmem>>, vector<1x16xf32>,
        %swap3A_617 = vector.shape_cast %swap3A_616 : vector<1x16xf32> to vector<16xf32>
        %swap3A_618 = vector.shape_cast %add3A_614 : vector<16xf32> to vector<1x16xf32>
        tpu.vector_store %arg7[%swap3A, %swap3A_615], %swap3A_618 {strides = array<i32>} : memref<32x1024xf32, #tpu.memory_space<vmem>>, vector<1x16xf32>,
        %add3A_619 = arith.constant 16 : i32
        %add3A_620 = arith.addi %mul3A_510, %add3A_619 : i32
        %get3A_621 = arith.index_cast %add3A_607 : i32 to index
        %get3A_622 = arith.index_cast %add3A_620 : i32 to index
        %get3A_623 = tpu.vector_load %arg7[%get3A_621, %get3A_622] {strides = array<i32>} : memref<32x1024xf32, #tpu.memory_space<vmem>>, vector<1x16xf32>,
        %get3A_624 = vector.shape_cast %get3A_623 : vector<1x16xf32> to vector<16xf32>
        %add3A_625 = arith.addf %get3A_624, %get3A_521 : vector<16xf32>
        %swap3A_626 = arith.index_cast %add3A_607 : i32 to index
        %swap3A_627 = arith.index_cast %add3A_620 : i32 to index
        %swap3A_628 = tpu.vector_load %arg7[%swap3A_626, %swap3A_627] {strides = array<i32>} : memref<32x1024xf32, #tpu.memory_space<vmem>>, vector<1x16xf32>,
        %swap3A_629 = vector.shape_cast %swap3A_628 : vector<1x16xf32> to vector<16xf32>
        %swap3A_630 = vector.shape_cast %add3A_625 : vector<16xf32> to vector<1x16xf32>
        tpu.vector_store %arg7[%swap3A_626, %swap3A_627], %swap3A_630 {strides = array<i32>} : memref<32x1024xf32, #tpu.memory_space<vmem>>, vector<1x16xf32>,
        %add3A_631 = arith.constant 32 : i32
        %add3A_632 = arith.addi %mul3A_510, %add3A_631 : i32
        %get3A_633 = arith.index_cast %add3A_607 : i32 to index
        %get3A_634 = arith.index_cast %add3A_632 : i32 to index
        %get3A_635 = tpu.vector_load %arg7[%get3A_633, %get3A_634] {strides = array<i32>} : memref<32x1024xf32, #tpu.memory_space<vmem>>, vector<1x16xf32>,
        %get3A_636 = vector.shape_cast %get3A_635 : vector<1x16xf32> to vector<16xf32>
        %add3A_637 = arith.addf %get3A_636, %get3A_527 : vector<16xf32>
        %swap3A_638 = arith.index_cast %add3A_607 : i32 to index
        %swap3A_639 = arith.index_cast %add3A_632 : i32 to index
        %swap3A_640 = tpu.vector_load %arg7[%swap3A_638, %swap3A_639] {strides = array<i32>} : memref<32x1024xf32, #tpu.memory_space<vmem>>, vector<1x16xf32>,
        %swap3A_641 = vector.shape_cast %swap3A_640 : vector<1x16xf32> to vector<16xf32>
        %swap3A_642 = vector.shape_cast %add3A_637 : vector<16xf32> to vector<1x16xf32>
        tpu.vector_store %arg7[%swap3A_638, %swap3A_639], %swap3A_642 {strides = array<i32>} : memref<32x1024xf32, #tpu.memory_space<vmem>>, vector<1x16xf32>,
        %add3A_643 = arith.constant 48 : i32
        %add3A_644 = arith.addi %mul3A_510, %add3A_643 : i32
        %get3A_645 = arith.index_cast %add3A_607 : i32 to index
        %get3A_646 = arith.index_cast %add3A_644 : i32 to index
        %get3A_647 = tpu.vector_load %arg7[%get3A_645, %get3A_646] {strides = array<i32>} : memref<32x1024xf32, #tpu.memory_space<vmem>>, vector<1x16xf32>,
        %get3A_648 = vector.shape_cast %get3A_647 : vector<1x16xf32> to vector<16xf32>
        %add3A_649 = arith.addf %get3A_648, %get3A_533 : vector<16xf32>
        %swap3A_650 = arith.index_cast %add3A_607 : i32 to index
        %swap3A_651 = arith.index_cast %add3A_644 : i32 to index
        %swap3A_652 = tpu.vector_load %arg7[%swap3A_650, %swap3A_651] {strides = array<i32>} : memref<32x1024xf32, #tpu.memory_space<vmem>>, vector<1x16xf32>,
        %swap3A_653 = vector.shape_cast %swap3A_652 : vector<1x16xf32> to vector<16xf32>
        %swap3A_654 = vector.shape_cast %add3A_649 : vector<16xf32> to vector<1x16xf32>
        tpu.vector_store %arg7[%swap3A_650, %swap3A_651], %swap3A_654 {strides = array<i32>} : memref<32x1024xf32, #tpu.memory_space<vmem>>, vector<1x16xf32>,
        %add3A_655 = arith.constant 64 : i32
        %add3A_656 = arith.addi %mul3A_510, %add3A_655 : i32
        %get3A_657 = arith.index_cast %add3A_607 : i32 to index
        %get3A_658 = arith.index_cast %add3A_656 : i32 to index
        %get3A_659 = tpu.vector_load %arg7[%get3A_657, %get3A_658] {strides = array<i32>} : memref<32x1024xf32, #tpu.memory_space<vmem>>, vector<1x16xf32>,
        %get3A_660 = vector.shape_cast %get3A_659 : vector<1x16xf32> to vector<16xf32>
        %add3A_661 = arith.addf %get3A_660, %get3A_539 : vector<16xf32>
        %swap3A_662 = arith.index_cast %add3A_607 : i32 to index
        %swap3A_663 = arith.index_cast %add3A_656 : i32 to index
        %swap3A_664 = tpu.vector_load %arg7[%swap3A_662, %swap3A_663] {strides = array<i32>} : memref<32x1024xf32, #tpu.memory_space<vmem>>, vector<1x16xf32>,
        %swap3A_665 = vector.shape_cast %swap3A_664 : vector<1x16xf32> to vector<16xf32>
        %swap3A_666 = vector.shape_cast %add3A_661 : vector<16xf32> to vector<1x16xf32>
        tpu.vector_store %arg7[%swap3A_662, %swap3A_663], %swap3A_666 {strides = array<i32>} : memref<32x1024xf32, #tpu.memory_space<vmem>>, vector<1x16xf32>,
        %add3A_667 = arith.constant 80 : i32
        %add3A_668 = arith.addi %mul3A_510, %add3A_667 : i32
        %get3A_669 = arith.index_cast %add3A_607 : i32 to index
        %get3A_670 = arith.index_cast %add3A_668 : i32 to index
        %get3A_671 = tpu.vector_load %arg7[%get3A_669, %get3A_670] {strides = array<i32>} : memref<32x1024xf32, #tpu.memory_space<vmem>>, vector<1x16xf32>,
        %get3A_672 = vector.shape_cast %get3A_671 : vector<1x16xf32> to vector<16xf32>
        %add3A_673 = arith.addf %get3A_672, %get3A_545 : vector<16xf32>
        %swap3A_674 = arith.index_cast %add3A_607 : i32 to index
        %swap3A_675 = arith.index_cast %add3A_668 : i32 to index
        %swap3A_676 = tpu.vector_load %arg7[%swap3A_674, %swap3A_675] {strides = array<i32>} : memref<32x1024xf32, #tpu.memory_space<vmem>>, vector<1x16xf32>,
        %swap3A_677 = vector.shape_cast %swap3A_676 : vector<1x16xf32> to vector<16xf32>
        %swap3A_678 = vector.shape_cast %add3A_673 : vector<16xf32> to vector<1x16xf32>
        tpu.vector_store %arg7[%swap3A_674, %swap3A_675], %swap3A_678 {strides = array<i32>} : memref<32x1024xf32, #tpu.memory_space<vmem>>, vector<1x16xf32>,
        %add3A_679 = arith.constant 96 : i32
        %add3A_680 = arith.addi %mul3A_510, %add3A_679 : i32
        %get3A_681 = arith.index_cast %add3A_607 : i32 to index
        %get3A_682 = arith.index_cast %add3A_680 : i32 to index
        %get3A_683 = tpu.vector_load %arg7[%get3A_681, %get3A_682] {strides = array<i32>} : memref<32x1024xf32, #tpu.memory_space<vmem>>, vector<1x16xf32>,
        %get3A_684 = vector.shape_cast %get3A_683 : vector<1x16xf32> to vector<16xf32>
        %add3A_685 = arith.addf %get3A_684, %get3A_551 : vector<16xf32>
        %swap3A_686 = arith.index_cast %add3A_607 : i32 to index
        %swap3A_687 = arith.index_cast %add3A_680 : i32 to index
        %swap3A_688 = tpu.vector_load %arg7[%swap3A_686, %swap3A_687] {strides = array<i32>} : memref<32x1024xf32, #tpu.memory_space<vmem>>, vector<1x16xf32>,
        %swap3A_689 = vector.shape_cast %swap3A_688 : vector<1x16xf32> to vector<16xf32>
        %swap3A_690 = vector.shape_cast %add3A_685 : vector<16xf32> to vector<1x16xf32>
        tpu.vector_store %arg7[%swap3A_686, %swap3A_687], %swap3A_690 {strides = array<i32>} : memref<32x1024xf32, #tpu.memory_space<vmem>>, vector<1x16xf32>,
        %add3A_691 = arith.constant 112 : i32
        %add3A_692 = arith.addi %mul3A_510, %add3A_691 : i32
        %get3A_693 = arith.index_cast %add3A_607 : i32 to index
        %get3A_694 = arith.index_cast %add3A_692 : i32 to index
        %get3A_695 = tpu.vector_load %arg7[%get3A_693, %get3A_694] {strides = array<i32>} : memref<32x1024xf32, #tpu.memory_space<vmem>>, vector<1x16xf32>,
        %get3A_696 = vector.shape_cast %get3A_695 : vector<1x16xf32> to vector<16xf32>
        %add3A_697 = arith.addf %get3A_696, %get3A_557 : vector<16xf32>
        %swap3A_698 = arith.index_cast %add3A_607 : i32 to index
        %swap3A_699 = arith.index_cast %add3A_692 : i32 to index
        %swap3A_700 = tpu.vector_load %arg7[%swap3A_698, %swap3A_699] {strides = array<i32>} : memref<32x1024xf32, #tpu.memory_space<vmem>>, vector<1x16xf32>,
        %swap3A_701 = vector.shape_cast %swap3A_700 : vector<1x16xf32> to vector<16xf32>
        %swap3A_702 = vector.shape_cast %add3A_697 : vector<16xf32> to vector<1x16xf32>
        tpu.vector_store %arg7[%swap3A_698, %swap3A_699], %swap3A_702 {strides = array<i32>} : memref<32x1024xf32, #tpu.memory_space<vmem>>, vector<1x16xf32>,
        %add3A_703 = arith.constant 128 : i32
        %add3A_704 = arith.addi %mul3A_510, %add3A_703 : i32
        %get3A_705 = arith.index_cast %add3A_607 : i32 to index
        %get3A_706 = arith.index_cast %add3A_704 : i32 to index
        %get3A_707 = tpu.vector_load %arg7[%get3A_705, %get3A_706] {strides = array<i32>} : memref<32x1024xf32, #tpu.memory_space<vmem>>, vector<1x16xf32>,
        %get3A_708 = vector.shape_cast %get3A_707 : vector<1x16xf32> to vector<16xf32>
        %add3A_709 = arith.addf %get3A_708, %get3A_563 : vector<16xf32>
        %swap3A_710 = arith.index_cast %add3A_607 : i32 to index
        %swap3A_711 = arith.index_cast %add3A_704 : i32 to index
        %swap3A_712 = tpu.vector_load %arg7[%swap3A_710, %swap3A_711] {strides = array<i32>} : memref<32x1024xf32, #tpu.memory_space<vmem>>, vector<1x16xf32>,
        %swap3A_713 = vector.shape_cast %swap3A_712 : vector<1x16xf32> to vector<16xf32>
        %swap3A_714 = vector.shape_cast %add3A_709 : vector<16xf32> to vector<1x16xf32>
        tpu.vector_store %arg7[%swap3A_710, %swap3A_711], %swap3A_714 {strides = array<i32>} : memref<32x1024xf32, #tpu.memory_space<vmem>>, vector<1x16xf32>,
        %add3A_715 = arith.constant 144 : i32
        %add3A_716 = arith.addi %mul3A_510, %add3A_715 : i32
        %get3A_717 = arith.index_cast %add3A_607 : i32 to index
        %get3A_718 = arith.index_cast %add3A_716 : i32 to index
        %get3A_719 = tpu.vector_load %arg7[%get3A_717, %get3A_718] {strides = array<i32>} : memref<32x1024xf32, #tpu.memory_space<vmem>>, vector<1x16xf32>,
        %get3A_720 = vector.shape_cast %get3A_719 : vector<1x16xf32> to vector<16xf32>
        %add3A_721 = arith.addf %get3A_720, %get3A_569 : vector<16xf32>
        %swap3A_722 = arith.index_cast %add3A_607 : i32 to index
        %swap3A_723 = arith.index_cast %add3A_716 : i32 to index
        %swap3A_724 = tpu.vector_load %arg7[%swap3A_722, %swap3A_723] {strides = array<i32>} : memref<32x1024xf32, #tpu.memory_space<vmem>>, vector<1x16xf32>,
        %swap3A_725 = vector.shape_cast %swap3A_724 : vector<1x16xf32> to vector<16xf32>
        %swap3A_726 = vector.shape_cast %add3A_721 : vector<16xf32> to vector<1x16xf32>
        tpu.vector_store %arg7[%swap3A_722, %swap3A_723], %swap3A_726 {strides = array<i32>} : memref<32x1024xf32, #tpu.memory_space<vmem>>, vector<1x16xf32>,
        %add3A_727 = arith.constant 160 : i32
        %add3A_728 = arith.addi %mul3A_510, %add3A_727 : i32
        %get3A_729 = arith.index_cast %add3A_607 : i32 to index
        %get3A_730 = arith.index_cast %add3A_728 : i32 to index
        %get3A_731 = tpu.vector_load %arg7[%get3A_729, %get3A_730] {strides = array<i32>} : memref<32x1024xf32, #tpu.memory_space<vmem>>, vector<1x16xf32>,
        %get3A_732 = vector.shape_cast %get3A_731 : vector<1x16xf32> to vector<16xf32>
        %add3A_733 = arith.addf %get3A_732, %get3A_575 : vector<16xf32>
        %swap3A_734 = arith.index_cast %add3A_607 : i32 to index
        %swap3A_735 = arith.index_cast %add3A_728 : i32 to index
        %swap3A_736 = tpu.vector_load %arg7[%swap3A_734, %swap3A_735] {strides = array<i32>} : memref<32x1024xf32, #tpu.memory_space<vmem>>, vector<1x16xf32>,
        %swap3A_737 = vector.shape_cast %swap3A_736 : vector<1x16xf32> to vector<16xf32>
        %swap3A_738 = vector.shape_cast %add3A_733 : vector<16xf32> to vector<1x16xf32>
        tpu.vector_store %arg7[%swap3A_734, %swap3A_735], %swap3A_738 {strides = array<i32>} : memref<32x1024xf32, #tpu.memory_space<vmem>>, vector<1x16xf32>,
        %add3A_739 = arith.constant 176 : i32
        %add3A_740 = arith.addi %mul3A_510, %add3A_739 : i32
        %get3A_741 = arith.index_cast %add3A_607 : i32 to index
        %get3A_742 = arith.index_cast %add3A_740 : i32 to index
        %get3A_743 = tpu.vector_load %arg7[%get3A_741, %get3A_742] {strides = array<i32>} : memref<32x1024xf32, #tpu.memory_space<vmem>>, vector<1x16xf32>,
        %get3A_744 = vector.shape_cast %get3A_743 : vector<1x16xf32> to vector<16xf32>
        %add3A_745 = arith.addf %get3A_744, %get3A_581 : vector<16xf32>
        %swap3A_746 = arith.index_cast %add3A_607 : i32 to index
        %swap3A_747 = arith.index_cast %add3A_740 : i32 to index
        %swap3A_748 = tpu.vector_load %arg7[%swap3A_746, %swap3A_747] {strides = array<i32>} : memref<32x1024xf32, #tpu.memory_space<vmem>>, vector<1x16xf32>,
        %swap3A_749 = vector.shape_cast %swap3A_748 : vector<1x16xf32> to vector<16xf32>
        %swap3A_750 = vector.shape_cast %add3A_745 : vector<16xf32> to vector<1x16xf32>
        tpu.vector_store %arg7[%swap3A_746, %swap3A_747], %swap3A_750 {strides = array<i32>} : memref<32x1024xf32, #tpu.memory_space<vmem>>, vector<1x16xf32>,
        %add3A_751 = arith.constant 192 : i32
        %add3A_752 = arith.addi %mul3A_510, %add3A_751 : i32
        %get3A_753 = arith.index_cast %add3A_607 : i32 to index
        %get3A_754 = arith.index_cast %add3A_752 : i32 to index
        %get3A_755 = tpu.vector_load %arg7[%get3A_753, %get3A_754] {strides = array<i32>} : memref<32x1024xf32, #tpu.memory_space<vmem>>, vector<1x16xf32>,
        %get3A_756 = vector.shape_cast %get3A_755 : vector<1x16xf32> to vector<16xf32>
        %add3A_757 = arith.addf %get3A_756, %get3A_587 : vector<16xf32>
        %swap3A_758 = arith.index_cast %add3A_607 : i32 to index
        %swap3A_759 = arith.index_cast %add3A_752 : i32 to index
        %swap3A_760 = tpu.vector_load %arg7[%swap3A_758, %swap3A_759] {strides = array<i32>} : memref<32x1024xf32, #tpu.memory_space<vmem>>, vector<1x16xf32>,
        %swap3A_761 = vector.shape_cast %swap3A_760 : vector<1x16xf32> to vector<16xf32>
        %swap3A_762 = vector.shape_cast %add3A_757 : vector<16xf32> to vector<1x16xf32>
        tpu.vector_store %arg7[%swap3A_758, %swap3A_759], %swap3A_762 {strides = array<i32>} : memref<32x1024xf32, #tpu.memory_space<vmem>>, vector<1x16xf32>,
        %add3A_763 = arith.constant 208 : i32
        %add3A_764 = arith.addi %mul3A_510, %add3A_763 : i32
        %get3A_765 = arith.index_cast %add3A_607 : i32 to index
        %get3A_766 = arith.index_cast %add3A_764 : i32 to index
        %get3A_767 = tpu.vector_load %arg7[%get3A_765, %get3A_766] {strides = array<i32>} : memref<32x1024xf32, #tpu.memory_space<vmem>>, vector<1x16xf32>,
        %get3A_768 = vector.shape_cast %get3A_767 : vector<1x16xf32> to vector<16xf32>
        %add3A_769 = arith.addf %get3A_768, %get3A_593 : vector<16xf32>
        %swap3A_770 = arith.index_cast %add3A_607 : i32 to index
        %swap3A_771 = arith.index_cast %add3A_764 : i32 to index
        %swap3A_772 = tpu.vector_load %arg7[%swap3A_770, %swap3A_771] {strides = array<i32>} : memref<32x1024xf32, #tpu.memory_space<vmem>>, vector<1x16xf32>,
        %swap3A_773 = vector.shape_cast %swap3A_772 : vector<1x16xf32> to vector<16xf32>
        %swap3A_774 = vector.shape_cast %add3A_769 : vector<16xf32> to vector<1x16xf32>
        tpu.vector_store %arg7[%swap3A_770, %swap3A_771], %swap3A_774 {strides = array<i32>} : memref<32x1024xf32, #tpu.memory_space<vmem>>, vector<1x16xf32>,
        %add3A_775 = arith.constant 224 : i32
        %add3A_776 = arith.addi %mul3A_510, %add3A_775 : i32
        %get3A_777 = arith.index_cast %add3A_607 : i32 to index
        %get3A_778 = arith.index_cast %add3A_776 : i32 to index
        %get3A_779 = tpu.vector_load %arg7[%get3A_777, %get3A_778] {strides = array<i32>} : memref<32x1024xf32, #tpu.memory_space<vmem>>, vector<1x16xf32>,
        %get3A_780 = vector.shape_cast %get3A_779 : vector<1x16xf32> to vector<16xf32>
        %add3A_781 = arith.addf %get3A_780, %get3A_599 : vector<16xf32>
        %swap3A_782 = arith.index_cast %add3A_607 : i32 to index
        %swap3A_783 = arith.index_cast %add3A_776 : i32 to index
        %swap3A_784 = tpu.vector_load %arg7[%swap3A_782, %swap3A_783] {strides = array<i32>} : memref<32x1024xf32, #tpu.memory_space<vmem>>, vector<1x16xf32>,
        %swap3A_785 = vector.shape_cast %swap3A_784 : vector<1x16xf32> to vector<16xf32>
        %swap3A_786 = vector.shape_cast %add3A_781 : vector<16xf32> to vector<1x16xf32>
        tpu.vector_store %arg7[%swap3A_782, %swap3A_783], %swap3A_786 {strides = array<i32>} : memref<32x1024xf32, #tpu.memory_space<vmem>>, vector<1x16xf32>,
        %add3A_787 = arith.constant 240 : i32
        %add3A_788 = arith.addi %mul3A_510, %add3A_787 : i32
        %get3A_789 = arith.index_cast %add3A_607 : i32 to index
        %get3A_790 = arith.index_cast %add3A_788 : i32 to index
        %get3A_791 = tpu.vector_load %arg7[%get3A_789, %get3A_790] {strides = array<i32>} : memref<32x1024xf32, #tpu.memory_space<vmem>>, vector<1x16xf32>,
        %get3A_792 = vector.shape_cast %get3A_791 : vector<1x16xf32> to vector<16xf32>
        %add3A_793 = arith.addf %get3A_792, %get3A_605 : vector<16xf32>
        %swap3A_794 = arith.index_cast %add3A_607 : i32 to index
        %swap3A_795 = arith.index_cast %add3A_788 : i32 to index
        %swap3A_796 = tpu.vector_load %arg7[%swap3A_794, %swap3A_795] {strides = array<i32>} : memref<32x1024xf32, #tpu.memory_space<vmem>>, vector<1x16xf32>,
        %swap3A_797 = vector.shape_cast %swap3A_796 : vector<1x16xf32> to vector<16xf32>
        %swap3A_798 = vector.shape_cast %add3A_793 : vector<16xf32> to vector<1x16xf32>
        tpu.vector_store %arg7[%swap3A_794, %swap3A_795], %swap3A_798 {strides = array<i32>} : memref<32x1024xf32, #tpu.memory_space<vmem>>, vector<1x16xf32>,
        %add3A_799 = arith.constant 8 : i32
        %add3A_800 = arith.addi %add3A_799, %select_n3A : i32
        %add3A_801 = arith.constant 0 : i32
        %add3A_802 = arith.addi %mul3A_510, %add3A_801 : i32
        %get3A_803 = arith.index_cast %add3A_800 : i32 to index
        %get3A_804 = arith.index_cast %add3A_802 : i32 to index
        %get3A_805 = tpu.vector_load %arg7[%get3A_803, %get3A_804] {strides = array<i32>} : memref<32x1024xf32, #tpu.memory_space<vmem>>, vector<1x16xf32>,
        %get3A_806 = vector.shape_cast %get3A_805 : vector<1x16xf32> to vector<16xf32>
        %add3A_807 = arith.addf %get3A_806, %get3A_515 : vector<16xf32>
        %swap3A_808 = arith.index_cast %add3A_800 : i32 to index
        %swap3A_809 = arith.index_cast %add3A_802 : i32 to index
        %swap3A_810 = tpu.vector_load %arg7[%swap3A_808, %swap3A_809] {strides = array<i32>} : memref<32x1024xf32, #tpu.memory_space<vmem>>, vector<1x16xf32>,
        %swap3A_811 = vector.shape_cast %swap3A_810 : vector<1x16xf32> to vector<16xf32>
        %swap3A_812 = vector.shape_cast %add3A_807 : vector<16xf32> to vector<1x16xf32>
        tpu.vector_store %arg7[%swap3A_808, %swap3A_809], %swap3A_812 {strides = array<i32>} : memref<32x1024xf32, #tpu.memory_space<vmem>>, vector<1x16xf32>,
        %add3A_813 = arith.constant 16 : i32
        %add3A_814 = arith.addi %mul3A_510, %add3A_813 : i32
        %get3A_815 = arith.index_cast %add3A_800 : i32 to index
        %get3A_816 = arith.index_cast %add3A_814 : i32 to index
        %get3A_817 = tpu.vector_load %arg7[%get3A_815, %get3A_816] {strides = array<i32>} : memref<32x1024xf32, #tpu.memory_space<vmem>>, vector<1x16xf32>,
        %get3A_818 = vector.shape_cast %get3A_817 : vector<1x16xf32> to vector<16xf32>
        %add3A_819 = arith.addf %get3A_818, %get3A_521 : vector<16xf32>
        %swap3A_820 = arith.index_cast %add3A_800 : i32 to index
        %swap3A_821 = arith.index_cast %add3A_814 : i32 to index
        %swap3A_822 = tpu.vector_load %arg7[%swap3A_820, %swap3A_821] {strides = array<i32>} : memref<32x1024xf32, #tpu.memory_space<vmem>>, vector<1x16xf32>,
        %swap3A_823 = vector.shape_cast %swap3A_822 : vector<1x16xf32> to vector<16xf32>
        %swap3A_824 = vector.shape_cast %add3A_819 : vector<16xf32> to vector<1x16xf32>
        tpu.vector_store %arg7[%swap3A_820, %swap3A_821], %swap3A_824 {strides = array<i32>} : memref<32x1024xf32, #tpu.memory_space<vmem>>, vector<1x16xf32>,
        %add3A_825 = arith.constant 32 : i32
        %add3A_826 = arith.addi %mul3A_510, %add3A_825 : i32
        %get3A_827 = arith.index_cast %add3A_800 : i32 to index
        %get3A_828 = arith.index_cast %add3A_826 : i32 to index
        %get3A_829 = tpu.vector_load %arg7[%get3A_827, %get3A_828] {strides = array<i32>} : memref<32x1024xf32, #tpu.memory_space<vmem>>, vector<1x16xf32>,
        %get3A_830 = vector.shape_cast %get3A_829 : vector<1x16xf32> to vector<16xf32>
        %add3A_831 = arith.addf %get3A_830, %get3A_527 : vector<16xf32>
        %swap3A_832 = arith.index_cast %add3A_800 : i32 to index
        %swap3A_833 = arith.index_cast %add3A_826 : i32 to index
        %swap3A_834 = tpu.vector_load %arg7[%swap3A_832, %swap3A_833] {strides = array<i32>} : memref<32x1024xf32, #tpu.memory_space<vmem>>, vector<1x16xf32>,
        %swap3A_835 = vector.shape_cast %swap3A_834 : vector<1x16xf32> to vector<16xf32>
        %swap3A_836 = vector.shape_cast %add3A_831 : vector<16xf32> to vector<1x16xf32>
        tpu.vector_store %arg7[%swap3A_832, %swap3A_833], %swap3A_836 {strides = array<i32>} : memref<32x1024xf32, #tpu.memory_space<vmem>>, vector<1x16xf32>,
        %add3A_837 = arith.constant 48 : i32
        %add3A_838 = arith.addi %mul3A_510, %add3A_837 : i32
        %get3A_839 = arith.index_cast %add3A_800 : i32 to index
        %get3A_840 = arith.index_cast %add3A_838 : i32 to index
        %get3A_841 = tpu.vector_load %arg7[%get3A_839, %get3A_840] {strides = array<i32>} : memref<32x1024xf32, #tpu.memory_space<vmem>>, vector<1x16xf32>,
        %get3A_842 = vector.shape_cast %get3A_841 : vector<1x16xf32> to vector<16xf32>
        %add3A_843 = arith.addf %get3A_842, %get3A_533 : vector<16xf32>
        %swap3A_844 = arith.index_cast %add3A_800 : i32 to index
        %swap3A_845 = arith.index_cast %add3A_838 : i32 to index
        %swap3A_846 = tpu.vector_load %arg7[%swap3A_844, %swap3A_845] {strides = array<i32>} : memref<32x1024xf32, #tpu.memory_space<vmem>>, vector<1x16xf32>,
        %swap3A_847 = vector.shape_cast %swap3A_846 : vector<1x16xf32> to vector<16xf32>
        %swap3A_848 = vector.shape_cast %add3A_843 : vector<16xf32> to vector<1x16xf32>
        tpu.vector_store %arg7[%swap3A_844, %swap3A_845], %swap3A_848 {strides = array<i32>} : memref<32x1024xf32, #tpu.memory_space<vmem>>, vector<1x16xf32>,
        %add3A_849 = arith.constant 64 : i32
        %add3A_850 = arith.addi %mul3A_510, %add3A_849 : i32
        %get3A_851 = arith.index_cast %add3A_800 : i32 to index
        %get3A_852 = arith.index_cast %add3A_850 : i32 to index
        %get3A_853 = tpu.vector_load %arg7[%get3A_851, %get3A_852] {strides = array<i32>} : memref<32x1024xf32, #tpu.memory_space<vmem>>, vector<1x16xf32>,
        %get3A_854 = vector.shape_cast %get3A_853 : vector<1x16xf32> to vector<16xf32>
        %add3A_855 = arith.addf %get3A_854, %get3A_539 : vector<16xf32>
        %swap3A_856 = arith.index_cast %add3A_800 : i32 to index
        %swap3A_857 = arith.index_cast %add3A_850 : i32 to index
        %swap3A_858 = tpu.vector_load %arg7[%swap3A_856, %swap3A_857] {strides = array<i32>} : memref<32x1024xf32, #tpu.memory_space<vmem>>, vector<1x16xf32>,
        %swap3A_859 = vector.shape_cast %swap3A_858 : vector<1x16xf32> to vector<16xf32>
        %swap3A_860 = vector.shape_cast %add3A_855 : vector<16xf32> to vector<1x16xf32>
        tpu.vector_store %arg7[%swap3A_856, %swap3A_857], %swap3A_860 {strides = array<i32>} : memref<32x1024xf32, #tpu.memory_space<vmem>>, vector<1x16xf32>,
        %add3A_861 = arith.constant 80 : i32
        %add3A_862 = arith.addi %mul3A_510, %add3A_861 : i32
        %get3A_863 = arith.index_cast %add3A_800 : i32 to index
        %get3A_864 = arith.index_cast %add3A_862 : i32 to index
        %get3A_865 = tpu.vector_load %arg7[%get3A_863, %get3A_864] {strides = array<i32>} : memref<32x1024xf32, #tpu.memory_space<vmem>>, vector<1x16xf32>,
        %get3A_866 = vector.shape_cast %get3A_865 : vector<1x16xf32> to vector<16xf32>
        %add3A_867 = arith.addf %get3A_866, %get3A_545 : vector<16xf32>
        %swap3A_868 = arith.index_cast %add3A_800 : i32 to index
        %swap3A_869 = arith.index_cast %add3A_862 : i32 to index
        %swap3A_870 = tpu.vector_load %arg7[%swap3A_868, %swap3A_869] {strides = array<i32>} : memref<32x1024xf32, #tpu.memory_space<vmem>>, vector<1x16xf32>,
        %swap3A_871 = vector.shape_cast %swap3A_870 : vector<1x16xf32> to vector<16xf32>
        %swap3A_872 = vector.shape_cast %add3A_867 : vector<16xf32> to vector<1x16xf32>
        tpu.vector_store %arg7[%swap3A_868, %swap3A_869], %swap3A_872 {strides = array<i32>} : memref<32x1024xf32, #tpu.memory_space<vmem>>, vector<1x16xf32>,
        %add3A_873 = arith.constant 96 : i32
        %add3A_874 = arith.addi %mul3A_510, %add3A_873 : i32
        %get3A_875 = arith.index_cast %add3A_800 : i32 to index
        %get3A_876 = arith.index_cast %add3A_874 : i32 to index
        %get3A_877 = tpu.vector_load %arg7[%get3A_875, %get3A_876] {strides = array<i32>} : memref<32x1024xf32, #tpu.memory_space<vmem>>, vector<1x16xf32>,
        %get3A_878 = vector.shape_cast %get3A_877 : vector<1x16xf32> to vector<16xf32>
        %add3A_879 = arith.addf %get3A_878, %get3A_551 : vector<16xf32>
        %swap3A_880 = arith.index_cast %add3A_800 : i32 to index
        %swap3A_881 = arith.index_cast %add3A_874 : i32 to index
        %swap3A_882 = tpu.vector_load %arg7[%swap3A_880, %swap3A_881] {strides = array<i32>} : memref<32x1024xf32, #tpu.memory_space<vmem>>, vector<1x16xf32>,
        %swap3A_883 = vector.shape_cast %swap3A_882 : vector<1x16xf32> to vector<16xf32>
        %swap3A_884 = vector.shape_cast %add3A_879 : vector<16xf32> to vector<1x16xf32>
        tpu.vector_store %arg7[%swap3A_880, %swap3A_881], %swap3A_884 {strides = array<i32>} : memref<32x1024xf32, #tpu.memory_space<vmem>>, vector<1x16xf32>,
        %add3A_885 = arith.constant 112 : i32
        %add3A_886 = arith.addi %mul3A_510, %add3A_885 : i32
        %get3A_887 = arith.index_cast %add3A_800 : i32 to index
        %get3A_888 = arith.index_cast %add3A_886 : i32 to index
        %get3A_889 = tpu.vector_load %arg7[%get3A_887, %get3A_888] {strides = array<i32>} : memref<32x1024xf32, #tpu.memory_space<vmem>>, vector<1x16xf32>,
        %get3A_890 = vector.shape_cast %get3A_889 : vector<1x16xf32> to vector<16xf32>
        %add3A_891 = arith.addf %get3A_890, %get3A_557 : vector<16xf32>
        %swap3A_892 = arith.index_cast %add3A_800 : i32 to index
        %swap3A_893 = arith.index_cast %add3A_886 : i32 to index
        %swap3A_894 = tpu.vector_load %arg7[%swap3A_892, %swap3A_893] {strides = array<i32>} : memref<32x1024xf32, #tpu.memory_space<vmem>>, vector<1x16xf32>,
        %swap3A_895 = vector.shape_cast %swap3A_894 : vector<1x16xf32> to vector<16xf32>
        %swap3A_896 = vector.shape_cast %add3A_891 : vector<16xf32> to vector<1x16xf32>
        tpu.vector_store %arg7[%swap3A_892, %swap3A_893], %swap3A_896 {strides = array<i32>} : memref<32x1024xf32, #tpu.memory_space<vmem>>, vector<1x16xf32>,
        %add3A_897 = arith.constant 128 : i32
        %add3A_898 = arith.addi %mul3A_510, %add3A_897 : i32
        %get3A_899 = arith.index_cast %add3A_800 : i32 to index
        %get3A_900 = arith.index_cast %add3A_898 : i32 to index
        %get3A_901 = tpu.vector_load %arg7[%get3A_899, %get3A_900] {strides = array<i32>} : memref<32x1024xf32, #tpu.memory_space<vmem>>, vector<1x16xf32>,
        %get3A_902 = vector.shape_cast %get3A_901 : vector<1x16xf32> to vector<16xf32>
        %add3A_903 = arith.addf %get3A_902, %get3A_563 : vector<16xf32>
        %swap3A_904 = arith.index_cast %add3A_800 : i32 to index
        %swap3A_905 = arith.index_cast %add3A_898 : i32 to index
        %swap3A_906 = tpu.vector_load %arg7[%swap3A_904, %swap3A_905] {strides = array<i32>} : memref<32x1024xf32, #tpu.memory_space<vmem>>, vector<1x16xf32>,
        %swap3A_907 = vector.shape_cast %swap3A_906 : vector<1x16xf32> to vector<16xf32>
        %swap3A_908 = vector.shape_cast %add3A_903 : vector<16xf32> to vector<1x16xf32>
        tpu.vector_store %arg7[%swap3A_904, %swap3A_905], %swap3A_908 {strides = array<i32>} : memref<32x1024xf32, #tpu.memory_space<vmem>>, vector<1x16xf32>,
        %add3A_909 = arith.constant 144 : i32
        %add3A_910 = arith.addi %mul3A_510, %add3A_909 : i32
        %get3A_911 = arith.index_cast %add3A_800 : i32 to index
        %get3A_912 = arith.index_cast %add3A_910 : i32 to index
        %get3A_913 = tpu.vector_load %arg7[%get3A_911, %get3A_912] {strides = array<i32>} : memref<32x1024xf32, #tpu.memory_space<vmem>>, vector<1x16xf32>,
        %get3A_914 = vector.shape_cast %get3A_913 : vector<1x16xf32> to vector<16xf32>
        %add3A_915 = arith.addf %get3A_914, %get3A_569 : vector<16xf32>
        %swap3A_916 = arith.index_cast %add3A_800 : i32 to index
        %swap3A_917 = arith.index_cast %add3A_910 : i32 to index
        %swap3A_918 = tpu.vector_load %arg7[%swap3A_916, %swap3A_917] {strides = array<i32>} : memref<32x1024xf32, #tpu.memory_space<vmem>>, vector<1x16xf32>,
        %swap3A_919 = vector.shape_cast %swap3A_918 : vector<1x16xf32> to vector<16xf32>
        %swap3A_920 = vector.shape_cast %add3A_915 : vector<16xf32> to vector<1x16xf32>
        tpu.vector_store %arg7[%swap3A_916, %swap3A_917], %swap3A_920 {strides = array<i32>} : memref<32x1024xf32, #tpu.memory_space<vmem>>, vector<1x16xf32>,
        %add3A_921 = arith.constant 160 : i32
        %add3A_922 = arith.addi %mul3A_510, %add3A_921 : i32
        %get3A_923 = arith.index_cast %add3A_800 : i32 to index
        %get3A_924 = arith.index_cast %add3A_922 : i32 to index
        %get3A_925 = tpu.vector_load %arg7[%get3A_923, %get3A_924] {strides = array<i32>} : memref<32x1024xf32, #tpu.memory_space<vmem>>, vector<1x16xf32>,
        %get3A_926 = vector.shape_cast %get3A_925 : vector<1x16xf32> to vector<16xf32>
        %add3A_927 = arith.addf %get3A_926, %get3A_575 : vector<16xf32>
        %swap3A_928 = arith.index_cast %add3A_800 : i32 to index
        %swap3A_929 = arith.index_cast %add3A_922 : i32 to index
        %swap3A_930 = tpu.vector_load %arg7[%swap3A_928, %swap3A_929] {strides = array<i32>} : memref<32x1024xf32, #tpu.memory_space<vmem>>, vector<1x16xf32>,
        %swap3A_931 = vector.shape_cast %swap3A_930 : vector<1x16xf32> to vector<16xf32>
        %swap3A_932 = vector.shape_cast %add3A_927 : vector<16xf32> to vector<1x16xf32>
        tpu.vector_store %arg7[%swap3A_928, %swap3A_929], %swap3A_932 {strides = array<i32>} : memref<32x1024xf32, #tpu.memory_space<vmem>>, vector<1x16xf32>,
        %add3A_933 = arith.constant 176 : i32
        %add3A_934 = arith.addi %mul3A_510, %add3A_933 : i32
        %get3A_935 = arith.index_cast %add3A_800 : i32 to index
        %get3A_936 = arith.index_cast %add3A_934 : i32 to index
        %get3A_937 = tpu.vector_load %arg7[%get3A_935, %get3A_936] {strides = array<i32>} : memref<32x1024xf32, #tpu.memory_space<vmem>>, vector<1x16xf32>,
        %get3A_938 = vector.shape_cast %get3A_937 : vector<1x16xf32> to vector<16xf32>
        %add3A_939 = arith.addf %get3A_938, %get3A_581 : vector<16xf32>
        %swap3A_940 = arith.index_cast %add3A_800 : i32 to index
        %swap3A_941 = arith.index_cast %add3A_934 : i32 to index
        %swap3A_942 = tpu.vector_load %arg7[%swap3A_940, %swap3A_941] {strides = array<i32>} : memref<32x1024xf32, #tpu.memory_space<vmem>>, vector<1x16xf32>,
        %swap3A_943 = vector.shape_cast %swap3A_942 : vector<1x16xf32> to vector<16xf32>
        %swap3A_944 = vector.shape_cast %add3A_939 : vector<16xf32> to vector<1x16xf32>
        tpu.vector_store %arg7[%swap3A_940, %swap3A_941], %swap3A_944 {strides = array<i32>} : memref<32x1024xf32, #tpu.memory_space<vmem>>, vector<1x16xf32>,
        %add3A_945 = arith.constant 192 : i32
        %add3A_946 = arith.addi %mul3A_510, %add3A_945 : i32
        %get3A_947 = arith.index_cast %add3A_800 : i32 to index
        %get3A_948 = arith.index_cast %add3A_946 : i32 to index
        %get3A_949 = tpu.vector_load %arg7[%get3A_947, %get3A_948] {strides = array<i32>} : memref<32x1024xf32, #tpu.memory_space<vmem>>, vector<1x16xf32>,
        %get3A_950 = vector.shape_cast %get3A_949 : vector<1x16xf32> to vector<16xf32>
        %add3A_951 = arith.addf %get3A_950, %get3A_587 : vector<16xf32>
        %swap3A_952 = arith.index_cast %add3A_800 : i32 to index
        %swap3A_953 = arith.index_cast %add3A_946 : i32 to index
        %swap3A_954 = tpu.vector_load %arg7[%swap3A_952, %swap3A_953] {strides = array<i32>} : memref<32x1024xf32, #tpu.memory_space<vmem>>, vector<1x16xf32>,
        %swap3A_955 = vector.shape_cast %swap3A_954 : vector<1x16xf32> to vector<16xf32>
        %swap3A_956 = vector.shape_cast %add3A_951 : vector<16xf32> to vector<1x16xf32>
        tpu.vector_store %arg7[%swap3A_952, %swap3A_953], %swap3A_956 {strides = array<i32>} : memref<32x1024xf32, #tpu.memory_space<vmem>>, vector<1x16xf32>,
        %add3A_957 = arith.constant 208 : i32
        %add3A_958 = arith.addi %mul3A_510, %add3A_957 : i32
        %get3A_959 = arith.index_cast %add3A_800 : i32 to index
        %get3A_960 = arith.index_cast %add3A_958 : i32 to index
        %get3A_961 = tpu.vector_load %arg7[%get3A_959, %get3A_960] {strides = array<i32>} : memref<32x1024xf32, #tpu.memory_space<vmem>>, vector<1x16xf32>,
        %get3A_962 = vector.shape_cast %get3A_961 : vector<1x16xf32> to vector<16xf32>
        %add3A_963 = arith.addf %get3A_962, %get3A_593 : vector<16xf32>
        %swap3A_964 = arith.index_cast %add3A_800 : i32 to index
        %swap3A_965 = arith.index_cast %add3A_958 : i32 to index
        %swap3A_966 = tpu.vector_load %arg7[%swap3A_964, %swap3A_965] {strides = array<i32>} : memref<32x1024xf32, #tpu.memory_space<vmem>>, vector<1x16xf32>,
        %swap3A_967 = vector.shape_cast %swap3A_966 : vector<1x16xf32> to vector<16xf32>
        %swap3A_968 = vector.shape_cast %add3A_963 : vector<16xf32> to vector<1x16xf32>
        tpu.vector_store %arg7[%swap3A_964, %swap3A_965], %swap3A_968 {strides = array<i32>} : memref<32x1024xf32, #tpu.memory_space<vmem>>, vector<1x16xf32>,
        %add3A_969 = arith.constant 224 : i32
        %add3A_970 = arith.addi %mul3A_510, %add3A_969 : i32
        %get3A_971 = arith.index_cast %add3A_800 : i32 to index
        %get3A_972 = arith.index_cast %add3A_970 : i32 to index
        %get3A_973 = tpu.vector_load %arg7[%get3A_971, %get3A_972] {strides = array<i32>} : memref<32x1024xf32, #tpu.memory_space<vmem>>, vector<1x16xf32>,
        %get3A_974 = vector.shape_cast %get3A_973 : vector<1x16xf32> to vector<16xf32>
        %add3A_975 = arith.addf %get3A_974, %get3A_599 : vector<16xf32>
        %swap3A_976 = arith.index_cast %add3A_800 : i32 to index
        %swap3A_977 = arith.index_cast %add3A_970 : i32 to index
        %swap3A_978 = tpu.vector_load %arg7[%swap3A_976, %swap3A_977] {strides = array<i32>} : memref<32x1024xf32, #tpu.memory_space<vmem>>, vector<1x16xf32>,
        %swap3A_979 = vector.shape_cast %swap3A_978 : vector<1x16xf32> to vector<16xf32>
        %swap3A_980 = vector.shape_cast %add3A_975 : vector<16xf32> to vector<1x16xf32>
        tpu.vector_store %arg7[%swap3A_976, %swap3A_977], %swap3A_980 {strides = array<i32>} : memref<32x1024xf32, #tpu.memory_space<vmem>>, vector<1x16xf32>,
        %add3A_981 = arith.constant 240 : i32
        %add3A_982 = arith.addi %mul3A_510, %add3A_981 : i32
        %get3A_983 = arith.index_cast %add3A_800 : i32 to index
        %get3A_984 = arith.index_cast %add3A_982 : i32 to index
        %get3A_985 = tpu.vector_load %arg7[%get3A_983, %get3A_984] {strides = array<i32>} : memref<32x1024xf32, #tpu.memory_space<vmem>>, vector<1x16xf32>,
        %get3A_986 = vector.shape_cast %get3A_985 : vector<1x16xf32> to vector<16xf32>
        %add3A_987 = arith.addf %get3A_986, %get3A_605 : vector<16xf32>
        %swap3A_988 = arith.index_cast %add3A_800 : i32 to index
        %swap3A_989 = arith.index_cast %add3A_982 : i32 to index
        %swap3A_990 = tpu.vector_load %arg7[%swap3A_988, %swap3A_989] {strides = array<i32>} : memref<32x1024xf32, #tpu.memory_space<vmem>>, vector<1x16xf32>,
        %swap3A_991 = vector.shape_cast %swap3A_990 : vector<1x16xf32> to vector<16xf32>
        %swap3A_992 = vector.shape_cast %add3A_987 : vector<16xf32> to vector<1x16xf32>
        tpu.vector_store %arg7[%swap3A_988, %swap3A_989], %swap3A_992 {strides = array<i32>} : memref<32x1024xf32, #tpu.memory_space<vmem>>, vector<1x16xf32>,
        %add3A_993 = arith.constant 16 : i32
        %add3A_994 = arith.addi %add3A_993, %select_n3A : i32
        %add3A_995 = arith.constant 0 : i32
        %add3A_996 = arith.addi %mul3A_510, %add3A_995 : i32
        %get3A_997 = arith.index_cast %add3A_994 : i32 to index
        %get3A_998 = arith.index_cast %add3A_996 : i32 to index
        %get3A_999 = tpu.vector_load %arg7[%get3A_997, %get3A_998] {strides = array<i32>} : memref<32x1024xf32, #tpu.memory_space<vmem>>, vector<1x16xf32>,
        %get3A_1000 = vector.shape_cast %get3A_999 : vector<1x16xf32> to vector<16xf32>
        %add3A_1001 = arith.addf %get3A_1000, %get3A_515 : vector<16xf32>
        %swap3A_1002 = arith.index_cast %add3A_994 : i32 to index
        %swap3A_1003 = arith.index_cast %add3A_996 : i32 to index
        %swap3A_1004 = tpu.vector_load %arg7[%swap3A_1002, %swap3A_1003] {strides = array<i32>} : memref<32x1024xf32, #tpu.memory_space<vmem>>, vector<1x16xf32>,
        %swap3A_1005 = vector.shape_cast %swap3A_1004 : vector<1x16xf32> to vector<16xf32>
        %swap3A_1006 = vector.shape_cast %add3A_1001 : vector<16xf32> to vector<1x16xf32>
        tpu.vector_store %arg7[%swap3A_1002, %swap3A_1003], %swap3A_1006 {strides = array<i32>} : memref<32x1024xf32, #tpu.memory_space<vmem>>, vector<1x16xf32>,
        %add3A_1007 = arith.constant 16 : i32
        %add3A_1008 = arith.addi %mul3A_510, %add3A_1007 : i32
        %get3A_1009 = arith.index_cast %add3A_994 : i32 to index
        %get3A_1010 = arith.index_cast %add3A_1008 : i32 to index
        %get3A_1011 = tpu.vector_load %arg7[%get3A_1009, %get3A_1010] {strides = array<i32>} : memref<32x1024xf32, #tpu.memory_space<vmem>>, vector<1x16xf32>,
        %get3A_1012 = vector.shape_cast %get3A_1011 : vector<1x16xf32> to vector<16xf32>
        %add3A_1013 = arith.addf %get3A_1012, %get3A_521 : vector<16xf32>
        %swap3A_1014 = arith.index_cast %add3A_994 : i32 to index
        %swap3A_1015 = arith.index_cast %add3A_1008 : i32 to index
        %swap3A_1016 = tpu.vector_load %arg7[%swap3A_1014, %swap3A_1015] {strides = array<i32>} : memref<32x1024xf32, #tpu.memory_space<vmem>>, vector<1x16xf32>,
        %swap3A_1017 = vector.shape_cast %swap3A_1016 : vector<1x16xf32> to vector<16xf32>
        %swap3A_1018 = vector.shape_cast %add3A_1013 : vector<16xf32> to vector<1x16xf32>
        tpu.vector_store %arg7[%swap3A_1014, %swap3A_1015], %swap3A_1018 {strides = array<i32>} : memref<32x1024xf32, #tpu.memory_space<vmem>>, vector<1x16xf32>,
        %add3A_1019 = arith.constant 32 : i32
        %add3A_1020 = arith.addi %mul3A_510, %add3A_1019 : i32
        %get3A_1021 = arith.index_cast %add3A_994 : i32 to index
        %get3A_1022 = arith.index_cast %add3A_1020 : i32 to index
        %get3A_1023 = tpu.vector_load %arg7[%get3A_1021, %get3A_1022] {strides = array<i32>} : memref<32x1024xf32, #tpu.memory_space<vmem>>, vector<1x16xf32>,
        %get3A_1024 = vector.shape_cast %get3A_1023 : vector<1x16xf32> to vector<16xf32>
        %add3A_1025 = arith.addf %get3A_1024, %get3A_527 : vector<16xf32>
        %swap3A_1026 = arith.index_cast %add3A_994 : i32 to index
        %swap3A_1027 = arith.index_cast %add3A_1020 : i32 to index
        %swap3A_1028 = tpu.vector_load %arg7[%swap3A_1026, %swap3A_1027] {strides = array<i32>} : memref<32x1024xf32, #tpu.memory_space<vmem>>, vector<1x16xf32>,
        %swap3A_1029 = vector.shape_cast %swap3A_1028 : vector<1x16xf32> to vector<16xf32>
        %swap3A_1030 = vector.shape_cast %add3A_1025 : vector<16xf32> to vector<1x16xf32>
        tpu.vector_store %arg7[%swap3A_1026, %swap3A_1027], %swap3A_1030 {strides = array<i32>} : memref<32x1024xf32, #tpu.memory_space<vmem>>, vector<1x16xf32>,
        %add3A_1031 = arith.constant 48 : i32
        %add3A_1032 = arith.addi %mul3A_510, %add3A_1031 : i32
        %get3A_1033 = arith.index_cast %add3A_994 : i32 to index
        %get3A_1034 = arith.index_cast %add3A_1032 : i32 to index
        %get3A_1035 = tpu.vector_load %arg7[%get3A_1033, %get3A_1034] {strides = array<i32>} : memref<32x1024xf32, #tpu.memory_space<vmem>>, vector<1x16xf32>,
        %get3A_1036 = vector.shape_cast %get3A_1035 : vector<1x16xf32> to vector<16xf32>
        %add3A_1037 = arith.addf %get3A_1036, %get3A_533 : vector<16xf32>
        %swap3A_1038 = arith.index_cast %add3A_994 : i32 to index
        %swap3A_1039 = arith.index_cast %add3A_1032 : i32 to index
        %swap3A_1040 = tpu.vector_load %arg7[%swap3A_1038, %swap3A_1039] {strides = array<i32>} : memref<32x1024xf32, #tpu.memory_space<vmem>>, vector<1x16xf32>,
        %swap3A_1041 = vector.shape_cast %swap3A_1040 : vector<1x16xf32> to vector<16xf32>
        %swap3A_1042 = vector.shape_cast %add3A_1037 : vector<16xf32> to vector<1x16xf32>
        tpu.vector_store %arg7[%swap3A_1038, %swap3A_1039], %swap3A_1042 {strides = array<i32>} : memref<32x1024xf32, #tpu.memory_space<vmem>>, vector<1x16xf32>,
        %add3A_1043 = arith.constant 64 : i32
        %add3A_1044 = arith.addi %mul3A_510, %add3A_1043 : i32
        %get3A_1045 = arith.index_cast %add3A_994 : i32 to index
        %get3A_1046 = arith.index_cast %add3A_1044 : i32 to index
        %get3A_1047 = tpu.vector_load %arg7[%get3A_1045, %get3A_1046] {strides = array<i32>} : memref<32x1024xf32, #tpu.memory_space<vmem>>, vector<1x16xf32>,
        %get3A_1048 = vector.shape_cast %get3A_1047 : vector<1x16xf32> to vector<16xf32>
        %add3A_1049 = arith.addf %get3A_1048, %get3A_539 : vector<16xf32>
        %swap3A_1050 = arith.index_cast %add3A_994 : i32 to index
        %swap3A_1051 = arith.index_cast %add3A_1044 : i32 to index
        %swap3A_1052 = tpu.vector_load %arg7[%swap3A_1050, %swap3A_1051] {strides = array<i32>} : memref<32x1024xf32, #tpu.memory_space<vmem>>, vector<1x16xf32>,
        %swap3A_1053 = vector.shape_cast %swap3A_1052 : vector<1x16xf32> to vector<16xf32>
        %swap3A_1054 = vector.shape_cast %add3A_1049 : vector<16xf32> to vector<1x16xf32>
        tpu.vector_store %arg7[%swap3A_1050, %swap3A_1051], %swap3A_1054 {strides = array<i32>} : memref<32x1024xf32, #tpu.memory_space<vmem>>, vector<1x16xf32>,
        %add3A_1055 = arith.constant 80 : i32
        %add3A_1056 = arith.addi %mul3A_510, %add3A_1055 : i32
        %get3A_1057 = arith.index_cast %add3A_994 : i32 to index
        %get3A_1058 = arith.index_cast %add3A_1056 : i32 to index
        %get3A_1059 = tpu.vector_load %arg7[%get3A_1057, %get3A_1058] {strides = array<i32>} : memref<32x1024xf32, #tpu.memory_space<vmem>>, vector<1x16xf32>,
        %get3A_1060 = vector.shape_cast %get3A_1059 : vector<1x16xf32> to vector<16xf32>
        %add3A_1061 = arith.addf %get3A_1060, %get3A_545 : vector<16xf32>
        %swap3A_1062 = arith.index_cast %add3A_994 : i32 to index
        %swap3A_1063 = arith.index_cast %add3A_1056 : i32 to index
        %swap3A_1064 = tpu.vector_load %arg7[%swap3A_1062, %swap3A_1063] {strides = array<i32>} : memref<32x1024xf32, #tpu.memory_space<vmem>>, vector<1x16xf32>,
        %swap3A_1065 = vector.shape_cast %swap3A_1064 : vector<1x16xf32> to vector<16xf32>
        %swap3A_1066 = vector.shape_cast %add3A_1061 : vector<16xf32> to vector<1x16xf32>
        tpu.vector_store %arg7[%swap3A_1062, %swap3A_1063], %swap3A_1066 {strides = array<i32>} : memref<32x1024xf32, #tpu.memory_space<vmem>>, vector<1x16xf32>,
        %add3A_1067 = arith.constant 96 : i32
        %add3A_1068 = arith.addi %mul3A_510, %add3A_1067 : i32
        %get3A_1069 = arith.index_cast %add3A_994 : i32 to index
        %get3A_1070 = arith.index_cast %add3A_1068 : i32 to index
        %get3A_1071 = tpu.vector_load %arg7[%get3A_1069, %get3A_1070] {strides = array<i32>} : memref<32x1024xf32, #tpu.memory_space<vmem>>, vector<1x16xf32>,
        %get3A_1072 = vector.shape_cast %get3A_1071 : vector<1x16xf32> to vector<16xf32>
        %add3A_1073 = arith.addf %get3A_1072, %get3A_551 : vector<16xf32>
        %swap3A_1074 = arith.index_cast %add3A_994 : i32 to index
        %swap3A_1075 = arith.index_cast %add3A_1068 : i32 to index
        %swap3A_1076 = tpu.vector_load %arg7[%swap3A_1074, %swap3A_1075] {strides = array<i32>} : memref<32x1024xf32, #tpu.memory_space<vmem>>, vector<1x16xf32>,
        %swap3A_1077 = vector.shape_cast %swap3A_1076 : vector<1x16xf32> to vector<16xf32>
        %swap3A_1078 = vector.shape_cast %add3A_1073 : vector<16xf32> to vector<1x16xf32>
        tpu.vector_store %arg7[%swap3A_1074, %swap3A_1075], %swap3A_1078 {strides = array<i32>} : memref<32x1024xf32, #tpu.memory_space<vmem>>, vector<1x16xf32>,
        %add3A_1079 = arith.constant 112 : i32
        %add3A_1080 = arith.addi %mul3A_510, %add3A_1079 : i32
        %get3A_1081 = arith.index_cast %add3A_994 : i32 to index
        %get3A_1082 = arith.index_cast %add3A_1080 : i32 to index
        %get3A_1083 = tpu.vector_load %arg7[%get3A_1081, %get3A_1082] {strides = array<i32>} : memref<32x1024xf32, #tpu.memory_space<vmem>>, vector<1x16xf32>,
        %get3A_1084 = vector.shape_cast %get3A_1083 : vector<1x16xf32> to vector<16xf32>
        %add3A_1085 = arith.addf %get3A_1084, %get3A_557 : vector<16xf32>
        %swap3A_1086 = arith.index_cast %add3A_994 : i32 to index
        %swap3A_1087 = arith.index_cast %add3A_1080 : i32 to index
        %swap3A_1088 = tpu.vector_load %arg7[%swap3A_1086, %swap3A_1087] {strides = array<i32>} : memref<32x1024xf32, #tpu.memory_space<vmem>>, vector<1x16xf32>,
        %swap3A_1089 = vector.shape_cast %swap3A_1088 : vector<1x16xf32> to vector<16xf32>
        %swap3A_1090 = vector.shape_cast %add3A_1085 : vector<16xf32> to vector<1x16xf32>
        tpu.vector_store %arg7[%swap3A_1086, %swap3A_1087], %swap3A_1090 {strides = array<i32>} : memref<32x1024xf32, #tpu.memory_space<vmem>>, vector<1x16xf32>,
        %add3A_1091 = arith.constant 128 : i32
        %add3A_1092 = arith.addi %mul3A_510, %add3A_1091 : i32
        %get3A_1093 = arith.index_cast %add3A_994 : i32 to index
        %get3A_1094 = arith.index_cast %add3A_1092 : i32 to index
        %get3A_1095 = tpu.vector_load %arg7[%get3A_1093, %get3A_1094] {strides = array<i32>} : memref<32x1024xf32, #tpu.memory_space<vmem>>, vector<1x16xf32>,
        %get3A_1096 = vector.shape_cast %get3A_1095 : vector<1x16xf32> to vector<16xf32>
        %add3A_1097 = arith.addf %get3A_1096, %get3A_563 : vector<16xf32>
        %swap3A_1098 = arith.index_cast %add3A_994 : i32 to index
        %swap3A_1099 = arith.index_cast %add3A_1092 : i32 to index
        %swap3A_1100 = tpu.vector_load %arg7[%swap3A_1098, %swap3A_1099] {strides = array<i32>} : memref<32x1024xf32, #tpu.memory_space<vmem>>, vector<1x16xf32>,
        %swap3A_1101 = vector.shape_cast %swap3A_1100 : vector<1x16xf32> to vector<16xf32>
        %swap3A_1102 = vector.shape_cast %add3A_1097 : vector<16xf32> to vector<1x16xf32>
        tpu.vector_store %arg7[%swap3A_1098, %swap3A_1099], %swap3A_1102 {strides = array<i32>} : memref<32x1024xf32, #tpu.memory_space<vmem>>, vector<1x16xf32>,
        %add3A_1103 = arith.constant 144 : i32
        %add3A_1104 = arith.addi %mul3A_510, %add3A_1103 : i32
        %get3A_1105 = arith.index_cast %add3A_994 : i32 to index
        %get3A_1106 = arith.index_cast %add3A_1104 : i32 to index
        %get3A_1107 = tpu.vector_load %arg7[%get3A_1105, %get3A_1106] {strides = array<i32>} : memref<32x1024xf32, #tpu.memory_space<vmem>>, vector<1x16xf32>,
        %get3A_1108 = vector.shape_cast %get3A_1107 : vector<1x16xf32> to vector<16xf32>
        %add3A_1109 = arith.addf %get3A_1108, %get3A_569 : vector<16xf32>
        %swap3A_1110 = arith.index_cast %add3A_994 : i32 to index
        %swap3A_1111 = arith.index_cast %add3A_1104 : i32 to index
        %swap3A_1112 = tpu.vector_load %arg7[%swap3A_1110, %swap3A_1111] {strides = array<i32>} : memref<32x1024xf32, #tpu.memory_space<vmem>>, vector<1x16xf32>,
        %swap3A_1113 = vector.shape_cast %swap3A_1112 : vector<1x16xf32> to vector<16xf32>
        %swap3A_1114 = vector.shape_cast %add3A_1109 : vector<16xf32> to vector<1x16xf32>
        tpu.vector_store %arg7[%swap3A_1110, %swap3A_1111], %swap3A_1114 {strides = array<i32>} : memref<32x1024xf32, #tpu.memory_space<vmem>>, vector<1x16xf32>,
        %add3A_1115 = arith.constant 160 : i32
        %add3A_1116 = arith.addi %mul3A_510, %add3A_1115 : i32
        %get3A_1117 = arith.index_cast %add3A_994 : i32 to index
        %get3A_1118 = arith.index_cast %add3A_1116 : i32 to index
        %get3A_1119 = tpu.vector_load %arg7[%get3A_1117, %get3A_1118] {strides = array<i32>} : memref<32x1024xf32, #tpu.memory_space<vmem>>, vector<1x16xf32>,
        %get3A_1120 = vector.shape_cast %get3A_1119 : vector<1x16xf32> to vector<16xf32>
        %add3A_1121 = arith.addf %get3A_1120, %get3A_575 : vector<16xf32>
        %swap3A_1122 = arith.index_cast %add3A_994 : i32 to index
        %swap3A_1123 = arith.index_cast %add3A_1116 : i32 to index
        %swap3A_1124 = tpu.vector_load %arg7[%swap3A_1122, %swap3A_1123] {strides = array<i32>} : memref<32x1024xf32, #tpu.memory_space<vmem>>, vector<1x16xf32>,
        %swap3A_1125 = vector.shape_cast %swap3A_1124 : vector<1x16xf32> to vector<16xf32>
        %swap3A_1126 = vector.shape_cast %add3A_1121 : vector<16xf32> to vector<1x16xf32>
        tpu.vector_store %arg7[%swap3A_1122, %swap3A_1123], %swap3A_1126 {strides = array<i32>} : memref<32x1024xf32, #tpu.memory_space<vmem>>, vector<1x16xf32>,
        %add3A_1127 = arith.constant 176 : i32
        %add3A_1128 = arith.addi %mul3A_510, %add3A_1127 : i32
        %get3A_1129 = arith.index_cast %add3A_994 : i32 to index
        %get3A_1130 = arith.index_cast %add3A_1128 : i32 to index
        %get3A_1131 = tpu.vector_load %arg7[%get3A_1129, %get3A_1130] {strides = array<i32>} : memref<32x1024xf32, #tpu.memory_space<vmem>>, vector<1x16xf32>,
        %get3A_1132 = vector.shape_cast %get3A_1131 : vector<1x16xf32> to vector<16xf32>
        %add3A_1133 = arith.addf %get3A_1132, %get3A_581 : vector<16xf32>
        %swap3A_1134 = arith.index_cast %add3A_994 : i32 to index
        %swap3A_1135 = arith.index_cast %add3A_1128 : i32 to index
        %swap3A_1136 = tpu.vector_load %arg7[%swap3A_1134, %swap3A_1135] {strides = array<i32>} : memref<32x1024xf32, #tpu.memory_space<vmem>>, vector<1x16xf32>,
        %swap3A_1137 = vector.shape_cast %swap3A_1136 : vector<1x16xf32> to vector<16xf32>
        %swap3A_1138 = vector.shape_cast %add3A_1133 : vector<16xf32> to vector<1x16xf32>
        tpu.vector_store %arg7[%swap3A_1134, %swap3A_1135], %swap3A_1138 {strides = array<i32>} : memref<32x1024xf32, #tpu.memory_space<vmem>>, vector<1x16xf32>,
        %add3A_1139 = arith.constant 192 : i32
        %add3A_1140 = arith.addi %mul3A_510, %add3A_1139 : i32
        %get3A_1141 = arith.index_cast %add3A_994 : i32 to index
        %get3A_1142 = arith.index_cast %add3A_1140 : i32 to index
        %get3A_1143 = tpu.vector_load %arg7[%get3A_1141, %get3A_1142] {strides = array<i32>} : memref<32x1024xf32, #tpu.memory_space<vmem>>, vector<1x16xf32>,
        %get3A_1144 = vector.shape_cast %get3A_1143 : vector<1x16xf32> to vector<16xf32>
        %add3A_1145 = arith.addf %get3A_1144, %get3A_587 : vector<16xf32>
        %swap3A_1146 = arith.index_cast %add3A_994 : i32 to index
        %swap3A_1147 = arith.index_cast %add3A_1140 : i32 to index
        %swap3A_1148 = tpu.vector_load %arg7[%swap3A_1146, %swap3A_1147] {strides = array<i32>} : memref<32x1024xf32, #tpu.memory_space<vmem>>, vector<1x16xf32>,
        %swap3A_1149 = vector.shape_cast %swap3A_1148 : vector<1x16xf32> to vector<16xf32>
        %swap3A_1150 = vector.shape_cast %add3A_1145 : vector<16xf32> to vector<1x16xf32>
        tpu.vector_store %arg7[%swap3A_1146, %swap3A_1147], %swap3A_1150 {strides = array<i32>} : memref<32x1024xf32, #tpu.memory_space<vmem>>, vector<1x16xf32>,
        %add3A_1151 = arith.constant 208 : i32
        %add3A_1152 = arith.addi %mul3A_510, %add3A_1151 : i32
        %get3A_1153 = arith.index_cast %add3A_994 : i32 to index
        %get3A_1154 = arith.index_cast %add3A_1152 : i32 to index
        %get3A_1155 = tpu.vector_load %arg7[%get3A_1153, %get3A_1154] {strides = array<i32>} : memref<32x1024xf32, #tpu.memory_space<vmem>>, vector<1x16xf32>,
        %get3A_1156 = vector.shape_cast %get3A_1155 : vector<1x16xf32> to vector<16xf32>
        %add3A_1157 = arith.addf %get3A_1156, %get3A_593 : vector<16xf32>
        %swap3A_1158 = arith.index_cast %add3A_994 : i32 to index
        %swap3A_1159 = arith.index_cast %add3A_1152 : i32 to index
        %swap3A_1160 = tpu.vector_load %arg7[%swap3A_1158, %swap3A_1159] {strides = array<i32>} : memref<32x1024xf32, #tpu.memory_space<vmem>>, vector<1x16xf32>,
        %swap3A_1161 = vector.shape_cast %swap3A_1160 : vector<1x16xf32> to vector<16xf32>
        %swap3A_1162 = vector.shape_cast %add3A_1157 : vector<16xf32> to vector<1x16xf32>
        tpu.vector_store %arg7[%swap3A_1158, %swap3A_1159], %swap3A_1162 {strides = array<i32>} : memref<32x1024xf32, #tpu.memory_space<vmem>>, vector<1x16xf32>,
        %add3A_1163 = arith.constant 224 : i32
        %add3A_1164 = arith.addi %mul3A_510, %add3A_1163 : i32
        %get3A_1165 = arith.index_cast %add3A_994 : i32 to index
        %get3A_1166 = arith.index_cast %add3A_1164 : i32 to index
        %get3A_1167 = tpu.vector_load %arg7[%get3A_1165, %get3A_1166] {strides = array<i32>} : memref<32x1024xf32, #tpu.memory_space<vmem>>, vector<1x16xf32>,
        %get3A_1168 = vector.shape_cast %get3A_1167 : vector<1x16xf32> to vector<16xf32>
        %add3A_1169 = arith.addf %get3A_1168, %get3A_599 : vector<16xf32>
        %swap3A_1170 = arith.index_cast %add3A_994 : i32 to index
        %swap3A_1171 = arith.index_cast %add3A_1164 : i32 to index
        %swap3A_1172 = tpu.vector_load %arg7[%swap3A_1170, %swap3A_1171] {strides = array<i32>} : memref<32x1024xf32, #tpu.memory_space<vmem>>, vector<1x16xf32>,
        %swap3A_1173 = vector.shape_cast %swap3A_1172 : vector<1x16xf32> to vector<16xf32>
        %swap3A_1174 = vector.shape_cast %add3A_1169 : vector<16xf32> to vector<1x16xf32>
        tpu.vector_store %arg7[%swap3A_1170, %swap3A_1171], %swap3A_1174 {strides = array<i32>} : memref<32x1024xf32, #tpu.memory_space<vmem>>, vector<1x16xf32>,
        %add3A_1175 = arith.constant 240 : i32
        %add3A_1176 = arith.addi %mul3A_510, %add3A_1175 : i32
        %get3A_1177 = arith.index_cast %add3A_994 : i32 to index
        %get3A_1178 = arith.index_cast %add3A_1176 : i32 to index
        %get3A_1179 = tpu.vector_load %arg7[%get3A_1177, %get3A_1178] {strides = array<i32>} : memref<32x1024xf32, #tpu.memory_space<vmem>>, vector<1x16xf32>,
        %get3A_1180 = vector.shape_cast %get3A_1179 : vector<1x16xf32> to vector<16xf32>
        %add3A_1181 = arith.addf %get3A_1180, %get3A_605 : vector<16xf32>
        %swap3A_1182 = arith.index_cast %add3A_994 : i32 to index
        %swap3A_1183 = arith.index_cast %add3A_1176 : i32 to index
        %swap3A_1184 = tpu.vector_load %arg7[%swap3A_1182, %swap3A_1183] {strides = array<i32>} : memref<32x1024xf32, #tpu.memory_space<vmem>>, vector<1x16xf32>,
        %swap3A_1185 = vector.shape_cast %swap3A_1184 : vector<1x16xf32> to vector<16xf32>
        %swap3A_1186 = vector.shape_cast %add3A_1181 : vector<16xf32> to vector<1x16xf32>
        tpu.vector_store %arg7[%swap3A_1182, %swap3A_1183], %swap3A_1186 {strides = array<i32>} : memref<32x1024xf32, #tpu.memory_space<vmem>>, vector<1x16xf32>,
        %add3A_1187 = arith.constant 24 : i32
        %add3A_1188 = arith.addi %add3A_1187, %select_n3A : i32
        %add3A_1189 = arith.constant 0 : i32
        %add3A_1190 = arith.addi %mul3A_510, %add3A_1189 : i32
        %get3A_1191 = arith.index_cast %add3A_1188 : i32 to index
        %get3A_1192 = arith.index_cast %add3A_1190 : i32 to index
        %get3A_1193 = tpu.vector_load %arg7[%get3A_1191, %get3A_1192] {strides = array<i32>} : memref<32x1024xf32, #tpu.memory_space<vmem>>, vector<1x16xf32>,
        %get3A_1194 = vector.shape_cast %get3A_1193 : vector<1x16xf32> to vector<16xf32>
        %add3A_1195 = arith.addf %get3A_1194, %get3A_515 : vector<16xf32>
        %swap3A_1196 = arith.index_cast %add3A_1188 : i32 to index
        %swap3A_1197 = arith.index_cast %add3A_1190 : i32 to index
        %swap3A_1198 = tpu.vector_load %arg7[%swap3A_1196, %swap3A_1197] {strides = array<i32>} : memref<32x1024xf32, #tpu.memory_space<vmem>>, vector<1x16xf32>,
        %swap3A_1199 = vector.shape_cast %swap3A_1198 : vector<1x16xf32> to vector<16xf32>
        %swap3A_1200 = vector.shape_cast %add3A_1195 : vector<16xf32> to vector<1x16xf32>
        tpu.vector_store %arg7[%swap3A_1196, %swap3A_1197], %swap3A_1200 {strides = array<i32>} : memref<32x1024xf32, #tpu.memory_space<vmem>>, vector<1x16xf32>,
        %add3A_1201 = arith.constant 16 : i32
        %add3A_1202 = arith.addi %mul3A_510, %add3A_1201 : i32
        %get3A_1203 = arith.index_cast %add3A_1188 : i32 to index
        %get3A_1204 = arith.index_cast %add3A_1202 : i32 to index
        %get3A_1205 = tpu.vector_load %arg7[%get3A_1203, %get3A_1204] {strides = array<i32>} : memref<32x1024xf32, #tpu.memory_space<vmem>>, vector<1x16xf32>,
        %get3A_1206 = vector.shape_cast %get3A_1205 : vector<1x16xf32> to vector<16xf32>
        %add3A_1207 = arith.addf %get3A_1206, %get3A_521 : vector<16xf32>
        %swap3A_1208 = arith.index_cast %add3A_1188 : i32 to index
        %swap3A_1209 = arith.index_cast %add3A_1202 : i32 to index
        %swap3A_1210 = tpu.vector_load %arg7[%swap3A_1208, %swap3A_1209] {strides = array<i32>} : memref<32x1024xf32, #tpu.memory_space<vmem>>, vector<1x16xf32>,
        %swap3A_1211 = vector.shape_cast %swap3A_1210 : vector<1x16xf32> to vector<16xf32>
        %swap3A_1212 = vector.shape_cast %add3A_1207 : vector<16xf32> to vector<1x16xf32>
        tpu.vector_store %arg7[%swap3A_1208, %swap3A_1209], %swap3A_1212 {strides = array<i32>} : memref<32x1024xf32, #tpu.memory_space<vmem>>, vector<1x16xf32>,
        %add3A_1213 = arith.constant 32 : i32
        %add3A_1214 = arith.addi %mul3A_510, %add3A_1213 : i32
        %get3A_1215 = arith.index_cast %add3A_1188 : i32 to index
        %get3A_1216 = arith.index_cast %add3A_1214 : i32 to index
        %get3A_1217 = tpu.vector_load %arg7[%get3A_1215, %get3A_1216] {strides = array<i32>} : memref<32x1024xf32, #tpu.memory_space<vmem>>, vector<1x16xf32>,
        %get3A_1218 = vector.shape_cast %get3A_1217 : vector<1x16xf32> to vector<16xf32>
        %add3A_1219 = arith.addf %get3A_1218, %get3A_527 : vector<16xf32>
        %swap3A_1220 = arith.index_cast %add3A_1188 : i32 to index
        %swap3A_1221 = arith.index_cast %add3A_1214 : i32 to index
        %swap3A_1222 = tpu.vector_load %arg7[%swap3A_1220, %swap3A_1221] {strides = array<i32>} : memref<32x1024xf32, #tpu.memory_space<vmem>>, vector<1x16xf32>,
        %swap3A_1223 = vector.shape_cast %swap3A_1222 : vector<1x16xf32> to vector<16xf32>
        %swap3A_1224 = vector.shape_cast %add3A_1219 : vector<16xf32> to vector<1x16xf32>
        tpu.vector_store %arg7[%swap3A_1220, %swap3A_1221], %swap3A_1224 {strides = array<i32>} : memref<32x1024xf32, #tpu.memory_space<vmem>>, vector<1x16xf32>,
        %add3A_1225 = arith.constant 48 : i32
        %add3A_1226 = arith.addi %mul3A_510, %add3A_1225 : i32
        %get3A_1227 = arith.index_cast %add3A_1188 : i32 to index
        %get3A_1228 = arith.index_cast %add3A_1226 : i32 to index
        %get3A_1229 = tpu.vector_load %arg7[%get3A_1227, %get3A_1228] {strides = array<i32>} : memref<32x1024xf32, #tpu.memory_space<vmem>>, vector<1x16xf32>,
        %get3A_1230 = vector.shape_cast %get3A_1229 : vector<1x16xf32> to vector<16xf32>
        %add3A_1231 = arith.addf %get3A_1230, %get3A_533 : vector<16xf32>
        %swap3A_1232 = arith.index_cast %add3A_1188 : i32 to index
        %swap3A_1233 = arith.index_cast %add3A_1226 : i32 to index
        %swap3A_1234 = tpu.vector_load %arg7[%swap3A_1232, %swap3A_1233] {strides = array<i32>} : memref<32x1024xf32, #tpu.memory_space<vmem>>, vector<1x16xf32>,
        %swap3A_1235 = vector.shape_cast %swap3A_1234 : vector<1x16xf32> to vector<16xf32>
        %swap3A_1236 = vector.shape_cast %add3A_1231 : vector<16xf32> to vector<1x16xf32>
        tpu.vector_store %arg7[%swap3A_1232, %swap3A_1233], %swap3A_1236 {strides = array<i32>} : memref<32x1024xf32, #tpu.memory_space<vmem>>, vector<1x16xf32>,
        %add3A_1237 = arith.constant 64 : i32
        %add3A_1238 = arith.addi %mul3A_510, %add3A_1237 : i32
        %get3A_1239 = arith.index_cast %add3A_1188 : i32 to index
        %get3A_1240 = arith.index_cast %add3A_1238 : i32 to index
        %get3A_1241 = tpu.vector_load %arg7[%get3A_1239, %get3A_1240] {strides = array<i32>} : memref<32x1024xf32, #tpu.memory_space<vmem>>, vector<1x16xf32>,
        %get3A_1242 = vector.shape_cast %get3A_1241 : vector<1x16xf32> to vector<16xf32>
        %add3A_1243 = arith.addf %get3A_1242, %get3A_539 : vector<16xf32>
        %swap3A_1244 = arith.index_cast %add3A_1188 : i32 to index
        %swap3A_1245 = arith.index_cast %add3A_1238 : i32 to index
        %swap3A_1246 = tpu.vector_load %arg7[%swap3A_1244, %swap3A_1245] {strides = array<i32>} : memref<32x1024xf32, #tpu.memory_space<vmem>>, vector<1x16xf32>,
        %swap3A_1247 = vector.shape_cast %swap3A_1246 : vector<1x16xf32> to vector<16xf32>
        %swap3A_1248 = vector.shape_cast %add3A_1243 : vector<16xf32> to vector<1x16xf32>
        tpu.vector_store %arg7[%swap3A_1244, %swap3A_1245], %swap3A_1248 {strides = array<i32>} : memref<32x1024xf32, #tpu.memory_space<vmem>>, vector<1x16xf32>,
        %add3A_1249 = arith.constant 80 : i32
        %add3A_1250 = arith.addi %mul3A_510, %add3A_1249 : i32
        %get3A_1251 = arith.index_cast %add3A_1188 : i32 to index
        %get3A_1252 = arith.index_cast %add3A_1250 : i32 to index
        %get3A_1253 = tpu.vector_load %arg7[%get3A_1251, %get3A_1252] {strides = array<i32>} : memref<32x1024xf32, #tpu.memory_space<vmem>>, vector<1x16xf32>,
        %get3A_1254 = vector.shape_cast %get3A_1253 : vector<1x16xf32> to vector<16xf32>
        %add3A_1255 = arith.addf %get3A_1254, %get3A_545 : vector<16xf32>
        %swap3A_1256 = arith.index_cast %add3A_1188 : i32 to index
        %swap3A_1257 = arith.index_cast %add3A_1250 : i32 to index
        %swap3A_1258 = tpu.vector_load %arg7[%swap3A_1256, %swap3A_1257] {strides = array<i32>} : memref<32x1024xf32, #tpu.memory_space<vmem>>, vector<1x16xf32>,
        %swap3A_1259 = vector.shape_cast %swap3A_1258 : vector<1x16xf32> to vector<16xf32>
        %swap3A_1260 = vector.shape_cast %add3A_1255 : vector<16xf32> to vector<1x16xf32>
        tpu.vector_store %arg7[%swap3A_1256, %swap3A_1257], %swap3A_1260 {strides = array<i32>} : memref<32x1024xf32, #tpu.memory_space<vmem>>, vector<1x16xf32>,
        %add3A_1261 = arith.constant 96 : i32
        %add3A_1262 = arith.addi %mul3A_510, %add3A_1261 : i32
        %get3A_1263 = arith.index_cast %add3A_1188 : i32 to index
        %get3A_1264 = arith.index_cast %add3A_1262 : i32 to index
        %get3A_1265 = tpu.vector_load %arg7[%get3A_1263, %get3A_1264] {strides = array<i32>} : memref<32x1024xf32, #tpu.memory_space<vmem>>, vector<1x16xf32>,
        %get3A_1266 = vector.shape_cast %get3A_1265 : vector<1x16xf32> to vector<16xf32>
        %add3A_1267 = arith.addf %get3A_1266, %get3A_551 : vector<16xf32>
        %swap3A_1268 = arith.index_cast %add3A_1188 : i32 to index
        %swap3A_1269 = arith.index_cast %add3A_1262 : i32 to index
        %swap3A_1270 = tpu.vector_load %arg7[%swap3A_1268, %swap3A_1269] {strides = array<i32>} : memref<32x1024xf32, #tpu.memory_space<vmem>>, vector<1x16xf32>,
        %swap3A_1271 = vector.shape_cast %swap3A_1270 : vector<1x16xf32> to vector<16xf32>
        %swap3A_1272 = vector.shape_cast %add3A_1267 : vector<16xf32> to vector<1x16xf32>
        tpu.vector_store %arg7[%swap3A_1268, %swap3A_1269], %swap3A_1272 {strides = array<i32>} : memref<32x1024xf32, #tpu.memory_space<vmem>>, vector<1x16xf32>,
        %add3A_1273 = arith.constant 112 : i32
        %add3A_1274 = arith.addi %mul3A_510, %add3A_1273 : i32
        %get3A_1275 = arith.index_cast %add3A_1188 : i32 to index
        %get3A_1276 = arith.index_cast %add3A_1274 : i32 to index
        %get3A_1277 = tpu.vector_load %arg7[%get3A_1275, %get3A_1276] {strides = array<i32>} : memref<32x1024xf32, #tpu.memory_space<vmem>>, vector<1x16xf32>,
        %get3A_1278 = vector.shape_cast %get3A_1277 : vector<1x16xf32> to vector<16xf32>
        %add3A_1279 = arith.addf %get3A_1278, %get3A_557 : vector<16xf32>
        %swap3A_1280 = arith.index_cast %add3A_1188 : i32 to index
        %swap3A_1281 = arith.index_cast %add3A_1274 : i32 to index
        %swap3A_1282 = tpu.vector_load %arg7[%swap3A_1280, %swap3A_1281] {strides = array<i32>} : memref<32x1024xf32, #tpu.memory_space<vmem>>, vector<1x16xf32>,
        %swap3A_1283 = vector.shape_cast %swap3A_1282 : vector<1x16xf32> to vector<16xf32>
        %swap3A_1284 = vector.shape_cast %add3A_1279 : vector<16xf32> to vector<1x16xf32>
        tpu.vector_store %arg7[%swap3A_1280, %swap3A_1281], %swap3A_1284 {strides = array<i32>} : memref<32x1024xf32, #tpu.memory_space<vmem>>, vector<1x16xf32>,
        %add3A_1285 = arith.constant 128 : i32
        %add3A_1286 = arith.addi %mul3A_510, %add3A_1285 : i32
        %get3A_1287 = arith.index_cast %add3A_1188 : i32 to index
        %get3A_1288 = arith.index_cast %add3A_1286 : i32 to index
        %get3A_1289 = tpu.vector_load %arg7[%get3A_1287, %get3A_1288] {strides = array<i32>} : memref<32x1024xf32, #tpu.memory_space<vmem>>, vector<1x16xf32>,
        %get3A_1290 = vector.shape_cast %get3A_1289 : vector<1x16xf32> to vector<16xf32>
        %add3A_1291 = arith.addf %get3A_1290, %get3A_563 : vector<16xf32>
        %swap3A_1292 = arith.index_cast %add3A_1188 : i32 to index
        %swap3A_1293 = arith.index_cast %add3A_1286 : i32 to index
        %swap3A_1294 = tpu.vector_load %arg7[%swap3A_1292, %swap3A_1293] {strides = array<i32>} : memref<32x1024xf32, #tpu.memory_space<vmem>>, vector<1x16xf32>,
        %swap3A_1295 = vector.shape_cast %swap3A_1294 : vector<1x16xf32> to vector<16xf32>
        %swap3A_1296 = vector.shape_cast %add3A_1291 : vector<16xf32> to vector<1x16xf32>
        tpu.vector_store %arg7[%swap3A_1292, %swap3A_1293], %swap3A_1296 {strides = array<i32>} : memref<32x1024xf32, #tpu.memory_space<vmem>>, vector<1x16xf32>,
        %add3A_1297 = arith.constant 144 : i32
        %add3A_1298 = arith.addi %mul3A_510, %add3A_1297 : i32
        %get3A_1299 = arith.index_cast %add3A_1188 : i32 to index
        %get3A_1300 = arith.index_cast %add3A_1298 : i32 to index
        %get3A_1301 = tpu.vector_load %arg7[%get3A_1299, %get3A_1300] {strides = array<i32>} : memref<32x1024xf32, #tpu.memory_space<vmem>>, vector<1x16xf32>,
        %get3A_1302 = vector.shape_cast %get3A_1301 : vector<1x16xf32> to vector<16xf32>
        %add3A_1303 = arith.addf %get3A_1302, %get3A_569 : vector<16xf32>
        %swap3A_1304 = arith.index_cast %add3A_1188 : i32 to index
        %swap3A_1305 = arith.index_cast %add3A_1298 : i32 to index
        %swap3A_1306 = tpu.vector_load %arg7[%swap3A_1304, %swap3A_1305] {strides = array<i32>} : memref<32x1024xf32, #tpu.memory_space<vmem>>, vector<1x16xf32>,
        %swap3A_1307 = vector.shape_cast %swap3A_1306 : vector<1x16xf32> to vector<16xf32>
        %swap3A_1308 = vector.shape_cast %add3A_1303 : vector<16xf32> to vector<1x16xf32>
        tpu.vector_store %arg7[%swap3A_1304, %swap3A_1305], %swap3A_1308 {strides = array<i32>} : memref<32x1024xf32, #tpu.memory_space<vmem>>, vector<1x16xf32>,
        %add3A_1309 = arith.constant 160 : i32
        %add3A_1310 = arith.addi %mul3A_510, %add3A_1309 : i32
        %get3A_1311 = arith.index_cast %add3A_1188 : i32 to index
        %get3A_1312 = arith.index_cast %add3A_1310 : i32 to index
        %get3A_1313 = tpu.vector_load %arg7[%get3A_1311, %get3A_1312] {strides = array<i32>} : memref<32x1024xf32, #tpu.memory_space<vmem>>, vector<1x16xf32>,
        %get3A_1314 = vector.shape_cast %get3A_1313 : vector<1x16xf32> to vector<16xf32>
        %add3A_1315 = arith.addf %get3A_1314, %get3A_575 : vector<16xf32>
        %swap3A_1316 = arith.index_cast %add3A_1188 : i32 to index
        %swap3A_1317 = arith.index_cast %add3A_1310 : i32 to index
        %swap3A_1318 = tpu.vector_load %arg7[%swap3A_1316, %swap3A_1317] {strides = array<i32>} : memref<32x1024xf32, #tpu.memory_space<vmem>>, vector<1x16xf32>,
        %swap3A_1319 = vector.shape_cast %swap3A_1318 : vector<1x16xf32> to vector<16xf32>
        %swap3A_1320 = vector.shape_cast %add3A_1315 : vector<16xf32> to vector<1x16xf32>
        tpu.vector_store %arg7[%swap3A_1316, %swap3A_1317], %swap3A_1320 {strides = array<i32>} : memref<32x1024xf32, #tpu.memory_space<vmem>>, vector<1x16xf32>,
        %add3A_1321 = arith.constant 176 : i32
        %add3A_1322 = arith.addi %mul3A_510, %add3A_1321 : i32
        %get3A_1323 = arith.index_cast %add3A_1188 : i32 to index
        %get3A_1324 = arith.index_cast %add3A_1322 : i32 to index
        %get3A_1325 = tpu.vector_load %arg7[%get3A_1323, %get3A_1324] {strides = array<i32>} : memref<32x1024xf32, #tpu.memory_space<vmem>>, vector<1x16xf32>,
        %get3A_1326 = vector.shape_cast %get3A_1325 : vector<1x16xf32> to vector<16xf32>
        %add3A_1327 = arith.addf %get3A_1326, %get3A_581 : vector<16xf32>
        %swap3A_1328 = arith.index_cast %add3A_1188 : i32 to index
        %swap3A_1329 = arith.index_cast %add3A_1322 : i32 to index
        %swap3A_1330 = tpu.vector_load %arg7[%swap3A_1328, %swap3A_1329] {strides = array<i32>} : memref<32x1024xf32, #tpu.memory_space<vmem>>, vector<1x16xf32>,
        %swap3A_1331 = vector.shape_cast %swap3A_1330 : vector<1x16xf32> to vector<16xf32>
        %swap3A_1332 = vector.shape_cast %add3A_1327 : vector<16xf32> to vector<1x16xf32>
        tpu.vector_store %arg7[%swap3A_1328, %swap3A_1329], %swap3A_1332 {strides = array<i32>} : memref<32x1024xf32, #tpu.memory_space<vmem>>, vector<1x16xf32>,
        %add3A_1333 = arith.constant 192 : i32
        %add3A_1334 = arith.addi %mul3A_510, %add3A_1333 : i32
        %get3A_1335 = arith.index_cast %add3A_1188 : i32 to index
        %get3A_1336 = arith.index_cast %add3A_1334 : i32 to index
        %get3A_1337 = tpu.vector_load %arg7[%get3A_1335, %get3A_1336] {strides = array<i32>} : memref<32x1024xf32, #tpu.memory_space<vmem>>, vector<1x16xf32>,
        %get3A_1338 = vector.shape_cast %get3A_1337 : vector<1x16xf32> to vector<16xf32>
        %add3A_1339 = arith.addf %get3A_1338, %get3A_587 : vector<16xf32>
        %swap3A_1340 = arith.index_cast %add3A_1188 : i32 to index
        %swap3A_1341 = arith.index_cast %add3A_1334 : i32 to index
        %swap3A_1342 = tpu.vector_load %arg7[%swap3A_1340, %swap3A_1341] {strides = array<i32>} : memref<32x1024xf32, #tpu.memory_space<vmem>>, vector<1x16xf32>,
        %swap3A_1343 = vector.shape_cast %swap3A_1342 : vector<1x16xf32> to vector<16xf32>
        %swap3A_1344 = vector.shape_cast %add3A_1339 : vector<16xf32> to vector<1x16xf32>
        tpu.vector_store %arg7[%swap3A_1340, %swap3A_1341], %swap3A_1344 {strides = array<i32>} : memref<32x1024xf32, #tpu.memory_space<vmem>>, vector<1x16xf32>,
        %add3A_1345 = arith.constant 208 : i32
        %add3A_1346 = arith.addi %mul3A_510, %add3A_1345 : i32
        %get3A_1347 = arith.index_cast %add3A_1188 : i32 to index
        %get3A_1348 = arith.index_cast %add3A_1346 : i32 to index
        %get3A_1349 = tpu.vector_load %arg7[%get3A_1347, %get3A_1348] {strides = array<i32>} : memref<32x1024xf32, #tpu.memory_space<vmem>>, vector<1x16xf32>,
        %get3A_1350 = vector.shape_cast %get3A_1349 : vector<1x16xf32> to vector<16xf32>
        %add3A_1351 = arith.addf %get3A_1350, %get3A_593 : vector<16xf32>
        %swap3A_1352 = arith.index_cast %add3A_1188 : i32 to index
        %swap3A_1353 = arith.index_cast %add3A_1346 : i32 to index
        %swap3A_1354 = tpu.vector_load %arg7[%swap3A_1352, %swap3A_1353] {strides = array<i32>} : memref<32x1024xf32, #tpu.memory_space<vmem>>, vector<1x16xf32>,
        %swap3A_1355 = vector.shape_cast %swap3A_1354 : vector<1x16xf32> to vector<16xf32>
        %swap3A_1356 = vector.shape_cast %add3A_1351 : vector<16xf32> to vector<1x16xf32>
        tpu.vector_store %arg7[%swap3A_1352, %swap3A_1353], %swap3A_1356 {strides = array<i32>} : memref<32x1024xf32, #tpu.memory_space<vmem>>, vector<1x16xf32>,
        %add3A_1357 = arith.constant 224 : i32
        %add3A_1358 = arith.addi %mul3A_510, %add3A_1357 : i32
        %get3A_1359 = arith.index_cast %add3A_1188 : i32 to index
        %get3A_1360 = arith.index_cast %add3A_1358 : i32 to index
        %get3A_1361 = tpu.vector_load %arg7[%get3A_1359, %get3A_1360] {strides = array<i32>} : memref<32x1024xf32, #tpu.memory_space<vmem>>, vector<1x16xf32>,
        %get3A_1362 = vector.shape_cast %get3A_1361 : vector<1x16xf32> to vector<16xf32>
        %add3A_1363 = arith.addf %get3A_1362, %get3A_599 : vector<16xf32>
        %swap3A_1364 = arith.index_cast %add3A_1188 : i32 to index
        %swap3A_1365 = arith.index_cast %add3A_1358 : i32 to index
        %swap3A_1366 = tpu.vector_load %arg7[%swap3A_1364, %swap3A_1365] {strides = array<i32>} : memref<32x1024xf32, #tpu.memory_space<vmem>>, vector<1x16xf32>,
        %swap3A_1367 = vector.shape_cast %swap3A_1366 : vector<1x16xf32> to vector<16xf32>
        %swap3A_1368 = vector.shape_cast %add3A_1363 : vector<16xf32> to vector<1x16xf32>
        tpu.vector_store %arg7[%swap3A_1364, %swap3A_1365], %swap3A_1368 {strides = array<i32>} : memref<32x1024xf32, #tpu.memory_space<vmem>>, vector<1x16xf32>,
        %add3A_1369 = arith.constant 240 : i32
        %add3A_1370 = arith.addi %mul3A_510, %add3A_1369 : i32
        %get3A_1371 = arith.index_cast %add3A_1188 : i32 to index
        %get3A_1372 = arith.index_cast %add3A_1370 : i32 to index
        %get3A_1373 = tpu.vector_load %arg7[%get3A_1371, %get3A_1372] {strides = array<i32>} : memref<32x1024xf32, #tpu.memory_space<vmem>>, vector<1x16xf32>,
        %get3A_1374 = vector.shape_cast %get3A_1373 : vector<1x16xf32> to vector<16xf32>
        %add3A_1375 = arith.addf %get3A_1374, %get3A_605 : vector<16xf32>
        %swap3A_1376 = arith.index_cast %add3A_1188 : i32 to index
        %swap3A_1377 = arith.index_cast %add3A_1370 : i32 to index
        %swap3A_1378 = tpu.vector_load %arg7[%swap3A_1376, %swap3A_1377] {strides = array<i32>} : memref<32x1024xf32, #tpu.memory_space<vmem>>, vector<1x16xf32>,
        %swap3A_1379 = vector.shape_cast %swap3A_1378 : vector<1x16xf32> to vector<16xf32>
        %swap3A_1380 = vector.shape_cast %add3A_1375 : vector<16xf32> to vector<1x16xf32>
        tpu.vector_store %arg7[%swap3A_1376, %swap3A_1377], %swap3A_1380 {strides = array<i32>} : memref<32x1024xf32, #tpu.memory_space<vmem>>, vector<1x16xf32>,
      }
      %scan3A_228 = arith.constant 32 : i32
      %add3A_229 = arith.constant 0 : i32
      %add3A_230 = arith.addi %add3A_229, %mul3A_2 : i32
      %mul3A_231 = arith.constant 8 : i32
      %mul3A_232 = arith.muli %add3A_202, %mul3A_231 : i32
      %add3A_233 = arith.addi %add3A_230, %mul3A_232 : i32
      %dma_start3A_234 = arith.constant 0 : i32
      %dma_start3A_235 = arith.constant 0 : i32
      %dma_start3A_236 = tpu.memref_slice %arg7[%dma_start3A_234, %dma_start3A_235] : memref<32x1024xf32, #tpu.memory_space<vmem>> -> memref<8x1024xf32, #tpu.memory_space<vmem>>
      %dma_start3A_237 = arith.constant 0 : i32
      %dma_start3A_238 = tpu.memref_slice %arg5[%add3A_233, %dma_start3A_237] : memref<16384x1024xf32, #tpu.memory_space<hbm>> -> memref<8x1024xf32, #tpu.memory_space<hbm>>
      %dma_start3A_239 = arith.constant 0 : i32
      %dma_start3A_240 = tpu.memref_slice %arg5[%add3A_233, %dma_start3A_239] : memref<16384x1024xf32, #tpu.memory_space<hbm>> -> memref<8x1024xf32, #tpu.memory_space<hbm>>
      %dma_start3A_241 = arith.constant 0 : i32
      %dma_start3A_242 = arith.constant 0 : i32
      %dma_start3A_243 = tpu.memref_slice %arg7[%dma_start3A_241, %dma_start3A_242] : memref<32x1024xf32, #tpu.memory_space<vmem>> -> memref<8x1024xf32, #tpu.memory_space<vmem>>
      tpu.enqueue_dma source(%dma_start3A_243 : memref<8x1024xf32, #tpu.memory_space<vmem>>) target(%dma_start3A_240 : memref<8x1024xf32, #tpu.memory_space<hbm>>) target_semaphore(%arg19 : memref<!tpu.dma_semaphore, #tpu.memory_space<semaphore_mem>>)
      %add3A_244 = arith.constant 4096 : i32
      %add3A_245 = arith.addi %add3A_244, %mul3A_2 : i32
      %mul3A_246 = arith.constant 8 : i32
      %mul3A_247 = arith.muli %add3A_202, %mul3A_246 : i32
      %add3A_248 = arith.addi %add3A_245, %mul3A_247 : i32
      %dma_start3A_249 = arith.constant 8 : i32
      %dma_start3A_250 = arith.constant 0 : i32
      %dma_start3A_251 = tpu.memref_slice %arg7[%dma_start3A_249, %dma_start3A_250] : memref<32x1024xf32, #tpu.memory_space<vmem>> -> memref<8x1024xf32, #tpu.memory_space<vmem>>
      %dma_start3A_252 = arith.constant 0 : i32
      %dma_start3A_253 = tpu.memref_slice %arg5[%add3A_248, %dma_start3A_252] : memref<16384x1024xf32, #tpu.memory_space<hbm>> -> memref<8x1024xf32, #tpu.memory_space<hbm>>
      %dma_start3A_254 = arith.constant 0 : i32
      %dma_start3A_255 = tpu.memref_slice %arg5[%add3A_248, %dma_start3A_254] : memref<16384x1024xf32, #tpu.memory_space<hbm>> -> memref<8x1024xf32, #tpu.memory_space<hbm>>
      %dma_start3A_256 = arith.constant 8 : i32
      %dma_start3A_257 = arith.constant 0 : i32
      %dma_start3A_258 = tpu.memref_slice %arg7[%dma_start3A_256, %dma_start3A_257] : memref<32x1024xf32, #tpu.memory_space<vmem>> -> memref<8x1024xf32, #tpu.memory_space<vmem>>
      tpu.enqueue_dma source(%dma_start3A_258 : memref<8x1024xf32, #tpu.memory_space<vmem>>) target(%dma_start3A_255 : memref<8x1024xf32, #tpu.memory_space<hbm>>) target_semaphore(%arg19 : memref<!tpu.dma_semaphore, #tpu.memory_space<semaphore_mem>>)
      %add3A_259 = arith.constant 8192 : i32
      %add3A_260 = arith.addi %add3A_259, %mul3A_2 : i32
      %mul3A_261 = arith.constant 8 : i32
      %mul3A_262 = arith.muli %add3A_202, %mul3A_261 : i32
      %add3A_263 = arith.addi %add3A_260, %mul3A_262 : i32
      %dma_start3A_264 = arith.constant 16 : i32
      %dma_start3A_265 = arith.constant 0 : i32
      %dma_start3A_266 = tpu.memref_slice %arg7[%dma_start3A_264, %dma_start3A_265] : memref<32x1024xf32, #tpu.memory_space<vmem>> -> memref<8x1024xf32, #tpu.memory_space<vmem>>
      %dma_start3A_267 = arith.constant 0 : i32
      %dma_start3A_268 = tpu.memref_slice %arg5[%add3A_263, %dma_start3A_267] : memref<16384x1024xf32, #tpu.memory_space<hbm>> -> memref<8x1024xf32, #tpu.memory_space<hbm>>
      %dma_start3A_269 = arith.constant 0 : i32
      %dma_start3A_270 = tpu.memref_slice %arg5[%add3A_263, %dma_start3A_269] : memref<16384x1024xf32, #tpu.memory_space<hbm>> -> memref<8x1024xf32, #tpu.memory_space<hbm>>
      %dma_start3A_271 = arith.constant 16 : i32
      %dma_start3A_272 = arith.constant 0 : i32
      %dma_start3A_273 = tpu.memref_slice %arg7[%dma_start3A_271, %dma_start3A_272] : memref<32x1024xf32, #tpu.memory_space<vmem>> -> memref<8x1024xf32, #tpu.memory_space<vmem>>
      tpu.enqueue_dma source(%dma_start3A_273 : memref<8x1024xf32, #tpu.memory_space<vmem>>) target(%dma_start3A_270 : memref<8x1024xf32, #tpu.memory_space<hbm>>) target_semaphore(%arg19 : memref<!tpu.dma_semaphore, #tpu.memory_space<semaphore_mem>>)
      %add3A_274 = arith.constant 12288 : i32
      %add3A_275 = arith.addi %add3A_274, %mul3A_2 : i32
      %mul3A_276 = arith.constant 8 : i32
      %mul3A_277 = arith.muli %add3A_202, %mul3A_276 : i32
      %add3A_278 = arith.addi %add3A_275, %mul3A_277 : i32
      %dma_start3A_279 = arith.constant 24 : i32
      %dma_start3A_280 = arith.constant 0 : i32
      %dma_start3A_281 = tpu.memref_slice %arg7[%dma_start3A_279, %dma_start3A_280] : memref<32x1024xf32, #tpu.memory_space<vmem>> -> memref<8x1024xf32, #tpu.memory_space<vmem>>
      %dma_start3A_282 = arith.constant 0 : i32
      %dma_start3A_283 = tpu.memref_slice %arg5[%add3A_278, %dma_start3A_282] : memref<16384x1024xf32, #tpu.memory_space<hbm>> -> memref<8x1024xf32, #tpu.memory_space<hbm>>
      %dma_start3A_284 = arith.constant 0 : i32
      %dma_start3A_285 = tpu.memref_slice %arg5[%add3A_278, %dma_start3A_284] : memref<16384x1024xf32, #tpu.memory_space<hbm>> -> memref<8x1024xf32, #tpu.memory_space<hbm>>
      %dma_start3A_286 = arith.constant 24 : i32
      %dma_start3A_287 = arith.constant 0 : i32
      %dma_start3A_288 = tpu.memref_slice %arg7[%dma_start3A_286, %dma_start3A_287] : memref<32x1024xf32, #tpu.memory_space<vmem>> -> memref<8x1024xf32, #tpu.memory_space<vmem>>
      tpu.enqueue_dma source(%dma_start3A_288 : memref<8x1024xf32, #tpu.memory_space<vmem>>) target(%dma_start3A_285 : memref<8x1024xf32, #tpu.memory_space<hbm>>) target_semaphore(%arg19 : memref<!tpu.dma_semaphore, #tpu.memory_space<semaphore_mem>>)
      %mul3A_289 = arith.constant 3 : i32
      %mul3A_290 = arith.muli %scan3A_198, %mul3A_289 : i32
      %add3A_291 = arith.constant 1 : i32
      %add3A_292 = arith.addi %mul3A_290, %add3A_291 : i32
      %ge3A_293 = arith.constant 2 : i32
      %ge3A_294 = arith.cmpi sge, %add3A_292, %ge3A_293 : i32
      %convert_element_type3A_295 = arith.extui %ge3A_294 : i1 to i32
      %cond3A_296 = arith.constant 0 : i32
      %cond3A_297 = arith.cmpi ne, %convert_element_type3A_295, %cond3A_296 : i32
      scf.if %cond3A_297 {
        %dma_wait3A_477 = arith.constant 0 : i32
        %dma_wait3A_478 = arith.constant 0 : i32
        %dma_wait3A_479 = tpu.memref_slice %arg3[%dma_wait3A_477, %dma_wait3A_478] : memref<100000x1024xf32, #tpu.memory_space<hbm>> -> memref<32x1024xf32, #tpu.memory_space<hbm>>
        %dma_wait3A_480 = arith.constant 0 : i32
        %dma_wait3A_481 = arith.constant 0 : i32
        %dma_wait3A_482 = tpu.memref_slice %arg3[%dma_wait3A_480, %dma_wait3A_481] : memref<100000x1024xf32, #tpu.memory_space<hbm>> -> memref<32x1024xf32, #tpu.memory_space<hbm>>
        tpu.wait_dma2 semaphore(%arg21 : memref<!tpu.dma_semaphore, #tpu.memory_space<semaphore_mem>>) src(%dma_wait3A_482 : memref<32x1024xf32, #tpu.memory_space<hbm>>) dst(%arg9 : memref<32x1024xf32, #tpu.memory_space<vmem>>)
      } else {
      }
      %add3A_298 = arith.constant 1 : i32
      %add3A_299 = arith.addi %add3A_292, %add3A_298 : i32
      %lt3A_300 = arith.constant 16 : i32
      %lt3A_301 = arith.cmpi slt, %add3A_299, %lt3A_300 : i32
      %convert_element_type3A_302 = arith.extui %lt3A_301 : i1 to i32
      %cond3A_303 = arith.constant 0 : i32
      %cond3A_304 = arith.cmpi ne, %convert_element_type3A_302, %cond3A_303 : i32
      scf.if %cond3A_304 {
        %add3A_477 = arith.constant 1 : i32
        %add3A_478 = arith.addi %add3A_292, %add3A_477 : i32
        %mul3A_479 = arith.constant 8 : i32
        %mul3A_480 = arith.muli %add3A_478, %mul3A_479 : i32
        %dma_start3A_481 = arith.constant 0 : i32
        %dma_start3A_482 = arith.constant 0 : i32
        %dma_start3A_483 = arith.constant 0 : i32
        %dma_start3A_484 = tpu.memref_slice %arg9[%dma_start3A_482, %dma_start3A_483] : memref<32x1024xf32, #tpu.memory_space<vmem>> -> memref<8x1024xf32, #tpu.memory_space<vmem>>
        %dma_start3A_485 = tpu.memref_slice %arg6[%dma_start3A_481, %mul3A_480] : memref<4x128xi32, #tpu.memory_space<vmem>> -> memref<1x8xi32, #tpu.memory_space<vmem>>
        %dma_start3A_486 = tpu.memref_squeeze %dma_start3A_485 : memref<1x8xi32, #tpu.memory_space<vmem>> -> memref<8xi32, #tpu.memory_space<vmem>>
        %dma_start3A_487 = arith.constant 0 : i32
        %dma_start3A_488 = arith.constant 0 : i32
        %dma_start3A_489 = tpu.memref_slice %arg3[%dma_start3A_487, %dma_start3A_488] : memref<100000x1024xf32, #tpu.memory_space<hbm>> -> memref<100000x1024xf32, #tpu.memory_space<hbm>>
        tpu.enqueue_indirect_dma source(%dma_start3A_489 : memref<100000x1024xf32, #tpu.memory_space<hbm>>) target(%dma_start3A_484 : memref<8x1024xf32, #tpu.memory_space<vmem>>) offsets(%dma_start3A_486 : memref<8xi32, #tpu.memory_space<vmem>>) semaphore(%arg15 : memref<!tpu.dma_semaphore, #tpu.memory_space<semaphore_mem>>)
        %mul3A_490 = arith.constant 8 : i32
        %mul3A_491 = arith.muli %add3A_478, %mul3A_490 : i32
        %dma_start3A_492 = arith.constant 1 : i32
        %dma_start3A_493 = arith.constant 8 : i32
        %dma_start3A_494 = arith.constant 0 : i32
        %dma_start3A_495 = tpu.memref_slice %arg9[%dma_start3A_493, %dma_start3A_494] : memref<32x1024xf32, #tpu.memory_space<vmem>> -> memref<8x1024xf32, #tpu.memory_space<vmem>>
        %dma_start3A_496 = tpu.memref_slice %arg6[%dma_start3A_492, %mul3A_491] : memref<4x128xi32, #tpu.memory_space<vmem>> -> memref<1x8xi32, #tpu.memory_space<vmem>>
        %dma_start3A_497 = tpu.memref_squeeze %dma_start3A_496 : memref<1x8xi32, #tpu.memory_space<vmem>> -> memref<8xi32, #tpu.memory_space<vmem>>
        %dma_start3A_498 = arith.constant 0 : i32
        %dma_start3A_499 = arith.constant 0 : i32
        %dma_start3A_500 = tpu.memref_slice %arg3[%dma_start3A_498, %dma_start3A_499] : memref<100000x1024xf32, #tpu.memory_space<hbm>> -> memref<100000x1024xf32, #tpu.memory_space<hbm>>
        tpu.enqueue_indirect_dma source(%dma_start3A_500 : memref<100000x1024xf32, #tpu.memory_space<hbm>>) target(%dma_start3A_495 : memref<8x1024xf32, #tpu.memory_space<vmem>>) offsets(%dma_start3A_497 : memref<8xi32, #tpu.memory_space<vmem>>) semaphore(%arg15 : memref<!tpu.dma_semaphore, #tpu.memory_space<semaphore_mem>>)
        %mul3A_501 = arith.constant 8 : i32
        %mul3A_502 = arith.muli %add3A_478, %mul3A_501 : i32
        %dma_start3A_503 = arith.constant 2 : i32
        %dma_start3A_504 = arith.constant 16 : i32
        %dma_start3A_505 = arith.constant 0 : i32
        %dma_start3A_506 = tpu.memref_slice %arg9[%dma_start3A_504, %dma_start3A_505] : memref<32x1024xf32, #tpu.memory_space<vmem>> -> memref<8x1024xf32, #tpu.memory_space<vmem>>
        %dma_start3A_507 = tpu.memref_slice %arg6[%dma_start3A_503, %mul3A_502] : memref<4x128xi32, #tpu.memory_space<vmem>> -> memref<1x8xi32, #tpu.memory_space<vmem>>
        %dma_start3A_508 = tpu.memref_squeeze %dma_start3A_507 : memref<1x8xi32, #tpu.memory_space<vmem>> -> memref<8xi32, #tpu.memory_space<vmem>>
        %dma_start3A_509 = arith.constant 0 : i32
        %dma_start3A_510 = arith.constant 0 : i32
        %dma_start3A_511 = tpu.memref_slice %arg3[%dma_start3A_509, %dma_start3A_510] : memref<100000x1024xf32, #tpu.memory_space<hbm>> -> memref<100000x1024xf32, #tpu.memory_space<hbm>>
        tpu.enqueue_indirect_dma source(%dma_start3A_511 : memref<100000x1024xf32, #tpu.memory_space<hbm>>) target(%dma_start3A_506 : memref<8x1024xf32, #tpu.memory_space<vmem>>) offsets(%dma_start3A_508 : memref<8xi32, #tpu.memory_space<vmem>>) semaphore(%arg15 : memref<!tpu.dma_semaphore, #tpu.memory_space<semaphore_mem>>)
        %mul3A_512 = arith.constant 8 : i32
        %mul3A_513 = arith.muli %add3A_478, %mul3A_512 : i32
        %dma_start3A_514 = arith.constant 3 : i32
        %dma_start3A_515 = arith.constant 24 : i32
        %dma_start3A_516 = arith.constant 0 : i32
        %dma_start3A_517 = tpu.memref_slice %arg9[%dma_start3A_515, %dma_start3A_516] : memref<32x1024xf32, #tpu.memory_space<vmem>> -> memref<8x1024xf32, #tpu.memory_space<vmem>>
        %dma_start3A_518 = tpu.memref_slice %arg6[%dma_start3A_514, %mul3A_513] : memref<4x128xi32, #tpu.memory_space<vmem>> -> memref<1x8xi32, #tpu.memory_space<vmem>>
        %dma_start3A_519 = tpu.memref_squeeze %dma_start3A_518 : memref<1x8xi32, #tpu.memory_space<vmem>> -> memref<8xi32, #tpu.memory_space<vmem>>
        %dma_start3A_520 = arith.constant 0 : i32
        %dma_start3A_521 = arith.constant 0 : i32
        %dma_start3A_522 = tpu.memref_slice %arg3[%dma_start3A_520, %dma_start3A_521] : memref<100000x1024xf32, #tpu.memory_space<hbm>> -> memref<100000x1024xf32, #tpu.memory_space<hbm>>
        tpu.enqueue_indirect_dma source(%dma_start3A_522 : memref<100000x1024xf32, #tpu.memory_space<hbm>>) target(%dma_start3A_517 : memref<8x1024xf32, #tpu.memory_space<vmem>>) offsets(%dma_start3A_519 : memref<8xi32, #tpu.memory_space<vmem>>) semaphore(%arg15 : memref<!tpu.dma_semaphore, #tpu.memory_space<semaphore_mem>>)
        %mul3A_523 = arith.constant 8 : i32
        %mul3A_524 = arith.muli %add3A_478, %mul3A_523 : i32
        %add3A_525 = arith.addi %mul3A_2, %mul3A_524 : i32
        %dma_start3A_526 = arith.constant 0 : i32
        %dma_start3A_527 = tpu.memref_slice %arg4[%add3A_525, %dma_start3A_526] : memref<4096x1024xf32, #tpu.memory_space<hbm>> -> memref<8x1024xf32, #tpu.memory_space<hbm>>
        %dma_start3A_528 = arith.constant 0 : i32
        %dma_start3A_529 = tpu.memref_slice %arg4[%add3A_525, %dma_start3A_528] : memref<4096x1024xf32, #tpu.memory_space<hbm>> -> memref<8x1024xf32, #tpu.memory_space<hbm>>
        tpu.enqueue_dma source(%dma_start3A_529 : memref<8x1024xf32, #tpu.memory_space<hbm>>) target(%arg12 : memref<8x1024xf32, #tpu.memory_space<vmem>>) target_semaphore(%arg18 : memref<!tpu.dma_semaphore, #tpu.memory_space<semaphore_mem>>)
      } else {
      }
      %dma_wait3A_305 = arith.constant 0 : i32
      %dma_wait3A_306 = arith.constant 0 : i32
      %dma_wait3A_307 = tpu.memref_slice %arg3[%dma_wait3A_305, %dma_wait3A_306] : memref<100000x1024xf32, #tpu.memory_space<hbm>> -> memref<32x1024xf32, #tpu.memory_space<hbm>>
      %dma_wait3A_308 = arith.constant 0 : i32
      %dma_wait3A_309 = arith.constant 0 : i32
      %dma_wait3A_310 = tpu.memref_slice %arg3[%dma_wait3A_308, %dma_wait3A_309] : memref<100000x1024xf32, #tpu.memory_space<hbm>> -> memref<32x1024xf32, #tpu.memory_space<hbm>>
      tpu.wait_dma2 semaphore(%arg14 : memref<!tpu.dma_semaphore, #tpu.memory_space<semaphore_mem>>) src(%dma_wait3A_310 : memref<32x1024xf32, #tpu.memory_space<hbm>>) dst(%arg8 : memref<32x1024xf32, #tpu.memory_space<vmem>>)
      %dma_wait3A_311 = arith.constant 0 : i32
      %dma_wait3A_312 = arith.constant 0 : i32
      %dma_wait3A_313 = tpu.memref_slice %arg4[%dma_wait3A_311, %dma_wait3A_312] : memref<4096x1024xf32, #tpu.memory_space<hbm>> -> memref<8x1024xf32, #tpu.memory_space<hbm>>
      %dma_wait3A_314 = arith.constant 0 : i32
      %dma_wait3A_315 = arith.constant 0 : i32
      %dma_wait3A_316 = tpu.memref_slice %arg4[%dma_wait3A_314, %dma_wait3A_315] : memref<4096x1024xf32, #tpu.memory_space<hbm>> -> memref<8x1024xf32, #tpu.memory_space<hbm>>
      tpu.wait_dma2 semaphore(%arg17 : memref<!tpu.dma_semaphore, #tpu.memory_space<semaphore_mem>>) src(%dma_wait3A_316 : memref<8x1024xf32, #tpu.memory_space<hbm>>) dst(%arg11 : memref<8x1024xf32, #tpu.memory_space<vmem>>)
      %scan3A_317 = arith.constant 0 : i32
      %scan3A_318 = arith.constant 0 : i32
      %scan3A_319 = arith.constant 32 : i32
      %scan3A_320 = arith.addi %scan3A_318, %scan3A_319 : i32
      %scan3A_321 = arith.constant 1 : i32
      scf.for %scan3A_477 = %scan3A_318 to %scan3A_320 step %scan3A_321  : i32 {
        %jit3A = arith.constant 4 : i32
        %div3A = arith.divsi %scan3A_477, %jit3A : i32
        %sign3A = arith.constant 0 : i32
        %sign3A_478 = arith.cmpi sgt, %scan3A_477, %sign3A : i32
        %sign3A_479 = arith.extui %sign3A_478 : i1 to i32
        %sign3A_480 = arith.constant 0 : i32
        %sign3A_481 = arith.cmpi slt, %scan3A_477, %sign3A_480 : i32
        %sign3A_482 = arith.extui %sign3A_481 : i1 to i32
        %sign3A_483 = arith.subi %sign3A_479, %sign3A_482 : i32
        %sign3A_484 = arith.constant 0 : i32
        %sign3A_485 = arith.cmpi sgt, %jit3A, %sign3A_484 : i32
        %sign3A_486 = arith.extui %sign3A_485 : i1 to i32
        %sign3A_487 = arith.constant 0 : i32
        %sign3A_488 = arith.cmpi slt, %jit3A, %sign3A_487 : i32
        %sign3A_489 = arith.extui %sign3A_488 : i1 to i32
        %sign3A_490 = arith.subi %sign3A_486, %sign3A_489 : i32
        %ne3A = arith.cmpi ne, %sign3A_483, %sign3A_490 : i32
        %rem3A = arith.remsi %scan3A_477, %jit3A : i32
        %ne3A_491 = arith.constant 0 : i32
        %ne3A_492 = arith.cmpi ne, %rem3A, %ne3A_491 : i32
        %and3A = arith.andi %ne3A, %ne3A_492 : i1
        %sub3A = arith.constant 1 : i32
        %sub3A_493 = arith.subi %div3A, %sub3A : i32
        %select_n3A = arith.select %and3A, %sub3A_493, %div3A : i32
        %jit3A_494 = arith.constant 4 : i32
        %eq3A = arith.constant 0 : i32
        %eq3A_495 = arith.cmpi eq, %jit3A_494, %eq3A : i32
        %jit3A_496 = arith.constant 1 : i32
        %select_n3A_497 = arith.select %eq3A_495, %jit3A_496, %jit3A_494 : i32
        %rem3A_498 = arith.remsi %scan3A_477, %select_n3A_497 : i32
        %ne3A_499 = arith.constant 0 : i32
        %ne3A_500 = arith.cmpi ne, %rem3A_498, %ne3A_499 : i32
        %lt3A_501 = arith.constant 0 : i32
        %lt3A_502 = arith.cmpi slt, %rem3A_498, %lt3A_501 : i32
        %lt3A_503 = arith.constant 0 : i32
        %lt3A_504 = arith.cmpi slt, %select_n3A_497, %lt3A_503 : i32
        %ne3A_505 = arith.xori %lt3A_502, %lt3A_504 : i1
        %and3A_506 = arith.andi %ne3A_505, %ne3A_500 : i1
        %add3A_507 = arith.addi %rem3A_498, %select_n3A_497 : i32
        %select_n3A_508 = arith.select %and3A_506, %add3A_507, %rem3A_498 : i32
        %mul3A_509 = arith.constant 256 : i32
        %mul3A_510 = arith.muli %select_n3A_508, %mul3A_509 : i32
        %add3A_511 = arith.constant 0 : i32
        %add3A_512 = arith.addi %mul3A_510, %add3A_511 : i32
        %get3A = arith.index_cast %select_n3A : i32 to index
        %get3A_513 = arith.index_cast %add3A_512 : i32 to index
        %get3A_514 = tpu.vector_load %arg11[%get3A, %get3A_513] {strides = array<i32>} : memref<8x1024xf32, #tpu.memory_space<vmem>>, vector<1x16xf32>,
        %get3A_515 = vector.shape_cast %get3A_514 : vector<1x16xf32> to vector<16xf32>
        %add3A_516 = arith.constant 16 : i32
        %add3A_517 = arith.addi %mul3A_510, %add3A_516 : i32
        %get3A_518 = arith.index_cast %select_n3A : i32 to index
        %get3A_519 = arith.index_cast %add3A_517 : i32 to index
        %get3A_520 = tpu.vector_load %arg11[%get3A_518, %get3A_519] {strides = array<i32>} : memref<8x1024xf32, #tpu.memory_space<vmem>>, vector<1x16xf32>,
        %get3A_521 = vector.shape_cast %get3A_520 : vector<1x16xf32> to vector<16xf32>
        %add3A_522 = arith.constant 32 : i32
        %add3A_523 = arith.addi %mul3A_510, %add3A_522 : i32
        %get3A_524 = arith.index_cast %select_n3A : i32 to index
        %get3A_525 = arith.index_cast %add3A_523 : i32 to index
        %get3A_526 = tpu.vector_load %arg11[%get3A_524, %get3A_525] {strides = array<i32>} : memref<8x1024xf32, #tpu.memory_space<vmem>>, vector<1x16xf32>,
        %get3A_527 = vector.shape_cast %get3A_526 : vector<1x16xf32> to vector<16xf32>
        %add3A_528 = arith.constant 48 : i32
        %add3A_529 = arith.addi %mul3A_510, %add3A_528 : i32
        %get3A_530 = arith.index_cast %select_n3A : i32 to index
        %get3A_531 = arith.index_cast %add3A_529 : i32 to index
        %get3A_532 = tpu.vector_load %arg11[%get3A_530, %get3A_531] {strides = array<i32>} : memref<8x1024xf32, #tpu.memory_space<vmem>>, vector<1x16xf32>,
        %get3A_533 = vector.shape_cast %get3A_532 : vector<1x16xf32> to vector<16xf32>
        %add3A_534 = arith.constant 64 : i32
        %add3A_535 = arith.addi %mul3A_510, %add3A_534 : i32
        %get3A_536 = arith.index_cast %select_n3A : i32 to index
        %get3A_537 = arith.index_cast %add3A_535 : i32 to index
        %get3A_538 = tpu.vector_load %arg11[%get3A_536, %get3A_537] {strides = array<i32>} : memref<8x1024xf32, #tpu.memory_space<vmem>>, vector<1x16xf32>,
        %get3A_539 = vector.shape_cast %get3A_538 : vector<1x16xf32> to vector<16xf32>
        %add3A_540 = arith.constant 80 : i32
        %add3A_541 = arith.addi %mul3A_510, %add3A_540 : i32
        %get3A_542 = arith.index_cast %select_n3A : i32 to index
        %get3A_543 = arith.index_cast %add3A_541 : i32 to index
        %get3A_544 = tpu.vector_load %arg11[%get3A_542, %get3A_543] {strides = array<i32>} : memref<8x1024xf32, #tpu.memory_space<vmem>>, vector<1x16xf32>,
        %get3A_545 = vector.shape_cast %get3A_544 : vector<1x16xf32> to vector<16xf32>
        %add3A_546 = arith.constant 96 : i32
        %add3A_547 = arith.addi %mul3A_510, %add3A_546 : i32
        %get3A_548 = arith.index_cast %select_n3A : i32 to index
        %get3A_549 = arith.index_cast %add3A_547 : i32 to index
        %get3A_550 = tpu.vector_load %arg11[%get3A_548, %get3A_549] {strides = array<i32>} : memref<8x1024xf32, #tpu.memory_space<vmem>>, vector<1x16xf32>,
        %get3A_551 = vector.shape_cast %get3A_550 : vector<1x16xf32> to vector<16xf32>
        %add3A_552 = arith.constant 112 : i32
        %add3A_553 = arith.addi %mul3A_510, %add3A_552 : i32
        %get3A_554 = arith.index_cast %select_n3A : i32 to index
        %get3A_555 = arith.index_cast %add3A_553 : i32 to index
        %get3A_556 = tpu.vector_load %arg11[%get3A_554, %get3A_555] {strides = array<i32>} : memref<8x1024xf32, #tpu.memory_space<vmem>>, vector<1x16xf32>,
        %get3A_557 = vector.shape_cast %get3A_556 : vector<1x16xf32> to vector<16xf32>
        %add3A_558 = arith.constant 128 : i32
        %add3A_559 = arith.addi %mul3A_510, %add3A_558 : i32
        %get3A_560 = arith.index_cast %select_n3A : i32 to index
        %get3A_561 = arith.index_cast %add3A_559 : i32 to index
        %get3A_562 = tpu.vector_load %arg11[%get3A_560, %get3A_561] {strides = array<i32>} : memref<8x1024xf32, #tpu.memory_space<vmem>>, vector<1x16xf32>,
        %get3A_563 = vector.shape_cast %get3A_562 : vector<1x16xf32> to vector<16xf32>
        %add3A_564 = arith.constant 144 : i32
        %add3A_565 = arith.addi %mul3A_510, %add3A_564 : i32
        %get3A_566 = arith.index_cast %select_n3A : i32 to index
        %get3A_567 = arith.index_cast %add3A_565 : i32 to index
        %get3A_568 = tpu.vector_load %arg11[%get3A_566, %get3A_567] {strides = array<i32>} : memref<8x1024xf32, #tpu.memory_space<vmem>>, vector<1x16xf32>,
        %get3A_569 = vector.shape_cast %get3A_568 : vector<1x16xf32> to vector<16xf32>
        %add3A_570 = arith.constant 160 : i32
        %add3A_571 = arith.addi %mul3A_510, %add3A_570 : i32
        %get3A_572 = arith.index_cast %select_n3A : i32 to index
        %get3A_573 = arith.index_cast %add3A_571 : i32 to index
        %get3A_574 = tpu.vector_load %arg11[%get3A_572, %get3A_573] {strides = array<i32>} : memref<8x1024xf32, #tpu.memory_space<vmem>>, vector<1x16xf32>,
        %get3A_575 = vector.shape_cast %get3A_574 : vector<1x16xf32> to vector<16xf32>
        %add3A_576 = arith.constant 176 : i32
        %add3A_577 = arith.addi %mul3A_510, %add3A_576 : i32
        %get3A_578 = arith.index_cast %select_n3A : i32 to index
        %get3A_579 = arith.index_cast %add3A_577 : i32 to index
        %get3A_580 = tpu.vector_load %arg11[%get3A_578, %get3A_579] {strides = array<i32>} : memref<8x1024xf32, #tpu.memory_space<vmem>>, vector<1x16xf32>,
        %get3A_581 = vector.shape_cast %get3A_580 : vector<1x16xf32> to vector<16xf32>
        %add3A_582 = arith.constant 192 : i32
        %add3A_583 = arith.addi %mul3A_510, %add3A_582 : i32
        %get3A_584 = arith.index_cast %select_n3A : i32 to index
        %get3A_585 = arith.index_cast %add3A_583 : i32 to index
        %get3A_586 = tpu.vector_load %arg11[%get3A_584, %get3A_585] {strides = array<i32>} : memref<8x1024xf32, #tpu.memory_space<vmem>>, vector<1x16xf32>,
        %get3A_587 = vector.shape_cast %get3A_586 : vector<1x16xf32> to vector<16xf32>
        %add3A_588 = arith.constant 208 : i32
        %add3A_589 = arith.addi %mul3A_510, %add3A_588 : i32
        %get3A_590 = arith.index_cast %select_n3A : i32 to index
        %get3A_591 = arith.index_cast %add3A_589 : i32 to index
        %get3A_592 = tpu.vector_load %arg11[%get3A_590, %get3A_591] {strides = array<i32>} : memref<8x1024xf32, #tpu.memory_space<vmem>>, vector<1x16xf32>,
        %get3A_593 = vector.shape_cast %get3A_592 : vector<1x16xf32> to vector<16xf32>
        %add3A_594 = arith.constant 224 : i32
        %add3A_595 = arith.addi %mul3A_510, %add3A_594 : i32
        %get3A_596 = arith.index_cast %select_n3A : i32 to index
        %get3A_597 = arith.index_cast %add3A_595 : i32 to index
        %get3A_598 = tpu.vector_load %arg11[%get3A_596, %get3A_597] {strides = array<i32>} : memref<8x1024xf32, #tpu.memory_space<vmem>>, vector<1x16xf32>,
        %get3A_599 = vector.shape_cast %get3A_598 : vector<1x16xf32> to vector<16xf32>
        %add3A_600 = arith.constant 240 : i32
        %add3A_601 = arith.addi %mul3A_510, %add3A_600 : i32
        %get3A_602 = arith.index_cast %select_n3A : i32 to index
        %get3A_603 = arith.index_cast %add3A_601 : i32 to index
        %get3A_604 = tpu.vector_load %arg11[%get3A_602, %get3A_603] {strides = array<i32>} : memref<8x1024xf32, #tpu.memory_space<vmem>>, vector<1x16xf32>,
        %get3A_605 = vector.shape_cast %get3A_604 : vector<1x16xf32> to vector<16xf32>
        %add3A_606 = arith.constant 0 : i32
        %add3A_607 = arith.addi %add3A_606, %select_n3A : i32
        %add3A_608 = arith.constant 0 : i32
        %add3A_609 = arith.addi %mul3A_510, %add3A_608 : i32
        %get3A_610 = arith.index_cast %add3A_607 : i32 to index
        %get3A_611 = arith.index_cast %add3A_609 : i32 to index
        %get3A_612 = tpu.vector_load %arg8[%get3A_610, %get3A_611] {strides = array<i32>} : memref<32x1024xf32, #tpu.memory_space<vmem>>, vector<1x16xf32>,
        %get3A_613 = vector.shape_cast %get3A_612 : vector<1x16xf32> to vector<16xf32>
        %add3A_614 = arith.addf %get3A_613, %get3A_515 : vector<16xf32>
        %swap3A = arith.index_cast %add3A_607 : i32 to index
        %swap3A_615 = arith.index_cast %add3A_609 : i32 to index
        %swap3A_616 = tpu.vector_load %arg8[%swap3A, %swap3A_615] {strides = array<i32>} : memref<32x1024xf32, #tpu.memory_space<vmem>>, vector<1x16xf32>,
        %swap3A_617 = vector.shape_cast %swap3A_616 : vector<1x16xf32> to vector<16xf32>
        %swap3A_618 = vector.shape_cast %add3A_614 : vector<16xf32> to vector<1x16xf32>
        tpu.vector_store %arg8[%swap3A, %swap3A_615], %swap3A_618 {strides = array<i32>} : memref<32x1024xf32, #tpu.memory_space<vmem>>, vector<1x16xf32>,
        %add3A_619 = arith.constant 16 : i32
        %add3A_620 = arith.addi %mul3A_510, %add3A_619 : i32
        %get3A_621 = arith.index_cast %add3A_607 : i32 to index
        %get3A_622 = arith.index_cast %add3A_620 : i32 to index
        %get3A_623 = tpu.vector_load %arg8[%get3A_621, %get3A_622] {strides = array<i32>} : memref<32x1024xf32, #tpu.memory_space<vmem>>, vector<1x16xf32>,
        %get3A_624 = vector.shape_cast %get3A_623 : vector<1x16xf32> to vector<16xf32>
        %add3A_625 = arith.addf %get3A_624, %get3A_521 : vector<16xf32>
        %swap3A_626 = arith.index_cast %add3A_607 : i32 to index
        %swap3A_627 = arith.index_cast %add3A_620 : i32 to index
        %swap3A_628 = tpu.vector_load %arg8[%swap3A_626, %swap3A_627] {strides = array<i32>} : memref<32x1024xf32, #tpu.memory_space<vmem>>, vector<1x16xf32>,
        %swap3A_629 = vector.shape_cast %swap3A_628 : vector<1x16xf32> to vector<16xf32>
        %swap3A_630 = vector.shape_cast %add3A_625 : vector<16xf32> to vector<1x16xf32>
        tpu.vector_store %arg8[%swap3A_626, %swap3A_627], %swap3A_630 {strides = array<i32>} : memref<32x1024xf32, #tpu.memory_space<vmem>>, vector<1x16xf32>,
        %add3A_631 = arith.constant 32 : i32
        %add3A_632 = arith.addi %mul3A_510, %add3A_631 : i32
        %get3A_633 = arith.index_cast %add3A_607 : i32 to index
        %get3A_634 = arith.index_cast %add3A_632 : i32 to index
        %get3A_635 = tpu.vector_load %arg8[%get3A_633, %get3A_634] {strides = array<i32>} : memref<32x1024xf32, #tpu.memory_space<vmem>>, vector<1x16xf32>,
        %get3A_636 = vector.shape_cast %get3A_635 : vector<1x16xf32> to vector<16xf32>
        %add3A_637 = arith.addf %get3A_636, %get3A_527 : vector<16xf32>
        %swap3A_638 = arith.index_cast %add3A_607 : i32 to index
        %swap3A_639 = arith.index_cast %add3A_632 : i32 to index
        %swap3A_640 = tpu.vector_load %arg8[%swap3A_638, %swap3A_639] {strides = array<i32>} : memref<32x1024xf32, #tpu.memory_space<vmem>>, vector<1x16xf32>,
        %swap3A_641 = vector.shape_cast %swap3A_640 : vector<1x16xf32> to vector<16xf32>
        %swap3A_642 = vector.shape_cast %add3A_637 : vector<16xf32> to vector<1x16xf32>
        tpu.vector_store %arg8[%swap3A_638, %swap3A_639], %swap3A_642 {strides = array<i32>} : memref<32x1024xf32, #tpu.memory_space<vmem>>, vector<1x16xf32>,
        %add3A_643 = arith.constant 48 : i32
        %add3A_644 = arith.addi %mul3A_510, %add3A_643 : i32
        %get3A_645 = arith.index_cast %add3A_607 : i32 to index
        %get3A_646 = arith.index_cast %add3A_644 : i32 to index
        %get3A_647 = tpu.vector_load %arg8[%get3A_645, %get3A_646] {strides = array<i32>} : memref<32x1024xf32, #tpu.memory_space<vmem>>, vector<1x16xf32>,
        %get3A_648 = vector.shape_cast %get3A_647 : vector<1x16xf32> to vector<16xf32>
        %add3A_649 = arith.addf %get3A_648, %get3A_533 : vector<16xf32>
        %swap3A_650 = arith.index_cast %add3A_607 : i32 to index
        %swap3A_651 = arith.index_cast %add3A_644 : i32 to index
        %swap3A_652 = tpu.vector_load %arg8[%swap3A_650, %swap3A_651] {strides = array<i32>} : memref<32x1024xf32, #tpu.memory_space<vmem>>, vector<1x16xf32>,
        %swap3A_653 = vector.shape_cast %swap3A_652 : vector<1x16xf32> to vector<16xf32>
        %swap3A_654 = vector.shape_cast %add3A_649 : vector<16xf32> to vector<1x16xf32>
        tpu.vector_store %arg8[%swap3A_650, %swap3A_651], %swap3A_654 {strides = array<i32>} : memref<32x1024xf32, #tpu.memory_space<vmem>>, vector<1x16xf32>,
        %add3A_655 = arith.constant 64 : i32
        %add3A_656 = arith.addi %mul3A_510, %add3A_655 : i32
        %get3A_657 = arith.index_cast %add3A_607 : i32 to index
        %get3A_658 = arith.index_cast %add3A_656 : i32 to index
        %get3A_659 = tpu.vector_load %arg8[%get3A_657, %get3A_658] {strides = array<i32>} : memref<32x1024xf32, #tpu.memory_space<vmem>>, vector<1x16xf32>,
        %get3A_660 = vector.shape_cast %get3A_659 : vector<1x16xf32> to vector<16xf32>
        %add3A_661 = arith.addf %get3A_660, %get3A_539 : vector<16xf32>
        %swap3A_662 = arith.index_cast %add3A_607 : i32 to index
        %swap3A_663 = arith.index_cast %add3A_656 : i32 to index
        %swap3A_664 = tpu.vector_load %arg8[%swap3A_662, %swap3A_663] {strides = array<i32>} : memref<32x1024xf32, #tpu.memory_space<vmem>>, vector<1x16xf32>,
        %swap3A_665 = vector.shape_cast %swap3A_664 : vector<1x16xf32> to vector<16xf32>
        %swap3A_666 = vector.shape_cast %add3A_661 : vector<16xf32> to vector<1x16xf32>
        tpu.vector_store %arg8[%swap3A_662, %swap3A_663], %swap3A_666 {strides = array<i32>} : memref<32x1024xf32, #tpu.memory_space<vmem>>, vector<1x16xf32>,
        %add3A_667 = arith.constant 80 : i32
        %add3A_668 = arith.addi %mul3A_510, %add3A_667 : i32
        %get3A_669 = arith.index_cast %add3A_607 : i32 to index
        %get3A_670 = arith.index_cast %add3A_668 : i32 to index
        %get3A_671 = tpu.vector_load %arg8[%get3A_669, %get3A_670] {strides = array<i32>} : memref<32x1024xf32, #tpu.memory_space<vmem>>, vector<1x16xf32>,
        %get3A_672 = vector.shape_cast %get3A_671 : vector<1x16xf32> to vector<16xf32>
        %add3A_673 = arith.addf %get3A_672, %get3A_545 : vector<16xf32>
        %swap3A_674 = arith.index_cast %add3A_607 : i32 to index
        %swap3A_675 = arith.index_cast %add3A_668 : i32 to index
        %swap3A_676 = tpu.vector_load %arg8[%swap3A_674, %swap3A_675] {strides = array<i32>} : memref<32x1024xf32, #tpu.memory_space<vmem>>, vector<1x16xf32>,
        %swap3A_677 = vector.shape_cast %swap3A_676 : vector<1x16xf32> to vector<16xf32>
        %swap3A_678 = vector.shape_cast %add3A_673 : vector<16xf32> to vector<1x16xf32>
        tpu.vector_store %arg8[%swap3A_674, %swap3A_675], %swap3A_678 {strides = array<i32>} : memref<32x1024xf32, #tpu.memory_space<vmem>>, vector<1x16xf32>,
        %add3A_679 = arith.constant 96 : i32
        %add3A_680 = arith.addi %mul3A_510, %add3A_679 : i32
        %get3A_681 = arith.index_cast %add3A_607 : i32 to index
        %get3A_682 = arith.index_cast %add3A_680 : i32 to index
        %get3A_683 = tpu.vector_load %arg8[%get3A_681, %get3A_682] {strides = array<i32>} : memref<32x1024xf32, #tpu.memory_space<vmem>>, vector<1x16xf32>,
        %get3A_684 = vector.shape_cast %get3A_683 : vector<1x16xf32> to vector<16xf32>
        %add3A_685 = arith.addf %get3A_684, %get3A_551 : vector<16xf32>
        %swap3A_686 = arith.index_cast %add3A_607 : i32 to index
        %swap3A_687 = arith.index_cast %add3A_680 : i32 to index
        %swap3A_688 = tpu.vector_load %arg8[%swap3A_686, %swap3A_687] {strides = array<i32>} : memref<32x1024xf32, #tpu.memory_space<vmem>>, vector<1x16xf32>,
        %swap3A_689 = vector.shape_cast %swap3A_688 : vector<1x16xf32> to vector<16xf32>
        %swap3A_690 = vector.shape_cast %add3A_685 : vector<16xf32> to vector<1x16xf32>
        tpu.vector_store %arg8[%swap3A_686, %swap3A_687], %swap3A_690 {strides = array<i32>} : memref<32x1024xf32, #tpu.memory_space<vmem>>, vector<1x16xf32>,
        %add3A_691 = arith.constant 112 : i32
        %add3A_692 = arith.addi %mul3A_510, %add3A_691 : i32
        %get3A_693 = arith.index_cast %add3A_607 : i32 to index
        %get3A_694 = arith.index_cast %add3A_692 : i32 to index
        %get3A_695 = tpu.vector_load %arg8[%get3A_693, %get3A_694] {strides = array<i32>} : memref<32x1024xf32, #tpu.memory_space<vmem>>, vector<1x16xf32>,
        %get3A_696 = vector.shape_cast %get3A_695 : vector<1x16xf32> to vector<16xf32>
        %add3A_697 = arith.addf %get3A_696, %get3A_557 : vector<16xf32>
        %swap3A_698 = arith.index_cast %add3A_607 : i32 to index
        %swap3A_699 = arith.index_cast %add3A_692 : i32 to index
        %swap3A_700 = tpu.vector_load %arg8[%swap3A_698, %swap3A_699] {strides = array<i32>} : memref<32x1024xf32, #tpu.memory_space<vmem>>, vector<1x16xf32>,
        %swap3A_701 = vector.shape_cast %swap3A_700 : vector<1x16xf32> to vector<16xf32>
        %swap3A_702 = vector.shape_cast %add3A_697 : vector<16xf32> to vector<1x16xf32>
        tpu.vector_store %arg8[%swap3A_698, %swap3A_699], %swap3A_702 {strides = array<i32>} : memref<32x1024xf32, #tpu.memory_space<vmem>>, vector<1x16xf32>,
        %add3A_703 = arith.constant 128 : i32
        %add3A_704 = arith.addi %mul3A_510, %add3A_703 : i32
        %get3A_705 = arith.index_cast %add3A_607 : i32 to index
        %get3A_706 = arith.index_cast %add3A_704 : i32 to index
        %get3A_707 = tpu.vector_load %arg8[%get3A_705, %get3A_706] {strides = array<i32>} : memref<32x1024xf32, #tpu.memory_space<vmem>>, vector<1x16xf32>,
        %get3A_708 = vector.shape_cast %get3A_707 : vector<1x16xf32> to vector<16xf32>
        %add3A_709 = arith.addf %get3A_708, %get3A_563 : vector<16xf32>
        %swap3A_710 = arith.index_cast %add3A_607 : i32 to index
        %swap3A_711 = arith.index_cast %add3A_704 : i32 to index
        %swap3A_712 = tpu.vector_load %arg8[%swap3A_710, %swap3A_711] {strides = array<i32>} : memref<32x1024xf32, #tpu.memory_space<vmem>>, vector<1x16xf32>,
        %swap3A_713 = vector.shape_cast %swap3A_712 : vector<1x16xf32> to vector<16xf32>
        %swap3A_714 = vector.shape_cast %add3A_709 : vector<16xf32> to vector<1x16xf32>
        tpu.vector_store %arg8[%swap3A_710, %swap3A_711], %swap3A_714 {strides = array<i32>} : memref<32x1024xf32, #tpu.memory_space<vmem>>, vector<1x16xf32>,
        %add3A_715 = arith.constant 144 : i32
        %add3A_716 = arith.addi %mul3A_510, %add3A_715 : i32
        %get3A_717 = arith.index_cast %add3A_607 : i32 to index
        %get3A_718 = arith.index_cast %add3A_716 : i32 to index
        %get3A_719 = tpu.vector_load %arg8[%get3A_717, %get3A_718] {strides = array<i32>} : memref<32x1024xf32, #tpu.memory_space<vmem>>, vector<1x16xf32>,
        %get3A_720 = vector.shape_cast %get3A_719 : vector<1x16xf32> to vector<16xf32>
        %add3A_721 = arith.addf %get3A_720, %get3A_569 : vector<16xf32>
        %swap3A_722 = arith.index_cast %add3A_607 : i32 to index
        %swap3A_723 = arith.index_cast %add3A_716 : i32 to index
        %swap3A_724 = tpu.vector_load %arg8[%swap3A_722, %swap3A_723] {strides = array<i32>} : memref<32x1024xf32, #tpu.memory_space<vmem>>, vector<1x16xf32>,
        %swap3A_725 = vector.shape_cast %swap3A_724 : vector<1x16xf32> to vector<16xf32>
        %swap3A_726 = vector.shape_cast %add3A_721 : vector<16xf32> to vector<1x16xf32>
        tpu.vector_store %arg8[%swap3A_722, %swap3A_723], %swap3A_726 {strides = array<i32>} : memref<32x1024xf32, #tpu.memory_space<vmem>>, vector<1x16xf32>,
        %add3A_727 = arith.constant 160 : i32
        %add3A_728 = arith.addi %mul3A_510, %add3A_727 : i32
        %get3A_729 = arith.index_cast %add3A_607 : i32 to index
        %get3A_730 = arith.index_cast %add3A_728 : i32 to index
        %get3A_731 = tpu.vector_load %arg8[%get3A_729, %get3A_730] {strides = array<i32>} : memref<32x1024xf32, #tpu.memory_space<vmem>>, vector<1x16xf32>,
        %get3A_732 = vector.shape_cast %get3A_731 : vector<1x16xf32> to vector<16xf32>
        %add3A_733 = arith.addf %get3A_732, %get3A_575 : vector<16xf32>
        %swap3A_734 = arith.index_cast %add3A_607 : i32 to index
        %swap3A_735 = arith.index_cast %add3A_728 : i32 to index
        %swap3A_736 = tpu.vector_load %arg8[%swap3A_734, %swap3A_735] {strides = array<i32>} : memref<32x1024xf32, #tpu.memory_space<vmem>>, vector<1x16xf32>,
        %swap3A_737 = vector.shape_cast %swap3A_736 : vector<1x16xf32> to vector<16xf32>
        %swap3A_738 = vector.shape_cast %add3A_733 : vector<16xf32> to vector<1x16xf32>
        tpu.vector_store %arg8[%swap3A_734, %swap3A_735], %swap3A_738 {strides = array<i32>} : memref<32x1024xf32, #tpu.memory_space<vmem>>, vector<1x16xf32>,
        %add3A_739 = arith.constant 176 : i32
        %add3A_740 = arith.addi %mul3A_510, %add3A_739 : i32
        %get3A_741 = arith.index_cast %add3A_607 : i32 to index
        %get3A_742 = arith.index_cast %add3A_740 : i32 to index
        %get3A_743 = tpu.vector_load %arg8[%get3A_741, %get3A_742] {strides = array<i32>} : memref<32x1024xf32, #tpu.memory_space<vmem>>, vector<1x16xf32>,
        %get3A_744 = vector.shape_cast %get3A_743 : vector<1x16xf32> to vector<16xf32>
        %add3A_745 = arith.addf %get3A_744, %get3A_581 : vector<16xf32>
        %swap3A_746 = arith.index_cast %add3A_607 : i32 to index
        %swap3A_747 = arith.index_cast %add3A_740 : i32 to index
        %swap3A_748 = tpu.vector_load %arg8[%swap3A_746, %swap3A_747] {strides = array<i32>} : memref<32x1024xf32, #tpu.memory_space<vmem>>, vector<1x16xf32>,
        %swap3A_749 = vector.shape_cast %swap3A_748 : vector<1x16xf32> to vector<16xf32>
        %swap3A_750 = vector.shape_cast %add3A_745 : vector<16xf32> to vector<1x16xf32>
        tpu.vector_store %arg8[%swap3A_746, %swap3A_747], %swap3A_750 {strides = array<i32>} : memref<32x1024xf32, #tpu.memory_space<vmem>>, vector<1x16xf32>,
        %add3A_751 = arith.constant 192 : i32
        %add3A_752 = arith.addi %mul3A_510, %add3A_751 : i32
        %get3A_753 = arith.index_cast %add3A_607 : i32 to index
        %get3A_754 = arith.index_cast %add3A_752 : i32 to index
        %get3A_755 = tpu.vector_load %arg8[%get3A_753, %get3A_754] {strides = array<i32>} : memref<32x1024xf32, #tpu.memory_space<vmem>>, vector<1x16xf32>,
        %get3A_756 = vector.shape_cast %get3A_755 : vector<1x16xf32> to vector<16xf32>
        %add3A_757 = arith.addf %get3A_756, %get3A_587 : vector<16xf32>
        %swap3A_758 = arith.index_cast %add3A_607 : i32 to index
        %swap3A_759 = arith.index_cast %add3A_752 : i32 to index
        %swap3A_760 = tpu.vector_load %arg8[%swap3A_758, %swap3A_759] {strides = array<i32>} : memref<32x1024xf32, #tpu.memory_space<vmem>>, vector<1x16xf32>,
        %swap3A_761 = vector.shape_cast %swap3A_760 : vector<1x16xf32> to vector<16xf32>
        %swap3A_762 = vector.shape_cast %add3A_757 : vector<16xf32> to vector<1x16xf32>
        tpu.vector_store %arg8[%swap3A_758, %swap3A_759], %swap3A_762 {strides = array<i32>} : memref<32x1024xf32, #tpu.memory_space<vmem>>, vector<1x16xf32>,
        %add3A_763 = arith.constant 208 : i32
        %add3A_764 = arith.addi %mul3A_510, %add3A_763 : i32
        %get3A_765 = arith.index_cast %add3A_607 : i32 to index
        %get3A_766 = arith.index_cast %add3A_764 : i32 to index
        %get3A_767 = tpu.vector_load %arg8[%get3A_765, %get3A_766] {strides = array<i32>} : memref<32x1024xf32, #tpu.memory_space<vmem>>, vector<1x16xf32>,
        %get3A_768 = vector.shape_cast %get3A_767 : vector<1x16xf32> to vector<16xf32>
        %add3A_769 = arith.addf %get3A_768, %get3A_593 : vector<16xf32>
        %swap3A_770 = arith.index_cast %add3A_607 : i32 to index
        %swap3A_771 = arith.index_cast %add3A_764 : i32 to index
        %swap3A_772 = tpu.vector_load %arg8[%swap3A_770, %swap3A_771] {strides = array<i32>} : memref<32x1024xf32, #tpu.memory_space<vmem>>, vector<1x16xf32>,
        %swap3A_773 = vector.shape_cast %swap3A_772 : vector<1x16xf32> to vector<16xf32>
        %swap3A_774 = vector.shape_cast %add3A_769 : vector<16xf32> to vector<1x16xf32>
        tpu.vector_store %arg8[%swap3A_770, %swap3A_771], %swap3A_774 {strides = array<i32>} : memref<32x1024xf32, #tpu.memory_space<vmem>>, vector<1x16xf32>,
        %add3A_775 = arith.constant 224 : i32
        %add3A_776 = arith.addi %mul3A_510, %add3A_775 : i32
        %get3A_777 = arith.index_cast %add3A_607 : i32 to index
        %get3A_778 = arith.index_cast %add3A_776 : i32 to index
        %get3A_779 = tpu.vector_load %arg8[%get3A_777, %get3A_778] {strides = array<i32>} : memref<32x1024xf32, #tpu.memory_space<vmem>>, vector<1x16xf32>,
        %get3A_780 = vector.shape_cast %get3A_779 : vector<1x16xf32> to vector<16xf32>
        %add3A_781 = arith.addf %get3A_780, %get3A_599 : vector<16xf32>
        %swap3A_782 = arith.index_cast %add3A_607 : i32 to index
        %swap3A_783 = arith.index_cast %add3A_776 : i32 to index
        %swap3A_784 = tpu.vector_load %arg8[%swap3A_782, %swap3A_783] {strides = array<i32>} : memref<32x1024xf32, #tpu.memory_space<vmem>>, vector<1x16xf32>,
        %swap3A_785 = vector.shape_cast %swap3A_784 : vector<1x16xf32> to vector<16xf32>
        %swap3A_786 = vector.shape_cast %add3A_781 : vector<16xf32> to vector<1x16xf32>
        tpu.vector_store %arg8[%swap3A_782, %swap3A_783], %swap3A_786 {strides = array<i32>} : memref<32x1024xf32, #tpu.memory_space<vmem>>, vector<1x16xf32>,
        %add3A_787 = arith.constant 240 : i32
        %add3A_788 = arith.addi %mul3A_510, %add3A_787 : i32
        %get3A_789 = arith.index_cast %add3A_607 : i32 to index
        %get3A_790 = arith.index_cast %add3A_788 : i32 to index
        %get3A_791 = tpu.vector_load %arg8[%get3A_789, %get3A_790] {strides = array<i32>} : memref<32x1024xf32, #tpu.memory_space<vmem>>, vector<1x16xf32>,
        %get3A_792 = vector.shape_cast %get3A_791 : vector<1x16xf32> to vector<16xf32>
        %add3A_793 = arith.addf %get3A_792, %get3A_605 : vector<16xf32>
        %swap3A_794 = arith.index_cast %add3A_607 : i32 to index
        %swap3A_795 = arith.index_cast %add3A_788 : i32 to index
        %swap3A_796 = tpu.vector_load %arg8[%swap3A_794, %swap3A_795] {strides = array<i32>} : memref<32x1024xf32, #tpu.memory_space<vmem>>, vector<1x16xf32>,
        %swap3A_797 = vector.shape_cast %swap3A_796 : vector<1x16xf32> to vector<16xf32>
        %swap3A_798 = vector.shape_cast %add3A_793 : vector<16xf32> to vector<1x16xf32>
        tpu.vector_store %arg8[%swap3A_794, %swap3A_795], %swap3A_798 {strides = array<i32>} : memref<32x1024xf32, #tpu.memory_space<vmem>>, vector<1x16xf32>,
        %add3A_799 = arith.constant 8 : i32
        %add3A_800 = arith.addi %add3A_799, %select_n3A : i32
        %add3A_801 = arith.constant 0 : i32
        %add3A_802 = arith.addi %mul3A_510, %add3A_801 : i32
        %get3A_803 = arith.index_cast %add3A_800 : i32 to index
        %get3A_804 = arith.index_cast %add3A_802 : i32 to index
        %get3A_805 = tpu.vector_load %arg8[%get3A_803, %get3A_804] {strides = array<i32>} : memref<32x1024xf32, #tpu.memory_space<vmem>>, vector<1x16xf32>,
        %get3A_806 = vector.shape_cast %get3A_805 : vector<1x16xf32> to vector<16xf32>
        %add3A_807 = arith.addf %get3A_806, %get3A_515 : vector<16xf32>
        %swap3A_808 = arith.index_cast %add3A_800 : i32 to index
        %swap3A_809 = arith.index_cast %add3A_802 : i32 to index
        %swap3A_810 = tpu.vector_load %arg8[%swap3A_808, %swap3A_809] {strides = array<i32>} : memref<32x1024xf32, #tpu.memory_space<vmem>>, vector<1x16xf32>,
        %swap3A_811 = vector.shape_cast %swap3A_810 : vector<1x16xf32> to vector<16xf32>
        %swap3A_812 = vector.shape_cast %add3A_807 : vector<16xf32> to vector<1x16xf32>
        tpu.vector_store %arg8[%swap3A_808, %swap3A_809], %swap3A_812 {strides = array<i32>} : memref<32x1024xf32, #tpu.memory_space<vmem>>, vector<1x16xf32>,
        %add3A_813 = arith.constant 16 : i32
        %add3A_814 = arith.addi %mul3A_510, %add3A_813 : i32
        %get3A_815 = arith.index_cast %add3A_800 : i32 to index
        %get3A_816 = arith.index_cast %add3A_814 : i32 to index
        %get3A_817 = tpu.vector_load %arg8[%get3A_815, %get3A_816] {strides = array<i32>} : memref<32x1024xf32, #tpu.memory_space<vmem>>, vector<1x16xf32>,
        %get3A_818 = vector.shape_cast %get3A_817 : vector<1x16xf32> to vector<16xf32>
        %add3A_819 = arith.addf %get3A_818, %get3A_521 : vector<16xf32>
        %swap3A_820 = arith.index_cast %add3A_800 : i32 to index
        %swap3A_821 = arith.index_cast %add3A_814 : i32 to index
        %swap3A_822 = tpu.vector_load %arg8[%swap3A_820, %swap3A_821] {strides = array<i32>} : memref<32x1024xf32, #tpu.memory_space<vmem>>, vector<1x16xf32>,
        %swap3A_823 = vector.shape_cast %swap3A_822 : vector<1x16xf32> to vector<16xf32>
        %swap3A_824 = vector.shape_cast %add3A_819 : vector<16xf32> to vector<1x16xf32>
        tpu.vector_store %arg8[%swap3A_820, %swap3A_821], %swap3A_824 {strides = array<i32>} : memref<32x1024xf32, #tpu.memory_space<vmem>>, vector<1x16xf32>,
        %add3A_825 = arith.constant 32 : i32
        %add3A_826 = arith.addi %mul3A_510, %add3A_825 : i32
        %get3A_827 = arith.index_cast %add3A_800 : i32 to index
        %get3A_828 = arith.index_cast %add3A_826 : i32 to index
        %get3A_829 = tpu.vector_load %arg8[%get3A_827, %get3A_828] {strides = array<i32>} : memref<32x1024xf32, #tpu.memory_space<vmem>>, vector<1x16xf32>,
        %get3A_830 = vector.shape_cast %get3A_829 : vector<1x16xf32> to vector<16xf32>
        %add3A_831 = arith.addf %get3A_830, %get3A_527 : vector<16xf32>
        %swap3A_832 = arith.index_cast %add3A_800 : i32 to index
        %swap3A_833 = arith.index_cast %add3A_826 : i32 to index
        %swap3A_834 = tpu.vector_load %arg8[%swap3A_832, %swap3A_833] {strides = array<i32>} : memref<32x1024xf32, #tpu.memory_space<vmem>>, vector<1x16xf32>,
        %swap3A_835 = vector.shape_cast %swap3A_834 : vector<1x16xf32> to vector<16xf32>
        %swap3A_836 = vector.shape_cast %add3A_831 : vector<16xf32> to vector<1x16xf32>
        tpu.vector_store %arg8[%swap3A_832, %swap3A_833], %swap3A_836 {strides = array<i32>} : memref<32x1024xf32, #tpu.memory_space<vmem>>, vector<1x16xf32>,
        %add3A_837 = arith.constant 48 : i32
        %add3A_838 = arith.addi %mul3A_510, %add3A_837 : i32
        %get3A_839 = arith.index_cast %add3A_800 : i32 to index
        %get3A_840 = arith.index_cast %add3A_838 : i32 to index
        %get3A_841 = tpu.vector_load %arg8[%get3A_839, %get3A_840] {strides = array<i32>} : memref<32x1024xf32, #tpu.memory_space<vmem>>, vector<1x16xf32>,
        %get3A_842 = vector.shape_cast %get3A_841 : vector<1x16xf32> to vector<16xf32>
        %add3A_843 = arith.addf %get3A_842, %get3A_533 : vector<16xf32>
        %swap3A_844 = arith.index_cast %add3A_800 : i32 to index
        %swap3A_845 = arith.index_cast %add3A_838 : i32 to index
        %swap3A_846 = tpu.vector_load %arg8[%swap3A_844, %swap3A_845] {strides = array<i32>} : memref<32x1024xf32, #tpu.memory_space<vmem>>, vector<1x16xf32>,
        %swap3A_847 = vector.shape_cast %swap3A_846 : vector<1x16xf32> to vector<16xf32>
        %swap3A_848 = vector.shape_cast %add3A_843 : vector<16xf32> to vector<1x16xf32>
        tpu.vector_store %arg8[%swap3A_844, %swap3A_845], %swap3A_848 {strides = array<i32>} : memref<32x1024xf32, #tpu.memory_space<vmem>>, vector<1x16xf32>,
        %add3A_849 = arith.constant 64 : i32
        %add3A_850 = arith.addi %mul3A_510, %add3A_849 : i32
        %get3A_851 = arith.index_cast %add3A_800 : i32 to index
        %get3A_852 = arith.index_cast %add3A_850 : i32 to index
        %get3A_853 = tpu.vector_load %arg8[%get3A_851, %get3A_852] {strides = array<i32>} : memref<32x1024xf32, #tpu.memory_space<vmem>>, vector<1x16xf32>,
        %get3A_854 = vector.shape_cast %get3A_853 : vector<1x16xf32> to vector<16xf32>
        %add3A_855 = arith.addf %get3A_854, %get3A_539 : vector<16xf32>
        %swap3A_856 = arith.index_cast %add3A_800 : i32 to index
        %swap3A_857 = arith.index_cast %add3A_850 : i32 to index
        %swap3A_858 = tpu.vector_load %arg8[%swap3A_856, %swap3A_857] {strides = array<i32>} : memref<32x1024xf32, #tpu.memory_space<vmem>>, vector<1x16xf32>,
        %swap3A_859 = vector.shape_cast %swap3A_858 : vector<1x16xf32> to vector<16xf32>
        %swap3A_860 = vector.shape_cast %add3A_855 : vector<16xf32> to vector<1x16xf32>
        tpu.vector_store %arg8[%swap3A_856, %swap3A_857], %swap3A_860 {strides = array<i32>} : memref<32x1024xf32, #tpu.memory_space<vmem>>, vector<1x16xf32>,
        %add3A_861 = arith.constant 80 : i32
        %add3A_862 = arith.addi %mul3A_510, %add3A_861 : i32
        %get3A_863 = arith.index_cast %add3A_800 : i32 to index
        %get3A_864 = arith.index_cast %add3A_862 : i32 to index
        %get3A_865 = tpu.vector_load %arg8[%get3A_863, %get3A_864] {strides = array<i32>} : memref<32x1024xf32, #tpu.memory_space<vmem>>, vector<1x16xf32>,
        %get3A_866 = vector.shape_cast %get3A_865 : vector<1x16xf32> to vector<16xf32>
        %add3A_867 = arith.addf %get3A_866, %get3A_545 : vector<16xf32>
        %swap3A_868 = arith.index_cast %add3A_800 : i32 to index
        %swap3A_869 = arith.index_cast %add3A_862 : i32 to index
        %swap3A_870 = tpu.vector_load %arg8[%swap3A_868, %swap3A_869] {strides = array<i32>} : memref<32x1024xf32, #tpu.memory_space<vmem>>, vector<1x16xf32>,
        %swap3A_871 = vector.shape_cast %swap3A_870 : vector<1x16xf32> to vector<16xf32>
        %swap3A_872 = vector.shape_cast %add3A_867 : vector<16xf32> to vector<1x16xf32>
        tpu.vector_store %arg8[%swap3A_868, %swap3A_869], %swap3A_872 {strides = array<i32>} : memref<32x1024xf32, #tpu.memory_space<vmem>>, vector<1x16xf32>,
        %add3A_873 = arith.constant 96 : i32
        %add3A_874 = arith.addi %mul3A_510, %add3A_873 : i32
        %get3A_875 = arith.index_cast %add3A_800 : i32 to index
        %get3A_876 = arith.index_cast %add3A_874 : i32 to index
        %get3A_877 = tpu.vector_load %arg8[%get3A_875, %get3A_876] {strides = array<i32>} : memref<32x1024xf32, #tpu.memory_space<vmem>>, vector<1x16xf32>,
        %get3A_878 = vector.shape_cast %get3A_877 : vector<1x16xf32> to vector<16xf32>
        %add3A_879 = arith.addf %get3A_878, %get3A_551 : vector<16xf32>
        %swap3A_880 = arith.index_cast %add3A_800 : i32 to index
        %swap3A_881 = arith.index_cast %add3A_874 : i32 to index
        %swap3A_882 = tpu.vector_load %arg8[%swap3A_880, %swap3A_881] {strides = array<i32>} : memref<32x1024xf32, #tpu.memory_space<vmem>>, vector<1x16xf32>,
        %swap3A_883 = vector.shape_cast %swap3A_882 : vector<1x16xf32> to vector<16xf32>
        %swap3A_884 = vector.shape_cast %add3A_879 : vector<16xf32> to vector<1x16xf32>
        tpu.vector_store %arg8[%swap3A_880, %swap3A_881], %swap3A_884 {strides = array<i32>} : memref<32x1024xf32, #tpu.memory_space<vmem>>, vector<1x16xf32>,
        %add3A_885 = arith.constant 112 : i32
        %add3A_886 = arith.addi %mul3A_510, %add3A_885 : i32
        %get3A_887 = arith.index_cast %add3A_800 : i32 to index
        %get3A_888 = arith.index_cast %add3A_886 : i32 to index
        %get3A_889 = tpu.vector_load %arg8[%get3A_887, %get3A_888] {strides = array<i32>} : memref<32x1024xf32, #tpu.memory_space<vmem>>, vector<1x16xf32>,
        %get3A_890 = vector.shape_cast %get3A_889 : vector<1x16xf32> to vector<16xf32>
        %add3A_891 = arith.addf %get3A_890, %get3A_557 : vector<16xf32>
        %swap3A_892 = arith.index_cast %add3A_800 : i32 to index
        %swap3A_893 = arith.index_cast %add3A_886 : i32 to index
        %swap3A_894 = tpu.vector_load %arg8[%swap3A_892, %swap3A_893] {strides = array<i32>} : memref<32x1024xf32, #tpu.memory_space<vmem>>, vector<1x16xf32>,
        %swap3A_895 = vector.shape_cast %swap3A_894 : vector<1x16xf32> to vector<16xf32>
        %swap3A_896 = vector.shape_cast %add3A_891 : vector<16xf32> to vector<1x16xf32>
        tpu.vector_store %arg8[%swap3A_892, %swap3A_893], %swap3A_896 {strides = array<i32>} : memref<32x1024xf32, #tpu.memory_space<vmem>>, vector<1x16xf32>,
        %add3A_897 = arith.constant 128 : i32
        %add3A_898 = arith.addi %mul3A_510, %add3A_897 : i32
        %get3A_899 = arith.index_cast %add3A_800 : i32 to index
        %get3A_900 = arith.index_cast %add3A_898 : i32 to index
        %get3A_901 = tpu.vector_load %arg8[%get3A_899, %get3A_900] {strides = array<i32>} : memref<32x1024xf32, #tpu.memory_space<vmem>>, vector<1x16xf32>,
        %get3A_902 = vector.shape_cast %get3A_901 : vector<1x16xf32> to vector<16xf32>
        %add3A_903 = arith.addf %get3A_902, %get3A_563 : vector<16xf32>
        %swap3A_904 = arith.index_cast %add3A_800 : i32 to index
        %swap3A_905 = arith.index_cast %add3A_898 : i32 to index
        %swap3A_906 = tpu.vector_load %arg8[%swap3A_904, %swap3A_905] {strides = array<i32>} : memref<32x1024xf32, #tpu.memory_space<vmem>>, vector<1x16xf32>,
        %swap3A_907 = vector.shape_cast %swap3A_906 : vector<1x16xf32> to vector<16xf32>
        %swap3A_908 = vector.shape_cast %add3A_903 : vector<16xf32> to vector<1x16xf32>
        tpu.vector_store %arg8[%swap3A_904, %swap3A_905], %swap3A_908 {strides = array<i32>} : memref<32x1024xf32, #tpu.memory_space<vmem>>, vector<1x16xf32>,
        %add3A_909 = arith.constant 144 : i32
        %add3A_910 = arith.addi %mul3A_510, %add3A_909 : i32
        %get3A_911 = arith.index_cast %add3A_800 : i32 to index
        %get3A_912 = arith.index_cast %add3A_910 : i32 to index
        %get3A_913 = tpu.vector_load %arg8[%get3A_911, %get3A_912] {strides = array<i32>} : memref<32x1024xf32, #tpu.memory_space<vmem>>, vector<1x16xf32>,
        %get3A_914 = vector.shape_cast %get3A_913 : vector<1x16xf32> to vector<16xf32>
        %add3A_915 = arith.addf %get3A_914, %get3A_569 : vector<16xf32>
        %swap3A_916 = arith.index_cast %add3A_800 : i32 to index
        %swap3A_917 = arith.index_cast %add3A_910 : i32 to index
        %swap3A_918 = tpu.vector_load %arg8[%swap3A_916, %swap3A_917] {strides = array<i32>} : memref<32x1024xf32, #tpu.memory_space<vmem>>, vector<1x16xf32>,
        %swap3A_919 = vector.shape_cast %swap3A_918 : vector<1x16xf32> to vector<16xf32>
        %swap3A_920 = vector.shape_cast %add3A_915 : vector<16xf32> to vector<1x16xf32>
        tpu.vector_store %arg8[%swap3A_916, %swap3A_917], %swap3A_920 {strides = array<i32>} : memref<32x1024xf32, #tpu.memory_space<vmem>>, vector<1x16xf32>,
        %add3A_921 = arith.constant 160 : i32
        %add3A_922 = arith.addi %mul3A_510, %add3A_921 : i32
        %get3A_923 = arith.index_cast %add3A_800 : i32 to index
        %get3A_924 = arith.index_cast %add3A_922 : i32 to index
        %get3A_925 = tpu.vector_load %arg8[%get3A_923, %get3A_924] {strides = array<i32>} : memref<32x1024xf32, #tpu.memory_space<vmem>>, vector<1x16xf32>,
        %get3A_926 = vector.shape_cast %get3A_925 : vector<1x16xf32> to vector<16xf32>
        %add3A_927 = arith.addf %get3A_926, %get3A_575 : vector<16xf32>
        %swap3A_928 = arith.index_cast %add3A_800 : i32 to index
        %swap3A_929 = arith.index_cast %add3A_922 : i32 to index
        %swap3A_930 = tpu.vector_load %arg8[%swap3A_928, %swap3A_929] {strides = array<i32>} : memref<32x1024xf32, #tpu.memory_space<vmem>>, vector<1x16xf32>,
        %swap3A_931 = vector.shape_cast %swap3A_930 : vector<1x16xf32> to vector<16xf32>
        %swap3A_932 = vector.shape_cast %add3A_927 : vector<16xf32> to vector<1x16xf32>
        tpu.vector_store %arg8[%swap3A_928, %swap3A_929], %swap3A_932 {strides = array<i32>} : memref<32x1024xf32, #tpu.memory_space<vmem>>, vector<1x16xf32>,
        %add3A_933 = arith.constant 176 : i32
        %add3A_934 = arith.addi %mul3A_510, %add3A_933 : i32
        %get3A_935 = arith.index_cast %add3A_800 : i32 to index
        %get3A_936 = arith.index_cast %add3A_934 : i32 to index
        %get3A_937 = tpu.vector_load %arg8[%get3A_935, %get3A_936] {strides = array<i32>} : memref<32x1024xf32, #tpu.memory_space<vmem>>, vector<1x16xf32>,
        %get3A_938 = vector.shape_cast %get3A_937 : vector<1x16xf32> to vector<16xf32>
        %add3A_939 = arith.addf %get3A_938, %get3A_581 : vector<16xf32>
        %swap3A_940 = arith.index_cast %add3A_800 : i32 to index
        %swap3A_941 = arith.index_cast %add3A_934 : i32 to index
        %swap3A_942 = tpu.vector_load %arg8[%swap3A_940, %swap3A_941] {strides = array<i32>} : memref<32x1024xf32, #tpu.memory_space<vmem>>, vector<1x16xf32>,
        %swap3A_943 = vector.shape_cast %swap3A_942 : vector<1x16xf32> to vector<16xf32>
        %swap3A_944 = vector.shape_cast %add3A_939 : vector<16xf32> to vector<1x16xf32>
        tpu.vector_store %arg8[%swap3A_940, %swap3A_941], %swap3A_944 {strides = array<i32>} : memref<32x1024xf32, #tpu.memory_space<vmem>>, vector<1x16xf32>,
        %add3A_945 = arith.constant 192 : i32
        %add3A_946 = arith.addi %mul3A_510, %add3A_945 : i32
        %get3A_947 = arith.index_cast %add3A_800 : i32 to index
        %get3A_948 = arith.index_cast %add3A_946 : i32 to index
        %get3A_949 = tpu.vector_load %arg8[%get3A_947, %get3A_948] {strides = array<i32>} : memref<32x1024xf32, #tpu.memory_space<vmem>>, vector<1x16xf32>,
        %get3A_950 = vector.shape_cast %get3A_949 : vector<1x16xf32> to vector<16xf32>
        %add3A_951 = arith.addf %get3A_950, %get3A_587 : vector<16xf32>
        %swap3A_952 = arith.index_cast %add3A_800 : i32 to index
        %swap3A_953 = arith.index_cast %add3A_946 : i32 to index
        %swap3A_954 = tpu.vector_load %arg8[%swap3A_952, %swap3A_953] {strides = array<i32>} : memref<32x1024xf32, #tpu.memory_space<vmem>>, vector<1x16xf32>,
        %swap3A_955 = vector.shape_cast %swap3A_954 : vector<1x16xf32> to vector<16xf32>
        %swap3A_956 = vector.shape_cast %add3A_951 : vector<16xf32> to vector<1x16xf32>
        tpu.vector_store %arg8[%swap3A_952, %swap3A_953], %swap3A_956 {strides = array<i32>} : memref<32x1024xf32, #tpu.memory_space<vmem>>, vector<1x16xf32>,
        %add3A_957 = arith.constant 208 : i32
        %add3A_958 = arith.addi %mul3A_510, %add3A_957 : i32
        %get3A_959 = arith.index_cast %add3A_800 : i32 to index
        %get3A_960 = arith.index_cast %add3A_958 : i32 to index
        %get3A_961 = tpu.vector_load %arg8[%get3A_959, %get3A_960] {strides = array<i32>} : memref<32x1024xf32, #tpu.memory_space<vmem>>, vector<1x16xf32>,
        %get3A_962 = vector.shape_cast %get3A_961 : vector<1x16xf32> to vector<16xf32>
        %add3A_963 = arith.addf %get3A_962, %get3A_593 : vector<16xf32>
        %swap3A_964 = arith.index_cast %add3A_800 : i32 to index
        %swap3A_965 = arith.index_cast %add3A_958 : i32 to index
        %swap3A_966 = tpu.vector_load %arg8[%swap3A_964, %swap3A_965] {strides = array<i32>} : memref<32x1024xf32, #tpu.memory_space<vmem>>, vector<1x16xf32>,
        %swap3A_967 = vector.shape_cast %swap3A_966 : vector<1x16xf32> to vector<16xf32>
        %swap3A_968 = vector.shape_cast %add3A_963 : vector<16xf32> to vector<1x16xf32>
        tpu.vector_store %arg8[%swap3A_964, %swap3A_965], %swap3A_968 {strides = array<i32>} : memref<32x1024xf32, #tpu.memory_space<vmem>>, vector<1x16xf32>,
        %add3A_969 = arith.constant 224 : i32
        %add3A_970 = arith.addi %mul3A_510, %add3A_969 : i32
        %get3A_971 = arith.index_cast %add3A_800 : i32 to index
        %get3A_972 = arith.index_cast %add3A_970 : i32 to index
        %get3A_973 = tpu.vector_load %arg8[%get3A_971, %get3A_972] {strides = array<i32>} : memref<32x1024xf32, #tpu.memory_space<vmem>>, vector<1x16xf32>,
        %get3A_974 = vector.shape_cast %get3A_973 : vector<1x16xf32> to vector<16xf32>
        %add3A_975 = arith.addf %get3A_974, %get3A_599 : vector<16xf32>
        %swap3A_976 = arith.index_cast %add3A_800 : i32 to index
        %swap3A_977 = arith.index_cast %add3A_970 : i32 to index
        %swap3A_978 = tpu.vector_load %arg8[%swap3A_976, %swap3A_977] {strides = array<i32>} : memref<32x1024xf32, #tpu.memory_space<vmem>>, vector<1x16xf32>,
        %swap3A_979 = vector.shape_cast %swap3A_978 : vector<1x16xf32> to vector<16xf32>
        %swap3A_980 = vector.shape_cast %add3A_975 : vector<16xf32> to vector<1x16xf32>
        tpu.vector_store %arg8[%swap3A_976, %swap3A_977], %swap3A_980 {strides = array<i32>} : memref<32x1024xf32, #tpu.memory_space<vmem>>, vector<1x16xf32>,
        %add3A_981 = arith.constant 240 : i32
        %add3A_982 = arith.addi %mul3A_510, %add3A_981 : i32
        %get3A_983 = arith.index_cast %add3A_800 : i32 to index
        %get3A_984 = arith.index_cast %add3A_982 : i32 to index
        %get3A_985 = tpu.vector_load %arg8[%get3A_983, %get3A_984] {strides = array<i32>} : memref<32x1024xf32, #tpu.memory_space<vmem>>, vector<1x16xf32>,
        %get3A_986 = vector.shape_cast %get3A_985 : vector<1x16xf32> to vector<16xf32>
        %add3A_987 = arith.addf %get3A_986, %get3A_605 : vector<16xf32>
        %swap3A_988 = arith.index_cast %add3A_800 : i32 to index
        %swap3A_989 = arith.index_cast %add3A_982 : i32 to index
        %swap3A_990 = tpu.vector_load %arg8[%swap3A_988, %swap3A_989] {strides = array<i32>} : memref<32x1024xf32, #tpu.memory_space<vmem>>, vector<1x16xf32>,
        %swap3A_991 = vector.shape_cast %swap3A_990 : vector<1x16xf32> to vector<16xf32>
        %swap3A_992 = vector.shape_cast %add3A_987 : vector<16xf32> to vector<1x16xf32>
        tpu.vector_store %arg8[%swap3A_988, %swap3A_989], %swap3A_992 {strides = array<i32>} : memref<32x1024xf32, #tpu.memory_space<vmem>>, vector<1x16xf32>,
        %add3A_993 = arith.constant 16 : i32
        %add3A_994 = arith.addi %add3A_993, %select_n3A : i32
        %add3A_995 = arith.constant 0 : i32
        %add3A_996 = arith.addi %mul3A_510, %add3A_995 : i32
        %get3A_997 = arith.index_cast %add3A_994 : i32 to index
        %get3A_998 = arith.index_cast %add3A_996 : i32 to index
        %get3A_999 = tpu.vector_load %arg8[%get3A_997, %get3A_998] {strides = array<i32>} : memref<32x1024xf32, #tpu.memory_space<vmem>>, vector<1x16xf32>,
        %get3A_1000 = vector.shape_cast %get3A_999 : vector<1x16xf32> to vector<16xf32>
        %add3A_1001 = arith.addf %get3A_1000, %get3A_515 : vector<16xf32>
        %swap3A_1002 = arith.index_cast %add3A_994 : i32 to index
        %swap3A_1003 = arith.index_cast %add3A_996 : i32 to index
        %swap3A_1004 = tpu.vector_load %arg8[%swap3A_1002, %swap3A_1003] {strides = array<i32>} : memref<32x1024xf32, #tpu.memory_space<vmem>>, vector<1x16xf32>,
        %swap3A_1005 = vector.shape_cast %swap3A_1004 : vector<1x16xf32> to vector<16xf32>
        %swap3A_1006 = vector.shape_cast %add3A_1001 : vector<16xf32> to vector<1x16xf32>
        tpu.vector_store %arg8[%swap3A_1002, %swap3A_1003], %swap3A_1006 {strides = array<i32>} : memref<32x1024xf32, #tpu.memory_space<vmem>>, vector<1x16xf32>,
        %add3A_1007 = arith.constant 16 : i32
        %add3A_1008 = arith.addi %mul3A_510, %add3A_1007 : i32
        %get3A_1009 = arith.index_cast %add3A_994 : i32 to index
        %get3A_1010 = arith.index_cast %add3A_1008 : i32 to index
        %get3A_1011 = tpu.vector_load %arg8[%get3A_1009, %get3A_1010] {strides = array<i32>} : memref<32x1024xf32, #tpu.memory_space<vmem>>, vector<1x16xf32>,
        %get3A_1012 = vector.shape_cast %get3A_1011 : vector<1x16xf32> to vector<16xf32>
        %add3A_1013 = arith.addf %get3A_1012, %get3A_521 : vector<16xf32>
        %swap3A_1014 = arith.index_cast %add3A_994 : i32 to index
        %swap3A_1015 = arith.index_cast %add3A_1008 : i32 to index
        %swap3A_1016 = tpu.vector_load %arg8[%swap3A_1014, %swap3A_1015] {strides = array<i32>} : memref<32x1024xf32, #tpu.memory_space<vmem>>, vector<1x16xf32>,
        %swap3A_1017 = vector.shape_cast %swap3A_1016 : vector<1x16xf32> to vector<16xf32>
        %swap3A_1018 = vector.shape_cast %add3A_1013 : vector<16xf32> to vector<1x16xf32>
        tpu.vector_store %arg8[%swap3A_1014, %swap3A_1015], %swap3A_1018 {strides = array<i32>} : memref<32x1024xf32, #tpu.memory_space<vmem>>, vector<1x16xf32>,
        %add3A_1019 = arith.constant 32 : i32
        %add3A_1020 = arith.addi %mul3A_510, %add3A_1019 : i32
        %get3A_1021 = arith.index_cast %add3A_994 : i32 to index
        %get3A_1022 = arith.index_cast %add3A_1020 : i32 to index
        %get3A_1023 = tpu.vector_load %arg8[%get3A_1021, %get3A_1022] {strides = array<i32>} : memref<32x1024xf32, #tpu.memory_space<vmem>>, vector<1x16xf32>,
        %get3A_1024 = vector.shape_cast %get3A_1023 : vector<1x16xf32> to vector<16xf32>
        %add3A_1025 = arith.addf %get3A_1024, %get3A_527 : vector<16xf32>
        %swap3A_1026 = arith.index_cast %add3A_994 : i32 to index
        %swap3A_1027 = arith.index_cast %add3A_1020 : i32 to index
        %swap3A_1028 = tpu.vector_load %arg8[%swap3A_1026, %swap3A_1027] {strides = array<i32>} : memref<32x1024xf32, #tpu.memory_space<vmem>>, vector<1x16xf32>,
        %swap3A_1029 = vector.shape_cast %swap3A_1028 : vector<1x16xf32> to vector<16xf32>
        %swap3A_1030 = vector.shape_cast %add3A_1025 : vector<16xf32> to vector<1x16xf32>
        tpu.vector_store %arg8[%swap3A_1026, %swap3A_1027], %swap3A_1030 {strides = array<i32>} : memref<32x1024xf32, #tpu.memory_space<vmem>>, vector<1x16xf32>,
        %add3A_1031 = arith.constant 48 : i32
        %add3A_1032 = arith.addi %mul3A_510, %add3A_1031 : i32
        %get3A_1033 = arith.index_cast %add3A_994 : i32 to index
        %get3A_1034 = arith.index_cast %add3A_1032 : i32 to index
        %get3A_1035 = tpu.vector_load %arg8[%get3A_1033, %get3A_1034] {strides = array<i32>} : memref<32x1024xf32, #tpu.memory_space<vmem>>, vector<1x16xf32>,
        %get3A_1036 = vector.shape_cast %get3A_1035 : vector<1x16xf32> to vector<16xf32>
        %add3A_1037 = arith.addf %get3A_1036, %get3A_533 : vector<16xf32>
        %swap3A_1038 = arith.index_cast %add3A_994 : i32 to index
        %swap3A_1039 = arith.index_cast %add3A_1032 : i32 to index
        %swap3A_1040 = tpu.vector_load %arg8[%swap3A_1038, %swap3A_1039] {strides = array<i32>} : memref<32x1024xf32, #tpu.memory_space<vmem>>, vector<1x16xf32>,
        %swap3A_1041 = vector.shape_cast %swap3A_1040 : vector<1x16xf32> to vector<16xf32>
        %swap3A_1042 = vector.shape_cast %add3A_1037 : vector<16xf32> to vector<1x16xf32>
        tpu.vector_store %arg8[%swap3A_1038, %swap3A_1039], %swap3A_1042 {strides = array<i32>} : memref<32x1024xf32, #tpu.memory_space<vmem>>, vector<1x16xf32>,
        %add3A_1043 = arith.constant 64 : i32
        %add3A_1044 = arith.addi %mul3A_510, %add3A_1043 : i32
        %get3A_1045 = arith.index_cast %add3A_994 : i32 to index
        %get3A_1046 = arith.index_cast %add3A_1044 : i32 to index
        %get3A_1047 = tpu.vector_load %arg8[%get3A_1045, %get3A_1046] {strides = array<i32>} : memref<32x1024xf32, #tpu.memory_space<vmem>>, vector<1x16xf32>,
        %get3A_1048 = vector.shape_cast %get3A_1047 : vector<1x16xf32> to vector<16xf32>
        %add3A_1049 = arith.addf %get3A_1048, %get3A_539 : vector<16xf32>
        %swap3A_1050 = arith.index_cast %add3A_994 : i32 to index
        %swap3A_1051 = arith.index_cast %add3A_1044 : i32 to index
        %swap3A_1052 = tpu.vector_load %arg8[%swap3A_1050, %swap3A_1051] {strides = array<i32>} : memref<32x1024xf32, #tpu.memory_space<vmem>>, vector<1x16xf32>,
        %swap3A_1053 = vector.shape_cast %swap3A_1052 : vector<1x16xf32> to vector<16xf32>
        %swap3A_1054 = vector.shape_cast %add3A_1049 : vector<16xf32> to vector<1x16xf32>
        tpu.vector_store %arg8[%swap3A_1050, %swap3A_1051], %swap3A_1054 {strides = array<i32>} : memref<32x1024xf32, #tpu.memory_space<vmem>>, vector<1x16xf32>,
        %add3A_1055 = arith.constant 80 : i32
        %add3A_1056 = arith.addi %mul3A_510, %add3A_1055 : i32
        %get3A_1057 = arith.index_cast %add3A_994 : i32 to index
        %get3A_1058 = arith.index_cast %add3A_1056 : i32 to index
        %get3A_1059 = tpu.vector_load %arg8[%get3A_1057, %get3A_1058] {strides = array<i32>} : memref<32x1024xf32, #tpu.memory_space<vmem>>, vector<1x16xf32>,
        %get3A_1060 = vector.shape_cast %get3A_1059 : vector<1x16xf32> to vector<16xf32>
        %add3A_1061 = arith.addf %get3A_1060, %get3A_545 : vector<16xf32>
        %swap3A_1062 = arith.index_cast %add3A_994 : i32 to index
        %swap3A_1063 = arith.index_cast %add3A_1056 : i32 to index
        %swap3A_1064 = tpu.vector_load %arg8[%swap3A_1062, %swap3A_1063] {strides = array<i32>} : memref<32x1024xf32, #tpu.memory_space<vmem>>, vector<1x16xf32>,
        %swap3A_1065 = vector.shape_cast %swap3A_1064 : vector<1x16xf32> to vector<16xf32>
        %swap3A_1066 = vector.shape_cast %add3A_1061 : vector<16xf32> to vector<1x16xf32>
        tpu.vector_store %arg8[%swap3A_1062, %swap3A_1063], %swap3A_1066 {strides = array<i32>} : memref<32x1024xf32, #tpu.memory_space<vmem>>, vector<1x16xf32>,
        %add3A_1067 = arith.constant 96 : i32
        %add3A_1068 = arith.addi %mul3A_510, %add3A_1067 : i32
        %get3A_1069 = arith.index_cast %add3A_994 : i32 to index
        %get3A_1070 = arith.index_cast %add3A_1068 : i32 to index
        %get3A_1071 = tpu.vector_load %arg8[%get3A_1069, %get3A_1070] {strides = array<i32>} : memref<32x1024xf32, #tpu.memory_space<vmem>>, vector<1x16xf32>,
        %get3A_1072 = vector.shape_cast %get3A_1071 : vector<1x16xf32> to vector<16xf32>
        %add3A_1073 = arith.addf %get3A_1072, %get3A_551 : vector<16xf32>
        %swap3A_1074 = arith.index_cast %add3A_994 : i32 to index
        %swap3A_1075 = arith.index_cast %add3A_1068 : i32 to index
        %swap3A_1076 = tpu.vector_load %arg8[%swap3A_1074, %swap3A_1075] {strides = array<i32>} : memref<32x1024xf32, #tpu.memory_space<vmem>>, vector<1x16xf32>,
        %swap3A_1077 = vector.shape_cast %swap3A_1076 : vector<1x16xf32> to vector<16xf32>
        %swap3A_1078 = vector.shape_cast %add3A_1073 : vector<16xf32> to vector<1x16xf32>
        tpu.vector_store %arg8[%swap3A_1074, %swap3A_1075], %swap3A_1078 {strides = array<i32>} : memref<32x1024xf32, #tpu.memory_space<vmem>>, vector<1x16xf32>,
        %add3A_1079 = arith.constant 112 : i32
        %add3A_1080 = arith.addi %mul3A_510, %add3A_1079 : i32
        %get3A_1081 = arith.index_cast %add3A_994 : i32 to index
        %get3A_1082 = arith.index_cast %add3A_1080 : i32 to index
        %get3A_1083 = tpu.vector_load %arg8[%get3A_1081, %get3A_1082] {strides = array<i32>} : memref<32x1024xf32, #tpu.memory_space<vmem>>, vector<1x16xf32>,
        %get3A_1084 = vector.shape_cast %get3A_1083 : vector<1x16xf32> to vector<16xf32>
        %add3A_1085 = arith.addf %get3A_1084, %get3A_557 : vector<16xf32>
        %swap3A_1086 = arith.index_cast %add3A_994 : i32 to index
        %swap3A_1087 = arith.index_cast %add3A_1080 : i32 to index
        %swap3A_1088 = tpu.vector_load %arg8[%swap3A_1086, %swap3A_1087] {strides = array<i32>} : memref<32x1024xf32, #tpu.memory_space<vmem>>, vector<1x16xf32>,
        %swap3A_1089 = vector.shape_cast %swap3A_1088 : vector<1x16xf32> to vector<16xf32>
        %swap3A_1090 = vector.shape_cast %add3A_1085 : vector<16xf32> to vector<1x16xf32>
        tpu.vector_store %arg8[%swap3A_1086, %swap3A_1087], %swap3A_1090 {strides = array<i32>} : memref<32x1024xf32, #tpu.memory_space<vmem>>, vector<1x16xf32>,
        %add3A_1091 = arith.constant 128 : i32
        %add3A_1092 = arith.addi %mul3A_510, %add3A_1091 : i32
        %get3A_1093 = arith.index_cast %add3A_994 : i32 to index
        %get3A_1094 = arith.index_cast %add3A_1092 : i32 to index
        %get3A_1095 = tpu.vector_load %arg8[%get3A_1093, %get3A_1094] {strides = array<i32>} : memref<32x1024xf32, #tpu.memory_space<vmem>>, vector<1x16xf32>,
        %get3A_1096 = vector.shape_cast %get3A_1095 : vector<1x16xf32> to vector<16xf32>
        %add3A_1097 = arith.addf %get3A_1096, %get3A_563 : vector<16xf32>
        %swap3A_1098 = arith.index_cast %add3A_994 : i32 to index
        %swap3A_1099 = arith.index_cast %add3A_1092 : i32 to index
        %swap3A_1100 = tpu.vector_load %arg8[%swap3A_1098, %swap3A_1099] {strides = array<i32>} : memref<32x1024xf32, #tpu.memory_space<vmem>>, vector<1x16xf32>,
        %swap3A_1101 = vector.shape_cast %swap3A_1100 : vector<1x16xf32> to vector<16xf32>
        %swap3A_1102 = vector.shape_cast %add3A_1097 : vector<16xf32> to vector<1x16xf32>
        tpu.vector_store %arg8[%swap3A_1098, %swap3A_1099], %swap3A_1102 {strides = array<i32>} : memref<32x1024xf32, #tpu.memory_space<vmem>>, vector<1x16xf32>,
        %add3A_1103 = arith.constant 144 : i32
        %add3A_1104 = arith.addi %mul3A_510, %add3A_1103 : i32
        %get3A_1105 = arith.index_cast %add3A_994 : i32 to index
        %get3A_1106 = arith.index_cast %add3A_1104 : i32 to index
        %get3A_1107 = tpu.vector_load %arg8[%get3A_1105, %get3A_1106] {strides = array<i32>} : memref<32x1024xf32, #tpu.memory_space<vmem>>, vector<1x16xf32>,
        %get3A_1108 = vector.shape_cast %get3A_1107 : vector<1x16xf32> to vector<16xf32>
        %add3A_1109 = arith.addf %get3A_1108, %get3A_569 : vector<16xf32>
        %swap3A_1110 = arith.index_cast %add3A_994 : i32 to index
        %swap3A_1111 = arith.index_cast %add3A_1104 : i32 to index
        %swap3A_1112 = tpu.vector_load %arg8[%swap3A_1110, %swap3A_1111] {strides = array<i32>} : memref<32x1024xf32, #tpu.memory_space<vmem>>, vector<1x16xf32>,
        %swap3A_1113 = vector.shape_cast %swap3A_1112 : vector<1x16xf32> to vector<16xf32>
        %swap3A_1114 = vector.shape_cast %add3A_1109 : vector<16xf32> to vector<1x16xf32>
        tpu.vector_store %arg8[%swap3A_1110, %swap3A_1111], %swap3A_1114 {strides = array<i32>} : memref<32x1024xf32, #tpu.memory_space<vmem>>, vector<1x16xf32>,
        %add3A_1115 = arith.constant 160 : i32
        %add3A_1116 = arith.addi %mul3A_510, %add3A_1115 : i32
        %get3A_1117 = arith.index_cast %add3A_994 : i32 to index
        %get3A_1118 = arith.index_cast %add3A_1116 : i32 to index
        %get3A_1119 = tpu.vector_load %arg8[%get3A_1117, %get3A_1118] {strides = array<i32>} : memref<32x1024xf32, #tpu.memory_space<vmem>>, vector<1x16xf32>,
        %get3A_1120 = vector.shape_cast %get3A_1119 : vector<1x16xf32> to vector<16xf32>
        %add3A_1121 = arith.addf %get3A_1120, %get3A_575 : vector<16xf32>
        %swap3A_1122 = arith.index_cast %add3A_994 : i32 to index
        %swap3A_1123 = arith.index_cast %add3A_1116 : i32 to index
        %swap3A_1124 = tpu.vector_load %arg8[%swap3A_1122, %swap3A_1123] {strides = array<i32>} : memref<32x1024xf32, #tpu.memory_space<vmem>>, vector<1x16xf32>,
        %swap3A_1125 = vector.shape_cast %swap3A_1124 : vector<1x16xf32> to vector<16xf32>
        %swap3A_1126 = vector.shape_cast %add3A_1121 : vector<16xf32> to vector<1x16xf32>
        tpu.vector_store %arg8[%swap3A_1122, %swap3A_1123], %swap3A_1126 {strides = array<i32>} : memref<32x1024xf32, #tpu.memory_space<vmem>>, vector<1x16xf32>,
        %add3A_1127 = arith.constant 176 : i32
        %add3A_1128 = arith.addi %mul3A_510, %add3A_1127 : i32
        %get3A_1129 = arith.index_cast %add3A_994 : i32 to index
        %get3A_1130 = arith.index_cast %add3A_1128 : i32 to index
        %get3A_1131 = tpu.vector_load %arg8[%get3A_1129, %get3A_1130] {strides = array<i32>} : memref<32x1024xf32, #tpu.memory_space<vmem>>, vector<1x16xf32>,
        %get3A_1132 = vector.shape_cast %get3A_1131 : vector<1x16xf32> to vector<16xf32>
        %add3A_1133 = arith.addf %get3A_1132, %get3A_581 : vector<16xf32>
        %swap3A_1134 = arith.index_cast %add3A_994 : i32 to index
        %swap3A_1135 = arith.index_cast %add3A_1128 : i32 to index
        %swap3A_1136 = tpu.vector_load %arg8[%swap3A_1134, %swap3A_1135] {strides = array<i32>} : memref<32x1024xf32, #tpu.memory_space<vmem>>, vector<1x16xf32>,
        %swap3A_1137 = vector.shape_cast %swap3A_1136 : vector<1x16xf32> to vector<16xf32>
        %swap3A_1138 = vector.shape_cast %add3A_1133 : vector<16xf32> to vector<1x16xf32>
        tpu.vector_store %arg8[%swap3A_1134, %swap3A_1135], %swap3A_1138 {strides = array<i32>} : memref<32x1024xf32, #tpu.memory_space<vmem>>, vector<1x16xf32>,
        %add3A_1139 = arith.constant 192 : i32
        %add3A_1140 = arith.addi %mul3A_510, %add3A_1139 : i32
        %get3A_1141 = arith.index_cast %add3A_994 : i32 to index
        %get3A_1142 = arith.index_cast %add3A_1140 : i32 to index
        %get3A_1143 = tpu.vector_load %arg8[%get3A_1141, %get3A_1142] {strides = array<i32>} : memref<32x1024xf32, #tpu.memory_space<vmem>>, vector<1x16xf32>,
        %get3A_1144 = vector.shape_cast %get3A_1143 : vector<1x16xf32> to vector<16xf32>
        %add3A_1145 = arith.addf %get3A_1144, %get3A_587 : vector<16xf32>
        %swap3A_1146 = arith.index_cast %add3A_994 : i32 to index
        %swap3A_1147 = arith.index_cast %add3A_1140 : i32 to index
        %swap3A_1148 = tpu.vector_load %arg8[%swap3A_1146, %swap3A_1147] {strides = array<i32>} : memref<32x1024xf32, #tpu.memory_space<vmem>>, vector<1x16xf32>,
        %swap3A_1149 = vector.shape_cast %swap3A_1148 : vector<1x16xf32> to vector<16xf32>
        %swap3A_1150 = vector.shape_cast %add3A_1145 : vector<16xf32> to vector<1x16xf32>
        tpu.vector_store %arg8[%swap3A_1146, %swap3A_1147], %swap3A_1150 {strides = array<i32>} : memref<32x1024xf32, #tpu.memory_space<vmem>>, vector<1x16xf32>,
        %add3A_1151 = arith.constant 208 : i32
        %add3A_1152 = arith.addi %mul3A_510, %add3A_1151 : i32
        %get3A_1153 = arith.index_cast %add3A_994 : i32 to index
        %get3A_1154 = arith.index_cast %add3A_1152 : i32 to index
        %get3A_1155 = tpu.vector_load %arg8[%get3A_1153, %get3A_1154] {strides = array<i32>} : memref<32x1024xf32, #tpu.memory_space<vmem>>, vector<1x16xf32>,
        %get3A_1156 = vector.shape_cast %get3A_1155 : vector<1x16xf32> to vector<16xf32>
        %add3A_1157 = arith.addf %get3A_1156, %get3A_593 : vector<16xf32>
        %swap3A_1158 = arith.index_cast %add3A_994 : i32 to index
        %swap3A_1159 = arith.index_cast %add3A_1152 : i32 to index
        %swap3A_1160 = tpu.vector_load %arg8[%swap3A_1158, %swap3A_1159] {strides = array<i32>} : memref<32x1024xf32, #tpu.memory_space<vmem>>, vector<1x16xf32>,
        %swap3A_1161 = vector.shape_cast %swap3A_1160 : vector<1x16xf32> to vector<16xf32>
        %swap3A_1162 = vector.shape_cast %add3A_1157 : vector<16xf32> to vector<1x16xf32>
        tpu.vector_store %arg8[%swap3A_1158, %swap3A_1159], %swap3A_1162 {strides = array<i32>} : memref<32x1024xf32, #tpu.memory_space<vmem>>, vector<1x16xf32>,
        %add3A_1163 = arith.constant 224 : i32
        %add3A_1164 = arith.addi %mul3A_510, %add3A_1163 : i32
        %get3A_1165 = arith.index_cast %add3A_994 : i32 to index
        %get3A_1166 = arith.index_cast %add3A_1164 : i32 to index
        %get3A_1167 = tpu.vector_load %arg8[%get3A_1165, %get3A_1166] {strides = array<i32>} : memref<32x1024xf32, #tpu.memory_space<vmem>>, vector<1x16xf32>,
        %get3A_1168 = vector.shape_cast %get3A_1167 : vector<1x16xf32> to vector<16xf32>
        %add3A_1169 = arith.addf %get3A_1168, %get3A_599 : vector<16xf32>
        %swap3A_1170 = arith.index_cast %add3A_994 : i32 to index
        %swap3A_1171 = arith.index_cast %add3A_1164 : i32 to index
        %swap3A_1172 = tpu.vector_load %arg8[%swap3A_1170, %swap3A_1171] {strides = array<i32>} : memref<32x1024xf32, #tpu.memory_space<vmem>>, vector<1x16xf32>,
        %swap3A_1173 = vector.shape_cast %swap3A_1172 : vector<1x16xf32> to vector<16xf32>
        %swap3A_1174 = vector.shape_cast %add3A_1169 : vector<16xf32> to vector<1x16xf32>
        tpu.vector_store %arg8[%swap3A_1170, %swap3A_1171], %swap3A_1174 {strides = array<i32>} : memref<32x1024xf32, #tpu.memory_space<vmem>>, vector<1x16xf32>,
        %add3A_1175 = arith.constant 240 : i32
        %add3A_1176 = arith.addi %mul3A_510, %add3A_1175 : i32
        %get3A_1177 = arith.index_cast %add3A_994 : i32 to index
        %get3A_1178 = arith.index_cast %add3A_1176 : i32 to index
        %get3A_1179 = tpu.vector_load %arg8[%get3A_1177, %get3A_1178] {strides = array<i32>} : memref<32x1024xf32, #tpu.memory_space<vmem>>, vector<1x16xf32>,
        %get3A_1180 = vector.shape_cast %get3A_1179 : vector<1x16xf32> to vector<16xf32>
        %add3A_1181 = arith.addf %get3A_1180, %get3A_605 : vector<16xf32>
        %swap3A_1182 = arith.index_cast %add3A_994 : i32 to index
        %swap3A_1183 = arith.index_cast %add3A_1176 : i32 to index
        %swap3A_1184 = tpu.vector_load %arg8[%swap3A_1182, %swap3A_1183] {strides = array<i32>} : memref<32x1024xf32, #tpu.memory_space<vmem>>, vector<1x16xf32>,
        %swap3A_1185 = vector.shape_cast %swap3A_1184 : vector<1x16xf32> to vector<16xf32>
        %swap3A_1186 = vector.shape_cast %add3A_1181 : vector<16xf32> to vector<1x16xf32>
        tpu.vector_store %arg8[%swap3A_1182, %swap3A_1183], %swap3A_1186 {strides = array<i32>} : memref<32x1024xf32, #tpu.memory_space<vmem>>, vector<1x16xf32>,
        %add3A_1187 = arith.constant 24 : i32
        %add3A_1188 = arith.addi %add3A_1187, %select_n3A : i32
        %add3A_1189 = arith.constant 0 : i32
        %add3A_1190 = arith.addi %mul3A_510, %add3A_1189 : i32
        %get3A_1191 = arith.index_cast %add3A_1188 : i32 to index
        %get3A_1192 = arith.index_cast %add3A_1190 : i32 to index
        %get3A_1193 = tpu.vector_load %arg8[%get3A_1191, %get3A_1192] {strides = array<i32>} : memref<32x1024xf32, #tpu.memory_space<vmem>>, vector<1x16xf32>,
        %get3A_1194 = vector.shape_cast %get3A_1193 : vector<1x16xf32> to vector<16xf32>
        %add3A_1195 = arith.addf %get3A_1194, %get3A_515 : vector<16xf32>
        %swap3A_1196 = arith.index_cast %add3A_1188 : i32 to index
        %swap3A_1197 = arith.index_cast %add3A_1190 : i32 to index
        %swap3A_1198 = tpu.vector_load %arg8[%swap3A_1196, %swap3A_1197] {strides = array<i32>} : memref<32x1024xf32, #tpu.memory_space<vmem>>, vector<1x16xf32>,
        %swap3A_1199 = vector.shape_cast %swap3A_1198 : vector<1x16xf32> to vector<16xf32>
        %swap3A_1200 = vector.shape_cast %add3A_1195 : vector<16xf32> to vector<1x16xf32>
        tpu.vector_store %arg8[%swap3A_1196, %swap3A_1197], %swap3A_1200 {strides = array<i32>} : memref<32x1024xf32, #tpu.memory_space<vmem>>, vector<1x16xf32>,
        %add3A_1201 = arith.constant 16 : i32
        %add3A_1202 = arith.addi %mul3A_510, %add3A_1201 : i32
        %get3A_1203 = arith.index_cast %add3A_1188 : i32 to index
        %get3A_1204 = arith.index_cast %add3A_1202 : i32 to index
        %get3A_1205 = tpu.vector_load %arg8[%get3A_1203, %get3A_1204] {strides = array<i32>} : memref<32x1024xf32, #tpu.memory_space<vmem>>, vector<1x16xf32>,
        %get3A_1206 = vector.shape_cast %get3A_1205 : vector<1x16xf32> to vector<16xf32>
        %add3A_1207 = arith.addf %get3A_1206, %get3A_521 : vector<16xf32>
        %swap3A_1208 = arith.index_cast %add3A_1188 : i32 to index
        %swap3A_1209 = arith.index_cast %add3A_1202 : i32 to index
        %swap3A_1210 = tpu.vector_load %arg8[%swap3A_1208, %swap3A_1209] {strides = array<i32>} : memref<32x1024xf32, #tpu.memory_space<vmem>>, vector<1x16xf32>,
        %swap3A_1211 = vector.shape_cast %swap3A_1210 : vector<1x16xf32> to vector<16xf32>
        %swap3A_1212 = vector.shape_cast %add3A_1207 : vector<16xf32> to vector<1x16xf32>
        tpu.vector_store %arg8[%swap3A_1208, %swap3A_1209], %swap3A_1212 {strides = array<i32>} : memref<32x1024xf32, #tpu.memory_space<vmem>>, vector<1x16xf32>,
        %add3A_1213 = arith.constant 32 : i32
        %add3A_1214 = arith.addi %mul3A_510, %add3A_1213 : i32
        %get3A_1215 = arith.index_cast %add3A_1188 : i32 to index
        %get3A_1216 = arith.index_cast %add3A_1214 : i32 to index
        %get3A_1217 = tpu.vector_load %arg8[%get3A_1215, %get3A_1216] {strides = array<i32>} : memref<32x1024xf32, #tpu.memory_space<vmem>>, vector<1x16xf32>,
        %get3A_1218 = vector.shape_cast %get3A_1217 : vector<1x16xf32> to vector<16xf32>
        %add3A_1219 = arith.addf %get3A_1218, %get3A_527 : vector<16xf32>
        %swap3A_1220 = arith.index_cast %add3A_1188 : i32 to index
        %swap3A_1221 = arith.index_cast %add3A_1214 : i32 to index
        %swap3A_1222 = tpu.vector_load %arg8[%swap3A_1220, %swap3A_1221] {strides = array<i32>} : memref<32x1024xf32, #tpu.memory_space<vmem>>, vector<1x16xf32>,
        %swap3A_1223 = vector.shape_cast %swap3A_1222 : vector<1x16xf32> to vector<16xf32>
        %swap3A_1224 = vector.shape_cast %add3A_1219 : vector<16xf32> to vector<1x16xf32>
        tpu.vector_store %arg8[%swap3A_1220, %swap3A_1221], %swap3A_1224 {strides = array<i32>} : memref<32x1024xf32, #tpu.memory_space<vmem>>, vector<1x16xf32>,
        %add3A_1225 = arith.constant 48 : i32
        %add3A_1226 = arith.addi %mul3A_510, %add3A_1225 : i32
        %get3A_1227 = arith.index_cast %add3A_1188 : i32 to index
        %get3A_1228 = arith.index_cast %add3A_1226 : i32 to index
        %get3A_1229 = tpu.vector_load %arg8[%get3A_1227, %get3A_1228] {strides = array<i32>} : memref<32x1024xf32, #tpu.memory_space<vmem>>, vector<1x16xf32>,
        %get3A_1230 = vector.shape_cast %get3A_1229 : vector<1x16xf32> to vector<16xf32>
        %add3A_1231 = arith.addf %get3A_1230, %get3A_533 : vector<16xf32>
        %swap3A_1232 = arith.index_cast %add3A_1188 : i32 to index
        %swap3A_1233 = arith.index_cast %add3A_1226 : i32 to index
        %swap3A_1234 = tpu.vector_load %arg8[%swap3A_1232, %swap3A_1233] {strides = array<i32>} : memref<32x1024xf32, #tpu.memory_space<vmem>>, vector<1x16xf32>,
        %swap3A_1235 = vector.shape_cast %swap3A_1234 : vector<1x16xf32> to vector<16xf32>
        %swap3A_1236 = vector.shape_cast %add3A_1231 : vector<16xf32> to vector<1x16xf32>
        tpu.vector_store %arg8[%swap3A_1232, %swap3A_1233], %swap3A_1236 {strides = array<i32>} : memref<32x1024xf32, #tpu.memory_space<vmem>>, vector<1x16xf32>,
        %add3A_1237 = arith.constant 64 : i32
        %add3A_1238 = arith.addi %mul3A_510, %add3A_1237 : i32
        %get3A_1239 = arith.index_cast %add3A_1188 : i32 to index
        %get3A_1240 = arith.index_cast %add3A_1238 : i32 to index
        %get3A_1241 = tpu.vector_load %arg8[%get3A_1239, %get3A_1240] {strides = array<i32>} : memref<32x1024xf32, #tpu.memory_space<vmem>>, vector<1x16xf32>,
        %get3A_1242 = vector.shape_cast %get3A_1241 : vector<1x16xf32> to vector<16xf32>
        %add3A_1243 = arith.addf %get3A_1242, %get3A_539 : vector<16xf32>
        %swap3A_1244 = arith.index_cast %add3A_1188 : i32 to index
        %swap3A_1245 = arith.index_cast %add3A_1238 : i32 to index
        %swap3A_1246 = tpu.vector_load %arg8[%swap3A_1244, %swap3A_1245] {strides = array<i32>} : memref<32x1024xf32, #tpu.memory_space<vmem>>, vector<1x16xf32>,
        %swap3A_1247 = vector.shape_cast %swap3A_1246 : vector<1x16xf32> to vector<16xf32>
        %swap3A_1248 = vector.shape_cast %add3A_1243 : vector<16xf32> to vector<1x16xf32>
        tpu.vector_store %arg8[%swap3A_1244, %swap3A_1245], %swap3A_1248 {strides = array<i32>} : memref<32x1024xf32, #tpu.memory_space<vmem>>, vector<1x16xf32>,
        %add3A_1249 = arith.constant 80 : i32
        %add3A_1250 = arith.addi %mul3A_510, %add3A_1249 : i32
        %get3A_1251 = arith.index_cast %add3A_1188 : i32 to index
        %get3A_1252 = arith.index_cast %add3A_1250 : i32 to index
        %get3A_1253 = tpu.vector_load %arg8[%get3A_1251, %get3A_1252] {strides = array<i32>} : memref<32x1024xf32, #tpu.memory_space<vmem>>, vector<1x16xf32>,
        %get3A_1254 = vector.shape_cast %get3A_1253 : vector<1x16xf32> to vector<16xf32>
        %add3A_1255 = arith.addf %get3A_1254, %get3A_545 : vector<16xf32>
        %swap3A_1256 = arith.index_cast %add3A_1188 : i32 to index
        %swap3A_1257 = arith.index_cast %add3A_1250 : i32 to index
        %swap3A_1258 = tpu.vector_load %arg8[%swap3A_1256, %swap3A_1257] {strides = array<i32>} : memref<32x1024xf32, #tpu.memory_space<vmem>>, vector<1x16xf32>,
        %swap3A_1259 = vector.shape_cast %swap3A_1258 : vector<1x16xf32> to vector<16xf32>
        %swap3A_1260 = vector.shape_cast %add3A_1255 : vector<16xf32> to vector<1x16xf32>
        tpu.vector_store %arg8[%swap3A_1256, %swap3A_1257], %swap3A_1260 {strides = array<i32>} : memref<32x1024xf32, #tpu.memory_space<vmem>>, vector<1x16xf32>,
        %add3A_1261 = arith.constant 96 : i32
        %add3A_1262 = arith.addi %mul3A_510, %add3A_1261 : i32
        %get3A_1263 = arith.index_cast %add3A_1188 : i32 to index
        %get3A_1264 = arith.index_cast %add3A_1262 : i32 to index
        %get3A_1265 = tpu.vector_load %arg8[%get3A_1263, %get3A_1264] {strides = array<i32>} : memref<32x1024xf32, #tpu.memory_space<vmem>>, vector<1x16xf32>,
        %get3A_1266 = vector.shape_cast %get3A_1265 : vector<1x16xf32> to vector<16xf32>
        %add3A_1267 = arith.addf %get3A_1266, %get3A_551 : vector<16xf32>
        %swap3A_1268 = arith.index_cast %add3A_1188 : i32 to index
        %swap3A_1269 = arith.index_cast %add3A_1262 : i32 to index
        %swap3A_1270 = tpu.vector_load %arg8[%swap3A_1268, %swap3A_1269] {strides = array<i32>} : memref<32x1024xf32, #tpu.memory_space<vmem>>, vector<1x16xf32>,
        %swap3A_1271 = vector.shape_cast %swap3A_1270 : vector<1x16xf32> to vector<16xf32>
        %swap3A_1272 = vector.shape_cast %add3A_1267 : vector<16xf32> to vector<1x16xf32>
        tpu.vector_store %arg8[%swap3A_1268, %swap3A_1269], %swap3A_1272 {strides = array<i32>} : memref<32x1024xf32, #tpu.memory_space<vmem>>, vector<1x16xf32>,
        %add3A_1273 = arith.constant 112 : i32
        %add3A_1274 = arith.addi %mul3A_510, %add3A_1273 : i32
        %get3A_1275 = arith.index_cast %add3A_1188 : i32 to index
        %get3A_1276 = arith.index_cast %add3A_1274 : i32 to index
        %get3A_1277 = tpu.vector_load %arg8[%get3A_1275, %get3A_1276] {strides = array<i32>} : memref<32x1024xf32, #tpu.memory_space<vmem>>, vector<1x16xf32>,
        %get3A_1278 = vector.shape_cast %get3A_1277 : vector<1x16xf32> to vector<16xf32>
        %add3A_1279 = arith.addf %get3A_1278, %get3A_557 : vector<16xf32>
        %swap3A_1280 = arith.index_cast %add3A_1188 : i32 to index
        %swap3A_1281 = arith.index_cast %add3A_1274 : i32 to index
        %swap3A_1282 = tpu.vector_load %arg8[%swap3A_1280, %swap3A_1281] {strides = array<i32>} : memref<32x1024xf32, #tpu.memory_space<vmem>>, vector<1x16xf32>,
        %swap3A_1283 = vector.shape_cast %swap3A_1282 : vector<1x16xf32> to vector<16xf32>
        %swap3A_1284 = vector.shape_cast %add3A_1279 : vector<16xf32> to vector<1x16xf32>
        tpu.vector_store %arg8[%swap3A_1280, %swap3A_1281], %swap3A_1284 {strides = array<i32>} : memref<32x1024xf32, #tpu.memory_space<vmem>>, vector<1x16xf32>,
        %add3A_1285 = arith.constant 128 : i32
        %add3A_1286 = arith.addi %mul3A_510, %add3A_1285 : i32
        %get3A_1287 = arith.index_cast %add3A_1188 : i32 to index
        %get3A_1288 = arith.index_cast %add3A_1286 : i32 to index
        %get3A_1289 = tpu.vector_load %arg8[%get3A_1287, %get3A_1288] {strides = array<i32>} : memref<32x1024xf32, #tpu.memory_space<vmem>>, vector<1x16xf32>,
        %get3A_1290 = vector.shape_cast %get3A_1289 : vector<1x16xf32> to vector<16xf32>
        %add3A_1291 = arith.addf %get3A_1290, %get3A_563 : vector<16xf32>
        %swap3A_1292 = arith.index_cast %add3A_1188 : i32 to index
        %swap3A_1293 = arith.index_cast %add3A_1286 : i32 to index
        %swap3A_1294 = tpu.vector_load %arg8[%swap3A_1292, %swap3A_1293] {strides = array<i32>} : memref<32x1024xf32, #tpu.memory_space<vmem>>, vector<1x16xf32>,
        %swap3A_1295 = vector.shape_cast %swap3A_1294 : vector<1x16xf32> to vector<16xf32>
        %swap3A_1296 = vector.shape_cast %add3A_1291 : vector<16xf32> to vector<1x16xf32>
        tpu.vector_store %arg8[%swap3A_1292, %swap3A_1293], %swap3A_1296 {strides = array<i32>} : memref<32x1024xf32, #tpu.memory_space<vmem>>, vector<1x16xf32>,
        %add3A_1297 = arith.constant 144 : i32
        %add3A_1298 = arith.addi %mul3A_510, %add3A_1297 : i32
        %get3A_1299 = arith.index_cast %add3A_1188 : i32 to index
        %get3A_1300 = arith.index_cast %add3A_1298 : i32 to index
        %get3A_1301 = tpu.vector_load %arg8[%get3A_1299, %get3A_1300] {strides = array<i32>} : memref<32x1024xf32, #tpu.memory_space<vmem>>, vector<1x16xf32>,
        %get3A_1302 = vector.shape_cast %get3A_1301 : vector<1x16xf32> to vector<16xf32>
        %add3A_1303 = arith.addf %get3A_1302, %get3A_569 : vector<16xf32>
        %swap3A_1304 = arith.index_cast %add3A_1188 : i32 to index
        %swap3A_1305 = arith.index_cast %add3A_1298 : i32 to index
        %swap3A_1306 = tpu.vector_load %arg8[%swap3A_1304, %swap3A_1305] {strides = array<i32>} : memref<32x1024xf32, #tpu.memory_space<vmem>>, vector<1x16xf32>,
        %swap3A_1307 = vector.shape_cast %swap3A_1306 : vector<1x16xf32> to vector<16xf32>
        %swap3A_1308 = vector.shape_cast %add3A_1303 : vector<16xf32> to vector<1x16xf32>
        tpu.vector_store %arg8[%swap3A_1304, %swap3A_1305], %swap3A_1308 {strides = array<i32>} : memref<32x1024xf32, #tpu.memory_space<vmem>>, vector<1x16xf32>,
        %add3A_1309 = arith.constant 160 : i32
        %add3A_1310 = arith.addi %mul3A_510, %add3A_1309 : i32
        %get3A_1311 = arith.index_cast %add3A_1188 : i32 to index
        %get3A_1312 = arith.index_cast %add3A_1310 : i32 to index
        %get3A_1313 = tpu.vector_load %arg8[%get3A_1311, %get3A_1312] {strides = array<i32>} : memref<32x1024xf32, #tpu.memory_space<vmem>>, vector<1x16xf32>,
        %get3A_1314 = vector.shape_cast %get3A_1313 : vector<1x16xf32> to vector<16xf32>
        %add3A_1315 = arith.addf %get3A_1314, %get3A_575 : vector<16xf32>
        %swap3A_1316 = arith.index_cast %add3A_1188 : i32 to index
        %swap3A_1317 = arith.index_cast %add3A_1310 : i32 to index
        %swap3A_1318 = tpu.vector_load %arg8[%swap3A_1316, %swap3A_1317] {strides = array<i32>} : memref<32x1024xf32, #tpu.memory_space<vmem>>, vector<1x16xf32>,
        %swap3A_1319 = vector.shape_cast %swap3A_1318 : vector<1x16xf32> to vector<16xf32>
        %swap3A_1320 = vector.shape_cast %add3A_1315 : vector<16xf32> to vector<1x16xf32>
        tpu.vector_store %arg8[%swap3A_1316, %swap3A_1317], %swap3A_1320 {strides = array<i32>} : memref<32x1024xf32, #tpu.memory_space<vmem>>, vector<1x16xf32>,
        %add3A_1321 = arith.constant 176 : i32
        %add3A_1322 = arith.addi %mul3A_510, %add3A_1321 : i32
        %get3A_1323 = arith.index_cast %add3A_1188 : i32 to index
        %get3A_1324 = arith.index_cast %add3A_1322 : i32 to index
        %get3A_1325 = tpu.vector_load %arg8[%get3A_1323, %get3A_1324] {strides = array<i32>} : memref<32x1024xf32, #tpu.memory_space<vmem>>, vector<1x16xf32>,
        %get3A_1326 = vector.shape_cast %get3A_1325 : vector<1x16xf32> to vector<16xf32>
        %add3A_1327 = arith.addf %get3A_1326, %get3A_581 : vector<16xf32>
        %swap3A_1328 = arith.index_cast %add3A_1188 : i32 to index
        %swap3A_1329 = arith.index_cast %add3A_1322 : i32 to index
        %swap3A_1330 = tpu.vector_load %arg8[%swap3A_1328, %swap3A_1329] {strides = array<i32>} : memref<32x1024xf32, #tpu.memory_space<vmem>>, vector<1x16xf32>,
        %swap3A_1331 = vector.shape_cast %swap3A_1330 : vector<1x16xf32> to vector<16xf32>
        %swap3A_1332 = vector.shape_cast %add3A_1327 : vector<16xf32> to vector<1x16xf32>
        tpu.vector_store %arg8[%swap3A_1328, %swap3A_1329], %swap3A_1332 {strides = array<i32>} : memref<32x1024xf32, #tpu.memory_space<vmem>>, vector<1x16xf32>,
        %add3A_1333 = arith.constant 192 : i32
        %add3A_1334 = arith.addi %mul3A_510, %add3A_1333 : i32
        %get3A_1335 = arith.index_cast %add3A_1188 : i32 to index
        %get3A_1336 = arith.index_cast %add3A_1334 : i32 to index
        %get3A_1337 = tpu.vector_load %arg8[%get3A_1335, %get3A_1336] {strides = array<i32>} : memref<32x1024xf32, #tpu.memory_space<vmem>>, vector<1x16xf32>,
        %get3A_1338 = vector.shape_cast %get3A_1337 : vector<1x16xf32> to vector<16xf32>
        %add3A_1339 = arith.addf %get3A_1338, %get3A_587 : vector<16xf32>
        %swap3A_1340 = arith.index_cast %add3A_1188 : i32 to index
        %swap3A_1341 = arith.index_cast %add3A_1334 : i32 to index
        %swap3A_1342 = tpu.vector_load %arg8[%swap3A_1340, %swap3A_1341] {strides = array<i32>} : memref<32x1024xf32, #tpu.memory_space<vmem>>, vector<1x16xf32>,
        %swap3A_1343 = vector.shape_cast %swap3A_1342 : vector<1x16xf32> to vector<16xf32>
        %swap3A_1344 = vector.shape_cast %add3A_1339 : vector<16xf32> to vector<1x16xf32>
        tpu.vector_store %arg8[%swap3A_1340, %swap3A_1341], %swap3A_1344 {strides = array<i32>} : memref<32x1024xf32, #tpu.memory_space<vmem>>, vector<1x16xf32>,
        %add3A_1345 = arith.constant 208 : i32
        %add3A_1346 = arith.addi %mul3A_510, %add3A_1345 : i32
        %get3A_1347 = arith.index_cast %add3A_1188 : i32 to index
        %get3A_1348 = arith.index_cast %add3A_1346 : i32 to index
        %get3A_1349 = tpu.vector_load %arg8[%get3A_1347, %get3A_1348] {strides = array<i32>} : memref<32x1024xf32, #tpu.memory_space<vmem>>, vector<1x16xf32>,
        %get3A_1350 = vector.shape_cast %get3A_1349 : vector<1x16xf32> to vector<16xf32>
        %add3A_1351 = arith.addf %get3A_1350, %get3A_593 : vector<16xf32>
        %swap3A_1352 = arith.index_cast %add3A_1188 : i32 to index
        %swap3A_1353 = arith.index_cast %add3A_1346 : i32 to index
        %swap3A_1354 = tpu.vector_load %arg8[%swap3A_1352, %swap3A_1353] {strides = array<i32>} : memref<32x1024xf32, #tpu.memory_space<vmem>>, vector<1x16xf32>,
        %swap3A_1355 = vector.shape_cast %swap3A_1354 : vector<1x16xf32> to vector<16xf32>
        %swap3A_1356 = vector.shape_cast %add3A_1351 : vector<16xf32> to vector<1x16xf32>
        tpu.vector_store %arg8[%swap3A_1352, %swap3A_1353], %swap3A_1356 {strides = array<i32>} : memref<32x1024xf32, #tpu.memory_space<vmem>>, vector<1x16xf32>,
        %add3A_1357 = arith.constant 224 : i32
        %add3A_1358 = arith.addi %mul3A_510, %add3A_1357 : i32
        %get3A_1359 = arith.index_cast %add3A_1188 : i32 to index
        %get3A_1360 = arith.index_cast %add3A_1358 : i32 to index
        %get3A_1361 = tpu.vector_load %arg8[%get3A_1359, %get3A_1360] {strides = array<i32>} : memref<32x1024xf32, #tpu.memory_space<vmem>>, vector<1x16xf32>,
        %get3A_1362 = vector.shape_cast %get3A_1361 : vector<1x16xf32> to vector<16xf32>
        %add3A_1363 = arith.addf %get3A_1362, %get3A_599 : vector<16xf32>
        %swap3A_1364 = arith.index_cast %add3A_1188 : i32 to index
        %swap3A_1365 = arith.index_cast %add3A_1358 : i32 to index
        %swap3A_1366 = tpu.vector_load %arg8[%swap3A_1364, %swap3A_1365] {strides = array<i32>} : memref<32x1024xf32, #tpu.memory_space<vmem>>, vector<1x16xf32>,
        %swap3A_1367 = vector.shape_cast %swap3A_1366 : vector<1x16xf32> to vector<16xf32>
        %swap3A_1368 = vector.shape_cast %add3A_1363 : vector<16xf32> to vector<1x16xf32>
        tpu.vector_store %arg8[%swap3A_1364, %swap3A_1365], %swap3A_1368 {strides = array<i32>} : memref<32x1024xf32, #tpu.memory_space<vmem>>, vector<1x16xf32>,
        %add3A_1369 = arith.constant 240 : i32
        %add3A_1370 = arith.addi %mul3A_510, %add3A_1369 : i32
        %get3A_1371 = arith.index_cast %add3A_1188 : i32 to index
        %get3A_1372 = arith.index_cast %add3A_1370 : i32 to index
        %get3A_1373 = tpu.vector_load %arg8[%get3A_1371, %get3A_1372] {strides = array<i32>} : memref<32x1024xf32, #tpu.memory_space<vmem>>, vector<1x16xf32>,
        %get3A_1374 = vector.shape_cast %get3A_1373 : vector<1x16xf32> to vector<16xf32>
        %add3A_1375 = arith.addf %get3A_1374, %get3A_605 : vector<16xf32>
        %swap3A_1376 = arith.index_cast %add3A_1188 : i32 to index
        %swap3A_1377 = arith.index_cast %add3A_1370 : i32 to index
        %swap3A_1378 = tpu.vector_load %arg8[%swap3A_1376, %swap3A_1377] {strides = array<i32>} : memref<32x1024xf32, #tpu.memory_space<vmem>>, vector<1x16xf32>,
        %swap3A_1379 = vector.shape_cast %swap3A_1378 : vector<1x16xf32> to vector<16xf32>
        %swap3A_1380 = vector.shape_cast %add3A_1375 : vector<16xf32> to vector<1x16xf32>
        tpu.vector_store %arg8[%swap3A_1376, %swap3A_1377], %swap3A_1380 {strides = array<i32>} : memref<32x1024xf32, #tpu.memory_space<vmem>>, vector<1x16xf32>,
      }
      %scan3A_322 = arith.constant 32 : i32
      %add3A_323 = arith.constant 0 : i32
      %add3A_324 = arith.addi %add3A_323, %mul3A_2 : i32
      %mul3A_325 = arith.constant 8 : i32
      %mul3A_326 = arith.muli %add3A_292, %mul3A_325 : i32
      %add3A_327 = arith.addi %add3A_324, %mul3A_326 : i32
      %dma_start3A_328 = arith.constant 0 : i32
      %dma_start3A_329 = arith.constant 0 : i32
      %dma_start3A_330 = tpu.memref_slice %arg8[%dma_start3A_328, %dma_start3A_329] : memref<32x1024xf32, #tpu.memory_space<vmem>> -> memref<8x1024xf32, #tpu.memory_space<vmem>>
      %dma_start3A_331 = arith.constant 0 : i32
      %dma_start3A_332 = tpu.memref_slice %arg5[%add3A_327, %dma_start3A_331] : memref<16384x1024xf32, #tpu.memory_space<hbm>> -> memref<8x1024xf32, #tpu.memory_space<hbm>>
      %dma_start3A_333 = arith.constant 0 : i32
      %dma_start3A_334 = tpu.memref_slice %arg5[%add3A_327, %dma_start3A_333] : memref<16384x1024xf32, #tpu.memory_space<hbm>> -> memref<8x1024xf32, #tpu.memory_space<hbm>>
      %dma_start3A_335 = arith.constant 0 : i32
      %dma_start3A_336 = arith.constant 0 : i32
      %dma_start3A_337 = tpu.memref_slice %arg8[%dma_start3A_335, %dma_start3A_336] : memref<32x1024xf32, #tpu.memory_space<vmem>> -> memref<8x1024xf32, #tpu.memory_space<vmem>>
      tpu.enqueue_dma source(%dma_start3A_337 : memref<8x1024xf32, #tpu.memory_space<vmem>>) target(%dma_start3A_334 : memref<8x1024xf32, #tpu.memory_space<hbm>>) target_semaphore(%arg20 : memref<!tpu.dma_semaphore, #tpu.memory_space<semaphore_mem>>)
      %add3A_338 = arith.constant 4096 : i32
      %add3A_339 = arith.addi %add3A_338, %mul3A_2 : i32
      %mul3A_340 = arith.constant 8 : i32
      %mul3A_341 = arith.muli %add3A_292, %mul3A_340 : i32
      %add3A_342 = arith.addi %add3A_339, %mul3A_341 : i32
      %dma_start3A_343 = arith.constant 8 : i32
      %dma_start3A_344 = arith.constant 0 : i32
      %dma_start3A_345 = tpu.memref_slice %arg8[%dma_start3A_343, %dma_start3A_344] : memref<32x1024xf32, #tpu.memory_space<vmem>> -> memref<8x1024xf32, #tpu.memory_space<vmem>>
      %dma_start3A_346 = arith.constant 0 : i32
      %dma_start3A_347 = tpu.memref_slice %arg5[%add3A_342, %dma_start3A_346] : memref<16384x1024xf32, #tpu.memory_space<hbm>> -> memref<8x1024xf32, #tpu.memory_space<hbm>>
      %dma_start3A_348 = arith.constant 0 : i32
      %dma_start3A_349 = tpu.memref_slice %arg5[%add3A_342, %dma_start3A_348] : memref<16384x1024xf32, #tpu.memory_space<hbm>> -> memref<8x1024xf32, #tpu.memory_space<hbm>>
      %dma_start3A_350 = arith.constant 8 : i32
      %dma_start3A_351 = arith.constant 0 : i32
      %dma_start3A_352 = tpu.memref_slice %arg8[%dma_start3A_350, %dma_start3A_351] : memref<32x1024xf32, #tpu.memory_space<vmem>> -> memref<8x1024xf32, #tpu.memory_space<vmem>>
      tpu.enqueue_dma source(%dma_start3A_352 : memref<8x1024xf32, #tpu.memory_space<vmem>>) target(%dma_start3A_349 : memref<8x1024xf32, #tpu.memory_space<hbm>>) target_semaphore(%arg20 : memref<!tpu.dma_semaphore, #tpu.memory_space<semaphore_mem>>)
      %add3A_353 = arith.constant 8192 : i32
      %add3A_354 = arith.addi %add3A_353, %mul3A_2 : i32
      %mul3A_355 = arith.constant 8 : i32
      %mul3A_356 = arith.muli %add3A_292, %mul3A_355 : i32
      %add3A_357 = arith.addi %add3A_354, %mul3A_356 : i32
      %dma_start3A_358 = arith.constant 16 : i32
      %dma_start3A_359 = arith.constant 0 : i32
      %dma_start3A_360 = tpu.memref_slice %arg8[%dma_start3A_358, %dma_start3A_359] : memref<32x1024xf32, #tpu.memory_space<vmem>> -> memref<8x1024xf32, #tpu.memory_space<vmem>>
      %dma_start3A_361 = arith.constant 0 : i32
      %dma_start3A_362 = tpu.memref_slice %arg5[%add3A_357, %dma_start3A_361] : memref<16384x1024xf32, #tpu.memory_space<hbm>> -> memref<8x1024xf32, #tpu.memory_space<hbm>>
      %dma_start3A_363 = arith.constant 0 : i32
      %dma_start3A_364 = tpu.memref_slice %arg5[%add3A_357, %dma_start3A_363] : memref<16384x1024xf32, #tpu.memory_space<hbm>> -> memref<8x1024xf32, #tpu.memory_space<hbm>>
      %dma_start3A_365 = arith.constant 16 : i32
      %dma_start3A_366 = arith.constant 0 : i32
      %dma_start3A_367 = tpu.memref_slice %arg8[%dma_start3A_365, %dma_start3A_366] : memref<32x1024xf32, #tpu.memory_space<vmem>> -> memref<8x1024xf32, #tpu.memory_space<vmem>>
      tpu.enqueue_dma source(%dma_start3A_367 : memref<8x1024xf32, #tpu.memory_space<vmem>>) target(%dma_start3A_364 : memref<8x1024xf32, #tpu.memory_space<hbm>>) target_semaphore(%arg20 : memref<!tpu.dma_semaphore, #tpu.memory_space<semaphore_mem>>)
      %add3A_368 = arith.constant 12288 : i32
      %add3A_369 = arith.addi %add3A_368, %mul3A_2 : i32
      %mul3A_370 = arith.constant 8 : i32
      %mul3A_371 = arith.muli %add3A_292, %mul3A_370 : i32
      %add3A_372 = arith.addi %add3A_369, %mul3A_371 : i32
      %dma_start3A_373 = arith.constant 24 : i32
      %dma_start3A_374 = arith.constant 0 : i32
      %dma_start3A_375 = tpu.memref_slice %arg8[%dma_start3A_373, %dma_start3A_374] : memref<32x1024xf32, #tpu.memory_space<vmem>> -> memref<8x1024xf32, #tpu.memory_space<vmem>>
      %dma_start3A_376 = arith.constant 0 : i32
      %dma_start3A_377 = tpu.memref_slice %arg5[%add3A_372, %dma_start3A_376] : memref<16384x1024xf32, #tpu.memory_space<hbm>> -> memref<8x1024xf32, #tpu.memory_space<hbm>>
      %dma_start3A_378 = arith.constant 0 : i32
      %dma_start3A_379 = tpu.memref_slice %arg5[%add3A_372, %dma_start3A_378] : memref<16384x1024xf32, #tpu.memory_space<hbm>> -> memref<8x1024xf32, #tpu.memory_space<hbm>>
      %dma_start3A_380 = arith.constant 24 : i32
      %dma_start3A_381 = arith.constant 0 : i32
      %dma_start3A_382 = tpu.memref_slice %arg8[%dma_start3A_380, %dma_start3A_381] : memref<32x1024xf32, #tpu.memory_space<vmem>> -> memref<8x1024xf32, #tpu.memory_space<vmem>>
      tpu.enqueue_dma source(%dma_start3A_382 : memref<8x1024xf32, #tpu.memory_space<vmem>>) target(%dma_start3A_379 : memref<8x1024xf32, #tpu.memory_space<hbm>>) target_semaphore(%arg20 : memref<!tpu.dma_semaphore, #tpu.memory_space<semaphore_mem>>)
      %mul3A_383 = arith.constant 3 : i32
      %mul3A_384 = arith.muli %scan3A_198, %mul3A_383 : i32
      %add3A_385 = arith.constant 2 : i32
      %add3A_386 = arith.addi %mul3A_384, %add3A_385 : i32
      %ge3A_387 = arith.constant 2 : i32
      %ge3A_388 = arith.cmpi sge, %add3A_386, %ge3A_387 : i32
      %convert_element_type3A_389 = arith.extui %ge3A_388 : i1 to i32
      %cond3A_390 = arith.constant 0 : i32
      %cond3A_391 = arith.cmpi ne, %convert_element_type3A_389, %cond3A_390 : i32
      scf.if %cond3A_391 {
        %dma_wait3A_477 = arith.constant 0 : i32
        %dma_wait3A_478 = arith.constant 0 : i32
        %dma_wait3A_479 = tpu.memref_slice %arg3[%dma_wait3A_477, %dma_wait3A_478] : memref<100000x1024xf32, #tpu.memory_space<hbm>> -> memref<32x1024xf32, #tpu.memory_space<hbm>>
        %dma_wait3A_480 = arith.constant 0 : i32
        %dma_wait3A_481 = arith.constant 0 : i32
        %dma_wait3A_482 = tpu.memref_slice %arg3[%dma_wait3A_480, %dma_wait3A_481] : memref<100000x1024xf32, #tpu.memory_space<hbm>> -> memref<32x1024xf32, #tpu.memory_space<hbm>>
        tpu.wait_dma2 semaphore(%arg19 : memref<!tpu.dma_semaphore, #tpu.memory_space<semaphore_mem>>) src(%dma_wait3A_482 : memref<32x1024xf32, #tpu.memory_space<hbm>>) dst(%arg7 : memref<32x1024xf32, #tpu.memory_space<vmem>>)
      } else {
      }
      %add3A_392 = arith.constant 1 : i32
      %add3A_393 = arith.addi %add3A_386, %add3A_392 : i32
      %lt3A_394 = arith.constant 16 : i32
      %lt3A_395 = arith.cmpi slt, %add3A_393, %lt3A_394 : i32
      %convert_element_type3A_396 = arith.extui %lt3A_395 : i1 to i32
      %cond3A_397 = arith.constant 0 : i32
      %cond3A_398 = arith.cmpi ne, %convert_element_type3A_396, %cond3A_397 : i32
      scf.if %cond3A_398 {
        %add3A_477 = arith.constant 1 : i32
        %add3A_478 = arith.addi %add3A_386, %add3A_477 : i32
        %mul3A_479 = arith.constant 8 : i32
        %mul3A_480 = arith.muli %add3A_478, %mul3A_479 : i32
        %dma_start3A_481 = arith.constant 0 : i32
        %dma_start3A_482 = arith.constant 0 : i32
        %dma_start3A_483 = arith.constant 0 : i32
        %dma_start3A_484 = tpu.memref_slice %arg7[%dma_start3A_482, %dma_start3A_483] : memref<32x1024xf32, #tpu.memory_space<vmem>> -> memref<8x1024xf32, #tpu.memory_space<vmem>>
        %dma_start3A_485 = tpu.memref_slice %arg6[%dma_start3A_481, %mul3A_480] : memref<4x128xi32, #tpu.memory_space<vmem>> -> memref<1x8xi32, #tpu.memory_space<vmem>>
        %dma_start3A_486 = tpu.memref_squeeze %dma_start3A_485 : memref<1x8xi32, #tpu.memory_space<vmem>> -> memref<8xi32, #tpu.memory_space<vmem>>
        %dma_start3A_487 = arith.constant 0 : i32
        %dma_start3A_488 = arith.constant 0 : i32
        %dma_start3A_489 = tpu.memref_slice %arg3[%dma_start3A_487, %dma_start3A_488] : memref<100000x1024xf32, #tpu.memory_space<hbm>> -> memref<100000x1024xf32, #tpu.memory_space<hbm>>
        tpu.enqueue_indirect_dma source(%dma_start3A_489 : memref<100000x1024xf32, #tpu.memory_space<hbm>>) target(%dma_start3A_484 : memref<8x1024xf32, #tpu.memory_space<vmem>>) offsets(%dma_start3A_486 : memref<8xi32, #tpu.memory_space<vmem>>) semaphore(%arg13 : memref<!tpu.dma_semaphore, #tpu.memory_space<semaphore_mem>>)
        %mul3A_490 = arith.constant 8 : i32
        %mul3A_491 = arith.muli %add3A_478, %mul3A_490 : i32
        %dma_start3A_492 = arith.constant 1 : i32
        %dma_start3A_493 = arith.constant 8 : i32
        %dma_start3A_494 = arith.constant 0 : i32
        %dma_start3A_495 = tpu.memref_slice %arg7[%dma_start3A_493, %dma_start3A_494] : memref<32x1024xf32, #tpu.memory_space<vmem>> -> memref<8x1024xf32, #tpu.memory_space<vmem>>
        %dma_start3A_496 = tpu.memref_slice %arg6[%dma_start3A_492, %mul3A_491] : memref<4x128xi32, #tpu.memory_space<vmem>> -> memref<1x8xi32, #tpu.memory_space<vmem>>
        %dma_start3A_497 = tpu.memref_squeeze %dma_start3A_496 : memref<1x8xi32, #tpu.memory_space<vmem>> -> memref<8xi32, #tpu.memory_space<vmem>>
        %dma_start3A_498 = arith.constant 0 : i32
        %dma_start3A_499 = arith.constant 0 : i32
        %dma_start3A_500 = tpu.memref_slice %arg3[%dma_start3A_498, %dma_start3A_499] : memref<100000x1024xf32, #tpu.memory_space<hbm>> -> memref<100000x1024xf32, #tpu.memory_space<hbm>>
        tpu.enqueue_indirect_dma source(%dma_start3A_500 : memref<100000x1024xf32, #tpu.memory_space<hbm>>) target(%dma_start3A_495 : memref<8x1024xf32, #tpu.memory_space<vmem>>) offsets(%dma_start3A_497 : memref<8xi32, #tpu.memory_space<vmem>>) semaphore(%arg13 : memref<!tpu.dma_semaphore, #tpu.memory_space<semaphore_mem>>)
        %mul3A_501 = arith.constant 8 : i32
        %mul3A_502 = arith.muli %add3A_478, %mul3A_501 : i32
        %dma_start3A_503 = arith.constant 2 : i32
        %dma_start3A_504 = arith.constant 16 : i32
        %dma_start3A_505 = arith.constant 0 : i32
        %dma_start3A_506 = tpu.memref_slice %arg7[%dma_start3A_504, %dma_start3A_505] : memref<32x1024xf32, #tpu.memory_space<vmem>> -> memref<8x1024xf32, #tpu.memory_space<vmem>>
        %dma_start3A_507 = tpu.memref_slice %arg6[%dma_start3A_503, %mul3A_502] : memref<4x128xi32, #tpu.memory_space<vmem>> -> memref<1x8xi32, #tpu.memory_space<vmem>>
        %dma_start3A_508 = tpu.memref_squeeze %dma_start3A_507 : memref<1x8xi32, #tpu.memory_space<vmem>> -> memref<8xi32, #tpu.memory_space<vmem>>
        %dma_start3A_509 = arith.constant 0 : i32
        %dma_start3A_510 = arith.constant 0 : i32
        %dma_start3A_511 = tpu.memref_slice %arg3[%dma_start3A_509, %dma_start3A_510] : memref<100000x1024xf32, #tpu.memory_space<hbm>> -> memref<100000x1024xf32, #tpu.memory_space<hbm>>
        tpu.enqueue_indirect_dma source(%dma_start3A_511 : memref<100000x1024xf32, #tpu.memory_space<hbm>>) target(%dma_start3A_506 : memref<8x1024xf32, #tpu.memory_space<vmem>>) offsets(%dma_start3A_508 : memref<8xi32, #tpu.memory_space<vmem>>) semaphore(%arg13 : memref<!tpu.dma_semaphore, #tpu.memory_space<semaphore_mem>>)
        %mul3A_512 = arith.constant 8 : i32
        %mul3A_513 = arith.muli %add3A_478, %mul3A_512 : i32
        %dma_start3A_514 = arith.constant 3 : i32
        %dma_start3A_515 = arith.constant 24 : i32
        %dma_start3A_516 = arith.constant 0 : i32
        %dma_start3A_517 = tpu.memref_slice %arg7[%dma_start3A_515, %dma_start3A_516] : memref<32x1024xf32, #tpu.memory_space<vmem>> -> memref<8x1024xf32, #tpu.memory_space<vmem>>
        %dma_start3A_518 = tpu.memref_slice %arg6[%dma_start3A_514, %mul3A_513] : memref<4x128xi32, #tpu.memory_space<vmem>> -> memref<1x8xi32, #tpu.memory_space<vmem>>
        %dma_start3A_519 = tpu.memref_squeeze %dma_start3A_518 : memref<1x8xi32, #tpu.memory_space<vmem>> -> memref<8xi32, #tpu.memory_space<vmem>>
        %dma_start3A_520 = arith.constant 0 : i32
        %dma_start3A_521 = arith.constant 0 : i32
        %dma_start3A_522 = tpu.memref_slice %arg3[%dma_start3A_520, %dma_start3A_521] : memref<100000x1024xf32, #tpu.memory_space<hbm>> -> memref<100000x1024xf32, #tpu.memory_space<hbm>>
        tpu.enqueue_indirect_dma source(%dma_start3A_522 : memref<100000x1024xf32, #tpu.memory_space<hbm>>) target(%dma_start3A_517 : memref<8x1024xf32, #tpu.memory_space<vmem>>) offsets(%dma_start3A_519 : memref<8xi32, #tpu.memory_space<vmem>>) semaphore(%arg13 : memref<!tpu.dma_semaphore, #tpu.memory_space<semaphore_mem>>)
        %mul3A_523 = arith.constant 8 : i32
        %mul3A_524 = arith.muli %add3A_478, %mul3A_523 : i32
        %add3A_525 = arith.addi %mul3A_2, %mul3A_524 : i32
        %dma_start3A_526 = arith.constant 0 : i32
        %dma_start3A_527 = tpu.memref_slice %arg4[%add3A_525, %dma_start3A_526] : memref<4096x1024xf32, #tpu.memory_space<hbm>> -> memref<8x1024xf32, #tpu.memory_space<hbm>>
        %dma_start3A_528 = arith.constant 0 : i32
        %dma_start3A_529 = tpu.memref_slice %arg4[%add3A_525, %dma_start3A_528] : memref<4096x1024xf32, #tpu.memory_space<hbm>> -> memref<8x1024xf32, #tpu.memory_space<hbm>>
        tpu.enqueue_dma source(%dma_start3A_529 : memref<8x1024xf32, #tpu.memory_space<hbm>>) target(%arg10 : memref<8x1024xf32, #tpu.memory_space<vmem>>) target_semaphore(%arg16 : memref<!tpu.dma_semaphore, #tpu.memory_space<semaphore_mem>>)
      } else {
      }
      %dma_wait3A_399 = arith.constant 0 : i32
      %dma_wait3A_400 = arith.constant 0 : i32
      %dma_wait3A_401 = tpu.memref_slice %arg3[%dma_wait3A_399, %dma_wait3A_400] : memref<100000x1024xf32, #tpu.memory_space<hbm>> -> memref<32x1024xf32, #tpu.memory_space<hbm>>
      %dma_wait3A_402 = arith.constant 0 : i32
      %dma_wait3A_403 = arith.constant 0 : i32
      %dma_wait3A_404 = tpu.memref_slice %arg3[%dma_wait3A_402, %dma_wait3A_403] : memref<100000x1024xf32, #tpu.memory_space<hbm>> -> memref<32x1024xf32, #tpu.memory_space<hbm>>
      tpu.wait_dma2 semaphore(%arg15 : memref<!tpu.dma_semaphore, #tpu.memory_space<semaphore_mem>>) src(%dma_wait3A_404 : memref<32x1024xf32, #tpu.memory_space<hbm>>) dst(%arg9 : memref<32x1024xf32, #tpu.memory_space<vmem>>)
      %dma_wait3A_405 = arith.constant 0 : i32
      %dma_wait3A_406 = arith.constant 0 : i32
      %dma_wait3A_407 = tpu.memref_slice %arg4[%dma_wait3A_405, %dma_wait3A_406] : memref<4096x1024xf32, #tpu.memory_space<hbm>> -> memref<8x1024xf32, #tpu.memory_space<hbm>>
      %dma_wait3A_408 = arith.constant 0 : i32
      %dma_wait3A_409 = arith.constant 0 : i32
      %dma_wait3A_410 = tpu.memref_slice %arg4[%dma_wait3A_408, %dma_wait3A_409] : memref<4096x1024xf32, #tpu.memory_space<hbm>> -> memref<8x1024xf32, #tpu.memory_space<hbm>>
      tpu.wait_dma2 semaphore(%arg18 : memref<!tpu.dma_semaphore, #tpu.memory_space<semaphore_mem>>) src(%dma_wait3A_410 : memref<8x1024xf32, #tpu.memory_space<hbm>>) dst(%arg12 : memref<8x1024xf32, #tpu.memory_space<vmem>>)
      %scan3A_411 = arith.constant 0 : i32
      %scan3A_412 = arith.constant 0 : i32
      %scan3A_413 = arith.constant 32 : i32
      %scan3A_414 = arith.addi %scan3A_412, %scan3A_413 : i32
      %scan3A_415 = arith.constant 1 : i32
      scf.for %scan3A_477 = %scan3A_412 to %scan3A_414 step %scan3A_415  : i32 {
        %jit3A = arith.constant 4 : i32
        %div3A = arith.divsi %scan3A_477, %jit3A : i32
        %sign3A = arith.constant 0 : i32
        %sign3A_478 = arith.cmpi sgt, %scan3A_477, %sign3A : i32
        %sign3A_479 = arith.extui %sign3A_478 : i1 to i32
        %sign3A_480 = arith.constant 0 : i32
        %sign3A_481 = arith.cmpi slt, %scan3A_477, %sign3A_480 : i32
        %sign3A_482 = arith.extui %sign3A_481 : i1 to i32
        %sign3A_483 = arith.subi %sign3A_479, %sign3A_482 : i32
        %sign3A_484 = arith.constant 0 : i32
        %sign3A_485 = arith.cmpi sgt, %jit3A, %sign3A_484 : i32
        %sign3A_486 = arith.extui %sign3A_485 : i1 to i32
        %sign3A_487 = arith.constant 0 : i32
        %sign3A_488 = arith.cmpi slt, %jit3A, %sign3A_487 : i32
        %sign3A_489 = arith.extui %sign3A_488 : i1 to i32
        %sign3A_490 = arith.subi %sign3A_486, %sign3A_489 : i32
        %ne3A = arith.cmpi ne, %sign3A_483, %sign3A_490 : i32
        %rem3A = arith.remsi %scan3A_477, %jit3A : i32
        %ne3A_491 = arith.constant 0 : i32
        %ne3A_492 = arith.cmpi ne, %rem3A, %ne3A_491 : i32
        %and3A = arith.andi %ne3A, %ne3A_492 : i1
        %sub3A = arith.constant 1 : i32
        %sub3A_493 = arith.subi %div3A, %sub3A : i32
        %select_n3A = arith.select %and3A, %sub3A_493, %div3A : i32
        %jit3A_494 = arith.constant 4 : i32
        %eq3A = arith.constant 0 : i32
        %eq3A_495 = arith.cmpi eq, %jit3A_494, %eq3A : i32
        %jit3A_496 = arith.constant 1 : i32
        %select_n3A_497 = arith.select %eq3A_495, %jit3A_496, %jit3A_494 : i32
        %rem3A_498 = arith.remsi %scan3A_477, %select_n3A_497 : i32
        %ne3A_499 = arith.constant 0 : i32
        %ne3A_500 = arith.cmpi ne, %rem3A_498, %ne3A_499 : i32
        %lt3A_501 = arith.constant 0 : i32
        %lt3A_502 = arith.cmpi slt, %rem3A_498, %lt3A_501 : i32
        %lt3A_503 = arith.constant 0 : i32
        %lt3A_504 = arith.cmpi slt, %select_n3A_497, %lt3A_503 : i32
        %ne3A_505 = arith.xori %lt3A_502, %lt3A_504 : i1
        %and3A_506 = arith.andi %ne3A_505, %ne3A_500 : i1
        %add3A_507 = arith.addi %rem3A_498, %select_n3A_497 : i32
        %select_n3A_508 = arith.select %and3A_506, %add3A_507, %rem3A_498 : i32
        %mul3A_509 = arith.constant 256 : i32
        %mul3A_510 = arith.muli %select_n3A_508, %mul3A_509 : i32
        %add3A_511 = arith.constant 0 : i32
        %add3A_512 = arith.addi %mul3A_510, %add3A_511 : i32
        %get3A = arith.index_cast %select_n3A : i32 to index
        %get3A_513 = arith.index_cast %add3A_512 : i32 to index
        %get3A_514 = tpu.vector_load %arg12[%get3A, %get3A_513] {strides = array<i32>} : memref<8x1024xf32, #tpu.memory_space<vmem>>, vector<1x16xf32>,
        %get3A_515 = vector.shape_cast %get3A_514 : vector<1x16xf32> to vector<16xf32>
        %add3A_516 = arith.constant 16 : i32
        %add3A_517 = arith.addi %mul3A_510, %add3A_516 : i32
        %get3A_518 = arith.index_cast %select_n3A : i32 to index
        %get3A_519 = arith.index_cast %add3A_517 : i32 to index
        %get3A_520 = tpu.vector_load %arg12[%get3A_518, %get3A_519] {strides = array<i32>} : memref<8x1024xf32, #tpu.memory_space<vmem>>, vector<1x16xf32>,
        %get3A_521 = vector.shape_cast %get3A_520 : vector<1x16xf32> to vector<16xf32>
        %add3A_522 = arith.constant 32 : i32
        %add3A_523 = arith.addi %mul3A_510, %add3A_522 : i32
        %get3A_524 = arith.index_cast %select_n3A : i32 to index
        %get3A_525 = arith.index_cast %add3A_523 : i32 to index
        %get3A_526 = tpu.vector_load %arg12[%get3A_524, %get3A_525] {strides = array<i32>} : memref<8x1024xf32, #tpu.memory_space<vmem>>, vector<1x16xf32>,
        %get3A_527 = vector.shape_cast %get3A_526 : vector<1x16xf32> to vector<16xf32>
        %add3A_528 = arith.constant 48 : i32
        %add3A_529 = arith.addi %mul3A_510, %add3A_528 : i32
        %get3A_530 = arith.index_cast %select_n3A : i32 to index
        %get3A_531 = arith.index_cast %add3A_529 : i32 to index
        %get3A_532 = tpu.vector_load %arg12[%get3A_530, %get3A_531] {strides = array<i32>} : memref<8x1024xf32, #tpu.memory_space<vmem>>, vector<1x16xf32>,
        %get3A_533 = vector.shape_cast %get3A_532 : vector<1x16xf32> to vector<16xf32>
        %add3A_534 = arith.constant 64 : i32
        %add3A_535 = arith.addi %mul3A_510, %add3A_534 : i32
        %get3A_536 = arith.index_cast %select_n3A : i32 to index
        %get3A_537 = arith.index_cast %add3A_535 : i32 to index
        %get3A_538 = tpu.vector_load %arg12[%get3A_536, %get3A_537] {strides = array<i32>} : memref<8x1024xf32, #tpu.memory_space<vmem>>, vector<1x16xf32>,
        %get3A_539 = vector.shape_cast %get3A_538 : vector<1x16xf32> to vector<16xf32>
        %add3A_540 = arith.constant 80 : i32
        %add3A_541 = arith.addi %mul3A_510, %add3A_540 : i32
        %get3A_542 = arith.index_cast %select_n3A : i32 to index
        %get3A_543 = arith.index_cast %add3A_541 : i32 to index
        %get3A_544 = tpu.vector_load %arg12[%get3A_542, %get3A_543] {strides = array<i32>} : memref<8x1024xf32, #tpu.memory_space<vmem>>, vector<1x16xf32>,
        %get3A_545 = vector.shape_cast %get3A_544 : vector<1x16xf32> to vector<16xf32>
        %add3A_546 = arith.constant 96 : i32
        %add3A_547 = arith.addi %mul3A_510, %add3A_546 : i32
        %get3A_548 = arith.index_cast %select_n3A : i32 to index
        %get3A_549 = arith.index_cast %add3A_547 : i32 to index
        %get3A_550 = tpu.vector_load %arg12[%get3A_548, %get3A_549] {strides = array<i32>} : memref<8x1024xf32, #tpu.memory_space<vmem>>, vector<1x16xf32>,
        %get3A_551 = vector.shape_cast %get3A_550 : vector<1x16xf32> to vector<16xf32>
        %add3A_552 = arith.constant 112 : i32
        %add3A_553 = arith.addi %mul3A_510, %add3A_552 : i32
        %get3A_554 = arith.index_cast %select_n3A : i32 to index
        %get3A_555 = arith.index_cast %add3A_553 : i32 to index
        %get3A_556 = tpu.vector_load %arg12[%get3A_554, %get3A_555] {strides = array<i32>} : memref<8x1024xf32, #tpu.memory_space<vmem>>, vector<1x16xf32>,
        %get3A_557 = vector.shape_cast %get3A_556 : vector<1x16xf32> to vector<16xf32>
        %add3A_558 = arith.constant 128 : i32
        %add3A_559 = arith.addi %mul3A_510, %add3A_558 : i32
        %get3A_560 = arith.index_cast %select_n3A : i32 to index
        %get3A_561 = arith.index_cast %add3A_559 : i32 to index
        %get3A_562 = tpu.vector_load %arg12[%get3A_560, %get3A_561] {strides = array<i32>} : memref<8x1024xf32, #tpu.memory_space<vmem>>, vector<1x16xf32>,
        %get3A_563 = vector.shape_cast %get3A_562 : vector<1x16xf32> to vector<16xf32>
        %add3A_564 = arith.constant 144 : i32
        %add3A_565 = arith.addi %mul3A_510, %add3A_564 : i32
        %get3A_566 = arith.index_cast %select_n3A : i32 to index
        %get3A_567 = arith.index_cast %add3A_565 : i32 to index
        %get3A_568 = tpu.vector_load %arg12[%get3A_566, %get3A_567] {strides = array<i32>} : memref<8x1024xf32, #tpu.memory_space<vmem>>, vector<1x16xf32>,
        %get3A_569 = vector.shape_cast %get3A_568 : vector<1x16xf32> to vector<16xf32>
        %add3A_570 = arith.constant 160 : i32
        %add3A_571 = arith.addi %mul3A_510, %add3A_570 : i32
        %get3A_572 = arith.index_cast %select_n3A : i32 to index
        %get3A_573 = arith.index_cast %add3A_571 : i32 to index
        %get3A_574 = tpu.vector_load %arg12[%get3A_572, %get3A_573] {strides = array<i32>} : memref<8x1024xf32, #tpu.memory_space<vmem>>, vector<1x16xf32>,
        %get3A_575 = vector.shape_cast %get3A_574 : vector<1x16xf32> to vector<16xf32>
        %add3A_576 = arith.constant 176 : i32
        %add3A_577 = arith.addi %mul3A_510, %add3A_576 : i32
        %get3A_578 = arith.index_cast %select_n3A : i32 to index
        %get3A_579 = arith.index_cast %add3A_577 : i32 to index
        %get3A_580 = tpu.vector_load %arg12[%get3A_578, %get3A_579] {strides = array<i32>} : memref<8x1024xf32, #tpu.memory_space<vmem>>, vector<1x16xf32>,
        %get3A_581 = vector.shape_cast %get3A_580 : vector<1x16xf32> to vector<16xf32>
        %add3A_582 = arith.constant 192 : i32
        %add3A_583 = arith.addi %mul3A_510, %add3A_582 : i32
        %get3A_584 = arith.index_cast %select_n3A : i32 to index
        %get3A_585 = arith.index_cast %add3A_583 : i32 to index
        %get3A_586 = tpu.vector_load %arg12[%get3A_584, %get3A_585] {strides = array<i32>} : memref<8x1024xf32, #tpu.memory_space<vmem>>, vector<1x16xf32>,
        %get3A_587 = vector.shape_cast %get3A_586 : vector<1x16xf32> to vector<16xf32>
        %add3A_588 = arith.constant 208 : i32
        %add3A_589 = arith.addi %mul3A_510, %add3A_588 : i32
        %get3A_590 = arith.index_cast %select_n3A : i32 to index
        %get3A_591 = arith.index_cast %add3A_589 : i32 to index
        %get3A_592 = tpu.vector_load %arg12[%get3A_590, %get3A_591] {strides = array<i32>} : memref<8x1024xf32, #tpu.memory_space<vmem>>, vector<1x16xf32>,
        %get3A_593 = vector.shape_cast %get3A_592 : vector<1x16xf32> to vector<16xf32>
        %add3A_594 = arith.constant 224 : i32
        %add3A_595 = arith.addi %mul3A_510, %add3A_594 : i32
        %get3A_596 = arith.index_cast %select_n3A : i32 to index
        %get3A_597 = arith.index_cast %add3A_595 : i32 to index
        %get3A_598 = tpu.vector_load %arg12[%get3A_596, %get3A_597] {strides = array<i32>} : memref<8x1024xf32, #tpu.memory_space<vmem>>, vector<1x16xf32>,
        %get3A_599 = vector.shape_cast %get3A_598 : vector<1x16xf32> to vector<16xf32>
        %add3A_600 = arith.constant 240 : i32
        %add3A_601 = arith.addi %mul3A_510, %add3A_600 : i32
        %get3A_602 = arith.index_cast %select_n3A : i32 to index
        %get3A_603 = arith.index_cast %add3A_601 : i32 to index
        %get3A_604 = tpu.vector_load %arg12[%get3A_602, %get3A_603] {strides = array<i32>} : memref<8x1024xf32, #tpu.memory_space<vmem>>, vector<1x16xf32>,
        %get3A_605 = vector.shape_cast %get3A_604 : vector<1x16xf32> to vector<16xf32>
        %add3A_606 = arith.constant 0 : i32
        %add3A_607 = arith.addi %add3A_606, %select_n3A : i32
        %add3A_608 = arith.constant 0 : i32
        %add3A_609 = arith.addi %mul3A_510, %add3A_608 : i32
        %get3A_610 = arith.index_cast %add3A_607 : i32 to index
        %get3A_611 = arith.index_cast %add3A_609 : i32 to index
        %get3A_612 = tpu.vector_load %arg9[%get3A_610, %get3A_611] {strides = array<i32>} : memref<32x1024xf32, #tpu.memory_space<vmem>>, vector<1x16xf32>,
        %get3A_613 = vector.shape_cast %get3A_612 : vector<1x16xf32> to vector<16xf32>
        %add3A_614 = arith.addf %get3A_613, %get3A_515 : vector<16xf32>
        %swap3A = arith.index_cast %add3A_607 : i32 to index
        %swap3A_615 = arith.index_cast %add3A_609 : i32 to index
        %swap3A_616 = tpu.vector_load %arg9[%swap3A, %swap3A_615] {strides = array<i32>} : memref<32x1024xf32, #tpu.memory_space<vmem>>, vector<1x16xf32>,
        %swap3A_617 = vector.shape_cast %swap3A_616 : vector<1x16xf32> to vector<16xf32>
        %swap3A_618 = vector.shape_cast %add3A_614 : vector<16xf32> to vector<1x16xf32>
        tpu.vector_store %arg9[%swap3A, %swap3A_615], %swap3A_618 {strides = array<i32>} : memref<32x1024xf32, #tpu.memory_space<vmem>>, vector<1x16xf32>,
        %add3A_619 = arith.constant 16 : i32
        %add3A_620 = arith.addi %mul3A_510, %add3A_619 : i32
        %get3A_621 = arith.index_cast %add3A_607 : i32 to index
        %get3A_622 = arith.index_cast %add3A_620 : i32 to index
        %get3A_623 = tpu.vector_load %arg9[%get3A_621, %get3A_622] {strides = array<i32>} : memref<32x1024xf32, #tpu.memory_space<vmem>>, vector<1x16xf32>,
        %get3A_624 = vector.shape_cast %get3A_623 : vector<1x16xf32> to vector<16xf32>
        %add3A_625 = arith.addf %get3A_624, %get3A_521 : vector<16xf32>
        %swap3A_626 = arith.index_cast %add3A_607 : i32 to index
        %swap3A_627 = arith.index_cast %add3A_620 : i32 to index
        %swap3A_628 = tpu.vector_load %arg9[%swap3A_626, %swap3A_627] {strides = array<i32>} : memref<32x1024xf32, #tpu.memory_space<vmem>>, vector<1x16xf32>,
        %swap3A_629 = vector.shape_cast %swap3A_628 : vector<1x16xf32> to vector<16xf32>
        %swap3A_630 = vector.shape_cast %add3A_625 : vector<16xf32> to vector<1x16xf32>
        tpu.vector_store %arg9[%swap3A_626, %swap3A_627], %swap3A_630 {strides = array<i32>} : memref<32x1024xf32, #tpu.memory_space<vmem>>, vector<1x16xf32>,
        %add3A_631 = arith.constant 32 : i32
        %add3A_632 = arith.addi %mul3A_510, %add3A_631 : i32
        %get3A_633 = arith.index_cast %add3A_607 : i32 to index
        %get3A_634 = arith.index_cast %add3A_632 : i32 to index
        %get3A_635 = tpu.vector_load %arg9[%get3A_633, %get3A_634] {strides = array<i32>} : memref<32x1024xf32, #tpu.memory_space<vmem>>, vector<1x16xf32>,
        %get3A_636 = vector.shape_cast %get3A_635 : vector<1x16xf32> to vector<16xf32>
        %add3A_637 = arith.addf %get3A_636, %get3A_527 : vector<16xf32>
        %swap3A_638 = arith.index_cast %add3A_607 : i32 to index
        %swap3A_639 = arith.index_cast %add3A_632 : i32 to index
        %swap3A_640 = tpu.vector_load %arg9[%swap3A_638, %swap3A_639] {strides = array<i32>} : memref<32x1024xf32, #tpu.memory_space<vmem>>, vector<1x16xf32>,
        %swap3A_641 = vector.shape_cast %swap3A_640 : vector<1x16xf32> to vector<16xf32>
        %swap3A_642 = vector.shape_cast %add3A_637 : vector<16xf32> to vector<1x16xf32>
        tpu.vector_store %arg9[%swap3A_638, %swap3A_639], %swap3A_642 {strides = array<i32>} : memref<32x1024xf32, #tpu.memory_space<vmem>>, vector<1x16xf32>,
        %add3A_643 = arith.constant 48 : i32
        %add3A_644 = arith.addi %mul3A_510, %add3A_643 : i32
        %get3A_645 = arith.index_cast %add3A_607 : i32 to index
        %get3A_646 = arith.index_cast %add3A_644 : i32 to index
        %get3A_647 = tpu.vector_load %arg9[%get3A_645, %get3A_646] {strides = array<i32>} : memref<32x1024xf32, #tpu.memory_space<vmem>>, vector<1x16xf32>,
        %get3A_648 = vector.shape_cast %get3A_647 : vector<1x16xf32> to vector<16xf32>
        %add3A_649 = arith.addf %get3A_648, %get3A_533 : vector<16xf32>
        %swap3A_650 = arith.index_cast %add3A_607 : i32 to index
        %swap3A_651 = arith.index_cast %add3A_644 : i32 to index
        %swap3A_652 = tpu.vector_load %arg9[%swap3A_650, %swap3A_651] {strides = array<i32>} : memref<32x1024xf32, #tpu.memory_space<vmem>>, vector<1x16xf32>,
        %swap3A_653 = vector.shape_cast %swap3A_652 : vector<1x16xf32> to vector<16xf32>
        %swap3A_654 = vector.shape_cast %add3A_649 : vector<16xf32> to vector<1x16xf32>
        tpu.vector_store %arg9[%swap3A_650, %swap3A_651], %swap3A_654 {strides = array<i32>} : memref<32x1024xf32, #tpu.memory_space<vmem>>, vector<1x16xf32>,
        %add3A_655 = arith.constant 64 : i32
        %add3A_656 = arith.addi %mul3A_510, %add3A_655 : i32
        %get3A_657 = arith.index_cast %add3A_607 : i32 to index
        %get3A_658 = arith.index_cast %add3A_656 : i32 to index
        %get3A_659 = tpu.vector_load %arg9[%get3A_657, %get3A_658] {strides = array<i32>} : memref<32x1024xf32, #tpu.memory_space<vmem>>, vector<1x16xf32>,
        %get3A_660 = vector.shape_cast %get3A_659 : vector<1x16xf32> to vector<16xf32>
        %add3A_661 = arith.addf %get3A_660, %get3A_539 : vector<16xf32>
        %swap3A_662 = arith.index_cast %add3A_607 : i32 to index
        %swap3A_663 = arith.index_cast %add3A_656 : i32 to index
        %swap3A_664 = tpu.vector_load %arg9[%swap3A_662, %swap3A_663] {strides = array<i32>} : memref<32x1024xf32, #tpu.memory_space<vmem>>, vector<1x16xf32>,
        %swap3A_665 = vector.shape_cast %swap3A_664 : vector<1x16xf32> to vector<16xf32>
        %swap3A_666 = vector.shape_cast %add3A_661 : vector<16xf32> to vector<1x16xf32>
        tpu.vector_store %arg9[%swap3A_662, %swap3A_663], %swap3A_666 {strides = array<i32>} : memref<32x1024xf32, #tpu.memory_space<vmem>>, vector<1x16xf32>,
        %add3A_667 = arith.constant 80 : i32
        %add3A_668 = arith.addi %mul3A_510, %add3A_667 : i32
        %get3A_669 = arith.index_cast %add3A_607 : i32 to index
        %get3A_670 = arith.index_cast %add3A_668 : i32 to index
        %get3A_671 = tpu.vector_load %arg9[%get3A_669, %get3A_670] {strides = array<i32>} : memref<32x1024xf32, #tpu.memory_space<vmem>>, vector<1x16xf32>,
        %get3A_672 = vector.shape_cast %get3A_671 : vector<1x16xf32> to vector<16xf32>
        %add3A_673 = arith.addf %get3A_672, %get3A_545 : vector<16xf32>
        %swap3A_674 = arith.index_cast %add3A_607 : i32 to index
        %swap3A_675 = arith.index_cast %add3A_668 : i32 to index
        %swap3A_676 = tpu.vector_load %arg9[%swap3A_674, %swap3A_675] {strides = array<i32>} : memref<32x1024xf32, #tpu.memory_space<vmem>>, vector<1x16xf32>,
        %swap3A_677 = vector.shape_cast %swap3A_676 : vector<1x16xf32> to vector<16xf32>
        %swap3A_678 = vector.shape_cast %add3A_673 : vector<16xf32> to vector<1x16xf32>
        tpu.vector_store %arg9[%swap3A_674, %swap3A_675], %swap3A_678 {strides = array<i32>} : memref<32x1024xf32, #tpu.memory_space<vmem>>, vector<1x16xf32>,
        %add3A_679 = arith.constant 96 : i32
        %add3A_680 = arith.addi %mul3A_510, %add3A_679 : i32
        %get3A_681 = arith.index_cast %add3A_607 : i32 to index
        %get3A_682 = arith.index_cast %add3A_680 : i32 to index
        %get3A_683 = tpu.vector_load %arg9[%get3A_681, %get3A_682] {strides = array<i32>} : memref<32x1024xf32, #tpu.memory_space<vmem>>, vector<1x16xf32>,
        %get3A_684 = vector.shape_cast %get3A_683 : vector<1x16xf32> to vector<16xf32>
        %add3A_685 = arith.addf %get3A_684, %get3A_551 : vector<16xf32>
        %swap3A_686 = arith.index_cast %add3A_607 : i32 to index
        %swap3A_687 = arith.index_cast %add3A_680 : i32 to index
        %swap3A_688 = tpu.vector_load %arg9[%swap3A_686, %swap3A_687] {strides = array<i32>} : memref<32x1024xf32, #tpu.memory_space<vmem>>, vector<1x16xf32>,
        %swap3A_689 = vector.shape_cast %swap3A_688 : vector<1x16xf32> to vector<16xf32>
        %swap3A_690 = vector.shape_cast %add3A_685 : vector<16xf32> to vector<1x16xf32>
        tpu.vector_store %arg9[%swap3A_686, %swap3A_687], %swap3A_690 {strides = array<i32>} : memref<32x1024xf32, #tpu.memory_space<vmem>>, vector<1x16xf32>,
        %add3A_691 = arith.constant 112 : i32
        %add3A_692 = arith.addi %mul3A_510, %add3A_691 : i32
        %get3A_693 = arith.index_cast %add3A_607 : i32 to index
        %get3A_694 = arith.index_cast %add3A_692 : i32 to index
        %get3A_695 = tpu.vector_load %arg9[%get3A_693, %get3A_694] {strides = array<i32>} : memref<32x1024xf32, #tpu.memory_space<vmem>>, vector<1x16xf32>,
        %get3A_696 = vector.shape_cast %get3A_695 : vector<1x16xf32> to vector<16xf32>
        %add3A_697 = arith.addf %get3A_696, %get3A_557 : vector<16xf32>
        %swap3A_698 = arith.index_cast %add3A_607 : i32 to index
        %swap3A_699 = arith.index_cast %add3A_692 : i32 to index
        %swap3A_700 = tpu.vector_load %arg9[%swap3A_698, %swap3A_699] {strides = array<i32>} : memref<32x1024xf32, #tpu.memory_space<vmem>>, vector<1x16xf32>,
        %swap3A_701 = vector.shape_cast %swap3A_700 : vector<1x16xf32> to vector<16xf32>
        %swap3A_702 = vector.shape_cast %add3A_697 : vector<16xf32> to vector<1x16xf32>
        tpu.vector_store %arg9[%swap3A_698, %swap3A_699], %swap3A_702 {strides = array<i32>} : memref<32x1024xf32, #tpu.memory_space<vmem>>, vector<1x16xf32>,
        %add3A_703 = arith.constant 128 : i32
        %add3A_704 = arith.addi %mul3A_510, %add3A_703 : i32
        %get3A_705 = arith.index_cast %add3A_607 : i32 to index
        %get3A_706 = arith.index_cast %add3A_704 : i32 to index
        %get3A_707 = tpu.vector_load %arg9[%get3A_705, %get3A_706] {strides = array<i32>} : memref<32x1024xf32, #tpu.memory_space<vmem>>, vector<1x16xf32>,
        %get3A_708 = vector.shape_cast %get3A_707 : vector<1x16xf32> to vector<16xf32>
        %add3A_709 = arith.addf %get3A_708, %get3A_563 : vector<16xf32>
        %swap3A_710 = arith.index_cast %add3A_607 : i32 to index
        %swap3A_711 = arith.index_cast %add3A_704 : i32 to index
        %swap3A_712 = tpu.vector_load %arg9[%swap3A_710, %swap3A_711] {strides = array<i32>} : memref<32x1024xf32, #tpu.memory_space<vmem>>, vector<1x16xf32>,
        %swap3A_713 = vector.shape_cast %swap3A_712 : vector<1x16xf32> to vector<16xf32>
        %swap3A_714 = vector.shape_cast %add3A_709 : vector<16xf32> to vector<1x16xf32>
        tpu.vector_store %arg9[%swap3A_710, %swap3A_711], %swap3A_714 {strides = array<i32>} : memref<32x1024xf32, #tpu.memory_space<vmem>>, vector<1x16xf32>,
        %add3A_715 = arith.constant 144 : i32
        %add3A_716 = arith.addi %mul3A_510, %add3A_715 : i32
        %get3A_717 = arith.index_cast %add3A_607 : i32 to index
        %get3A_718 = arith.index_cast %add3A_716 : i32 to index
        %get3A_719 = tpu.vector_load %arg9[%get3A_717, %get3A_718] {strides = array<i32>} : memref<32x1024xf32, #tpu.memory_space<vmem>>, vector<1x16xf32>,
        %get3A_720 = vector.shape_cast %get3A_719 : vector<1x16xf32> to vector<16xf32>
        %add3A_721 = arith.addf %get3A_720, %get3A_569 : vector<16xf32>
        %swap3A_722 = arith.index_cast %add3A_607 : i32 to index
        %swap3A_723 = arith.index_cast %add3A_716 : i32 to index
        %swap3A_724 = tpu.vector_load %arg9[%swap3A_722, %swap3A_723] {strides = array<i32>} : memref<32x1024xf32, #tpu.memory_space<vmem>>, vector<1x16xf32>,
        %swap3A_725 = vector.shape_cast %swap3A_724 : vector<1x16xf32> to vector<16xf32>
        %swap3A_726 = vector.shape_cast %add3A_721 : vector<16xf32> to vector<1x16xf32>
        tpu.vector_store %arg9[%swap3A_722, %swap3A_723], %swap3A_726 {strides = array<i32>} : memref<32x1024xf32, #tpu.memory_space<vmem>>, vector<1x16xf32>,
        %add3A_727 = arith.constant 160 : i32
        %add3A_728 = arith.addi %mul3A_510, %add3A_727 : i32
        %get3A_729 = arith.index_cast %add3A_607 : i32 to index
        %get3A_730 = arith.index_cast %add3A_728 : i32 to index
        %get3A_731 = tpu.vector_load %arg9[%get3A_729, %get3A_730] {strides = array<i32>} : memref<32x1024xf32, #tpu.memory_space<vmem>>, vector<1x16xf32>,
        %get3A_732 = vector.shape_cast %get3A_731 : vector<1x16xf32> to vector<16xf32>
        %add3A_733 = arith.addf %get3A_732, %get3A_575 : vector<16xf32>
        %swap3A_734 = arith.index_cast %add3A_607 : i32 to index
        %swap3A_735 = arith.index_cast %add3A_728 : i32 to index
        %swap3A_736 = tpu.vector_load %arg9[%swap3A_734, %swap3A_735] {strides = array<i32>} : memref<32x1024xf32, #tpu.memory_space<vmem>>, vector<1x16xf32>,
        %swap3A_737 = vector.shape_cast %swap3A_736 : vector<1x16xf32> to vector<16xf32>
        %swap3A_738 = vector.shape_cast %add3A_733 : vector<16xf32> to vector<1x16xf32>
        tpu.vector_store %arg9[%swap3A_734, %swap3A_735], %swap3A_738 {strides = array<i32>} : memref<32x1024xf32, #tpu.memory_space<vmem>>, vector<1x16xf32>,
        %add3A_739 = arith.constant 176 : i32
        %add3A_740 = arith.addi %mul3A_510, %add3A_739 : i32
        %get3A_741 = arith.index_cast %add3A_607 : i32 to index
        %get3A_742 = arith.index_cast %add3A_740 : i32 to index
        %get3A_743 = tpu.vector_load %arg9[%get3A_741, %get3A_742] {strides = array<i32>} : memref<32x1024xf32, #tpu.memory_space<vmem>>, vector<1x16xf32>,
        %get3A_744 = vector.shape_cast %get3A_743 : vector<1x16xf32> to vector<16xf32>
        %add3A_745 = arith.addf %get3A_744, %get3A_581 : vector<16xf32>
        %swap3A_746 = arith.index_cast %add3A_607 : i32 to index
        %swap3A_747 = arith.index_cast %add3A_740 : i32 to index
        %swap3A_748 = tpu.vector_load %arg9[%swap3A_746, %swap3A_747] {strides = array<i32>} : memref<32x1024xf32, #tpu.memory_space<vmem>>, vector<1x16xf32>,
        %swap3A_749 = vector.shape_cast %swap3A_748 : vector<1x16xf32> to vector<16xf32>
        %swap3A_750 = vector.shape_cast %add3A_745 : vector<16xf32> to vector<1x16xf32>
        tpu.vector_store %arg9[%swap3A_746, %swap3A_747], %swap3A_750 {strides = array<i32>} : memref<32x1024xf32, #tpu.memory_space<vmem>>, vector<1x16xf32>,
        %add3A_751 = arith.constant 192 : i32
        %add3A_752 = arith.addi %mul3A_510, %add3A_751 : i32
        %get3A_753 = arith.index_cast %add3A_607 : i32 to index
        %get3A_754 = arith.index_cast %add3A_752 : i32 to index
        %get3A_755 = tpu.vector_load %arg9[%get3A_753, %get3A_754] {strides = array<i32>} : memref<32x1024xf32, #tpu.memory_space<vmem>>, vector<1x16xf32>,
        %get3A_756 = vector.shape_cast %get3A_755 : vector<1x16xf32> to vector<16xf32>
        %add3A_757 = arith.addf %get3A_756, %get3A_587 : vector<16xf32>
        %swap3A_758 = arith.index_cast %add3A_607 : i32 to index
        %swap3A_759 = arith.index_cast %add3A_752 : i32 to index
        %swap3A_760 = tpu.vector_load %arg9[%swap3A_758, %swap3A_759] {strides = array<i32>} : memref<32x1024xf32, #tpu.memory_space<vmem>>, vector<1x16xf32>,
        %swap3A_761 = vector.shape_cast %swap3A_760 : vector<1x16xf32> to vector<16xf32>
        %swap3A_762 = vector.shape_cast %add3A_757 : vector<16xf32> to vector<1x16xf32>
        tpu.vector_store %arg9[%swap3A_758, %swap3A_759], %swap3A_762 {strides = array<i32>} : memref<32x1024xf32, #tpu.memory_space<vmem>>, vector<1x16xf32>,
        %add3A_763 = arith.constant 208 : i32
        %add3A_764 = arith.addi %mul3A_510, %add3A_763 : i32
        %get3A_765 = arith.index_cast %add3A_607 : i32 to index
        %get3A_766 = arith.index_cast %add3A_764 : i32 to index
        %get3A_767 = tpu.vector_load %arg9[%get3A_765, %get3A_766] {strides = array<i32>} : memref<32x1024xf32, #tpu.memory_space<vmem>>, vector<1x16xf32>,
        %get3A_768 = vector.shape_cast %get3A_767 : vector<1x16xf32> to vector<16xf32>
        %add3A_769 = arith.addf %get3A_768, %get3A_593 : vector<16xf32>
        %swap3A_770 = arith.index_cast %add3A_607 : i32 to index
        %swap3A_771 = arith.index_cast %add3A_764 : i32 to index
        %swap3A_772 = tpu.vector_load %arg9[%swap3A_770, %swap3A_771] {strides = array<i32>} : memref<32x1024xf32, #tpu.memory_space<vmem>>, vector<1x16xf32>,
        %swap3A_773 = vector.shape_cast %swap3A_772 : vector<1x16xf32> to vector<16xf32>
        %swap3A_774 = vector.shape_cast %add3A_769 : vector<16xf32> to vector<1x16xf32>
        tpu.vector_store %arg9[%swap3A_770, %swap3A_771], %swap3A_774 {strides = array<i32>} : memref<32x1024xf32, #tpu.memory_space<vmem>>, vector<1x16xf32>,
        %add3A_775 = arith.constant 224 : i32
        %add3A_776 = arith.addi %mul3A_510, %add3A_775 : i32
        %get3A_777 = arith.index_cast %add3A_607 : i32 to index
        %get3A_778 = arith.index_cast %add3A_776 : i32 to index
        %get3A_779 = tpu.vector_load %arg9[%get3A_777, %get3A_778] {strides = array<i32>} : memref<32x1024xf32, #tpu.memory_space<vmem>>, vector<1x16xf32>,
        %get3A_780 = vector.shape_cast %get3A_779 : vector<1x16xf32> to vector<16xf32>
        %add3A_781 = arith.addf %get3A_780, %get3A_599 : vector<16xf32>
        %swap3A_782 = arith.index_cast %add3A_607 : i32 to index
        %swap3A_783 = arith.index_cast %add3A_776 : i32 to index
        %swap3A_784 = tpu.vector_load %arg9[%swap3A_782, %swap3A_783] {strides = array<i32>} : memref<32x1024xf32, #tpu.memory_space<vmem>>, vector<1x16xf32>,
        %swap3A_785 = vector.shape_cast %swap3A_784 : vector<1x16xf32> to vector<16xf32>
        %swap3A_786 = vector.shape_cast %add3A_781 : vector<16xf32> to vector<1x16xf32>
        tpu.vector_store %arg9[%swap3A_782, %swap3A_783], %swap3A_786 {strides = array<i32>} : memref<32x1024xf32, #tpu.memory_space<vmem>>, vector<1x16xf32>,
        %add3A_787 = arith.constant 240 : i32
        %add3A_788 = arith.addi %mul3A_510, %add3A_787 : i32
        %get3A_789 = arith.index_cast %add3A_607 : i32 to index
        %get3A_790 = arith.index_cast %add3A_788 : i32 to index
        %get3A_791 = tpu.vector_load %arg9[%get3A_789, %get3A_790] {strides = array<i32>} : memref<32x1024xf32, #tpu.memory_space<vmem>>, vector<1x16xf32>,
        %get3A_792 = vector.shape_cast %get3A_791 : vector<1x16xf32> to vector<16xf32>
        %add3A_793 = arith.addf %get3A_792, %get3A_605 : vector<16xf32>
        %swap3A_794 = arith.index_cast %add3A_607 : i32 to index
        %swap3A_795 = arith.index_cast %add3A_788 : i32 to index
        %swap3A_796 = tpu.vector_load %arg9[%swap3A_794, %swap3A_795] {strides = array<i32>} : memref<32x1024xf32, #tpu.memory_space<vmem>>, vector<1x16xf32>,
        %swap3A_797 = vector.shape_cast %swap3A_796 : vector<1x16xf32> to vector<16xf32>
        %swap3A_798 = vector.shape_cast %add3A_793 : vector<16xf32> to vector<1x16xf32>
        tpu.vector_store %arg9[%swap3A_794, %swap3A_795], %swap3A_798 {strides = array<i32>} : memref<32x1024xf32, #tpu.memory_space<vmem>>, vector<1x16xf32>,
        %add3A_799 = arith.constant 8 : i32
        %add3A_800 = arith.addi %add3A_799, %select_n3A : i32
        %add3A_801 = arith.constant 0 : i32
        %add3A_802 = arith.addi %mul3A_510, %add3A_801 : i32
        %get3A_803 = arith.index_cast %add3A_800 : i32 to index
        %get3A_804 = arith.index_cast %add3A_802 : i32 to index
        %get3A_805 = tpu.vector_load %arg9[%get3A_803, %get3A_804] {strides = array<i32>} : memref<32x1024xf32, #tpu.memory_space<vmem>>, vector<1x16xf32>,
        %get3A_806 = vector.shape_cast %get3A_805 : vector<1x16xf32> to vector<16xf32>
        %add3A_807 = arith.addf %get3A_806, %get3A_515 : vector<16xf32>
        %swap3A_808 = arith.index_cast %add3A_800 : i32 to index
        %swap3A_809 = arith.index_cast %add3A_802 : i32 to index
        %swap3A_810 = tpu.vector_load %arg9[%swap3A_808, %swap3A_809] {strides = array<i32>} : memref<32x1024xf32, #tpu.memory_space<vmem>>, vector<1x16xf32>,
        %swap3A_811 = vector.shape_cast %swap3A_810 : vector<1x16xf32> to vector<16xf32>
        %swap3A_812 = vector.shape_cast %add3A_807 : vector<16xf32> to vector<1x16xf32>
        tpu.vector_store %arg9[%swap3A_808, %swap3A_809], %swap3A_812 {strides = array<i32>} : memref<32x1024xf32, #tpu.memory_space<vmem>>, vector<1x16xf32>,
        %add3A_813 = arith.constant 16 : i32
        %add3A_814 = arith.addi %mul3A_510, %add3A_813 : i32
        %get3A_815 = arith.index_cast %add3A_800 : i32 to index
        %get3A_816 = arith.index_cast %add3A_814 : i32 to index
        %get3A_817 = tpu.vector_load %arg9[%get3A_815, %get3A_816] {strides = array<i32>} : memref<32x1024xf32, #tpu.memory_space<vmem>>, vector<1x16xf32>,
        %get3A_818 = vector.shape_cast %get3A_817 : vector<1x16xf32> to vector<16xf32>
        %add3A_819 = arith.addf %get3A_818, %get3A_521 : vector<16xf32>
        %swap3A_820 = arith.index_cast %add3A_800 : i32 to index
        %swap3A_821 = arith.index_cast %add3A_814 : i32 to index
        %swap3A_822 = tpu.vector_load %arg9[%swap3A_820, %swap3A_821] {strides = array<i32>} : memref<32x1024xf32, #tpu.memory_space<vmem>>, vector<1x16xf32>,
        %swap3A_823 = vector.shape_cast %swap3A_822 : vector<1x16xf32> to vector<16xf32>
        %swap3A_824 = vector.shape_cast %add3A_819 : vector<16xf32> to vector<1x16xf32>
        tpu.vector_store %arg9[%swap3A_820, %swap3A_821], %swap3A_824 {strides = array<i32>} : memref<32x1024xf32, #tpu.memory_space<vmem>>, vector<1x16xf32>,
        %add3A_825 = arith.constant 32 : i32
        %add3A_826 = arith.addi %mul3A_510, %add3A_825 : i32
        %get3A_827 = arith.index_cast %add3A_800 : i32 to index
        %get3A_828 = arith.index_cast %add3A_826 : i32 to index
        %get3A_829 = tpu.vector_load %arg9[%get3A_827, %get3A_828] {strides = array<i32>} : memref<32x1024xf32, #tpu.memory_space<vmem>>, vector<1x16xf32>,
        %get3A_830 = vector.shape_cast %get3A_829 : vector<1x16xf32> to vector<16xf32>
        %add3A_831 = arith.addf %get3A_830, %get3A_527 : vector<16xf32>
        %swap3A_832 = arith.index_cast %add3A_800 : i32 to index
        %swap3A_833 = arith.index_cast %add3A_826 : i32 to index
        %swap3A_834 = tpu.vector_load %arg9[%swap3A_832, %swap3A_833] {strides = array<i32>} : memref<32x1024xf32, #tpu.memory_space<vmem>>, vector<1x16xf32>,
        %swap3A_835 = vector.shape_cast %swap3A_834 : vector<1x16xf32> to vector<16xf32>
        %swap3A_836 = vector.shape_cast %add3A_831 : vector<16xf32> to vector<1x16xf32>
        tpu.vector_store %arg9[%swap3A_832, %swap3A_833], %swap3A_836 {strides = array<i32>} : memref<32x1024xf32, #tpu.memory_space<vmem>>, vector<1x16xf32>,
        %add3A_837 = arith.constant 48 : i32
        %add3A_838 = arith.addi %mul3A_510, %add3A_837 : i32
        %get3A_839 = arith.index_cast %add3A_800 : i32 to index
        %get3A_840 = arith.index_cast %add3A_838 : i32 to index
        %get3A_841 = tpu.vector_load %arg9[%get3A_839, %get3A_840] {strides = array<i32>} : memref<32x1024xf32, #tpu.memory_space<vmem>>, vector<1x16xf32>,
        %get3A_842 = vector.shape_cast %get3A_841 : vector<1x16xf32> to vector<16xf32>
        %add3A_843 = arith.addf %get3A_842, %get3A_533 : vector<16xf32>
        %swap3A_844 = arith.index_cast %add3A_800 : i32 to index
        %swap3A_845 = arith.index_cast %add3A_838 : i32 to index
        %swap3A_846 = tpu.vector_load %arg9[%swap3A_844, %swap3A_845] {strides = array<i32>} : memref<32x1024xf32, #tpu.memory_space<vmem>>, vector<1x16xf32>,
        %swap3A_847 = vector.shape_cast %swap3A_846 : vector<1x16xf32> to vector<16xf32>
        %swap3A_848 = vector.shape_cast %add3A_843 : vector<16xf32> to vector<1x16xf32>
        tpu.vector_store %arg9[%swap3A_844, %swap3A_845], %swap3A_848 {strides = array<i32>} : memref<32x1024xf32, #tpu.memory_space<vmem>>, vector<1x16xf32>,
        %add3A_849 = arith.constant 64 : i32
        %add3A_850 = arith.addi %mul3A_510, %add3A_849 : i32
        %get3A_851 = arith.index_cast %add3A_800 : i32 to index
        %get3A_852 = arith.index_cast %add3A_850 : i32 to index
        %get3A_853 = tpu.vector_load %arg9[%get3A_851, %get3A_852] {strides = array<i32>} : memref<32x1024xf32, #tpu.memory_space<vmem>>, vector<1x16xf32>,
        %get3A_854 = vector.shape_cast %get3A_853 : vector<1x16xf32> to vector<16xf32>
        %add3A_855 = arith.addf %get3A_854, %get3A_539 : vector<16xf32>
        %swap3A_856 = arith.index_cast %add3A_800 : i32 to index
        %swap3A_857 = arith.index_cast %add3A_850 : i32 to index
        %swap3A_858 = tpu.vector_load %arg9[%swap3A_856, %swap3A_857] {strides = array<i32>} : memref<32x1024xf32, #tpu.memory_space<vmem>>, vector<1x16xf32>,
        %swap3A_859 = vector.shape_cast %swap3A_858 : vector<1x16xf32> to vector<16xf32>
        %swap3A_860 = vector.shape_cast %add3A_855 : vector<16xf32> to vector<1x16xf32>
        tpu.vector_store %arg9[%swap3A_856, %swap3A_857], %swap3A_860 {strides = array<i32>} : memref<32x1024xf32, #tpu.memory_space<vmem>>, vector<1x16xf32>,
        %add3A_861 = arith.constant 80 : i32
        %add3A_862 = arith.addi %mul3A_510, %add3A_861 : i32
        %get3A_863 = arith.index_cast %add3A_800 : i32 to index
        %get3A_864 = arith.index_cast %add3A_862 : i32 to index
        %get3A_865 = tpu.vector_load %arg9[%get3A_863, %get3A_864] {strides = array<i32>} : memref<32x1024xf32, #tpu.memory_space<vmem>>, vector<1x16xf32>,
        %get3A_866 = vector.shape_cast %get3A_865 : vector<1x16xf32> to vector<16xf32>
        %add3A_867 = arith.addf %get3A_866, %get3A_545 : vector<16xf32>
        %swap3A_868 = arith.index_cast %add3A_800 : i32 to index
        %swap3A_869 = arith.index_cast %add3A_862 : i32 to index
        %swap3A_870 = tpu.vector_load %arg9[%swap3A_868, %swap3A_869] {strides = array<i32>} : memref<32x1024xf32, #tpu.memory_space<vmem>>, vector<1x16xf32>,
        %swap3A_871 = vector.shape_cast %swap3A_870 : vector<1x16xf32> to vector<16xf32>
        %swap3A_872 = vector.shape_cast %add3A_867 : vector<16xf32> to vector<1x16xf32>
        tpu.vector_store %arg9[%swap3A_868, %swap3A_869], %swap3A_872 {strides = array<i32>} : memref<32x1024xf32, #tpu.memory_space<vmem>>, vector<1x16xf32>,
        %add3A_873 = arith.constant 96 : i32
        %add3A_874 = arith.addi %mul3A_510, %add3A_873 : i32
        %get3A_875 = arith.index_cast %add3A_800 : i32 to index
        %get3A_876 = arith.index_cast %add3A_874 : i32 to index
        %get3A_877 = tpu.vector_load %arg9[%get3A_875, %get3A_876] {strides = array<i32>} : memref<32x1024xf32, #tpu.memory_space<vmem>>, vector<1x16xf32>,
        %get3A_878 = vector.shape_cast %get3A_877 : vector<1x16xf32> to vector<16xf32>
        %add3A_879 = arith.addf %get3A_878, %get3A_551 : vector<16xf32>
        %swap3A_880 = arith.index_cast %add3A_800 : i32 to index
        %swap3A_881 = arith.index_cast %add3A_874 : i32 to index
        %swap3A_882 = tpu.vector_load %arg9[%swap3A_880, %swap3A_881] {strides = array<i32>} : memref<32x1024xf32, #tpu.memory_space<vmem>>, vector<1x16xf32>,
        %swap3A_883 = vector.shape_cast %swap3A_882 : vector<1x16xf32> to vector<16xf32>
        %swap3A_884 = vector.shape_cast %add3A_879 : vector<16xf32> to vector<1x16xf32>
        tpu.vector_store %arg9[%swap3A_880, %swap3A_881], %swap3A_884 {strides = array<i32>} : memref<32x1024xf32, #tpu.memory_space<vmem>>, vector<1x16xf32>,
        %add3A_885 = arith.constant 112 : i32
        %add3A_886 = arith.addi %mul3A_510, %add3A_885 : i32
        %get3A_887 = arith.index_cast %add3A_800 : i32 to index
        %get3A_888 = arith.index_cast %add3A_886 : i32 to index
        %get3A_889 = tpu.vector_load %arg9[%get3A_887, %get3A_888] {strides = array<i32>} : memref<32x1024xf32, #tpu.memory_space<vmem>>, vector<1x16xf32>,
        %get3A_890 = vector.shape_cast %get3A_889 : vector<1x16xf32> to vector<16xf32>
        %add3A_891 = arith.addf %get3A_890, %get3A_557 : vector<16xf32>
        %swap3A_892 = arith.index_cast %add3A_800 : i32 to index
        %swap3A_893 = arith.index_cast %add3A_886 : i32 to index
        %swap3A_894 = tpu.vector_load %arg9[%swap3A_892, %swap3A_893] {strides = array<i32>} : memref<32x1024xf32, #tpu.memory_space<vmem>>, vector<1x16xf32>,
        %swap3A_895 = vector.shape_cast %swap3A_894 : vector<1x16xf32> to vector<16xf32>
        %swap3A_896 = vector.shape_cast %add3A_891 : vector<16xf32> to vector<1x16xf32>
        tpu.vector_store %arg9[%swap3A_892, %swap3A_893], %swap3A_896 {strides = array<i32>} : memref<32x1024xf32, #tpu.memory_space<vmem>>, vector<1x16xf32>,
        %add3A_897 = arith.constant 128 : i32
        %add3A_898 = arith.addi %mul3A_510, %add3A_897 : i32
        %get3A_899 = arith.index_cast %add3A_800 : i32 to index
        %get3A_900 = arith.index_cast %add3A_898 : i32 to index
        %get3A_901 = tpu.vector_load %arg9[%get3A_899, %get3A_900] {strides = array<i32>} : memref<32x1024xf32, #tpu.memory_space<vmem>>, vector<1x16xf32>,
        %get3A_902 = vector.shape_cast %get3A_901 : vector<1x16xf32> to vector<16xf32>
        %add3A_903 = arith.addf %get3A_902, %get3A_563 : vector<16xf32>
        %swap3A_904 = arith.index_cast %add3A_800 : i32 to index
        %swap3A_905 = arith.index_cast %add3A_898 : i32 to index
        %swap3A_906 = tpu.vector_load %arg9[%swap3A_904, %swap3A_905] {strides = array<i32>} : memref<32x1024xf32, #tpu.memory_space<vmem>>, vector<1x16xf32>,
        %swap3A_907 = vector.shape_cast %swap3A_906 : vector<1x16xf32> to vector<16xf32>
        %swap3A_908 = vector.shape_cast %add3A_903 : vector<16xf32> to vector<1x16xf32>
        tpu.vector_store %arg9[%swap3A_904, %swap3A_905], %swap3A_908 {strides = array<i32>} : memref<32x1024xf32, #tpu.memory_space<vmem>>, vector<1x16xf32>,
        %add3A_909 = arith.constant 144 : i32
        %add3A_910 = arith.addi %mul3A_510, %add3A_909 : i32
        %get3A_911 = arith.index_cast %add3A_800 : i32 to index
        %get3A_912 = arith.index_cast %add3A_910 : i32 to index
        %get3A_913 = tpu.vector_load %arg9[%get3A_911, %get3A_912] {strides = array<i32>} : memref<32x1024xf32, #tpu.memory_space<vmem>>, vector<1x16xf32>,
        %get3A_914 = vector.shape_cast %get3A_913 : vector<1x16xf32> to vector<16xf32>
        %add3A_915 = arith.addf %get3A_914, %get3A_569 : vector<16xf32>
        %swap3A_916 = arith.index_cast %add3A_800 : i32 to index
        %swap3A_917 = arith.index_cast %add3A_910 : i32 to index
        %swap3A_918 = tpu.vector_load %arg9[%swap3A_916, %swap3A_917] {strides = array<i32>} : memref<32x1024xf32, #tpu.memory_space<vmem>>, vector<1x16xf32>,
        %swap3A_919 = vector.shape_cast %swap3A_918 : vector<1x16xf32> to vector<16xf32>
        %swap3A_920 = vector.shape_cast %add3A_915 : vector<16xf32> to vector<1x16xf32>
        tpu.vector_store %arg9[%swap3A_916, %swap3A_917], %swap3A_920 {strides = array<i32>} : memref<32x1024xf32, #tpu.memory_space<vmem>>, vector<1x16xf32>,
        %add3A_921 = arith.constant 160 : i32
        %add3A_922 = arith.addi %mul3A_510, %add3A_921 : i32
        %get3A_923 = arith.index_cast %add3A_800 : i32 to index
        %get3A_924 = arith.index_cast %add3A_922 : i32 to index
        %get3A_925 = tpu.vector_load %arg9[%get3A_923, %get3A_924] {strides = array<i32>} : memref<32x1024xf32, #tpu.memory_space<vmem>>, vector<1x16xf32>,
        %get3A_926 = vector.shape_cast %get3A_925 : vector<1x16xf32> to vector<16xf32>
        %add3A_927 = arith.addf %get3A_926, %get3A_575 : vector<16xf32>
        %swap3A_928 = arith.index_cast %add3A_800 : i32 to index
        %swap3A_929 = arith.index_cast %add3A_922 : i32 to index
        %swap3A_930 = tpu.vector_load %arg9[%swap3A_928, %swap3A_929] {strides = array<i32>} : memref<32x1024xf32, #tpu.memory_space<vmem>>, vector<1x16xf32>,
        %swap3A_931 = vector.shape_cast %swap3A_930 : vector<1x16xf32> to vector<16xf32>
        %swap3A_932 = vector.shape_cast %add3A_927 : vector<16xf32> to vector<1x16xf32>
        tpu.vector_store %arg9[%swap3A_928, %swap3A_929], %swap3A_932 {strides = array<i32>} : memref<32x1024xf32, #tpu.memory_space<vmem>>, vector<1x16xf32>,
        %add3A_933 = arith.constant 176 : i32
        %add3A_934 = arith.addi %mul3A_510, %add3A_933 : i32
        %get3A_935 = arith.index_cast %add3A_800 : i32 to index
        %get3A_936 = arith.index_cast %add3A_934 : i32 to index
        %get3A_937 = tpu.vector_load %arg9[%get3A_935, %get3A_936] {strides = array<i32>} : memref<32x1024xf32, #tpu.memory_space<vmem>>, vector<1x16xf32>,
        %get3A_938 = vector.shape_cast %get3A_937 : vector<1x16xf32> to vector<16xf32>
        %add3A_939 = arith.addf %get3A_938, %get3A_581 : vector<16xf32>
        %swap3A_940 = arith.index_cast %add3A_800 : i32 to index
        %swap3A_941 = arith.index_cast %add3A_934 : i32 to index
        %swap3A_942 = tpu.vector_load %arg9[%swap3A_940, %swap3A_941] {strides = array<i32>} : memref<32x1024xf32, #tpu.memory_space<vmem>>, vector<1x16xf32>,
        %swap3A_943 = vector.shape_cast %swap3A_942 : vector<1x16xf32> to vector<16xf32>
        %swap3A_944 = vector.shape_cast %add3A_939 : vector<16xf32> to vector<1x16xf32>
        tpu.vector_store %arg9[%swap3A_940, %swap3A_941], %swap3A_944 {strides = array<i32>} : memref<32x1024xf32, #tpu.memory_space<vmem>>, vector<1x16xf32>,
        %add3A_945 = arith.constant 192 : i32
        %add3A_946 = arith.addi %mul3A_510, %add3A_945 : i32
        %get3A_947 = arith.index_cast %add3A_800 : i32 to index
        %get3A_948 = arith.index_cast %add3A_946 : i32 to index
        %get3A_949 = tpu.vector_load %arg9[%get3A_947, %get3A_948] {strides = array<i32>} : memref<32x1024xf32, #tpu.memory_space<vmem>>, vector<1x16xf32>,
        %get3A_950 = vector.shape_cast %get3A_949 : vector<1x16xf32> to vector<16xf32>
        %add3A_951 = arith.addf %get3A_950, %get3A_587 : vector<16xf32>
        %swap3A_952 = arith.index_cast %add3A_800 : i32 to index
        %swap3A_953 = arith.index_cast %add3A_946 : i32 to index
        %swap3A_954 = tpu.vector_load %arg9[%swap3A_952, %swap3A_953] {strides = array<i32>} : memref<32x1024xf32, #tpu.memory_space<vmem>>, vector<1x16xf32>,
        %swap3A_955 = vector.shape_cast %swap3A_954 : vector<1x16xf32> to vector<16xf32>
        %swap3A_956 = vector.shape_cast %add3A_951 : vector<16xf32> to vector<1x16xf32>
        tpu.vector_store %arg9[%swap3A_952, %swap3A_953], %swap3A_956 {strides = array<i32>} : memref<32x1024xf32, #tpu.memory_space<vmem>>, vector<1x16xf32>,
        %add3A_957 = arith.constant 208 : i32
        %add3A_958 = arith.addi %mul3A_510, %add3A_957 : i32
        %get3A_959 = arith.index_cast %add3A_800 : i32 to index
        %get3A_960 = arith.index_cast %add3A_958 : i32 to index
        %get3A_961 = tpu.vector_load %arg9[%get3A_959, %get3A_960] {strides = array<i32>} : memref<32x1024xf32, #tpu.memory_space<vmem>>, vector<1x16xf32>,
        %get3A_962 = vector.shape_cast %get3A_961 : vector<1x16xf32> to vector<16xf32>
        %add3A_963 = arith.addf %get3A_962, %get3A_593 : vector<16xf32>
        %swap3A_964 = arith.index_cast %add3A_800 : i32 to index
        %swap3A_965 = arith.index_cast %add3A_958 : i32 to index
        %swap3A_966 = tpu.vector_load %arg9[%swap3A_964, %swap3A_965] {strides = array<i32>} : memref<32x1024xf32, #tpu.memory_space<vmem>>, vector<1x16xf32>,
        %swap3A_967 = vector.shape_cast %swap3A_966 : vector<1x16xf32> to vector<16xf32>
        %swap3A_968 = vector.shape_cast %add3A_963 : vector<16xf32> to vector<1x16xf32>
        tpu.vector_store %arg9[%swap3A_964, %swap3A_965], %swap3A_968 {strides = array<i32>} : memref<32x1024xf32, #tpu.memory_space<vmem>>, vector<1x16xf32>,
        %add3A_969 = arith.constant 224 : i32
        %add3A_970 = arith.addi %mul3A_510, %add3A_969 : i32
        %get3A_971 = arith.index_cast %add3A_800 : i32 to index
        %get3A_972 = arith.index_cast %add3A_970 : i32 to index
        %get3A_973 = tpu.vector_load %arg9[%get3A_971, %get3A_972] {strides = array<i32>} : memref<32x1024xf32, #tpu.memory_space<vmem>>, vector<1x16xf32>,
        %get3A_974 = vector.shape_cast %get3A_973 : vector<1x16xf32> to vector<16xf32>
        %add3A_975 = arith.addf %get3A_974, %get3A_599 : vector<16xf32>
        %swap3A_976 = arith.index_cast %add3A_800 : i32 to index
        %swap3A_977 = arith.index_cast %add3A_970 : i32 to index
        %swap3A_978 = tpu.vector_load %arg9[%swap3A_976, %swap3A_977] {strides = array<i32>} : memref<32x1024xf32, #tpu.memory_space<vmem>>, vector<1x16xf32>,
        %swap3A_979 = vector.shape_cast %swap3A_978 : vector<1x16xf32> to vector<16xf32>
        %swap3A_980 = vector.shape_cast %add3A_975 : vector<16xf32> to vector<1x16xf32>
        tpu.vector_store %arg9[%swap3A_976, %swap3A_977], %swap3A_980 {strides = array<i32>} : memref<32x1024xf32, #tpu.memory_space<vmem>>, vector<1x16xf32>,
        %add3A_981 = arith.constant 240 : i32
        %add3A_982 = arith.addi %mul3A_510, %add3A_981 : i32
        %get3A_983 = arith.index_cast %add3A_800 : i32 to index
        %get3A_984 = arith.index_cast %add3A_982 : i32 to index
        %get3A_985 = tpu.vector_load %arg9[%get3A_983, %get3A_984] {strides = array<i32>} : memref<32x1024xf32, #tpu.memory_space<vmem>>, vector<1x16xf32>,
        %get3A_986 = vector.shape_cast %get3A_985 : vector<1x16xf32> to vector<16xf32>
        %add3A_987 = arith.addf %get3A_986, %get3A_605 : vector<16xf32>
        %swap3A_988 = arith.index_cast %add3A_800 : i32 to index
        %swap3A_989 = arith.index_cast %add3A_982 : i32 to index
        %swap3A_990 = tpu.vector_load %arg9[%swap3A_988, %swap3A_989] {strides = array<i32>} : memref<32x1024xf32, #tpu.memory_space<vmem>>, vector<1x16xf32>,
        %swap3A_991 = vector.shape_cast %swap3A_990 : vector<1x16xf32> to vector<16xf32>
        %swap3A_992 = vector.shape_cast %add3A_987 : vector<16xf32> to vector<1x16xf32>
        tpu.vector_store %arg9[%swap3A_988, %swap3A_989], %swap3A_992 {strides = array<i32>} : memref<32x1024xf32, #tpu.memory_space<vmem>>, vector<1x16xf32>,
        %add3A_993 = arith.constant 16 : i32
        %add3A_994 = arith.addi %add3A_993, %select_n3A : i32
        %add3A_995 = arith.constant 0 : i32
        %add3A_996 = arith.addi %mul3A_510, %add3A_995 : i32
        %get3A_997 = arith.index_cast %add3A_994 : i32 to index
        %get3A_998 = arith.index_cast %add3A_996 : i32 to index
        %get3A_999 = tpu.vector_load %arg9[%get3A_997, %get3A_998] {strides = array<i32>} : memref<32x1024xf32, #tpu.memory_space<vmem>>, vector<1x16xf32>,
        %get3A_1000 = vector.shape_cast %get3A_999 : vector<1x16xf32> to vector<16xf32>
        %add3A_1001 = arith.addf %get3A_1000, %get3A_515 : vector<16xf32>
        %swap3A_1002 = arith.index_cast %add3A_994 : i32 to index
        %swap3A_1003 = arith.index_cast %add3A_996 : i32 to index
        %swap3A_1004 = tpu.vector_load %arg9[%swap3A_1002, %swap3A_1003] {strides = array<i32>} : memref<32x1024xf32, #tpu.memory_space<vmem>>, vector<1x16xf32>,
        %swap3A_1005 = vector.shape_cast %swap3A_1004 : vector<1x16xf32> to vector<16xf32>
        %swap3A_1006 = vector.shape_cast %add3A_1001 : vector<16xf32> to vector<1x16xf32>
        tpu.vector_store %arg9[%swap3A_1002, %swap3A_1003], %swap3A_1006 {strides = array<i32>} : memref<32x1024xf32, #tpu.memory_space<vmem>>, vector<1x16xf32>,
        %add3A_1007 = arith.constant 16 : i32
        %add3A_1008 = arith.addi %mul3A_510, %add3A_1007 : i32
        %get3A_1009 = arith.index_cast %add3A_994 : i32 to index
        %get3A_1010 = arith.index_cast %add3A_1008 : i32 to index
        %get3A_1011 = tpu.vector_load %arg9[%get3A_1009, %get3A_1010] {strides = array<i32>} : memref<32x1024xf32, #tpu.memory_space<vmem>>, vector<1x16xf32>,
        %get3A_1012 = vector.shape_cast %get3A_1011 : vector<1x16xf32> to vector<16xf32>
        %add3A_1013 = arith.addf %get3A_1012, %get3A_521 : vector<16xf32>
        %swap3A_1014 = arith.index_cast %add3A_994 : i32 to index
        %swap3A_1015 = arith.index_cast %add3A_1008 : i32 to index
        %swap3A_1016 = tpu.vector_load %arg9[%swap3A_1014, %swap3A_1015] {strides = array<i32>} : memref<32x1024xf32, #tpu.memory_space<vmem>>, vector<1x16xf32>,
        %swap3A_1017 = vector.shape_cast %swap3A_1016 : vector<1x16xf32> to vector<16xf32>
        %swap3A_1018 = vector.shape_cast %add3A_1013 : vector<16xf32> to vector<1x16xf32>
        tpu.vector_store %arg9[%swap3A_1014, %swap3A_1015], %swap3A_1018 {strides = array<i32>} : memref<32x1024xf32, #tpu.memory_space<vmem>>, vector<1x16xf32>,
        %add3A_1019 = arith.constant 32 : i32
        %add3A_1020 = arith.addi %mul3A_510, %add3A_1019 : i32
        %get3A_1021 = arith.index_cast %add3A_994 : i32 to index
        %get3A_1022 = arith.index_cast %add3A_1020 : i32 to index
        %get3A_1023 = tpu.vector_load %arg9[%get3A_1021, %get3A_1022] {strides = array<i32>} : memref<32x1024xf32, #tpu.memory_space<vmem>>, vector<1x16xf32>,
        %get3A_1024 = vector.shape_cast %get3A_1023 : vector<1x16xf32> to vector<16xf32>
        %add3A_1025 = arith.addf %get3A_1024, %get3A_527 : vector<16xf32>
        %swap3A_1026 = arith.index_cast %add3A_994 : i32 to index
        %swap3A_1027 = arith.index_cast %add3A_1020 : i32 to index
        %swap3A_1028 = tpu.vector_load %arg9[%swap3A_1026, %swap3A_1027] {strides = array<i32>} : memref<32x1024xf32, #tpu.memory_space<vmem>>, vector<1x16xf32>,
        %swap3A_1029 = vector.shape_cast %swap3A_1028 : vector<1x16xf32> to vector<16xf32>
        %swap3A_1030 = vector.shape_cast %add3A_1025 : vector<16xf32> to vector<1x16xf32>
        tpu.vector_store %arg9[%swap3A_1026, %swap3A_1027], %swap3A_1030 {strides = array<i32>} : memref<32x1024xf32, #tpu.memory_space<vmem>>, vector<1x16xf32>,
        %add3A_1031 = arith.constant 48 : i32
        %add3A_1032 = arith.addi %mul3A_510, %add3A_1031 : i32
        %get3A_1033 = arith.index_cast %add3A_994 : i32 to index
        %get3A_1034 = arith.index_cast %add3A_1032 : i32 to index
        %get3A_1035 = tpu.vector_load %arg9[%get3A_1033, %get3A_1034] {strides = array<i32>} : memref<32x1024xf32, #tpu.memory_space<vmem>>, vector<1x16xf32>,
        %get3A_1036 = vector.shape_cast %get3A_1035 : vector<1x16xf32> to vector<16xf32>
        %add3A_1037 = arith.addf %get3A_1036, %get3A_533 : vector<16xf32>
        %swap3A_1038 = arith.index_cast %add3A_994 : i32 to index
        %swap3A_1039 = arith.index_cast %add3A_1032 : i32 to index
        %swap3A_1040 = tpu.vector_load %arg9[%swap3A_1038, %swap3A_1039] {strides = array<i32>} : memref<32x1024xf32, #tpu.memory_space<vmem>>, vector<1x16xf32>,
        %swap3A_1041 = vector.shape_cast %swap3A_1040 : vector<1x16xf32> to vector<16xf32>
        %swap3A_1042 = vector.shape_cast %add3A_1037 : vector<16xf32> to vector<1x16xf32>
        tpu.vector_store %arg9[%swap3A_1038, %swap3A_1039], %swap3A_1042 {strides = array<i32>} : memref<32x1024xf32, #tpu.memory_space<vmem>>, vector<1x16xf32>,
        %add3A_1043 = arith.constant 64 : i32
        %add3A_1044 = arith.addi %mul3A_510, %add3A_1043 : i32
        %get3A_1045 = arith.index_cast %add3A_994 : i32 to index
        %get3A_1046 = arith.index_cast %add3A_1044 : i32 to index
        %get3A_1047 = tpu.vector_load %arg9[%get3A_1045, %get3A_1046] {strides = array<i32>} : memref<32x1024xf32, #tpu.memory_space<vmem>>, vector<1x16xf32>,
        %get3A_1048 = vector.shape_cast %get3A_1047 : vector<1x16xf32> to vector<16xf32>
        %add3A_1049 = arith.addf %get3A_1048, %get3A_539 : vector<16xf32>
        %swap3A_1050 = arith.index_cast %add3A_994 : i32 to index
        %swap3A_1051 = arith.index_cast %add3A_1044 : i32 to index
        %swap3A_1052 = tpu.vector_load %arg9[%swap3A_1050, %swap3A_1051] {strides = array<i32>} : memref<32x1024xf32, #tpu.memory_space<vmem>>, vector<1x16xf32>,
        %swap3A_1053 = vector.shape_cast %swap3A_1052 : vector<1x16xf32> to vector<16xf32>
        %swap3A_1054 = vector.shape_cast %add3A_1049 : vector<16xf32> to vector<1x16xf32>
        tpu.vector_store %arg9[%swap3A_1050, %swap3A_1051], %swap3A_1054 {strides = array<i32>} : memref<32x1024xf32, #tpu.memory_space<vmem>>, vector<1x16xf32>,
        %add3A_1055 = arith.constant 80 : i32
        %add3A_1056 = arith.addi %mul3A_510, %add3A_1055 : i32
        %get3A_1057 = arith.index_cast %add3A_994 : i32 to index
        %get3A_1058 = arith.index_cast %add3A_1056 : i32 to index
        %get3A_1059 = tpu.vector_load %arg9[%get3A_1057, %get3A_1058] {strides = array<i32>} : memref<32x1024xf32, #tpu.memory_space<vmem>>, vector<1x16xf32>,
        %get3A_1060 = vector.shape_cast %get3A_1059 : vector<1x16xf32> to vector<16xf32>
        %add3A_1061 = arith.addf %get3A_1060, %get3A_545 : vector<16xf32>
        %swap3A_1062 = arith.index_cast %add3A_994 : i32 to index
        %swap3A_1063 = arith.index_cast %add3A_1056 : i32 to index
        %swap3A_1064 = tpu.vector_load %arg9[%swap3A_1062, %swap3A_1063] {strides = array<i32>} : memref<32x1024xf32, #tpu.memory_space<vmem>>, vector<1x16xf32>,
        %swap3A_1065 = vector.shape_cast %swap3A_1064 : vector<1x16xf32> to vector<16xf32>
        %swap3A_1066 = vector.shape_cast %add3A_1061 : vector<16xf32> to vector<1x16xf32>
        tpu.vector_store %arg9[%swap3A_1062, %swap3A_1063], %swap3A_1066 {strides = array<i32>} : memref<32x1024xf32, #tpu.memory_space<vmem>>, vector<1x16xf32>,
        %add3A_1067 = arith.constant 96 : i32
        %add3A_1068 = arith.addi %mul3A_510, %add3A_1067 : i32
        %get3A_1069 = arith.index_cast %add3A_994 : i32 to index
        %get3A_1070 = arith.index_cast %add3A_1068 : i32 to index
        %get3A_1071 = tpu.vector_load %arg9[%get3A_1069, %get3A_1070] {strides = array<i32>} : memref<32x1024xf32, #tpu.memory_space<vmem>>, vector<1x16xf32>,
        %get3A_1072 = vector.shape_cast %get3A_1071 : vector<1x16xf32> to vector<16xf32>
        %add3A_1073 = arith.addf %get3A_1072, %get3A_551 : vector<16xf32>
        %swap3A_1074 = arith.index_cast %add3A_994 : i32 to index
        %swap3A_1075 = arith.index_cast %add3A_1068 : i32 to index
        %swap3A_1076 = tpu.vector_load %arg9[%swap3A_1074, %swap3A_1075] {strides = array<i32>} : memref<32x1024xf32, #tpu.memory_space<vmem>>, vector<1x16xf32>,
        %swap3A_1077 = vector.shape_cast %swap3A_1076 : vector<1x16xf32> to vector<16xf32>
        %swap3A_1078 = vector.shape_cast %add3A_1073 : vector<16xf32> to vector<1x16xf32>
        tpu.vector_store %arg9[%swap3A_1074, %swap3A_1075], %swap3A_1078 {strides = array<i32>} : memref<32x1024xf32, #tpu.memory_space<vmem>>, vector<1x16xf32>,
        %add3A_1079 = arith.constant 112 : i32
        %add3A_1080 = arith.addi %mul3A_510, %add3A_1079 : i32
        %get3A_1081 = arith.index_cast %add3A_994 : i32 to index
        %get3A_1082 = arith.index_cast %add3A_1080 : i32 to index
        %get3A_1083 = tpu.vector_load %arg9[%get3A_1081, %get3A_1082] {strides = array<i32>} : memref<32x1024xf32, #tpu.memory_space<vmem>>, vector<1x16xf32>,
        %get3A_1084 = vector.shape_cast %get3A_1083 : vector<1x16xf32> to vector<16xf32>
        %add3A_1085 = arith.addf %get3A_1084, %get3A_557 : vector<16xf32>
        %swap3A_1086 = arith.index_cast %add3A_994 : i32 to index
        %swap3A_1087 = arith.index_cast %add3A_1080 : i32 to index
        %swap3A_1088 = tpu.vector_load %arg9[%swap3A_1086, %swap3A_1087] {strides = array<i32>} : memref<32x1024xf32, #tpu.memory_space<vmem>>, vector<1x16xf32>,
        %swap3A_1089 = vector.shape_cast %swap3A_1088 : vector<1x16xf32> to vector<16xf32>
        %swap3A_1090 = vector.shape_cast %add3A_1085 : vector<16xf32> to vector<1x16xf32>
        tpu.vector_store %arg9[%swap3A_1086, %swap3A_1087], %swap3A_1090 {strides = array<i32>} : memref<32x1024xf32, #tpu.memory_space<vmem>>, vector<1x16xf32>,
        %add3A_1091 = arith.constant 128 : i32
        %add3A_1092 = arith.addi %mul3A_510, %add3A_1091 : i32
        %get3A_1093 = arith.index_cast %add3A_994 : i32 to index
        %get3A_1094 = arith.index_cast %add3A_1092 : i32 to index
        %get3A_1095 = tpu.vector_load %arg9[%get3A_1093, %get3A_1094] {strides = array<i32>} : memref<32x1024xf32, #tpu.memory_space<vmem>>, vector<1x16xf32>,
        %get3A_1096 = vector.shape_cast %get3A_1095 : vector<1x16xf32> to vector<16xf32>
        %add3A_1097 = arith.addf %get3A_1096, %get3A_563 : vector<16xf32>
        %swap3A_1098 = arith.index_cast %add3A_994 : i32 to index
        %swap3A_1099 = arith.index_cast %add3A_1092 : i32 to index
        %swap3A_1100 = tpu.vector_load %arg9[%swap3A_1098, %swap3A_1099] {strides = array<i32>} : memref<32x1024xf32, #tpu.memory_space<vmem>>, vector<1x16xf32>,
        %swap3A_1101 = vector.shape_cast %swap3A_1100 : vector<1x16xf32> to vector<16xf32>
        %swap3A_1102 = vector.shape_cast %add3A_1097 : vector<16xf32> to vector<1x16xf32>
        tpu.vector_store %arg9[%swap3A_1098, %swap3A_1099], %swap3A_1102 {strides = array<i32>} : memref<32x1024xf32, #tpu.memory_space<vmem>>, vector<1x16xf32>,
        %add3A_1103 = arith.constant 144 : i32
        %add3A_1104 = arith.addi %mul3A_510, %add3A_1103 : i32
        %get3A_1105 = arith.index_cast %add3A_994 : i32 to index
        %get3A_1106 = arith.index_cast %add3A_1104 : i32 to index
        %get3A_1107 = tpu.vector_load %arg9[%get3A_1105, %get3A_1106] {strides = array<i32>} : memref<32x1024xf32, #tpu.memory_space<vmem>>, vector<1x16xf32>,
        %get3A_1108 = vector.shape_cast %get3A_1107 : vector<1x16xf32> to vector<16xf32>
        %add3A_1109 = arith.addf %get3A_1108, %get3A_569 : vector<16xf32>
        %swap3A_1110 = arith.index_cast %add3A_994 : i32 to index
        %swap3A_1111 = arith.index_cast %add3A_1104 : i32 to index
        %swap3A_1112 = tpu.vector_load %arg9[%swap3A_1110, %swap3A_1111] {strides = array<i32>} : memref<32x1024xf32, #tpu.memory_space<vmem>>, vector<1x16xf32>,
        %swap3A_1113 = vector.shape_cast %swap3A_1112 : vector<1x16xf32> to vector<16xf32>
        %swap3A_1114 = vector.shape_cast %add3A_1109 : vector<16xf32> to vector<1x16xf32>
        tpu.vector_store %arg9[%swap3A_1110, %swap3A_1111], %swap3A_1114 {strides = array<i32>} : memref<32x1024xf32, #tpu.memory_space<vmem>>, vector<1x16xf32>,
        %add3A_1115 = arith.constant 160 : i32
        %add3A_1116 = arith.addi %mul3A_510, %add3A_1115 : i32
        %get3A_1117 = arith.index_cast %add3A_994 : i32 to index
        %get3A_1118 = arith.index_cast %add3A_1116 : i32 to index
        %get3A_1119 = tpu.vector_load %arg9[%get3A_1117, %get3A_1118] {strides = array<i32>} : memref<32x1024xf32, #tpu.memory_space<vmem>>, vector<1x16xf32>,
        %get3A_1120 = vector.shape_cast %get3A_1119 : vector<1x16xf32> to vector<16xf32>
        %add3A_1121 = arith.addf %get3A_1120, %get3A_575 : vector<16xf32>
        %swap3A_1122 = arith.index_cast %add3A_994 : i32 to index
        %swap3A_1123 = arith.index_cast %add3A_1116 : i32 to index
        %swap3A_1124 = tpu.vector_load %arg9[%swap3A_1122, %swap3A_1123] {strides = array<i32>} : memref<32x1024xf32, #tpu.memory_space<vmem>>, vector<1x16xf32>,
        %swap3A_1125 = vector.shape_cast %swap3A_1124 : vector<1x16xf32> to vector<16xf32>
        %swap3A_1126 = vector.shape_cast %add3A_1121 : vector<16xf32> to vector<1x16xf32>
        tpu.vector_store %arg9[%swap3A_1122, %swap3A_1123], %swap3A_1126 {strides = array<i32>} : memref<32x1024xf32, #tpu.memory_space<vmem>>, vector<1x16xf32>,
        %add3A_1127 = arith.constant 176 : i32
        %add3A_1128 = arith.addi %mul3A_510, %add3A_1127 : i32
        %get3A_1129 = arith.index_cast %add3A_994 : i32 to index
        %get3A_1130 = arith.index_cast %add3A_1128 : i32 to index
        %get3A_1131 = tpu.vector_load %arg9[%get3A_1129, %get3A_1130] {strides = array<i32>} : memref<32x1024xf32, #tpu.memory_space<vmem>>, vector<1x16xf32>,
        %get3A_1132 = vector.shape_cast %get3A_1131 : vector<1x16xf32> to vector<16xf32>
        %add3A_1133 = arith.addf %get3A_1132, %get3A_581 : vector<16xf32>
        %swap3A_1134 = arith.index_cast %add3A_994 : i32 to index
        %swap3A_1135 = arith.index_cast %add3A_1128 : i32 to index
        %swap3A_1136 = tpu.vector_load %arg9[%swap3A_1134, %swap3A_1135] {strides = array<i32>} : memref<32x1024xf32, #tpu.memory_space<vmem>>, vector<1x16xf32>,
        %swap3A_1137 = vector.shape_cast %swap3A_1136 : vector<1x16xf32> to vector<16xf32>
        %swap3A_1138 = vector.shape_cast %add3A_1133 : vector<16xf32> to vector<1x16xf32>
        tpu.vector_store %arg9[%swap3A_1134, %swap3A_1135], %swap3A_1138 {strides = array<i32>} : memref<32x1024xf32, #tpu.memory_space<vmem>>, vector<1x16xf32>,
        %add3A_1139 = arith.constant 192 : i32
        %add3A_1140 = arith.addi %mul3A_510, %add3A_1139 : i32
        %get3A_1141 = arith.index_cast %add3A_994 : i32 to index
        %get3A_1142 = arith.index_cast %add3A_1140 : i32 to index
        %get3A_1143 = tpu.vector_load %arg9[%get3A_1141, %get3A_1142] {strides = array<i32>} : memref<32x1024xf32, #tpu.memory_space<vmem>>, vector<1x16xf32>,
        %get3A_1144 = vector.shape_cast %get3A_1143 : vector<1x16xf32> to vector<16xf32>
        %add3A_1145 = arith.addf %get3A_1144, %get3A_587 : vector<16xf32>
        %swap3A_1146 = arith.index_cast %add3A_994 : i32 to index
        %swap3A_1147 = arith.index_cast %add3A_1140 : i32 to index
        %swap3A_1148 = tpu.vector_load %arg9[%swap3A_1146, %swap3A_1147] {strides = array<i32>} : memref<32x1024xf32, #tpu.memory_space<vmem>>, vector<1x16xf32>,
        %swap3A_1149 = vector.shape_cast %swap3A_1148 : vector<1x16xf32> to vector<16xf32>
        %swap3A_1150 = vector.shape_cast %add3A_1145 : vector<16xf32> to vector<1x16xf32>
        tpu.vector_store %arg9[%swap3A_1146, %swap3A_1147], %swap3A_1150 {strides = array<i32>} : memref<32x1024xf32, #tpu.memory_space<vmem>>, vector<1x16xf32>,
        %add3A_1151 = arith.constant 208 : i32
        %add3A_1152 = arith.addi %mul3A_510, %add3A_1151 : i32
        %get3A_1153 = arith.index_cast %add3A_994 : i32 to index
        %get3A_1154 = arith.index_cast %add3A_1152 : i32 to index
        %get3A_1155 = tpu.vector_load %arg9[%get3A_1153, %get3A_1154] {strides = array<i32>} : memref<32x1024xf32, #tpu.memory_space<vmem>>, vector<1x16xf32>,
        %get3A_1156 = vector.shape_cast %get3A_1155 : vector<1x16xf32> to vector<16xf32>
        %add3A_1157 = arith.addf %get3A_1156, %get3A_593 : vector<16xf32>
        %swap3A_1158 = arith.index_cast %add3A_994 : i32 to index
        %swap3A_1159 = arith.index_cast %add3A_1152 : i32 to index
        %swap3A_1160 = tpu.vector_load %arg9[%swap3A_1158, %swap3A_1159] {strides = array<i32>} : memref<32x1024xf32, #tpu.memory_space<vmem>>, vector<1x16xf32>,
        %swap3A_1161 = vector.shape_cast %swap3A_1160 : vector<1x16xf32> to vector<16xf32>
        %swap3A_1162 = vector.shape_cast %add3A_1157 : vector<16xf32> to vector<1x16xf32>
        tpu.vector_store %arg9[%swap3A_1158, %swap3A_1159], %swap3A_1162 {strides = array<i32>} : memref<32x1024xf32, #tpu.memory_space<vmem>>, vector<1x16xf32>,
        %add3A_1163 = arith.constant 224 : i32
        %add3A_1164 = arith.addi %mul3A_510, %add3A_1163 : i32
        %get3A_1165 = arith.index_cast %add3A_994 : i32 to index
        %get3A_1166 = arith.index_cast %add3A_1164 : i32 to index
        %get3A_1167 = tpu.vector_load %arg9[%get3A_1165, %get3A_1166] {strides = array<i32>} : memref<32x1024xf32, #tpu.memory_space<vmem>>, vector<1x16xf32>,
        %get3A_1168 = vector.shape_cast %get3A_1167 : vector<1x16xf32> to vector<16xf32>
        %add3A_1169 = arith.addf %get3A_1168, %get3A_599 : vector<16xf32>
        %swap3A_1170 = arith.index_cast %add3A_994 : i32 to index
        %swap3A_1171 = arith.index_cast %add3A_1164 : i32 to index
        %swap3A_1172 = tpu.vector_load %arg9[%swap3A_1170, %swap3A_1171] {strides = array<i32>} : memref<32x1024xf32, #tpu.memory_space<vmem>>, vector<1x16xf32>,
        %swap3A_1173 = vector.shape_cast %swap3A_1172 : vector<1x16xf32> to vector<16xf32>
        %swap3A_1174 = vector.shape_cast %add3A_1169 : vector<16xf32> to vector<1x16xf32>
        tpu.vector_store %arg9[%swap3A_1170, %swap3A_1171], %swap3A_1174 {strides = array<i32>} : memref<32x1024xf32, #tpu.memory_space<vmem>>, vector<1x16xf32>,
        %add3A_1175 = arith.constant 240 : i32
        %add3A_1176 = arith.addi %mul3A_510, %add3A_1175 : i32
        %get3A_1177 = arith.index_cast %add3A_994 : i32 to index
        %get3A_1178 = arith.index_cast %add3A_1176 : i32 to index
        %get3A_1179 = tpu.vector_load %arg9[%get3A_1177, %get3A_1178] {strides = array<i32>} : memref<32x1024xf32, #tpu.memory_space<vmem>>, vector<1x16xf32>,
        %get3A_1180 = vector.shape_cast %get3A_1179 : vector<1x16xf32> to vector<16xf32>
        %add3A_1181 = arith.addf %get3A_1180, %get3A_605 : vector<16xf32>
        %swap3A_1182 = arith.index_cast %add3A_994 : i32 to index
        %swap3A_1183 = arith.index_cast %add3A_1176 : i32 to index
        %swap3A_1184 = tpu.vector_load %arg9[%swap3A_1182, %swap3A_1183] {strides = array<i32>} : memref<32x1024xf32, #tpu.memory_space<vmem>>, vector<1x16xf32>,
        %swap3A_1185 = vector.shape_cast %swap3A_1184 : vector<1x16xf32> to vector<16xf32>
        %swap3A_1186 = vector.shape_cast %add3A_1181 : vector<16xf32> to vector<1x16xf32>
        tpu.vector_store %arg9[%swap3A_1182, %swap3A_1183], %swap3A_1186 {strides = array<i32>} : memref<32x1024xf32, #tpu.memory_space<vmem>>, vector<1x16xf32>,
        %add3A_1187 = arith.constant 24 : i32
        %add3A_1188 = arith.addi %add3A_1187, %select_n3A : i32
        %add3A_1189 = arith.constant 0 : i32
        %add3A_1190 = arith.addi %mul3A_510, %add3A_1189 : i32
        %get3A_1191 = arith.index_cast %add3A_1188 : i32 to index
        %get3A_1192 = arith.index_cast %add3A_1190 : i32 to index
        %get3A_1193 = tpu.vector_load %arg9[%get3A_1191, %get3A_1192] {strides = array<i32>} : memref<32x1024xf32, #tpu.memory_space<vmem>>, vector<1x16xf32>,
        %get3A_1194 = vector.shape_cast %get3A_1193 : vector<1x16xf32> to vector<16xf32>
        %add3A_1195 = arith.addf %get3A_1194, %get3A_515 : vector<16xf32>
        %swap3A_1196 = arith.index_cast %add3A_1188 : i32 to index
        %swap3A_1197 = arith.index_cast %add3A_1190 : i32 to index
        %swap3A_1198 = tpu.vector_load %arg9[%swap3A_1196, %swap3A_1197] {strides = array<i32>} : memref<32x1024xf32, #tpu.memory_space<vmem>>, vector<1x16xf32>,
        %swap3A_1199 = vector.shape_cast %swap3A_1198 : vector<1x16xf32> to vector<16xf32>
        %swap3A_1200 = vector.shape_cast %add3A_1195 : vector<16xf32> to vector<1x16xf32>
        tpu.vector_store %arg9[%swap3A_1196, %swap3A_1197], %swap3A_1200 {strides = array<i32>} : memref<32x1024xf32, #tpu.memory_space<vmem>>, vector<1x16xf32>,
        %add3A_1201 = arith.constant 16 : i32
        %add3A_1202 = arith.addi %mul3A_510, %add3A_1201 : i32
        %get3A_1203 = arith.index_cast %add3A_1188 : i32 to index
        %get3A_1204 = arith.index_cast %add3A_1202 : i32 to index
        %get3A_1205 = tpu.vector_load %arg9[%get3A_1203, %get3A_1204] {strides = array<i32>} : memref<32x1024xf32, #tpu.memory_space<vmem>>, vector<1x16xf32>,
        %get3A_1206 = vector.shape_cast %get3A_1205 : vector<1x16xf32> to vector<16xf32>
        %add3A_1207 = arith.addf %get3A_1206, %get3A_521 : vector<16xf32>
        %swap3A_1208 = arith.index_cast %add3A_1188 : i32 to index
        %swap3A_1209 = arith.index_cast %add3A_1202 : i32 to index
        %swap3A_1210 = tpu.vector_load %arg9[%swap3A_1208, %swap3A_1209] {strides = array<i32>} : memref<32x1024xf32, #tpu.memory_space<vmem>>, vector<1x16xf32>,
        %swap3A_1211 = vector.shape_cast %swap3A_1210 : vector<1x16xf32> to vector<16xf32>
        %swap3A_1212 = vector.shape_cast %add3A_1207 : vector<16xf32> to vector<1x16xf32>
        tpu.vector_store %arg9[%swap3A_1208, %swap3A_1209], %swap3A_1212 {strides = array<i32>} : memref<32x1024xf32, #tpu.memory_space<vmem>>, vector<1x16xf32>,
        %add3A_1213 = arith.constant 32 : i32
        %add3A_1214 = arith.addi %mul3A_510, %add3A_1213 : i32
        %get3A_1215 = arith.index_cast %add3A_1188 : i32 to index
        %get3A_1216 = arith.index_cast %add3A_1214 : i32 to index
        %get3A_1217 = tpu.vector_load %arg9[%get3A_1215, %get3A_1216] {strides = array<i32>} : memref<32x1024xf32, #tpu.memory_space<vmem>>, vector<1x16xf32>,
        %get3A_1218 = vector.shape_cast %get3A_1217 : vector<1x16xf32> to vector<16xf32>
        %add3A_1219 = arith.addf %get3A_1218, %get3A_527 : vector<16xf32>
        %swap3A_1220 = arith.index_cast %add3A_1188 : i32 to index
        %swap3A_1221 = arith.index_cast %add3A_1214 : i32 to index
        %swap3A_1222 = tpu.vector_load %arg9[%swap3A_1220, %swap3A_1221] {strides = array<i32>} : memref<32x1024xf32, #tpu.memory_space<vmem>>, vector<1x16xf32>,
        %swap3A_1223 = vector.shape_cast %swap3A_1222 : vector<1x16xf32> to vector<16xf32>
        %swap3A_1224 = vector.shape_cast %add3A_1219 : vector<16xf32> to vector<1x16xf32>
        tpu.vector_store %arg9[%swap3A_1220, %swap3A_1221], %swap3A_1224 {strides = array<i32>} : memref<32x1024xf32, #tpu.memory_space<vmem>>, vector<1x16xf32>,
        %add3A_1225 = arith.constant 48 : i32
        %add3A_1226 = arith.addi %mul3A_510, %add3A_1225 : i32
        %get3A_1227 = arith.index_cast %add3A_1188 : i32 to index
        %get3A_1228 = arith.index_cast %add3A_1226 : i32 to index
        %get3A_1229 = tpu.vector_load %arg9[%get3A_1227, %get3A_1228] {strides = array<i32>} : memref<32x1024xf32, #tpu.memory_space<vmem>>, vector<1x16xf32>,
        %get3A_1230 = vector.shape_cast %get3A_1229 : vector<1x16xf32> to vector<16xf32>
        %add3A_1231 = arith.addf %get3A_1230, %get3A_533 : vector<16xf32>
        %swap3A_1232 = arith.index_cast %add3A_1188 : i32 to index
        %swap3A_1233 = arith.index_cast %add3A_1226 : i32 to index
        %swap3A_1234 = tpu.vector_load %arg9[%swap3A_1232, %swap3A_1233] {strides = array<i32>} : memref<32x1024xf32, #tpu.memory_space<vmem>>, vector<1x16xf32>,
        %swap3A_1235 = vector.shape_cast %swap3A_1234 : vector<1x16xf32> to vector<16xf32>
        %swap3A_1236 = vector.shape_cast %add3A_1231 : vector<16xf32> to vector<1x16xf32>
        tpu.vector_store %arg9[%swap3A_1232, %swap3A_1233], %swap3A_1236 {strides = array<i32>} : memref<32x1024xf32, #tpu.memory_space<vmem>>, vector<1x16xf32>,
        %add3A_1237 = arith.constant 64 : i32
        %add3A_1238 = arith.addi %mul3A_510, %add3A_1237 : i32
        %get3A_1239 = arith.index_cast %add3A_1188 : i32 to index
        %get3A_1240 = arith.index_cast %add3A_1238 : i32 to index
        %get3A_1241 = tpu.vector_load %arg9[%get3A_1239, %get3A_1240] {strides = array<i32>} : memref<32x1024xf32, #tpu.memory_space<vmem>>, vector<1x16xf32>,
        %get3A_1242 = vector.shape_cast %get3A_1241 : vector<1x16xf32> to vector<16xf32>
        %add3A_1243 = arith.addf %get3A_1242, %get3A_539 : vector<16xf32>
        %swap3A_1244 = arith.index_cast %add3A_1188 : i32 to index
        %swap3A_1245 = arith.index_cast %add3A_1238 : i32 to index
        %swap3A_1246 = tpu.vector_load %arg9[%swap3A_1244, %swap3A_1245] {strides = array<i32>} : memref<32x1024xf32, #tpu.memory_space<vmem>>, vector<1x16xf32>,
        %swap3A_1247 = vector.shape_cast %swap3A_1246 : vector<1x16xf32> to vector<16xf32>
        %swap3A_1248 = vector.shape_cast %add3A_1243 : vector<16xf32> to vector<1x16xf32>
        tpu.vector_store %arg9[%swap3A_1244, %swap3A_1245], %swap3A_1248 {strides = array<i32>} : memref<32x1024xf32, #tpu.memory_space<vmem>>, vector<1x16xf32>,
        %add3A_1249 = arith.constant 80 : i32
        %add3A_1250 = arith.addi %mul3A_510, %add3A_1249 : i32
        %get3A_1251 = arith.index_cast %add3A_1188 : i32 to index
        %get3A_1252 = arith.index_cast %add3A_1250 : i32 to index
        %get3A_1253 = tpu.vector_load %arg9[%get3A_1251, %get3A_1252] {strides = array<i32>} : memref<32x1024xf32, #tpu.memory_space<vmem>>, vector<1x16xf32>,
        %get3A_1254 = vector.shape_cast %get3A_1253 : vector<1x16xf32> to vector<16xf32>
        %add3A_1255 = arith.addf %get3A_1254, %get3A_545 : vector<16xf32>
        %swap3A_1256 = arith.index_cast %add3A_1188 : i32 to index
        %swap3A_1257 = arith.index_cast %add3A_1250 : i32 to index
        %swap3A_1258 = tpu.vector_load %arg9[%swap3A_1256, %swap3A_1257] {strides = array<i32>} : memref<32x1024xf32, #tpu.memory_space<vmem>>, vector<1x16xf32>,
        %swap3A_1259 = vector.shape_cast %swap3A_1258 : vector<1x16xf32> to vector<16xf32>
        %swap3A_1260 = vector.shape_cast %add3A_1255 : vector<16xf32> to vector<1x16xf32>
        tpu.vector_store %arg9[%swap3A_1256, %swap3A_1257], %swap3A_1260 {strides = array<i32>} : memref<32x1024xf32, #tpu.memory_space<vmem>>, vector<1x16xf32>,
        %add3A_1261 = arith.constant 96 : i32
        %add3A_1262 = arith.addi %mul3A_510, %add3A_1261 : i32
        %get3A_1263 = arith.index_cast %add3A_1188 : i32 to index
        %get3A_1264 = arith.index_cast %add3A_1262 : i32 to index
        %get3A_1265 = tpu.vector_load %arg9[%get3A_1263, %get3A_1264] {strides = array<i32>} : memref<32x1024xf32, #tpu.memory_space<vmem>>, vector<1x16xf32>,
        %get3A_1266 = vector.shape_cast %get3A_1265 : vector<1x16xf32> to vector<16xf32>
        %add3A_1267 = arith.addf %get3A_1266, %get3A_551 : vector<16xf32>
        %swap3A_1268 = arith.index_cast %add3A_1188 : i32 to index
        %swap3A_1269 = arith.index_cast %add3A_1262 : i32 to index
        %swap3A_1270 = tpu.vector_load %arg9[%swap3A_1268, %swap3A_1269] {strides = array<i32>} : memref<32x1024xf32, #tpu.memory_space<vmem>>, vector<1x16xf32>,
        %swap3A_1271 = vector.shape_cast %swap3A_1270 : vector<1x16xf32> to vector<16xf32>
        %swap3A_1272 = vector.shape_cast %add3A_1267 : vector<16xf32> to vector<1x16xf32>
        tpu.vector_store %arg9[%swap3A_1268, %swap3A_1269], %swap3A_1272 {strides = array<i32>} : memref<32x1024xf32, #tpu.memory_space<vmem>>, vector<1x16xf32>,
        %add3A_1273 = arith.constant 112 : i32
        %add3A_1274 = arith.addi %mul3A_510, %add3A_1273 : i32
        %get3A_1275 = arith.index_cast %add3A_1188 : i32 to index
        %get3A_1276 = arith.index_cast %add3A_1274 : i32 to index
        %get3A_1277 = tpu.vector_load %arg9[%get3A_1275, %get3A_1276] {strides = array<i32>} : memref<32x1024xf32, #tpu.memory_space<vmem>>, vector<1x16xf32>,
        %get3A_1278 = vector.shape_cast %get3A_1277 : vector<1x16xf32> to vector<16xf32>
        %add3A_1279 = arith.addf %get3A_1278, %get3A_557 : vector<16xf32>
        %swap3A_1280 = arith.index_cast %add3A_1188 : i32 to index
        %swap3A_1281 = arith.index_cast %add3A_1274 : i32 to index
        %swap3A_1282 = tpu.vector_load %arg9[%swap3A_1280, %swap3A_1281] {strides = array<i32>} : memref<32x1024xf32, #tpu.memory_space<vmem>>, vector<1x16xf32>,
        %swap3A_1283 = vector.shape_cast %swap3A_1282 : vector<1x16xf32> to vector<16xf32>
        %swap3A_1284 = vector.shape_cast %add3A_1279 : vector<16xf32> to vector<1x16xf32>
        tpu.vector_store %arg9[%swap3A_1280, %swap3A_1281], %swap3A_1284 {strides = array<i32>} : memref<32x1024xf32, #tpu.memory_space<vmem>>, vector<1x16xf32>,
        %add3A_1285 = arith.constant 128 : i32
        %add3A_1286 = arith.addi %mul3A_510, %add3A_1285 : i32
        %get3A_1287 = arith.index_cast %add3A_1188 : i32 to index
        %get3A_1288 = arith.index_cast %add3A_1286 : i32 to index
        %get3A_1289 = tpu.vector_load %arg9[%get3A_1287, %get3A_1288] {strides = array<i32>} : memref<32x1024xf32, #tpu.memory_space<vmem>>, vector<1x16xf32>,
        %get3A_1290 = vector.shape_cast %get3A_1289 : vector<1x16xf32> to vector<16xf32>
        %add3A_1291 = arith.addf %get3A_1290, %get3A_563 : vector<16xf32>
        %swap3A_1292 = arith.index_cast %add3A_1188 : i32 to index
        %swap3A_1293 = arith.index_cast %add3A_1286 : i32 to index
        %swap3A_1294 = tpu.vector_load %arg9[%swap3A_1292, %swap3A_1293] {strides = array<i32>} : memref<32x1024xf32, #tpu.memory_space<vmem>>, vector<1x16xf32>,
        %swap3A_1295 = vector.shape_cast %swap3A_1294 : vector<1x16xf32> to vector<16xf32>
        %swap3A_1296 = vector.shape_cast %add3A_1291 : vector<16xf32> to vector<1x16xf32>
        tpu.vector_store %arg9[%swap3A_1292, %swap3A_1293], %swap3A_1296 {strides = array<i32>} : memref<32x1024xf32, #tpu.memory_space<vmem>>, vector<1x16xf32>,
        %add3A_1297 = arith.constant 144 : i32
        %add3A_1298 = arith.addi %mul3A_510, %add3A_1297 : i32
        %get3A_1299 = arith.index_cast %add3A_1188 : i32 to index
        %get3A_1300 = arith.index_cast %add3A_1298 : i32 to index
        %get3A_1301 = tpu.vector_load %arg9[%get3A_1299, %get3A_1300] {strides = array<i32>} : memref<32x1024xf32, #tpu.memory_space<vmem>>, vector<1x16xf32>,
        %get3A_1302 = vector.shape_cast %get3A_1301 : vector<1x16xf32> to vector<16xf32>
        %add3A_1303 = arith.addf %get3A_1302, %get3A_569 : vector<16xf32>
        %swap3A_1304 = arith.index_cast %add3A_1188 : i32 to index
        %swap3A_1305 = arith.index_cast %add3A_1298 : i32 to index
        %swap3A_1306 = tpu.vector_load %arg9[%swap3A_1304, %swap3A_1305] {strides = array<i32>} : memref<32x1024xf32, #tpu.memory_space<vmem>>, vector<1x16xf32>,
        %swap3A_1307 = vector.shape_cast %swap3A_1306 : vector<1x16xf32> to vector<16xf32>
        %swap3A_1308 = vector.shape_cast %add3A_1303 : vector<16xf32> to vector<1x16xf32>
        tpu.vector_store %arg9[%swap3A_1304, %swap3A_1305], %swap3A_1308 {strides = array<i32>} : memref<32x1024xf32, #tpu.memory_space<vmem>>, vector<1x16xf32>,
        %add3A_1309 = arith.constant 160 : i32
        %add3A_1310 = arith.addi %mul3A_510, %add3A_1309 : i32
        %get3A_1311 = arith.index_cast %add3A_1188 : i32 to index
        %get3A_1312 = arith.index_cast %add3A_1310 : i32 to index
        %get3A_1313 = tpu.vector_load %arg9[%get3A_1311, %get3A_1312] {strides = array<i32>} : memref<32x1024xf32, #tpu.memory_space<vmem>>, vector<1x16xf32>,
        %get3A_1314 = vector.shape_cast %get3A_1313 : vector<1x16xf32> to vector<16xf32>
        %add3A_1315 = arith.addf %get3A_1314, %get3A_575 : vector<16xf32>
        %swap3A_1316 = arith.index_cast %add3A_1188 : i32 to index
        %swap3A_1317 = arith.index_cast %add3A_1310 : i32 to index
        %swap3A_1318 = tpu.vector_load %arg9[%swap3A_1316, %swap3A_1317] {strides = array<i32>} : memref<32x1024xf32, #tpu.memory_space<vmem>>, vector<1x16xf32>,
        %swap3A_1319 = vector.shape_cast %swap3A_1318 : vector<1x16xf32> to vector<16xf32>
        %swap3A_1320 = vector.shape_cast %add3A_1315 : vector<16xf32> to vector<1x16xf32>
        tpu.vector_store %arg9[%swap3A_1316, %swap3A_1317], %swap3A_1320 {strides = array<i32>} : memref<32x1024xf32, #tpu.memory_space<vmem>>, vector<1x16xf32>,
        %add3A_1321 = arith.constant 176 : i32
        %add3A_1322 = arith.addi %mul3A_510, %add3A_1321 : i32
        %get3A_1323 = arith.index_cast %add3A_1188 : i32 to index
        %get3A_1324 = arith.index_cast %add3A_1322 : i32 to index
        %get3A_1325 = tpu.vector_load %arg9[%get3A_1323, %get3A_1324] {strides = array<i32>} : memref<32x1024xf32, #tpu.memory_space<vmem>>, vector<1x16xf32>,
        %get3A_1326 = vector.shape_cast %get3A_1325 : vector<1x16xf32> to vector<16xf32>
        %add3A_1327 = arith.addf %get3A_1326, %get3A_581 : vector<16xf32>
        %swap3A_1328 = arith.index_cast %add3A_1188 : i32 to index
        %swap3A_1329 = arith.index_cast %add3A_1322 : i32 to index
        %swap3A_1330 = tpu.vector_load %arg9[%swap3A_1328, %swap3A_1329] {strides = array<i32>} : memref<32x1024xf32, #tpu.memory_space<vmem>>, vector<1x16xf32>,
        %swap3A_1331 = vector.shape_cast %swap3A_1330 : vector<1x16xf32> to vector<16xf32>
        %swap3A_1332 = vector.shape_cast %add3A_1327 : vector<16xf32> to vector<1x16xf32>
        tpu.vector_store %arg9[%swap3A_1328, %swap3A_1329], %swap3A_1332 {strides = array<i32>} : memref<32x1024xf32, #tpu.memory_space<vmem>>, vector<1x16xf32>,
        %add3A_1333 = arith.constant 192 : i32
        %add3A_1334 = arith.addi %mul3A_510, %add3A_1333 : i32
        %get3A_1335 = arith.index_cast %add3A_1188 : i32 to index
        %get3A_1336 = arith.index_cast %add3A_1334 : i32 to index
        %get3A_1337 = tpu.vector_load %arg9[%get3A_1335, %get3A_1336] {strides = array<i32>} : memref<32x1024xf32, #tpu.memory_space<vmem>>, vector<1x16xf32>,
        %get3A_1338 = vector.shape_cast %get3A_1337 : vector<1x16xf32> to vector<16xf32>
        %add3A_1339 = arith.addf %get3A_1338, %get3A_587 : vector<16xf32>
        %swap3A_1340 = arith.index_cast %add3A_1188 : i32 to index
        %swap3A_1341 = arith.index_cast %add3A_1334 : i32 to index
        %swap3A_1342 = tpu.vector_load %arg9[%swap3A_1340, %swap3A_1341] {strides = array<i32>} : memref<32x1024xf32, #tpu.memory_space<vmem>>, vector<1x16xf32>,
        %swap3A_1343 = vector.shape_cast %swap3A_1342 : vector<1x16xf32> to vector<16xf32>
        %swap3A_1344 = vector.shape_cast %add3A_1339 : vector<16xf32> to vector<1x16xf32>
        tpu.vector_store %arg9[%swap3A_1340, %swap3A_1341], %swap3A_1344 {strides = array<i32>} : memref<32x1024xf32, #tpu.memory_space<vmem>>, vector<1x16xf32>,
        %add3A_1345 = arith.constant 208 : i32
        %add3A_1346 = arith.addi %mul3A_510, %add3A_1345 : i32
        %get3A_1347 = arith.index_cast %add3A_1188 : i32 to index
        %get3A_1348 = arith.index_cast %add3A_1346 : i32 to index
        %get3A_1349 = tpu.vector_load %arg9[%get3A_1347, %get3A_1348] {strides = array<i32>} : memref<32x1024xf32, #tpu.memory_space<vmem>>, vector<1x16xf32>,
        %get3A_1350 = vector.shape_cast %get3A_1349 : vector<1x16xf32> to vector<16xf32>
        %add3A_1351 = arith.addf %get3A_1350, %get3A_593 : vector<16xf32>
        %swap3A_1352 = arith.index_cast %add3A_1188 : i32 to index
        %swap3A_1353 = arith.index_cast %add3A_1346 : i32 to index
        %swap3A_1354 = tpu.vector_load %arg9[%swap3A_1352, %swap3A_1353] {strides = array<i32>} : memref<32x1024xf32, #tpu.memory_space<vmem>>, vector<1x16xf32>,
        %swap3A_1355 = vector.shape_cast %swap3A_1354 : vector<1x16xf32> to vector<16xf32>
        %swap3A_1356 = vector.shape_cast %add3A_1351 : vector<16xf32> to vector<1x16xf32>
        tpu.vector_store %arg9[%swap3A_1352, %swap3A_1353], %swap3A_1356 {strides = array<i32>} : memref<32x1024xf32, #tpu.memory_space<vmem>>, vector<1x16xf32>,
        %add3A_1357 = arith.constant 224 : i32
        %add3A_1358 = arith.addi %mul3A_510, %add3A_1357 : i32
        %get3A_1359 = arith.index_cast %add3A_1188 : i32 to index
        %get3A_1360 = arith.index_cast %add3A_1358 : i32 to index
        %get3A_1361 = tpu.vector_load %arg9[%get3A_1359, %get3A_1360] {strides = array<i32>} : memref<32x1024xf32, #tpu.memory_space<vmem>>, vector<1x16xf32>,
        %get3A_1362 = vector.shape_cast %get3A_1361 : vector<1x16xf32> to vector<16xf32>
        %add3A_1363 = arith.addf %get3A_1362, %get3A_599 : vector<16xf32>
        %swap3A_1364 = arith.index_cast %add3A_1188 : i32 to index
        %swap3A_1365 = arith.index_cast %add3A_1358 : i32 to index
        %swap3A_1366 = tpu.vector_load %arg9[%swap3A_1364, %swap3A_1365] {strides = array<i32>} : memref<32x1024xf32, #tpu.memory_space<vmem>>, vector<1x16xf32>,
        %swap3A_1367 = vector.shape_cast %swap3A_1366 : vector<1x16xf32> to vector<16xf32>
        %swap3A_1368 = vector.shape_cast %add3A_1363 : vector<16xf32> to vector<1x16xf32>
        tpu.vector_store %arg9[%swap3A_1364, %swap3A_1365], %swap3A_1368 {strides = array<i32>} : memref<32x1024xf32, #tpu.memory_space<vmem>>, vector<1x16xf32>,
        %add3A_1369 = arith.constant 240 : i32
        %add3A_1370 = arith.addi %mul3A_510, %add3A_1369 : i32
        %get3A_1371 = arith.index_cast %add3A_1188 : i32 to index
        %get3A_1372 = arith.index_cast %add3A_1370 : i32 to index
        %get3A_1373 = tpu.vector_load %arg9[%get3A_1371, %get3A_1372] {strides = array<i32>} : memref<32x1024xf32, #tpu.memory_space<vmem>>, vector<1x16xf32>,
        %get3A_1374 = vector.shape_cast %get3A_1373 : vector<1x16xf32> to vector<16xf32>
        %add3A_1375 = arith.addf %get3A_1374, %get3A_605 : vector<16xf32>
        %swap3A_1376 = arith.index_cast %add3A_1188 : i32 to index
        %swap3A_1377 = arith.index_cast %add3A_1370 : i32 to index
        %swap3A_1378 = tpu.vector_load %arg9[%swap3A_1376, %swap3A_1377] {strides = array<i32>} : memref<32x1024xf32, #tpu.memory_space<vmem>>, vector<1x16xf32>,
        %swap3A_1379 = vector.shape_cast %swap3A_1378 : vector<1x16xf32> to vector<16xf32>
        %swap3A_1380 = vector.shape_cast %add3A_1375 : vector<16xf32> to vector<1x16xf32>
        tpu.vector_store %arg9[%swap3A_1376, %swap3A_1377], %swap3A_1380 {strides = array<i32>} : memref<32x1024xf32, #tpu.memory_space<vmem>>, vector<1x16xf32>,
      }
      %scan3A_416 = arith.constant 32 : i32
      %add3A_417 = arith.constant 0 : i32
      %add3A_418 = arith.addi %add3A_417, %mul3A_2 : i32
      %mul3A_419 = arith.constant 8 : i32
      %mul3A_420 = arith.muli %add3A_386, %mul3A_419 : i32
      %add3A_421 = arith.addi %add3A_418, %mul3A_420 : i32
      %dma_start3A_422 = arith.constant 0 : i32
      %dma_start3A_423 = arith.constant 0 : i32
      %dma_start3A_424 = tpu.memref_slice %arg9[%dma_start3A_422, %dma_start3A_423] : memref<32x1024xf32, #tpu.memory_space<vmem>> -> memref<8x1024xf32, #tpu.memory_space<vmem>>
      %dma_start3A_425 = arith.constant 0 : i32
      %dma_start3A_426 = tpu.memref_slice %arg5[%add3A_421, %dma_start3A_425] : memref<16384x1024xf32, #tpu.memory_space<hbm>> -> memref<8x1024xf32, #tpu.memory_space<hbm>>
      %dma_start3A_427 = arith.constant 0 : i32
      %dma_start3A_428 = tpu.memref_slice %arg5[%add3A_421, %dma_start3A_427] : memref<16384x1024xf32, #tpu.memory_space<hbm>> -> memref<8x1024xf32, #tpu.memory_space<hbm>>
      %dma_start3A_429 = arith.constant 0 : i32
      %dma_start3A_430 = arith.constant 0 : i32
      %dma_start3A_431 = tpu.memref_slice %arg9[%dma_start3A_429, %dma_start3A_430] : memref<32x1024xf32, #tpu.memory_space<vmem>> -> memref<8x1024xf32, #tpu.memory_space<vmem>>
      tpu.enqueue_dma source(%dma_start3A_431 : memref<8x1024xf32, #tpu.memory_space<vmem>>) target(%dma_start3A_428 : memref<8x1024xf32, #tpu.memory_space<hbm>>) target_semaphore(%arg21 : memref<!tpu.dma_semaphore, #tpu.memory_space<semaphore_mem>>)
      %add3A_432 = arith.constant 4096 : i32
      %add3A_433 = arith.addi %add3A_432, %mul3A_2 : i32
      %mul3A_434 = arith.constant 8 : i32
      %mul3A_435 = arith.muli %add3A_386, %mul3A_434 : i32
      %add3A_436 = arith.addi %add3A_433, %mul3A_435 : i32
      %dma_start3A_437 = arith.constant 8 : i32
      %dma_start3A_438 = arith.constant 0 : i32
      %dma_start3A_439 = tpu.memref_slice %arg9[%dma_start3A_437, %dma_start3A_438] : memref<32x1024xf32, #tpu.memory_space<vmem>> -> memref<8x1024xf32, #tpu.memory_space<vmem>>
      %dma_start3A_440 = arith.constant 0 : i32
      %dma_start3A_441 = tpu.memref_slice %arg5[%add3A_436, %dma_start3A_440] : memref<16384x1024xf32, #tpu.memory_space<hbm>> -> memref<8x1024xf32, #tpu.memory_space<hbm>>
      %dma_start3A_442 = arith.constant 0 : i32
      %dma_start3A_443 = tpu.memref_slice %arg5[%add3A_436, %dma_start3A_442] : memref<16384x1024xf32, #tpu.memory_space<hbm>> -> memref<8x1024xf32, #tpu.memory_space<hbm>>
      %dma_start3A_444 = arith.constant 8 : i32
      %dma_start3A_445 = arith.constant 0 : i32
      %dma_start3A_446 = tpu.memref_slice %arg9[%dma_start3A_444, %dma_start3A_445] : memref<32x1024xf32, #tpu.memory_space<vmem>> -> memref<8x1024xf32, #tpu.memory_space<vmem>>
      tpu.enqueue_dma source(%dma_start3A_446 : memref<8x1024xf32, #tpu.memory_space<vmem>>) target(%dma_start3A_443 : memref<8x1024xf32, #tpu.memory_space<hbm>>) target_semaphore(%arg21 : memref<!tpu.dma_semaphore, #tpu.memory_space<semaphore_mem>>)
      %add3A_447 = arith.constant 8192 : i32
      %add3A_448 = arith.addi %add3A_447, %mul3A_2 : i32
      %mul3A_449 = arith.constant 8 : i32
      %mul3A_450 = arith.muli %add3A_386, %mul3A_449 : i32
      %add3A_451 = arith.addi %add3A_448, %mul3A_450 : i32
      %dma_start3A_452 = arith.constant 16 : i32
      %dma_start3A_453 = arith.constant 0 : i32
      %dma_start3A_454 = tpu.memref_slice %arg9[%dma_start3A_452, %dma_start3A_453] : memref<32x1024xf32, #tpu.memory_space<vmem>> -> memref<8x1024xf32, #tpu.memory_space<vmem>>
      %dma_start3A_455 = arith.constant 0 : i32
      %dma_start3A_456 = tpu.memref_slice %arg5[%add3A_451, %dma_start3A_455] : memref<16384x1024xf32, #tpu.memory_space<hbm>> -> memref<8x1024xf32, #tpu.memory_space<hbm>>
      %dma_start3A_457 = arith.constant 0 : i32
      %dma_start3A_458 = tpu.memref_slice %arg5[%add3A_451, %dma_start3A_457] : memref<16384x1024xf32, #tpu.memory_space<hbm>> -> memref<8x1024xf32, #tpu.memory_space<hbm>>
      %dma_start3A_459 = arith.constant 16 : i32
      %dma_start3A_460 = arith.constant 0 : i32
      %dma_start3A_461 = tpu.memref_slice %arg9[%dma_start3A_459, %dma_start3A_460] : memref<32x1024xf32, #tpu.memory_space<vmem>> -> memref<8x1024xf32, #tpu.memory_space<vmem>>
      tpu.enqueue_dma source(%dma_start3A_461 : memref<8x1024xf32, #tpu.memory_space<vmem>>) target(%dma_start3A_458 : memref<8x1024xf32, #tpu.memory_space<hbm>>) target_semaphore(%arg21 : memref<!tpu.dma_semaphore, #tpu.memory_space<semaphore_mem>>)
      %add3A_462 = arith.constant 12288 : i32
      %add3A_463 = arith.addi %add3A_462, %mul3A_2 : i32
      %mul3A_464 = arith.constant 8 : i32
      %mul3A_465 = arith.muli %add3A_386, %mul3A_464 : i32
      %add3A_466 = arith.addi %add3A_463, %mul3A_465 : i32
      %dma_start3A_467 = arith.constant 24 : i32
      %dma_start3A_468 = arith.constant 0 : i32
      %dma_start3A_469 = tpu.memref_slice %arg9[%dma_start3A_467, %dma_start3A_468] : memref<32x1024xf32, #tpu.memory_space<vmem>> -> memref<8x1024xf32, #tpu.memory_space<vmem>>
      %dma_start3A_470 = arith.constant 0 : i32
      %dma_start3A_471 = tpu.memref_slice %arg5[%add3A_466, %dma_start3A_470] : memref<16384x1024xf32, #tpu.memory_space<hbm>> -> memref<8x1024xf32, #tpu.memory_space<hbm>>
      %dma_start3A_472 = arith.constant 0 : i32
      %dma_start3A_473 = tpu.memref_slice %arg5[%add3A_466, %dma_start3A_472] : memref<16384x1024xf32, #tpu.memory_space<hbm>> -> memref<8x1024xf32, #tpu.memory_space<hbm>>
      %dma_start3A_474 = arith.constant 24 : i32
      %dma_start3A_475 = arith.constant 0 : i32
      %dma_start3A_476 = tpu.memref_slice %arg9[%dma_start3A_474, %dma_start3A_475] : memref<32x1024xf32, #tpu.memory_space<vmem>> -> memref<8x1024xf32, #tpu.memory_space<vmem>>
      tpu.enqueue_dma source(%dma_start3A_476 : memref<8x1024xf32, #tpu.memory_space<vmem>>) target(%dma_start3A_473 : memref<8x1024xf32, #tpu.memory_space<hbm>>) target_semaphore(%arg21 : memref<!tpu.dma_semaphore, #tpu.memory_space<semaphore_mem>>)
    }
    %scan3A_105 = arith.constant 5 : i32
    %dma_wait3A_106 = arith.constant 0 : i32
    %dma_wait3A_107 = arith.constant 0 : i32
    %dma_wait3A_108 = tpu.memref_slice %arg3[%dma_wait3A_106, %dma_wait3A_107] : memref<100000x1024xf32, #tpu.memory_space<hbm>> -> memref<32x1024xf32, #tpu.memory_space<hbm>>
    %dma_wait3A_109 = arith.constant 0 : i32
    %dma_wait3A_110 = arith.constant 0 : i32
    %dma_wait3A_111 = tpu.memref_slice %arg3[%dma_wait3A_109, %dma_wait3A_110] : memref<100000x1024xf32, #tpu.memory_space<hbm>> -> memref<32x1024xf32, #tpu.memory_space<hbm>>
    tpu.wait_dma2 semaphore(%arg20 : memref<!tpu.dma_semaphore, #tpu.memory_space<semaphore_mem>>) src(%dma_wait3A_111 : memref<32x1024xf32, #tpu.memory_space<hbm>>) dst(%arg8 : memref<32x1024xf32, #tpu.memory_space<vmem>>)
    %dma_wait3A_112 = arith.constant 0 : i32
    %dma_wait3A_113 = arith.constant 0 : i32
    %dma_wait3A_114 = tpu.memref_slice %arg3[%dma_wait3A_112, %dma_wait3A_113] : memref<100000x1024xf32, #tpu.memory_space<hbm>> -> memref<32x1024xf32, #tpu.memory_space<hbm>>
    %dma_wait3A_115 = arith.constant 0 : i32
    %dma_wait3A_116 = arith.constant 0 : i32
    %dma_wait3A_117 = tpu.memref_slice %arg3[%dma_wait3A_115, %dma_wait3A_116] : memref<100000x1024xf32, #tpu.memory_space<hbm>> -> memref<32x1024xf32, #tpu.memory_space<hbm>>
    tpu.wait_dma2 semaphore(%arg13 : memref<!tpu.dma_semaphore, #tpu.memory_space<semaphore_mem>>) src(%dma_wait3A_117 : memref<32x1024xf32, #tpu.memory_space<hbm>>) dst(%arg7 : memref<32x1024xf32, #tpu.memory_space<vmem>>)
    %dma_wait3A_118 = arith.constant 0 : i32
    %dma_wait3A_119 = arith.constant 0 : i32
    %dma_wait3A_120 = tpu.memref_slice %arg4[%dma_wait3A_118, %dma_wait3A_119] : memref<4096x1024xf32, #tpu.memory_space<hbm>> -> memref<8x1024xf32, #tpu.memory_space<hbm>>
    %dma_wait3A_121 = arith.constant 0 : i32
    %dma_wait3A_122 = arith.constant 0 : i32
    %dma_wait3A_123 = tpu.memref_slice %arg4[%dma_wait3A_121, %dma_wait3A_122] : memref<4096x1024xf32, #tpu.memory_space<hbm>> -> memref<8x1024xf32, #tpu.memory_space<hbm>>
    tpu.wait_dma2 semaphore(%arg16 : memref<!tpu.dma_semaphore, #tpu.memory_space<semaphore_mem>>) src(%dma_wait3A_123 : memref<8x1024xf32, #tpu.memory_space<hbm>>) dst(%arg10 : memref<8x1024xf32, #tpu.memory_space<vmem>>)
    %scan3A_124 = arith.constant 0 : i32
    %scan3A_125 = arith.constant 0 : i32
    %scan3A_126 = arith.constant 32 : i32
    %scan3A_127 = arith.addi %scan3A_125, %scan3A_126 : i32
    %scan3A_128 = arith.constant 1 : i32
    scf.for %scan3A_198 = %scan3A_125 to %scan3A_127 step %scan3A_128  : i32 {
      %jit3A = arith.constant 4 : i32
      %div3A = arith.divsi %scan3A_198, %jit3A : i32
      %sign3A = arith.constant 0 : i32
      %sign3A_199 = arith.cmpi sgt, %scan3A_198, %sign3A : i32
      %sign3A_200 = arith.extui %sign3A_199 : i1 to i32
      %sign3A_201 = arith.constant 0 : i32
      %sign3A_202 = arith.cmpi slt, %scan3A_198, %sign3A_201 : i32
      %sign3A_203 = arith.extui %sign3A_202 : i1 to i32
      %sign3A_204 = arith.subi %sign3A_200, %sign3A_203 : i32
      %sign3A_205 = arith.constant 0 : i32
      %sign3A_206 = arith.cmpi sgt, %jit3A, %sign3A_205 : i32
      %sign3A_207 = arith.extui %sign3A_206 : i1 to i32
      %sign3A_208 = arith.constant 0 : i32
      %sign3A_209 = arith.cmpi slt, %jit3A, %sign3A_208 : i32
      %sign3A_210 = arith.extui %sign3A_209 : i1 to i32
      %sign3A_211 = arith.subi %sign3A_207, %sign3A_210 : i32
      %ne3A = arith.cmpi ne, %sign3A_204, %sign3A_211 : i32
      %rem3A = arith.remsi %scan3A_198, %jit3A : i32
      %ne3A_212 = arith.constant 0 : i32
      %ne3A_213 = arith.cmpi ne, %rem3A, %ne3A_212 : i32
      %and3A = arith.andi %ne3A, %ne3A_213 : i1
      %sub3A = arith.constant 1 : i32
      %sub3A_214 = arith.subi %div3A, %sub3A : i32
      %select_n3A = arith.select %and3A, %sub3A_214, %div3A : i32
      %jit3A_215 = arith.constant 4 : i32
      %eq3A = arith.constant 0 : i32
      %eq3A_216 = arith.cmpi eq, %jit3A_215, %eq3A : i32
      %jit3A_217 = arith.constant 1 : i32
      %select_n3A_218 = arith.select %eq3A_216, %jit3A_217, %jit3A_215 : i32
      %rem3A_219 = arith.remsi %scan3A_198, %select_n3A_218 : i32
      %ne3A_220 = arith.constant 0 : i32
      %ne3A_221 = arith.cmpi ne, %rem3A_219, %ne3A_220 : i32
      %lt3A = arith.constant 0 : i32
      %lt3A_222 = arith.cmpi slt, %rem3A_219, %lt3A : i32
      %lt3A_223 = arith.constant 0 : i32
      %lt3A_224 = arith.cmpi slt, %select_n3A_218, %lt3A_223 : i32
      %ne3A_225 = arith.xori %lt3A_222, %lt3A_224 : i1
      %and3A_226 = arith.andi %ne3A_225, %ne3A_221 : i1
      %add3A_227 = arith.addi %rem3A_219, %select_n3A_218 : i32
      %select_n3A_228 = arith.select %and3A_226, %add3A_227, %rem3A_219 : i32
      %mul3A_229 = arith.constant 256 : i32
      %mul3A_230 = arith.muli %select_n3A_228, %mul3A_229 : i32
      %add3A_231 = arith.constant 0 : i32
      %add3A_232 = arith.addi %mul3A_230, %add3A_231 : i32
      %get3A = arith.index_cast %select_n3A : i32 to index
      %get3A_233 = arith.index_cast %add3A_232 : i32 to index
      %get3A_234 = tpu.vector_load %arg10[%get3A, %get3A_233] {strides = array<i32>} : memref<8x1024xf32, #tpu.memory_space<vmem>>, vector<1x16xf32>,
      %get3A_235 = vector.shape_cast %get3A_234 : vector<1x16xf32> to vector<16xf32>
      %add3A_236 = arith.constant 16 : i32
      %add3A_237 = arith.addi %mul3A_230, %add3A_236 : i32
      %get3A_238 = arith.index_cast %select_n3A : i32 to index
      %get3A_239 = arith.index_cast %add3A_237 : i32 to index
      %get3A_240 = tpu.vector_load %arg10[%get3A_238, %get3A_239] {strides = array<i32>} : memref<8x1024xf32, #tpu.memory_space<vmem>>, vector<1x16xf32>,
      %get3A_241 = vector.shape_cast %get3A_240 : vector<1x16xf32> to vector<16xf32>
      %add3A_242 = arith.constant 32 : i32
      %add3A_243 = arith.addi %mul3A_230, %add3A_242 : i32
      %get3A_244 = arith.index_cast %select_n3A : i32 to index
      %get3A_245 = arith.index_cast %add3A_243 : i32 to index
      %get3A_246 = tpu.vector_load %arg10[%get3A_244, %get3A_245] {strides = array<i32>} : memref<8x1024xf32, #tpu.memory_space<vmem>>, vector<1x16xf32>,
      %get3A_247 = vector.shape_cast %get3A_246 : vector<1x16xf32> to vector<16xf32>
      %add3A_248 = arith.constant 48 : i32
      %add3A_249 = arith.addi %mul3A_230, %add3A_248 : i32
      %get3A_250 = arith.index_cast %select_n3A : i32 to index
      %get3A_251 = arith.index_cast %add3A_249 : i32 to index
      %get3A_252 = tpu.vector_load %arg10[%get3A_250, %get3A_251] {strides = array<i32>} : memref<8x1024xf32, #tpu.memory_space<vmem>>, vector<1x16xf32>,
      %get3A_253 = vector.shape_cast %get3A_252 : vector<1x16xf32> to vector<16xf32>
      %add3A_254 = arith.constant 64 : i32
      %add3A_255 = arith.addi %mul3A_230, %add3A_254 : i32
      %get3A_256 = arith.index_cast %select_n3A : i32 to index
      %get3A_257 = arith.index_cast %add3A_255 : i32 to index
      %get3A_258 = tpu.vector_load %arg10[%get3A_256, %get3A_257] {strides = array<i32>} : memref<8x1024xf32, #tpu.memory_space<vmem>>, vector<1x16xf32>,
      %get3A_259 = vector.shape_cast %get3A_258 : vector<1x16xf32> to vector<16xf32>
      %add3A_260 = arith.constant 80 : i32
      %add3A_261 = arith.addi %mul3A_230, %add3A_260 : i32
      %get3A_262 = arith.index_cast %select_n3A : i32 to index
      %get3A_263 = arith.index_cast %add3A_261 : i32 to index
      %get3A_264 = tpu.vector_load %arg10[%get3A_262, %get3A_263] {strides = array<i32>} : memref<8x1024xf32, #tpu.memory_space<vmem>>, vector<1x16xf32>,
      %get3A_265 = vector.shape_cast %get3A_264 : vector<1x16xf32> to vector<16xf32>
      %add3A_266 = arith.constant 96 : i32
      %add3A_267 = arith.addi %mul3A_230, %add3A_266 : i32
      %get3A_268 = arith.index_cast %select_n3A : i32 to index
      %get3A_269 = arith.index_cast %add3A_267 : i32 to index
      %get3A_270 = tpu.vector_load %arg10[%get3A_268, %get3A_269] {strides = array<i32>} : memref<8x1024xf32, #tpu.memory_space<vmem>>, vector<1x16xf32>,
      %get3A_271 = vector.shape_cast %get3A_270 : vector<1x16xf32> to vector<16xf32>
      %add3A_272 = arith.constant 112 : i32
      %add3A_273 = arith.addi %mul3A_230, %add3A_272 : i32
      %get3A_274 = arith.index_cast %select_n3A : i32 to index
      %get3A_275 = arith.index_cast %add3A_273 : i32 to index
      %get3A_276 = tpu.vector_load %arg10[%get3A_274, %get3A_275] {strides = array<i32>} : memref<8x1024xf32, #tpu.memory_space<vmem>>, vector<1x16xf32>,
      %get3A_277 = vector.shape_cast %get3A_276 : vector<1x16xf32> to vector<16xf32>
      %add3A_278 = arith.constant 128 : i32
      %add3A_279 = arith.addi %mul3A_230, %add3A_278 : i32
      %get3A_280 = arith.index_cast %select_n3A : i32 to index
      %get3A_281 = arith.index_cast %add3A_279 : i32 to index
      %get3A_282 = tpu.vector_load %arg10[%get3A_280, %get3A_281] {strides = array<i32>} : memref<8x1024xf32, #tpu.memory_space<vmem>>, vector<1x16xf32>,
      %get3A_283 = vector.shape_cast %get3A_282 : vector<1x16xf32> to vector<16xf32>
      %add3A_284 = arith.constant 144 : i32
      %add3A_285 = arith.addi %mul3A_230, %add3A_284 : i32
      %get3A_286 = arith.index_cast %select_n3A : i32 to index
      %get3A_287 = arith.index_cast %add3A_285 : i32 to index
      %get3A_288 = tpu.vector_load %arg10[%get3A_286, %get3A_287] {strides = array<i32>} : memref<8x1024xf32, #tpu.memory_space<vmem>>, vector<1x16xf32>,
      %get3A_289 = vector.shape_cast %get3A_288 : vector<1x16xf32> to vector<16xf32>
      %add3A_290 = arith.constant 160 : i32
      %add3A_291 = arith.addi %mul3A_230, %add3A_290 : i32
      %get3A_292 = arith.index_cast %select_n3A : i32 to index
      %get3A_293 = arith.index_cast %add3A_291 : i32 to index
      %get3A_294 = tpu.vector_load %arg10[%get3A_292, %get3A_293] {strides = array<i32>} : memref<8x1024xf32, #tpu.memory_space<vmem>>, vector<1x16xf32>,
      %get3A_295 = vector.shape_cast %get3A_294 : vector<1x16xf32> to vector<16xf32>
      %add3A_296 = arith.constant 176 : i32
      %add3A_297 = arith.addi %mul3A_230, %add3A_296 : i32
      %get3A_298 = arith.index_cast %select_n3A : i32 to index
      %get3A_299 = arith.index_cast %add3A_297 : i32 to index
      %get3A_300 = tpu.vector_load %arg10[%get3A_298, %get3A_299] {strides = array<i32>} : memref<8x1024xf32, #tpu.memory_space<vmem>>, vector<1x16xf32>,
      %get3A_301 = vector.shape_cast %get3A_300 : vector<1x16xf32> to vector<16xf32>
      %add3A_302 = arith.constant 192 : i32
      %add3A_303 = arith.addi %mul3A_230, %add3A_302 : i32
      %get3A_304 = arith.index_cast %select_n3A : i32 to index
      %get3A_305 = arith.index_cast %add3A_303 : i32 to index
      %get3A_306 = tpu.vector_load %arg10[%get3A_304, %get3A_305] {strides = array<i32>} : memref<8x1024xf32, #tpu.memory_space<vmem>>, vector<1x16xf32>,
      %get3A_307 = vector.shape_cast %get3A_306 : vector<1x16xf32> to vector<16xf32>
      %add3A_308 = arith.constant 208 : i32
      %add3A_309 = arith.addi %mul3A_230, %add3A_308 : i32
      %get3A_310 = arith.index_cast %select_n3A : i32 to index
      %get3A_311 = arith.index_cast %add3A_309 : i32 to index
      %get3A_312 = tpu.vector_load %arg10[%get3A_310, %get3A_311] {strides = array<i32>} : memref<8x1024xf32, #tpu.memory_space<vmem>>, vector<1x16xf32>,
      %get3A_313 = vector.shape_cast %get3A_312 : vector<1x16xf32> to vector<16xf32>
      %add3A_314 = arith.constant 224 : i32
      %add3A_315 = arith.addi %mul3A_230, %add3A_314 : i32
      %get3A_316 = arith.index_cast %select_n3A : i32 to index
      %get3A_317 = arith.index_cast %add3A_315 : i32 to index
      %get3A_318 = tpu.vector_load %arg10[%get3A_316, %get3A_317] {strides = array<i32>} : memref<8x1024xf32, #tpu.memory_space<vmem>>, vector<1x16xf32>,
      %get3A_319 = vector.shape_cast %get3A_318 : vector<1x16xf32> to vector<16xf32>
      %add3A_320 = arith.constant 240 : i32
      %add3A_321 = arith.addi %mul3A_230, %add3A_320 : i32
      %get3A_322 = arith.index_cast %select_n3A : i32 to index
      %get3A_323 = arith.index_cast %add3A_321 : i32 to index
      %get3A_324 = tpu.vector_load %arg10[%get3A_322, %get3A_323] {strides = array<i32>} : memref<8x1024xf32, #tpu.memory_space<vmem>>, vector<1x16xf32>,
      %get3A_325 = vector.shape_cast %get3A_324 : vector<1x16xf32> to vector<16xf32>
      %add3A_326 = arith.constant 0 : i32
      %add3A_327 = arith.addi %add3A_326, %select_n3A : i32
      %add3A_328 = arith.constant 0 : i32
      %add3A_329 = arith.addi %mul3A_230, %add3A_328 : i32
      %get3A_330 = arith.index_cast %add3A_327 : i32 to index
      %get3A_331 = arith.index_cast %add3A_329 : i32 to index
      %get3A_332 = tpu.vector_load %arg7[%get3A_330, %get3A_331] {strides = array<i32>} : memref<32x1024xf32, #tpu.memory_space<vmem>>, vector<1x16xf32>,
      %get3A_333 = vector.shape_cast %get3A_332 : vector<1x16xf32> to vector<16xf32>
      %add3A_334 = arith.addf %get3A_333, %get3A_235 : vector<16xf32>
      %swap3A = arith.index_cast %add3A_327 : i32 to index
      %swap3A_335 = arith.index_cast %add3A_329 : i32 to index
      %swap3A_336 = tpu.vector_load %arg7[%swap3A, %swap3A_335] {strides = array<i32>} : memref<32x1024xf32, #tpu.memory_space<vmem>>, vector<1x16xf32>,
      %swap3A_337 = vector.shape_cast %swap3A_336 : vector<1x16xf32> to vector<16xf32>
      %swap3A_338 = vector.shape_cast %add3A_334 : vector<16xf32> to vector<1x16xf32>
      tpu.vector_store %arg7[%swap3A, %swap3A_335], %swap3A_338 {strides = array<i32>} : memref<32x1024xf32, #tpu.memory_space<vmem>>, vector<1x16xf32>,
      %add3A_339 = arith.constant 16 : i32
      %add3A_340 = arith.addi %mul3A_230, %add3A_339 : i32
      %get3A_341 = arith.index_cast %add3A_327 : i32 to index
      %get3A_342 = arith.index_cast %add3A_340 : i32 to index
      %get3A_343 = tpu.vector_load %arg7[%get3A_341, %get3A_342] {strides = array<i32>} : memref<32x1024xf32, #tpu.memory_space<vmem>>, vector<1x16xf32>,
      %get3A_344 = vector.shape_cast %get3A_343 : vector<1x16xf32> to vector<16xf32>
      %add3A_345 = arith.addf %get3A_344, %get3A_241 : vector<16xf32>
      %swap3A_346 = arith.index_cast %add3A_327 : i32 to index
      %swap3A_347 = arith.index_cast %add3A_340 : i32 to index
      %swap3A_348 = tpu.vector_load %arg7[%swap3A_346, %swap3A_347] {strides = array<i32>} : memref<32x1024xf32, #tpu.memory_space<vmem>>, vector<1x16xf32>,
      %swap3A_349 = vector.shape_cast %swap3A_348 : vector<1x16xf32> to vector<16xf32>
      %swap3A_350 = vector.shape_cast %add3A_345 : vector<16xf32> to vector<1x16xf32>
      tpu.vector_store %arg7[%swap3A_346, %swap3A_347], %swap3A_350 {strides = array<i32>} : memref<32x1024xf32, #tpu.memory_space<vmem>>, vector<1x16xf32>,
      %add3A_351 = arith.constant 32 : i32
      %add3A_352 = arith.addi %mul3A_230, %add3A_351 : i32
      %get3A_353 = arith.index_cast %add3A_327 : i32 to index
      %get3A_354 = arith.index_cast %add3A_352 : i32 to index
      %get3A_355 = tpu.vector_load %arg7[%get3A_353, %get3A_354] {strides = array<i32>} : memref<32x1024xf32, #tpu.memory_space<vmem>>, vector<1x16xf32>,
      %get3A_356 = vector.shape_cast %get3A_355 : vector<1x16xf32> to vector<16xf32>
      %add3A_357 = arith.addf %get3A_356, %get3A_247 : vector<16xf32>
      %swap3A_358 = arith.index_cast %add3A_327 : i32 to index
      %swap3A_359 = arith.index_cast %add3A_352 : i32 to index
      %swap3A_360 = tpu.vector_load %arg7[%swap3A_358, %swap3A_359] {strides = array<i32>} : memref<32x1024xf32, #tpu.memory_space<vmem>>, vector<1x16xf32>,
      %swap3A_361 = vector.shape_cast %swap3A_360 : vector<1x16xf32> to vector<16xf32>
      %swap3A_362 = vector.shape_cast %add3A_357 : vector<16xf32> to vector<1x16xf32>
      tpu.vector_store %arg7[%swap3A_358, %swap3A_359], %swap3A_362 {strides = array<i32>} : memref<32x1024xf32, #tpu.memory_space<vmem>>, vector<1x16xf32>,
      %add3A_363 = arith.constant 48 : i32
      %add3A_364 = arith.addi %mul3A_230, %add3A_363 : i32
      %get3A_365 = arith.index_cast %add3A_327 : i32 to index
      %get3A_366 = arith.index_cast %add3A_364 : i32 to index
      %get3A_367 = tpu.vector_load %arg7[%get3A_365, %get3A_366] {strides = array<i32>} : memref<32x1024xf32, #tpu.memory_space<vmem>>, vector<1x16xf32>,
      %get3A_368 = vector.shape_cast %get3A_367 : vector<1x16xf32> to vector<16xf32>
      %add3A_369 = arith.addf %get3A_368, %get3A_253 : vector<16xf32>
      %swap3A_370 = arith.index_cast %add3A_327 : i32 to index
      %swap3A_371 = arith.index_cast %add3A_364 : i32 to index
      %swap3A_372 = tpu.vector_load %arg7[%swap3A_370, %swap3A_371] {strides = array<i32>} : memref<32x1024xf32, #tpu.memory_space<vmem>>, vector<1x16xf32>,
      %swap3A_373 = vector.shape_cast %swap3A_372 : vector<1x16xf32> to vector<16xf32>
      %swap3A_374 = vector.shape_cast %add3A_369 : vector<16xf32> to vector<1x16xf32>
      tpu.vector_store %arg7[%swap3A_370, %swap3A_371], %swap3A_374 {strides = array<i32>} : memref<32x1024xf32, #tpu.memory_space<vmem>>, vector<1x16xf32>,
      %add3A_375 = arith.constant 64 : i32
      %add3A_376 = arith.addi %mul3A_230, %add3A_375 : i32
      %get3A_377 = arith.index_cast %add3A_327 : i32 to index
      %get3A_378 = arith.index_cast %add3A_376 : i32 to index
      %get3A_379 = tpu.vector_load %arg7[%get3A_377, %get3A_378] {strides = array<i32>} : memref<32x1024xf32, #tpu.memory_space<vmem>>, vector<1x16xf32>,
      %get3A_380 = vector.shape_cast %get3A_379 : vector<1x16xf32> to vector<16xf32>
      %add3A_381 = arith.addf %get3A_380, %get3A_259 : vector<16xf32>
      %swap3A_382 = arith.index_cast %add3A_327 : i32 to index
      %swap3A_383 = arith.index_cast %add3A_376 : i32 to index
      %swap3A_384 = tpu.vector_load %arg7[%swap3A_382, %swap3A_383] {strides = array<i32>} : memref<32x1024xf32, #tpu.memory_space<vmem>>, vector<1x16xf32>,
      %swap3A_385 = vector.shape_cast %swap3A_384 : vector<1x16xf32> to vector<16xf32>
      %swap3A_386 = vector.shape_cast %add3A_381 : vector<16xf32> to vector<1x16xf32>
      tpu.vector_store %arg7[%swap3A_382, %swap3A_383], %swap3A_386 {strides = array<i32>} : memref<32x1024xf32, #tpu.memory_space<vmem>>, vector<1x16xf32>,
      %add3A_387 = arith.constant 80 : i32
      %add3A_388 = arith.addi %mul3A_230, %add3A_387 : i32
      %get3A_389 = arith.index_cast %add3A_327 : i32 to index
      %get3A_390 = arith.index_cast %add3A_388 : i32 to index
      %get3A_391 = tpu.vector_load %arg7[%get3A_389, %get3A_390] {strides = array<i32>} : memref<32x1024xf32, #tpu.memory_space<vmem>>, vector<1x16xf32>,
      %get3A_392 = vector.shape_cast %get3A_391 : vector<1x16xf32> to vector<16xf32>
      %add3A_393 = arith.addf %get3A_392, %get3A_265 : vector<16xf32>
      %swap3A_394 = arith.index_cast %add3A_327 : i32 to index
      %swap3A_395 = arith.index_cast %add3A_388 : i32 to index
      %swap3A_396 = tpu.vector_load %arg7[%swap3A_394, %swap3A_395] {strides = array<i32>} : memref<32x1024xf32, #tpu.memory_space<vmem>>, vector<1x16xf32>,
      %swap3A_397 = vector.shape_cast %swap3A_396 : vector<1x16xf32> to vector<16xf32>
      %swap3A_398 = vector.shape_cast %add3A_393 : vector<16xf32> to vector<1x16xf32>
      tpu.vector_store %arg7[%swap3A_394, %swap3A_395], %swap3A_398 {strides = array<i32>} : memref<32x1024xf32, #tpu.memory_space<vmem>>, vector<1x16xf32>,
      %add3A_399 = arith.constant 96 : i32
      %add3A_400 = arith.addi %mul3A_230, %add3A_399 : i32
      %get3A_401 = arith.index_cast %add3A_327 : i32 to index
      %get3A_402 = arith.index_cast %add3A_400 : i32 to index
      %get3A_403 = tpu.vector_load %arg7[%get3A_401, %get3A_402] {strides = array<i32>} : memref<32x1024xf32, #tpu.memory_space<vmem>>, vector<1x16xf32>,
      %get3A_404 = vector.shape_cast %get3A_403 : vector<1x16xf32> to vector<16xf32>
      %add3A_405 = arith.addf %get3A_404, %get3A_271 : vector<16xf32>
      %swap3A_406 = arith.index_cast %add3A_327 : i32 to index
      %swap3A_407 = arith.index_cast %add3A_400 : i32 to index
      %swap3A_408 = tpu.vector_load %arg7[%swap3A_406, %swap3A_407] {strides = array<i32>} : memref<32x1024xf32, #tpu.memory_space<vmem>>, vector<1x16xf32>,
      %swap3A_409 = vector.shape_cast %swap3A_408 : vector<1x16xf32> to vector<16xf32>
      %swap3A_410 = vector.shape_cast %add3A_405 : vector<16xf32> to vector<1x16xf32>
      tpu.vector_store %arg7[%swap3A_406, %swap3A_407], %swap3A_410 {strides = array<i32>} : memref<32x1024xf32, #tpu.memory_space<vmem>>, vector<1x16xf32>,
      %add3A_411 = arith.constant 112 : i32
      %add3A_412 = arith.addi %mul3A_230, %add3A_411 : i32
      %get3A_413 = arith.index_cast %add3A_327 : i32 to index
      %get3A_414 = arith.index_cast %add3A_412 : i32 to index
      %get3A_415 = tpu.vector_load %arg7[%get3A_413, %get3A_414] {strides = array<i32>} : memref<32x1024xf32, #tpu.memory_space<vmem>>, vector<1x16xf32>,
      %get3A_416 = vector.shape_cast %get3A_415 : vector<1x16xf32> to vector<16xf32>
      %add3A_417 = arith.addf %get3A_416, %get3A_277 : vector<16xf32>
      %swap3A_418 = arith.index_cast %add3A_327 : i32 to index
      %swap3A_419 = arith.index_cast %add3A_412 : i32 to index
      %swap3A_420 = tpu.vector_load %arg7[%swap3A_418, %swap3A_419] {strides = array<i32>} : memref<32x1024xf32, #tpu.memory_space<vmem>>, vector<1x16xf32>,
      %swap3A_421 = vector.shape_cast %swap3A_420 : vector<1x16xf32> to vector<16xf32>
      %swap3A_422 = vector.shape_cast %add3A_417 : vector<16xf32> to vector<1x16xf32>
      tpu.vector_store %arg7[%swap3A_418, %swap3A_419], %swap3A_422 {strides = array<i32>} : memref<32x1024xf32, #tpu.memory_space<vmem>>, vector<1x16xf32>,
      %add3A_423 = arith.constant 128 : i32
      %add3A_424 = arith.addi %mul3A_230, %add3A_423 : i32
      %get3A_425 = arith.index_cast %add3A_327 : i32 to index
      %get3A_426 = arith.index_cast %add3A_424 : i32 to index
      %get3A_427 = tpu.vector_load %arg7[%get3A_425, %get3A_426] {strides = array<i32>} : memref<32x1024xf32, #tpu.memory_space<vmem>>, vector<1x16xf32>,
      %get3A_428 = vector.shape_cast %get3A_427 : vector<1x16xf32> to vector<16xf32>
      %add3A_429 = arith.addf %get3A_428, %get3A_283 : vector<16xf32>
      %swap3A_430 = arith.index_cast %add3A_327 : i32 to index
      %swap3A_431 = arith.index_cast %add3A_424 : i32 to index
      %swap3A_432 = tpu.vector_load %arg7[%swap3A_430, %swap3A_431] {strides = array<i32>} : memref<32x1024xf32, #tpu.memory_space<vmem>>, vector<1x16xf32>,
      %swap3A_433 = vector.shape_cast %swap3A_432 : vector<1x16xf32> to vector<16xf32>
      %swap3A_434 = vector.shape_cast %add3A_429 : vector<16xf32> to vector<1x16xf32>
      tpu.vector_store %arg7[%swap3A_430, %swap3A_431], %swap3A_434 {strides = array<i32>} : memref<32x1024xf32, #tpu.memory_space<vmem>>, vector<1x16xf32>,
      %add3A_435 = arith.constant 144 : i32
      %add3A_436 = arith.addi %mul3A_230, %add3A_435 : i32
      %get3A_437 = arith.index_cast %add3A_327 : i32 to index
      %get3A_438 = arith.index_cast %add3A_436 : i32 to index
      %get3A_439 = tpu.vector_load %arg7[%get3A_437, %get3A_438] {strides = array<i32>} : memref<32x1024xf32, #tpu.memory_space<vmem>>, vector<1x16xf32>,
      %get3A_440 = vector.shape_cast %get3A_439 : vector<1x16xf32> to vector<16xf32>
      %add3A_441 = arith.addf %get3A_440, %get3A_289 : vector<16xf32>
      %swap3A_442 = arith.index_cast %add3A_327 : i32 to index
      %swap3A_443 = arith.index_cast %add3A_436 : i32 to index
      %swap3A_444 = tpu.vector_load %arg7[%swap3A_442, %swap3A_443] {strides = array<i32>} : memref<32x1024xf32, #tpu.memory_space<vmem>>, vector<1x16xf32>,
      %swap3A_445 = vector.shape_cast %swap3A_444 : vector<1x16xf32> to vector<16xf32>
      %swap3A_446 = vector.shape_cast %add3A_441 : vector<16xf32> to vector<1x16xf32>
      tpu.vector_store %arg7[%swap3A_442, %swap3A_443], %swap3A_446 {strides = array<i32>} : memref<32x1024xf32, #tpu.memory_space<vmem>>, vector<1x16xf32>,
      %add3A_447 = arith.constant 160 : i32
      %add3A_448 = arith.addi %mul3A_230, %add3A_447 : i32
      %get3A_449 = arith.index_cast %add3A_327 : i32 to index
      %get3A_450 = arith.index_cast %add3A_448 : i32 to index
      %get3A_451 = tpu.vector_load %arg7[%get3A_449, %get3A_450] {strides = array<i32>} : memref<32x1024xf32, #tpu.memory_space<vmem>>, vector<1x16xf32>,
      %get3A_452 = vector.shape_cast %get3A_451 : vector<1x16xf32> to vector<16xf32>
      %add3A_453 = arith.addf %get3A_452, %get3A_295 : vector<16xf32>
      %swap3A_454 = arith.index_cast %add3A_327 : i32 to index
      %swap3A_455 = arith.index_cast %add3A_448 : i32 to index
      %swap3A_456 = tpu.vector_load %arg7[%swap3A_454, %swap3A_455] {strides = array<i32>} : memref<32x1024xf32, #tpu.memory_space<vmem>>, vector<1x16xf32>,
      %swap3A_457 = vector.shape_cast %swap3A_456 : vector<1x16xf32> to vector<16xf32>
      %swap3A_458 = vector.shape_cast %add3A_453 : vector<16xf32> to vector<1x16xf32>
      tpu.vector_store %arg7[%swap3A_454, %swap3A_455], %swap3A_458 {strides = array<i32>} : memref<32x1024xf32, #tpu.memory_space<vmem>>, vector<1x16xf32>,
      %add3A_459 = arith.constant 176 : i32
      %add3A_460 = arith.addi %mul3A_230, %add3A_459 : i32
      %get3A_461 = arith.index_cast %add3A_327 : i32 to index
      %get3A_462 = arith.index_cast %add3A_460 : i32 to index
      %get3A_463 = tpu.vector_load %arg7[%get3A_461, %get3A_462] {strides = array<i32>} : memref<32x1024xf32, #tpu.memory_space<vmem>>, vector<1x16xf32>,
      %get3A_464 = vector.shape_cast %get3A_463 : vector<1x16xf32> to vector<16xf32>
      %add3A_465 = arith.addf %get3A_464, %get3A_301 : vector<16xf32>
      %swap3A_466 = arith.index_cast %add3A_327 : i32 to index
      %swap3A_467 = arith.index_cast %add3A_460 : i32 to index
      %swap3A_468 = tpu.vector_load %arg7[%swap3A_466, %swap3A_467] {strides = array<i32>} : memref<32x1024xf32, #tpu.memory_space<vmem>>, vector<1x16xf32>,
      %swap3A_469 = vector.shape_cast %swap3A_468 : vector<1x16xf32> to vector<16xf32>
      %swap3A_470 = vector.shape_cast %add3A_465 : vector<16xf32> to vector<1x16xf32>
      tpu.vector_store %arg7[%swap3A_466, %swap3A_467], %swap3A_470 {strides = array<i32>} : memref<32x1024xf32, #tpu.memory_space<vmem>>, vector<1x16xf32>,
      %add3A_471 = arith.constant 192 : i32
      %add3A_472 = arith.addi %mul3A_230, %add3A_471 : i32
      %get3A_473 = arith.index_cast %add3A_327 : i32 to index
      %get3A_474 = arith.index_cast %add3A_472 : i32 to index
      %get3A_475 = tpu.vector_load %arg7[%get3A_473, %get3A_474] {strides = array<i32>} : memref<32x1024xf32, #tpu.memory_space<vmem>>, vector<1x16xf32>,
      %get3A_476 = vector.shape_cast %get3A_475 : vector<1x16xf32> to vector<16xf32>
      %add3A_477 = arith.addf %get3A_476, %get3A_307 : vector<16xf32>
      %swap3A_478 = arith.index_cast %add3A_327 : i32 to index
      %swap3A_479 = arith.index_cast %add3A_472 : i32 to index
      %swap3A_480 = tpu.vector_load %arg7[%swap3A_478, %swap3A_479] {strides = array<i32>} : memref<32x1024xf32, #tpu.memory_space<vmem>>, vector<1x16xf32>,
      %swap3A_481 = vector.shape_cast %swap3A_480 : vector<1x16xf32> to vector<16xf32>
      %swap3A_482 = vector.shape_cast %add3A_477 : vector<16xf32> to vector<1x16xf32>
      tpu.vector_store %arg7[%swap3A_478, %swap3A_479], %swap3A_482 {strides = array<i32>} : memref<32x1024xf32, #tpu.memory_space<vmem>>, vector<1x16xf32>,
      %add3A_483 = arith.constant 208 : i32
      %add3A_484 = arith.addi %mul3A_230, %add3A_483 : i32
      %get3A_485 = arith.index_cast %add3A_327 : i32 to index
      %get3A_486 = arith.index_cast %add3A_484 : i32 to index
      %get3A_487 = tpu.vector_load %arg7[%get3A_485, %get3A_486] {strides = array<i32>} : memref<32x1024xf32, #tpu.memory_space<vmem>>, vector<1x16xf32>,
      %get3A_488 = vector.shape_cast %get3A_487 : vector<1x16xf32> to vector<16xf32>
      %add3A_489 = arith.addf %get3A_488, %get3A_313 : vector<16xf32>
      %swap3A_490 = arith.index_cast %add3A_327 : i32 to index
      %swap3A_491 = arith.index_cast %add3A_484 : i32 to index
      %swap3A_492 = tpu.vector_load %arg7[%swap3A_490, %swap3A_491] {strides = array<i32>} : memref<32x1024xf32, #tpu.memory_space<vmem>>, vector<1x16xf32>,
      %swap3A_493 = vector.shape_cast %swap3A_492 : vector<1x16xf32> to vector<16xf32>
      %swap3A_494 = vector.shape_cast %add3A_489 : vector<16xf32> to vector<1x16xf32>
      tpu.vector_store %arg7[%swap3A_490, %swap3A_491], %swap3A_494 {strides = array<i32>} : memref<32x1024xf32, #tpu.memory_space<vmem>>, vector<1x16xf32>,
      %add3A_495 = arith.constant 224 : i32
      %add3A_496 = arith.addi %mul3A_230, %add3A_495 : i32
      %get3A_497 = arith.index_cast %add3A_327 : i32 to index
      %get3A_498 = arith.index_cast %add3A_496 : i32 to index
      %get3A_499 = tpu.vector_load %arg7[%get3A_497, %get3A_498] {strides = array<i32>} : memref<32x1024xf32, #tpu.memory_space<vmem>>, vector<1x16xf32>,
      %get3A_500 = vector.shape_cast %get3A_499 : vector<1x16xf32> to vector<16xf32>
      %add3A_501 = arith.addf %get3A_500, %get3A_319 : vector<16xf32>
      %swap3A_502 = arith.index_cast %add3A_327 : i32 to index
      %swap3A_503 = arith.index_cast %add3A_496 : i32 to index
      %swap3A_504 = tpu.vector_load %arg7[%swap3A_502, %swap3A_503] {strides = array<i32>} : memref<32x1024xf32, #tpu.memory_space<vmem>>, vector<1x16xf32>,
      %swap3A_505 = vector.shape_cast %swap3A_504 : vector<1x16xf32> to vector<16xf32>
      %swap3A_506 = vector.shape_cast %add3A_501 : vector<16xf32> to vector<1x16xf32>
      tpu.vector_store %arg7[%swap3A_502, %swap3A_503], %swap3A_506 {strides = array<i32>} : memref<32x1024xf32, #tpu.memory_space<vmem>>, vector<1x16xf32>,
      %add3A_507 = arith.constant 240 : i32
      %add3A_508 = arith.addi %mul3A_230, %add3A_507 : i32
      %get3A_509 = arith.index_cast %add3A_327 : i32 to index
      %get3A_510 = arith.index_cast %add3A_508 : i32 to index
      %get3A_511 = tpu.vector_load %arg7[%get3A_509, %get3A_510] {strides = array<i32>} : memref<32x1024xf32, #tpu.memory_space<vmem>>, vector<1x16xf32>,
      %get3A_512 = vector.shape_cast %get3A_511 : vector<1x16xf32> to vector<16xf32>
      %add3A_513 = arith.addf %get3A_512, %get3A_325 : vector<16xf32>
      %swap3A_514 = arith.index_cast %add3A_327 : i32 to index
      %swap3A_515 = arith.index_cast %add3A_508 : i32 to index
      %swap3A_516 = tpu.vector_load %arg7[%swap3A_514, %swap3A_515] {strides = array<i32>} : memref<32x1024xf32, #tpu.memory_space<vmem>>, vector<1x16xf32>,
      %swap3A_517 = vector.shape_cast %swap3A_516 : vector<1x16xf32> to vector<16xf32>
      %swap3A_518 = vector.shape_cast %add3A_513 : vector<16xf32> to vector<1x16xf32>
      tpu.vector_store %arg7[%swap3A_514, %swap3A_515], %swap3A_518 {strides = array<i32>} : memref<32x1024xf32, #tpu.memory_space<vmem>>, vector<1x16xf32>,
      %add3A_519 = arith.constant 8 : i32
      %add3A_520 = arith.addi %add3A_519, %select_n3A : i32
      %add3A_521 = arith.constant 0 : i32
      %add3A_522 = arith.addi %mul3A_230, %add3A_521 : i32
      %get3A_523 = arith.index_cast %add3A_520 : i32 to index
      %get3A_524 = arith.index_cast %add3A_522 : i32 to index
      %get3A_525 = tpu.vector_load %arg7[%get3A_523, %get3A_524] {strides = array<i32>} : memref<32x1024xf32, #tpu.memory_space<vmem>>, vector<1x16xf32>,
      %get3A_526 = vector.shape_cast %get3A_525 : vector<1x16xf32> to vector<16xf32>
      %add3A_527 = arith.addf %get3A_526, %get3A_235 : vector<16xf32>
      %swap3A_528 = arith.index_cast %add3A_520 : i32 to index
      %swap3A_529 = arith.index_cast %add3A_522 : i32 to index
      %swap3A_530 = tpu.vector_load %arg7[%swap3A_528, %swap3A_529] {strides = array<i32>} : memref<32x1024xf32, #tpu.memory_space<vmem>>, vector<1x16xf32>,
      %swap3A_531 = vector.shape_cast %swap3A_530 : vector<1x16xf32> to vector<16xf32>
      %swap3A_532 = vector.shape_cast %add3A_527 : vector<16xf32> to vector<1x16xf32>
      tpu.vector_store %arg7[%swap3A_528, %swap3A_529], %swap3A_532 {strides = array<i32>} : memref<32x1024xf32, #tpu.memory_space<vmem>>, vector<1x16xf32>,
      %add3A_533 = arith.constant 16 : i32
      %add3A_534 = arith.addi %mul3A_230, %add3A_533 : i32
      %get3A_535 = arith.index_cast %add3A_520 : i32 to index
      %get3A_536 = arith.index_cast %add3A_534 : i32 to index
      %get3A_537 = tpu.vector_load %arg7[%get3A_535, %get3A_536] {strides = array<i32>} : memref<32x1024xf32, #tpu.memory_space<vmem>>, vector<1x16xf32>,
      %get3A_538 = vector.shape_cast %get3A_537 : vector<1x16xf32> to vector<16xf32>
      %add3A_539 = arith.addf %get3A_538, %get3A_241 : vector<16xf32>
      %swap3A_540 = arith.index_cast %add3A_520 : i32 to index
      %swap3A_541 = arith.index_cast %add3A_534 : i32 to index
      %swap3A_542 = tpu.vector_load %arg7[%swap3A_540, %swap3A_541] {strides = array<i32>} : memref<32x1024xf32, #tpu.memory_space<vmem>>, vector<1x16xf32>,
      %swap3A_543 = vector.shape_cast %swap3A_542 : vector<1x16xf32> to vector<16xf32>
      %swap3A_544 = vector.shape_cast %add3A_539 : vector<16xf32> to vector<1x16xf32>
      tpu.vector_store %arg7[%swap3A_540, %swap3A_541], %swap3A_544 {strides = array<i32>} : memref<32x1024xf32, #tpu.memory_space<vmem>>, vector<1x16xf32>,
      %add3A_545 = arith.constant 32 : i32
      %add3A_546 = arith.addi %mul3A_230, %add3A_545 : i32
      %get3A_547 = arith.index_cast %add3A_520 : i32 to index
      %get3A_548 = arith.index_cast %add3A_546 : i32 to index
      %get3A_549 = tpu.vector_load %arg7[%get3A_547, %get3A_548] {strides = array<i32>} : memref<32x1024xf32, #tpu.memory_space<vmem>>, vector<1x16xf32>,
      %get3A_550 = vector.shape_cast %get3A_549 : vector<1x16xf32> to vector<16xf32>
      %add3A_551 = arith.addf %get3A_550, %get3A_247 : vector<16xf32>
      %swap3A_552 = arith.index_cast %add3A_520 : i32 to index
      %swap3A_553 = arith.index_cast %add3A_546 : i32 to index
      %swap3A_554 = tpu.vector_load %arg7[%swap3A_552, %swap3A_553] {strides = array<i32>} : memref<32x1024xf32, #tpu.memory_space<vmem>>, vector<1x16xf32>,
      %swap3A_555 = vector.shape_cast %swap3A_554 : vector<1x16xf32> to vector<16xf32>
      %swap3A_556 = vector.shape_cast %add3A_551 : vector<16xf32> to vector<1x16xf32>
      tpu.vector_store %arg7[%swap3A_552, %swap3A_553], %swap3A_556 {strides = array<i32>} : memref<32x1024xf32, #tpu.memory_space<vmem>>, vector<1x16xf32>,
      %add3A_557 = arith.constant 48 : i32
      %add3A_558 = arith.addi %mul3A_230, %add3A_557 : i32
      %get3A_559 = arith.index_cast %add3A_520 : i32 to index
      %get3A_560 = arith.index_cast %add3A_558 : i32 to index
      %get3A_561 = tpu.vector_load %arg7[%get3A_559, %get3A_560] {strides = array<i32>} : memref<32x1024xf32, #tpu.memory_space<vmem>>, vector<1x16xf32>,
      %get3A_562 = vector.shape_cast %get3A_561 : vector<1x16xf32> to vector<16xf32>
      %add3A_563 = arith.addf %get3A_562, %get3A_253 : vector<16xf32>
      %swap3A_564 = arith.index_cast %add3A_520 : i32 to index
      %swap3A_565 = arith.index_cast %add3A_558 : i32 to index
      %swap3A_566 = tpu.vector_load %arg7[%swap3A_564, %swap3A_565] {strides = array<i32>} : memref<32x1024xf32, #tpu.memory_space<vmem>>, vector<1x16xf32>,
      %swap3A_567 = vector.shape_cast %swap3A_566 : vector<1x16xf32> to vector<16xf32>
      %swap3A_568 = vector.shape_cast %add3A_563 : vector<16xf32> to vector<1x16xf32>
      tpu.vector_store %arg7[%swap3A_564, %swap3A_565], %swap3A_568 {strides = array<i32>} : memref<32x1024xf32, #tpu.memory_space<vmem>>, vector<1x16xf32>,
      %add3A_569 = arith.constant 64 : i32
      %add3A_570 = arith.addi %mul3A_230, %add3A_569 : i32
      %get3A_571 = arith.index_cast %add3A_520 : i32 to index
      %get3A_572 = arith.index_cast %add3A_570 : i32 to index
      %get3A_573 = tpu.vector_load %arg7[%get3A_571, %get3A_572] {strides = array<i32>} : memref<32x1024xf32, #tpu.memory_space<vmem>>, vector<1x16xf32>,
      %get3A_574 = vector.shape_cast %get3A_573 : vector<1x16xf32> to vector<16xf32>
      %add3A_575 = arith.addf %get3A_574, %get3A_259 : vector<16xf32>
      %swap3A_576 = arith.index_cast %add3A_520 : i32 to index
      %swap3A_577 = arith.index_cast %add3A_570 : i32 to index
      %swap3A_578 = tpu.vector_load %arg7[%swap3A_576, %swap3A_577] {strides = array<i32>} : memref<32x1024xf32, #tpu.memory_space<vmem>>, vector<1x16xf32>,
      %swap3A_579 = vector.shape_cast %swap3A_578 : vector<1x16xf32> to vector<16xf32>
      %swap3A_580 = vector.shape_cast %add3A_575 : vector<16xf32> to vector<1x16xf32>
      tpu.vector_store %arg7[%swap3A_576, %swap3A_577], %swap3A_580 {strides = array<i32>} : memref<32x1024xf32, #tpu.memory_space<vmem>>, vector<1x16xf32>,
      %add3A_581 = arith.constant 80 : i32
      %add3A_582 = arith.addi %mul3A_230, %add3A_581 : i32
      %get3A_583 = arith.index_cast %add3A_520 : i32 to index
      %get3A_584 = arith.index_cast %add3A_582 : i32 to index
      %get3A_585 = tpu.vector_load %arg7[%get3A_583, %get3A_584] {strides = array<i32>} : memref<32x1024xf32, #tpu.memory_space<vmem>>, vector<1x16xf32>,
      %get3A_586 = vector.shape_cast %get3A_585 : vector<1x16xf32> to vector<16xf32>
      %add3A_587 = arith.addf %get3A_586, %get3A_265 : vector<16xf32>
      %swap3A_588 = arith.index_cast %add3A_520 : i32 to index
      %swap3A_589 = arith.index_cast %add3A_582 : i32 to index
      %swap3A_590 = tpu.vector_load %arg7[%swap3A_588, %swap3A_589] {strides = array<i32>} : memref<32x1024xf32, #tpu.memory_space<vmem>>, vector<1x16xf32>,
      %swap3A_591 = vector.shape_cast %swap3A_590 : vector<1x16xf32> to vector<16xf32>
      %swap3A_592 = vector.shape_cast %add3A_587 : vector<16xf32> to vector<1x16xf32>
      tpu.vector_store %arg7[%swap3A_588, %swap3A_589], %swap3A_592 {strides = array<i32>} : memref<32x1024xf32, #tpu.memory_space<vmem>>, vector<1x16xf32>,
      %add3A_593 = arith.constant 96 : i32
      %add3A_594 = arith.addi %mul3A_230, %add3A_593 : i32
      %get3A_595 = arith.index_cast %add3A_520 : i32 to index
      %get3A_596 = arith.index_cast %add3A_594 : i32 to index
      %get3A_597 = tpu.vector_load %arg7[%get3A_595, %get3A_596] {strides = array<i32>} : memref<32x1024xf32, #tpu.memory_space<vmem>>, vector<1x16xf32>,
      %get3A_598 = vector.shape_cast %get3A_597 : vector<1x16xf32> to vector<16xf32>
      %add3A_599 = arith.addf %get3A_598, %get3A_271 : vector<16xf32>
      %swap3A_600 = arith.index_cast %add3A_520 : i32 to index
      %swap3A_601 = arith.index_cast %add3A_594 : i32 to index
      %swap3A_602 = tpu.vector_load %arg7[%swap3A_600, %swap3A_601] {strides = array<i32>} : memref<32x1024xf32, #tpu.memory_space<vmem>>, vector<1x16xf32>,
      %swap3A_603 = vector.shape_cast %swap3A_602 : vector<1x16xf32> to vector<16xf32>
      %swap3A_604 = vector.shape_cast %add3A_599 : vector<16xf32> to vector<1x16xf32>
      tpu.vector_store %arg7[%swap3A_600, %swap3A_601], %swap3A_604 {strides = array<i32>} : memref<32x1024xf32, #tpu.memory_space<vmem>>, vector<1x16xf32>,
      %add3A_605 = arith.constant 112 : i32
      %add3A_606 = arith.addi %mul3A_230, %add3A_605 : i32
      %get3A_607 = arith.index_cast %add3A_520 : i32 to index
      %get3A_608 = arith.index_cast %add3A_606 : i32 to index
      %get3A_609 = tpu.vector_load %arg7[%get3A_607, %get3A_608] {strides = array<i32>} : memref<32x1024xf32, #tpu.memory_space<vmem>>, vector<1x16xf32>,
      %get3A_610 = vector.shape_cast %get3A_609 : vector<1x16xf32> to vector<16xf32>
      %add3A_611 = arith.addf %get3A_610, %get3A_277 : vector<16xf32>
      %swap3A_612 = arith.index_cast %add3A_520 : i32 to index
      %swap3A_613 = arith.index_cast %add3A_606 : i32 to index
      %swap3A_614 = tpu.vector_load %arg7[%swap3A_612, %swap3A_613] {strides = array<i32>} : memref<32x1024xf32, #tpu.memory_space<vmem>>, vector<1x16xf32>,
      %swap3A_615 = vector.shape_cast %swap3A_614 : vector<1x16xf32> to vector<16xf32>
      %swap3A_616 = vector.shape_cast %add3A_611 : vector<16xf32> to vector<1x16xf32>
      tpu.vector_store %arg7[%swap3A_612, %swap3A_613], %swap3A_616 {strides = array<i32>} : memref<32x1024xf32, #tpu.memory_space<vmem>>, vector<1x16xf32>,
      %add3A_617 = arith.constant 128 : i32
      %add3A_618 = arith.addi %mul3A_230, %add3A_617 : i32
      %get3A_619 = arith.index_cast %add3A_520 : i32 to index
      %get3A_620 = arith.index_cast %add3A_618 : i32 to index
      %get3A_621 = tpu.vector_load %arg7[%get3A_619, %get3A_620] {strides = array<i32>} : memref<32x1024xf32, #tpu.memory_space<vmem>>, vector<1x16xf32>,
      %get3A_622 = vector.shape_cast %get3A_621 : vector<1x16xf32> to vector<16xf32>
      %add3A_623 = arith.addf %get3A_622, %get3A_283 : vector<16xf32>
      %swap3A_624 = arith.index_cast %add3A_520 : i32 to index
      %swap3A_625 = arith.index_cast %add3A_618 : i32 to index
      %swap3A_626 = tpu.vector_load %arg7[%swap3A_624, %swap3A_625] {strides = array<i32>} : memref<32x1024xf32, #tpu.memory_space<vmem>>, vector<1x16xf32>,
      %swap3A_627 = vector.shape_cast %swap3A_626 : vector<1x16xf32> to vector<16xf32>
      %swap3A_628 = vector.shape_cast %add3A_623 : vector<16xf32> to vector<1x16xf32>
      tpu.vector_store %arg7[%swap3A_624, %swap3A_625], %swap3A_628 {strides = array<i32>} : memref<32x1024xf32, #tpu.memory_space<vmem>>, vector<1x16xf32>,
      %add3A_629 = arith.constant 144 : i32
      %add3A_630 = arith.addi %mul3A_230, %add3A_629 : i32
      %get3A_631 = arith.index_cast %add3A_520 : i32 to index
      %get3A_632 = arith.index_cast %add3A_630 : i32 to index
      %get3A_633 = tpu.vector_load %arg7[%get3A_631, %get3A_632] {strides = array<i32>} : memref<32x1024xf32, #tpu.memory_space<vmem>>, vector<1x16xf32>,
      %get3A_634 = vector.shape_cast %get3A_633 : vector<1x16xf32> to vector<16xf32>
      %add3A_635 = arith.addf %get3A_634, %get3A_289 : vector<16xf32>
      %swap3A_636 = arith.index_cast %add3A_520 : i32 to index
      %swap3A_637 = arith.index_cast %add3A_630 : i32 to index
      %swap3A_638 = tpu.vector_load %arg7[%swap3A_636, %swap3A_637] {strides = array<i32>} : memref<32x1024xf32, #tpu.memory_space<vmem>>, vector<1x16xf32>,
      %swap3A_639 = vector.shape_cast %swap3A_638 : vector<1x16xf32> to vector<16xf32>
      %swap3A_640 = vector.shape_cast %add3A_635 : vector<16xf32> to vector<1x16xf32>
      tpu.vector_store %arg7[%swap3A_636, %swap3A_637], %swap3A_640 {strides = array<i32>} : memref<32x1024xf32, #tpu.memory_space<vmem>>, vector<1x16xf32>,
      %add3A_641 = arith.constant 160 : i32
      %add3A_642 = arith.addi %mul3A_230, %add3A_641 : i32
      %get3A_643 = arith.index_cast %add3A_520 : i32 to index
      %get3A_644 = arith.index_cast %add3A_642 : i32 to index
      %get3A_645 = tpu.vector_load %arg7[%get3A_643, %get3A_644] {strides = array<i32>} : memref<32x1024xf32, #tpu.memory_space<vmem>>, vector<1x16xf32>,
      %get3A_646 = vector.shape_cast %get3A_645 : vector<1x16xf32> to vector<16xf32>
      %add3A_647 = arith.addf %get3A_646, %get3A_295 : vector<16xf32>
      %swap3A_648 = arith.index_cast %add3A_520 : i32 to index
      %swap3A_649 = arith.index_cast %add3A_642 : i32 to index
      %swap3A_650 = tpu.vector_load %arg7[%swap3A_648, %swap3A_649] {strides = array<i32>} : memref<32x1024xf32, #tpu.memory_space<vmem>>, vector<1x16xf32>,
      %swap3A_651 = vector.shape_cast %swap3A_650 : vector<1x16xf32> to vector<16xf32>
      %swap3A_652 = vector.shape_cast %add3A_647 : vector<16xf32> to vector<1x16xf32>
      tpu.vector_store %arg7[%swap3A_648, %swap3A_649], %swap3A_652 {strides = array<i32>} : memref<32x1024xf32, #tpu.memory_space<vmem>>, vector<1x16xf32>,
      %add3A_653 = arith.constant 176 : i32
      %add3A_654 = arith.addi %mul3A_230, %add3A_653 : i32
      %get3A_655 = arith.index_cast %add3A_520 : i32 to index
      %get3A_656 = arith.index_cast %add3A_654 : i32 to index
      %get3A_657 = tpu.vector_load %arg7[%get3A_655, %get3A_656] {strides = array<i32>} : memref<32x1024xf32, #tpu.memory_space<vmem>>, vector<1x16xf32>,
      %get3A_658 = vector.shape_cast %get3A_657 : vector<1x16xf32> to vector<16xf32>
      %add3A_659 = arith.addf %get3A_658, %get3A_301 : vector<16xf32>
      %swap3A_660 = arith.index_cast %add3A_520 : i32 to index
      %swap3A_661 = arith.index_cast %add3A_654 : i32 to index
      %swap3A_662 = tpu.vector_load %arg7[%swap3A_660, %swap3A_661] {strides = array<i32>} : memref<32x1024xf32, #tpu.memory_space<vmem>>, vector<1x16xf32>,
      %swap3A_663 = vector.shape_cast %swap3A_662 : vector<1x16xf32> to vector<16xf32>
      %swap3A_664 = vector.shape_cast %add3A_659 : vector<16xf32> to vector<1x16xf32>
      tpu.vector_store %arg7[%swap3A_660, %swap3A_661], %swap3A_664 {strides = array<i32>} : memref<32x1024xf32, #tpu.memory_space<vmem>>, vector<1x16xf32>,
      %add3A_665 = arith.constant 192 : i32
      %add3A_666 = arith.addi %mul3A_230, %add3A_665 : i32
      %get3A_667 = arith.index_cast %add3A_520 : i32 to index
      %get3A_668 = arith.index_cast %add3A_666 : i32 to index
      %get3A_669 = tpu.vector_load %arg7[%get3A_667, %get3A_668] {strides = array<i32>} : memref<32x1024xf32, #tpu.memory_space<vmem>>, vector<1x16xf32>,
      %get3A_670 = vector.shape_cast %get3A_669 : vector<1x16xf32> to vector<16xf32>
      %add3A_671 = arith.addf %get3A_670, %get3A_307 : vector<16xf32>
      %swap3A_672 = arith.index_cast %add3A_520 : i32 to index
      %swap3A_673 = arith.index_cast %add3A_666 : i32 to index
      %swap3A_674 = tpu.vector_load %arg7[%swap3A_672, %swap3A_673] {strides = array<i32>} : memref<32x1024xf32, #tpu.memory_space<vmem>>, vector<1x16xf32>,
      %swap3A_675 = vector.shape_cast %swap3A_674 : vector<1x16xf32> to vector<16xf32>
      %swap3A_676 = vector.shape_cast %add3A_671 : vector<16xf32> to vector<1x16xf32>
      tpu.vector_store %arg7[%swap3A_672, %swap3A_673], %swap3A_676 {strides = array<i32>} : memref<32x1024xf32, #tpu.memory_space<vmem>>, vector<1x16xf32>,
      %add3A_677 = arith.constant 208 : i32
      %add3A_678 = arith.addi %mul3A_230, %add3A_677 : i32
      %get3A_679 = arith.index_cast %add3A_520 : i32 to index
      %get3A_680 = arith.index_cast %add3A_678 : i32 to index
      %get3A_681 = tpu.vector_load %arg7[%get3A_679, %get3A_680] {strides = array<i32>} : memref<32x1024xf32, #tpu.memory_space<vmem>>, vector<1x16xf32>,
      %get3A_682 = vector.shape_cast %get3A_681 : vector<1x16xf32> to vector<16xf32>
      %add3A_683 = arith.addf %get3A_682, %get3A_313 : vector<16xf32>
      %swap3A_684 = arith.index_cast %add3A_520 : i32 to index
      %swap3A_685 = arith.index_cast %add3A_678 : i32 to index
      %swap3A_686 = tpu.vector_load %arg7[%swap3A_684, %swap3A_685] {strides = array<i32>} : memref<32x1024xf32, #tpu.memory_space<vmem>>, vector<1x16xf32>,
      %swap3A_687 = vector.shape_cast %swap3A_686 : vector<1x16xf32> to vector<16xf32>
      %swap3A_688 = vector.shape_cast %add3A_683 : vector<16xf32> to vector<1x16xf32>
      tpu.vector_store %arg7[%swap3A_684, %swap3A_685], %swap3A_688 {strides = array<i32>} : memref<32x1024xf32, #tpu.memory_space<vmem>>, vector<1x16xf32>,
      %add3A_689 = arith.constant 224 : i32
      %add3A_690 = arith.addi %mul3A_230, %add3A_689 : i32
      %get3A_691 = arith.index_cast %add3A_520 : i32 to index
      %get3A_692 = arith.index_cast %add3A_690 : i32 to index
      %get3A_693 = tpu.vector_load %arg7[%get3A_691, %get3A_692] {strides = array<i32>} : memref<32x1024xf32, #tpu.memory_space<vmem>>, vector<1x16xf32>,
      %get3A_694 = vector.shape_cast %get3A_693 : vector<1x16xf32> to vector<16xf32>
      %add3A_695 = arith.addf %get3A_694, %get3A_319 : vector<16xf32>
      %swap3A_696 = arith.index_cast %add3A_520 : i32 to index
      %swap3A_697 = arith.index_cast %add3A_690 : i32 to index
      %swap3A_698 = tpu.vector_load %arg7[%swap3A_696, %swap3A_697] {strides = array<i32>} : memref<32x1024xf32, #tpu.memory_space<vmem>>, vector<1x16xf32>,
      %swap3A_699 = vector.shape_cast %swap3A_698 : vector<1x16xf32> to vector<16xf32>
      %swap3A_700 = vector.shape_cast %add3A_695 : vector<16xf32> to vector<1x16xf32>
      tpu.vector_store %arg7[%swap3A_696, %swap3A_697], %swap3A_700 {strides = array<i32>} : memref<32x1024xf32, #tpu.memory_space<vmem>>, vector<1x16xf32>,
      %add3A_701 = arith.constant 240 : i32
      %add3A_702 = arith.addi %mul3A_230, %add3A_701 : i32
      %get3A_703 = arith.index_cast %add3A_520 : i32 to index
      %get3A_704 = arith.index_cast %add3A_702 : i32 to index
      %get3A_705 = tpu.vector_load %arg7[%get3A_703, %get3A_704] {strides = array<i32>} : memref<32x1024xf32, #tpu.memory_space<vmem>>, vector<1x16xf32>,
      %get3A_706 = vector.shape_cast %get3A_705 : vector<1x16xf32> to vector<16xf32>
      %add3A_707 = arith.addf %get3A_706, %get3A_325 : vector<16xf32>
      %swap3A_708 = arith.index_cast %add3A_520 : i32 to index
      %swap3A_709 = arith.index_cast %add3A_702 : i32 to index
      %swap3A_710 = tpu.vector_load %arg7[%swap3A_708, %swap3A_709] {strides = array<i32>} : memref<32x1024xf32, #tpu.memory_space<vmem>>, vector<1x16xf32>,
      %swap3A_711 = vector.shape_cast %swap3A_710 : vector<1x16xf32> to vector<16xf32>
      %swap3A_712 = vector.shape_cast %add3A_707 : vector<16xf32> to vector<1x16xf32>
      tpu.vector_store %arg7[%swap3A_708, %swap3A_709], %swap3A_712 {strides = array<i32>} : memref<32x1024xf32, #tpu.memory_space<vmem>>, vector<1x16xf32>,
      %add3A_713 = arith.constant 16 : i32
      %add3A_714 = arith.addi %add3A_713, %select_n3A : i32
      %add3A_715 = arith.constant 0 : i32
      %add3A_716 = arith.addi %mul3A_230, %add3A_715 : i32
      %get3A_717 = arith.index_cast %add3A_714 : i32 to index
      %get3A_718 = arith.index_cast %add3A_716 : i32 to index
      %get3A_719 = tpu.vector_load %arg7[%get3A_717, %get3A_718] {strides = array<i32>} : memref<32x1024xf32, #tpu.memory_space<vmem>>, vector<1x16xf32>,
      %get3A_720 = vector.shape_cast %get3A_719 : vector<1x16xf32> to vector<16xf32>
      %add3A_721 = arith.addf %get3A_720, %get3A_235 : vector<16xf32>
      %swap3A_722 = arith.index_cast %add3A_714 : i32 to index
      %swap3A_723 = arith.index_cast %add3A_716 : i32 to index
      %swap3A_724 = tpu.vector_load %arg7[%swap3A_722, %swap3A_723] {strides = array<i32>} : memref<32x1024xf32, #tpu.memory_space<vmem>>, vector<1x16xf32>,
      %swap3A_725 = vector.shape_cast %swap3A_724 : vector<1x16xf32> to vector<16xf32>
      %swap3A_726 = vector.shape_cast %add3A_721 : vector<16xf32> to vector<1x16xf32>
      tpu.vector_store %arg7[%swap3A_722, %swap3A_723], %swap3A_726 {strides = array<i32>} : memref<32x1024xf32, #tpu.memory_space<vmem>>, vector<1x16xf32>,
      %add3A_727 = arith.constant 16 : i32
      %add3A_728 = arith.addi %mul3A_230, %add3A_727 : i32
      %get3A_729 = arith.index_cast %add3A_714 : i32 to index
      %get3A_730 = arith.index_cast %add3A_728 : i32 to index
      %get3A_731 = tpu.vector_load %arg7[%get3A_729, %get3A_730] {strides = array<i32>} : memref<32x1024xf32, #tpu.memory_space<vmem>>, vector<1x16xf32>,
      %get3A_732 = vector.shape_cast %get3A_731 : vector<1x16xf32> to vector<16xf32>
      %add3A_733 = arith.addf %get3A_732, %get3A_241 : vector<16xf32>
      %swap3A_734 = arith.index_cast %add3A_714 : i32 to index
      %swap3A_735 = arith.index_cast %add3A_728 : i32 to index
      %swap3A_736 = tpu.vector_load %arg7[%swap3A_734, %swap3A_735] {strides = array<i32>} : memref<32x1024xf32, #tpu.memory_space<vmem>>, vector<1x16xf32>,
      %swap3A_737 = vector.shape_cast %swap3A_736 : vector<1x16xf32> to vector<16xf32>
      %swap3A_738 = vector.shape_cast %add3A_733 : vector<16xf32> to vector<1x16xf32>
      tpu.vector_store %arg7[%swap3A_734, %swap3A_735], %swap3A_738 {strides = array<i32>} : memref<32x1024xf32, #tpu.memory_space<vmem>>, vector<1x16xf32>,
      %add3A_739 = arith.constant 32 : i32
      %add3A_740 = arith.addi %mul3A_230, %add3A_739 : i32
      %get3A_741 = arith.index_cast %add3A_714 : i32 to index
      %get3A_742 = arith.index_cast %add3A_740 : i32 to index
      %get3A_743 = tpu.vector_load %arg7[%get3A_741, %get3A_742] {strides = array<i32>} : memref<32x1024xf32, #tpu.memory_space<vmem>>, vector<1x16xf32>,
      %get3A_744 = vector.shape_cast %get3A_743 : vector<1x16xf32> to vector<16xf32>
      %add3A_745 = arith.addf %get3A_744, %get3A_247 : vector<16xf32>
      %swap3A_746 = arith.index_cast %add3A_714 : i32 to index
      %swap3A_747 = arith.index_cast %add3A_740 : i32 to index
      %swap3A_748 = tpu.vector_load %arg7[%swap3A_746, %swap3A_747] {strides = array<i32>} : memref<32x1024xf32, #tpu.memory_space<vmem>>, vector<1x16xf32>,
      %swap3A_749 = vector.shape_cast %swap3A_748 : vector<1x16xf32> to vector<16xf32>
      %swap3A_750 = vector.shape_cast %add3A_745 : vector<16xf32> to vector<1x16xf32>
      tpu.vector_store %arg7[%swap3A_746, %swap3A_747], %swap3A_750 {strides = array<i32>} : memref<32x1024xf32, #tpu.memory_space<vmem>>, vector<1x16xf32>,
      %add3A_751 = arith.constant 48 : i32
      %add3A_752 = arith.addi %mul3A_230, %add3A_751 : i32
      %get3A_753 = arith.index_cast %add3A_714 : i32 to index
      %get3A_754 = arith.index_cast %add3A_752 : i32 to index
      %get3A_755 = tpu.vector_load %arg7[%get3A_753, %get3A_754] {strides = array<i32>} : memref<32x1024xf32, #tpu.memory_space<vmem>>, vector<1x16xf32>,
      %get3A_756 = vector.shape_cast %get3A_755 : vector<1x16xf32> to vector<16xf32>
      %add3A_757 = arith.addf %get3A_756, %get3A_253 : vector<16xf32>
      %swap3A_758 = arith.index_cast %add3A_714 : i32 to index
      %swap3A_759 = arith.index_cast %add3A_752 : i32 to index
      %swap3A_760 = tpu.vector_load %arg7[%swap3A_758, %swap3A_759] {strides = array<i32>} : memref<32x1024xf32, #tpu.memory_space<vmem>>, vector<1x16xf32>,
      %swap3A_761 = vector.shape_cast %swap3A_760 : vector<1x16xf32> to vector<16xf32>
      %swap3A_762 = vector.shape_cast %add3A_757 : vector<16xf32> to vector<1x16xf32>
      tpu.vector_store %arg7[%swap3A_758, %swap3A_759], %swap3A_762 {strides = array<i32>} : memref<32x1024xf32, #tpu.memory_space<vmem>>, vector<1x16xf32>,
      %add3A_763 = arith.constant 64 : i32
      %add3A_764 = arith.addi %mul3A_230, %add3A_763 : i32
      %get3A_765 = arith.index_cast %add3A_714 : i32 to index
      %get3A_766 = arith.index_cast %add3A_764 : i32 to index
      %get3A_767 = tpu.vector_load %arg7[%get3A_765, %get3A_766] {strides = array<i32>} : memref<32x1024xf32, #tpu.memory_space<vmem>>, vector<1x16xf32>,
      %get3A_768 = vector.shape_cast %get3A_767 : vector<1x16xf32> to vector<16xf32>
      %add3A_769 = arith.addf %get3A_768, %get3A_259 : vector<16xf32>
      %swap3A_770 = arith.index_cast %add3A_714 : i32 to index
      %swap3A_771 = arith.index_cast %add3A_764 : i32 to index
      %swap3A_772 = tpu.vector_load %arg7[%swap3A_770, %swap3A_771] {strides = array<i32>} : memref<32x1024xf32, #tpu.memory_space<vmem>>, vector<1x16xf32>,
      %swap3A_773 = vector.shape_cast %swap3A_772 : vector<1x16xf32> to vector<16xf32>
      %swap3A_774 = vector.shape_cast %add3A_769 : vector<16xf32> to vector<1x16xf32>
      tpu.vector_store %arg7[%swap3A_770, %swap3A_771], %swap3A_774 {strides = array<i32>} : memref<32x1024xf32, #tpu.memory_space<vmem>>, vector<1x16xf32>,
      %add3A_775 = arith.constant 80 : i32
      %add3A_776 = arith.addi %mul3A_230, %add3A_775 : i32
      %get3A_777 = arith.index_cast %add3A_714 : i32 to index
      %get3A_778 = arith.index_cast %add3A_776 : i32 to index
      %get3A_779 = tpu.vector_load %arg7[%get3A_777, %get3A_778] {strides = array<i32>} : memref<32x1024xf32, #tpu.memory_space<vmem>>, vector<1x16xf32>,
      %get3A_780 = vector.shape_cast %get3A_779 : vector<1x16xf32> to vector<16xf32>
      %add3A_781 = arith.addf %get3A_780, %get3A_265 : vector<16xf32>
      %swap3A_782 = arith.index_cast %add3A_714 : i32 to index
      %swap3A_783 = arith.index_cast %add3A_776 : i32 to index
      %swap3A_784 = tpu.vector_load %arg7[%swap3A_782, %swap3A_783] {strides = array<i32>} : memref<32x1024xf32, #tpu.memory_space<vmem>>, vector<1x16xf32>,
      %swap3A_785 = vector.shape_cast %swap3A_784 : vector<1x16xf32> to vector<16xf32>
      %swap3A_786 = vector.shape_cast %add3A_781 : vector<16xf32> to vector<1x16xf32>
      tpu.vector_store %arg7[%swap3A_782, %swap3A_783], %swap3A_786 {strides = array<i32>} : memref<32x1024xf32, #tpu.memory_space<vmem>>, vector<1x16xf32>,
      %add3A_787 = arith.constant 96 : i32
      %add3A_788 = arith.addi %mul3A_230, %add3A_787 : i32
      %get3A_789 = arith.index_cast %add3A_714 : i32 to index
      %get3A_790 = arith.index_cast %add3A_788 : i32 to index
      %get3A_791 = tpu.vector_load %arg7[%get3A_789, %get3A_790] {strides = array<i32>} : memref<32x1024xf32, #tpu.memory_space<vmem>>, vector<1x16xf32>,
      %get3A_792 = vector.shape_cast %get3A_791 : vector<1x16xf32> to vector<16xf32>
      %add3A_793 = arith.addf %get3A_792, %get3A_271 : vector<16xf32>
      %swap3A_794 = arith.index_cast %add3A_714 : i32 to index
      %swap3A_795 = arith.index_cast %add3A_788 : i32 to index
      %swap3A_796 = tpu.vector_load %arg7[%swap3A_794, %swap3A_795] {strides = array<i32>} : memref<32x1024xf32, #tpu.memory_space<vmem>>, vector<1x16xf32>,
      %swap3A_797 = vector.shape_cast %swap3A_796 : vector<1x16xf32> to vector<16xf32>
      %swap3A_798 = vector.shape_cast %add3A_793 : vector<16xf32> to vector<1x16xf32>
      tpu.vector_store %arg7[%swap3A_794, %swap3A_795], %swap3A_798 {strides = array<i32>} : memref<32x1024xf32, #tpu.memory_space<vmem>>, vector<1x16xf32>,
      %add3A_799 = arith.constant 112 : i32
      %add3A_800 = arith.addi %mul3A_230, %add3A_799 : i32
      %get3A_801 = arith.index_cast %add3A_714 : i32 to index
      %get3A_802 = arith.index_cast %add3A_800 : i32 to index
      %get3A_803 = tpu.vector_load %arg7[%get3A_801, %get3A_802] {strides = array<i32>} : memref<32x1024xf32, #tpu.memory_space<vmem>>, vector<1x16xf32>,
      %get3A_804 = vector.shape_cast %get3A_803 : vector<1x16xf32> to vector<16xf32>
      %add3A_805 = arith.addf %get3A_804, %get3A_277 : vector<16xf32>
      %swap3A_806 = arith.index_cast %add3A_714 : i32 to index
      %swap3A_807 = arith.index_cast %add3A_800 : i32 to index
      %swap3A_808 = tpu.vector_load %arg7[%swap3A_806, %swap3A_807] {strides = array<i32>} : memref<32x1024xf32, #tpu.memory_space<vmem>>, vector<1x16xf32>,
      %swap3A_809 = vector.shape_cast %swap3A_808 : vector<1x16xf32> to vector<16xf32>
      %swap3A_810 = vector.shape_cast %add3A_805 : vector<16xf32> to vector<1x16xf32>
      tpu.vector_store %arg7[%swap3A_806, %swap3A_807], %swap3A_810 {strides = array<i32>} : memref<32x1024xf32, #tpu.memory_space<vmem>>, vector<1x16xf32>,
      %add3A_811 = arith.constant 128 : i32
      %add3A_812 = arith.addi %mul3A_230, %add3A_811 : i32
      %get3A_813 = arith.index_cast %add3A_714 : i32 to index
      %get3A_814 = arith.index_cast %add3A_812 : i32 to index
      %get3A_815 = tpu.vector_load %arg7[%get3A_813, %get3A_814] {strides = array<i32>} : memref<32x1024xf32, #tpu.memory_space<vmem>>, vector<1x16xf32>,
      %get3A_816 = vector.shape_cast %get3A_815 : vector<1x16xf32> to vector<16xf32>
      %add3A_817 = arith.addf %get3A_816, %get3A_283 : vector<16xf32>
      %swap3A_818 = arith.index_cast %add3A_714 : i32 to index
      %swap3A_819 = arith.index_cast %add3A_812 : i32 to index
      %swap3A_820 = tpu.vector_load %arg7[%swap3A_818, %swap3A_819] {strides = array<i32>} : memref<32x1024xf32, #tpu.memory_space<vmem>>, vector<1x16xf32>,
      %swap3A_821 = vector.shape_cast %swap3A_820 : vector<1x16xf32> to vector<16xf32>
      %swap3A_822 = vector.shape_cast %add3A_817 : vector<16xf32> to vector<1x16xf32>
      tpu.vector_store %arg7[%swap3A_818, %swap3A_819], %swap3A_822 {strides = array<i32>} : memref<32x1024xf32, #tpu.memory_space<vmem>>, vector<1x16xf32>,
      %add3A_823 = arith.constant 144 : i32
      %add3A_824 = arith.addi %mul3A_230, %add3A_823 : i32
      %get3A_825 = arith.index_cast %add3A_714 : i32 to index
      %get3A_826 = arith.index_cast %add3A_824 : i32 to index
      %get3A_827 = tpu.vector_load %arg7[%get3A_825, %get3A_826] {strides = array<i32>} : memref<32x1024xf32, #tpu.memory_space<vmem>>, vector<1x16xf32>,
      %get3A_828 = vector.shape_cast %get3A_827 : vector<1x16xf32> to vector<16xf32>
      %add3A_829 = arith.addf %get3A_828, %get3A_289 : vector<16xf32>
      %swap3A_830 = arith.index_cast %add3A_714 : i32 to index
      %swap3A_831 = arith.index_cast %add3A_824 : i32 to index
      %swap3A_832 = tpu.vector_load %arg7[%swap3A_830, %swap3A_831] {strides = array<i32>} : memref<32x1024xf32, #tpu.memory_space<vmem>>, vector<1x16xf32>,
      %swap3A_833 = vector.shape_cast %swap3A_832 : vector<1x16xf32> to vector<16xf32>
      %swap3A_834 = vector.shape_cast %add3A_829 : vector<16xf32> to vector<1x16xf32>
      tpu.vector_store %arg7[%swap3A_830, %swap3A_831], %swap3A_834 {strides = array<i32>} : memref<32x1024xf32, #tpu.memory_space<vmem>>, vector<1x16xf32>,
      %add3A_835 = arith.constant 160 : i32
      %add3A_836 = arith.addi %mul3A_230, %add3A_835 : i32
      %get3A_837 = arith.index_cast %add3A_714 : i32 to index
      %get3A_838 = arith.index_cast %add3A_836 : i32 to index
      %get3A_839 = tpu.vector_load %arg7[%get3A_837, %get3A_838] {strides = array<i32>} : memref<32x1024xf32, #tpu.memory_space<vmem>>, vector<1x16xf32>,
      %get3A_840 = vector.shape_cast %get3A_839 : vector<1x16xf32> to vector<16xf32>
      %add3A_841 = arith.addf %get3A_840, %get3A_295 : vector<16xf32>
      %swap3A_842 = arith.index_cast %add3A_714 : i32 to index
      %swap3A_843 = arith.index_cast %add3A_836 : i32 to index
      %swap3A_844 = tpu.vector_load %arg7[%swap3A_842, %swap3A_843] {strides = array<i32>} : memref<32x1024xf32, #tpu.memory_space<vmem>>, vector<1x16xf32>,
      %swap3A_845 = vector.shape_cast %swap3A_844 : vector<1x16xf32> to vector<16xf32>
      %swap3A_846 = vector.shape_cast %add3A_841 : vector<16xf32> to vector<1x16xf32>
      tpu.vector_store %arg7[%swap3A_842, %swap3A_843], %swap3A_846 {strides = array<i32>} : memref<32x1024xf32, #tpu.memory_space<vmem>>, vector<1x16xf32>,
      %add3A_847 = arith.constant 176 : i32
      %add3A_848 = arith.addi %mul3A_230, %add3A_847 : i32
      %get3A_849 = arith.index_cast %add3A_714 : i32 to index
      %get3A_850 = arith.index_cast %add3A_848 : i32 to index
      %get3A_851 = tpu.vector_load %arg7[%get3A_849, %get3A_850] {strides = array<i32>} : memref<32x1024xf32, #tpu.memory_space<vmem>>, vector<1x16xf32>,
      %get3A_852 = vector.shape_cast %get3A_851 : vector<1x16xf32> to vector<16xf32>
      %add3A_853 = arith.addf %get3A_852, %get3A_301 : vector<16xf32>
      %swap3A_854 = arith.index_cast %add3A_714 : i32 to index
      %swap3A_855 = arith.index_cast %add3A_848 : i32 to index
      %swap3A_856 = tpu.vector_load %arg7[%swap3A_854, %swap3A_855] {strides = array<i32>} : memref<32x1024xf32, #tpu.memory_space<vmem>>, vector<1x16xf32>,
      %swap3A_857 = vector.shape_cast %swap3A_856 : vector<1x16xf32> to vector<16xf32>
      %swap3A_858 = vector.shape_cast %add3A_853 : vector<16xf32> to vector<1x16xf32>
      tpu.vector_store %arg7[%swap3A_854, %swap3A_855], %swap3A_858 {strides = array<i32>} : memref<32x1024xf32, #tpu.memory_space<vmem>>, vector<1x16xf32>,
      %add3A_859 = arith.constant 192 : i32
      %add3A_860 = arith.addi %mul3A_230, %add3A_859 : i32
      %get3A_861 = arith.index_cast %add3A_714 : i32 to index
      %get3A_862 = arith.index_cast %add3A_860 : i32 to index
      %get3A_863 = tpu.vector_load %arg7[%get3A_861, %get3A_862] {strides = array<i32>} : memref<32x1024xf32, #tpu.memory_space<vmem>>, vector<1x16xf32>,
      %get3A_864 = vector.shape_cast %get3A_863 : vector<1x16xf32> to vector<16xf32>
      %add3A_865 = arith.addf %get3A_864, %get3A_307 : vector<16xf32>
      %swap3A_866 = arith.index_cast %add3A_714 : i32 to index
      %swap3A_867 = arith.index_cast %add3A_860 : i32 to index
      %swap3A_868 = tpu.vector_load %arg7[%swap3A_866, %swap3A_867] {strides = array<i32>} : memref<32x1024xf32, #tpu.memory_space<vmem>>, vector<1x16xf32>,
      %swap3A_869 = vector.shape_cast %swap3A_868 : vector<1x16xf32> to vector<16xf32>
      %swap3A_870 = vector.shape_cast %add3A_865 : vector<16xf32> to vector<1x16xf32>
      tpu.vector_store %arg7[%swap3A_866, %swap3A_867], %swap3A_870 {strides = array<i32>} : memref<32x1024xf32, #tpu.memory_space<vmem>>, vector<1x16xf32>,
      %add3A_871 = arith.constant 208 : i32
      %add3A_872 = arith.addi %mul3A_230, %add3A_871 : i32
      %get3A_873 = arith.index_cast %add3A_714 : i32 to index
      %get3A_874 = arith.index_cast %add3A_872 : i32 to index
      %get3A_875 = tpu.vector_load %arg7[%get3A_873, %get3A_874] {strides = array<i32>} : memref<32x1024xf32, #tpu.memory_space<vmem>>, vector<1x16xf32>,
      %get3A_876 = vector.shape_cast %get3A_875 : vector<1x16xf32> to vector<16xf32>
      %add3A_877 = arith.addf %get3A_876, %get3A_313 : vector<16xf32>
      %swap3A_878 = arith.index_cast %add3A_714 : i32 to index
      %swap3A_879 = arith.index_cast %add3A_872 : i32 to index
      %swap3A_880 = tpu.vector_load %arg7[%swap3A_878, %swap3A_879] {strides = array<i32>} : memref<32x1024xf32, #tpu.memory_space<vmem>>, vector<1x16xf32>,
      %swap3A_881 = vector.shape_cast %swap3A_880 : vector<1x16xf32> to vector<16xf32>
      %swap3A_882 = vector.shape_cast %add3A_877 : vector<16xf32> to vector<1x16xf32>
      tpu.vector_store %arg7[%swap3A_878, %swap3A_879], %swap3A_882 {strides = array<i32>} : memref<32x1024xf32, #tpu.memory_space<vmem>>, vector<1x16xf32>,
      %add3A_883 = arith.constant 224 : i32
      %add3A_884 = arith.addi %mul3A_230, %add3A_883 : i32
      %get3A_885 = arith.index_cast %add3A_714 : i32 to index
      %get3A_886 = arith.index_cast %add3A_884 : i32 to index
      %get3A_887 = tpu.vector_load %arg7[%get3A_885, %get3A_886] {strides = array<i32>} : memref<32x1024xf32, #tpu.memory_space<vmem>>, vector<1x16xf32>,
      %get3A_888 = vector.shape_cast %get3A_887 : vector<1x16xf32> to vector<16xf32>
      %add3A_889 = arith.addf %get3A_888, %get3A_319 : vector<16xf32>
      %swap3A_890 = arith.index_cast %add3A_714 : i32 to index
      %swap3A_891 = arith.index_cast %add3A_884 : i32 to index
      %swap3A_892 = tpu.vector_load %arg7[%swap3A_890, %swap3A_891] {strides = array<i32>} : memref<32x1024xf32, #tpu.memory_space<vmem>>, vector<1x16xf32>,
      %swap3A_893 = vector.shape_cast %swap3A_892 : vector<1x16xf32> to vector<16xf32>
      %swap3A_894 = vector.shape_cast %add3A_889 : vector<16xf32> to vector<1x16xf32>
      tpu.vector_store %arg7[%swap3A_890, %swap3A_891], %swap3A_894 {strides = array<i32>} : memref<32x1024xf32, #tpu.memory_space<vmem>>, vector<1x16xf32>,
      %add3A_895 = arith.constant 240 : i32
      %add3A_896 = arith.addi %mul3A_230, %add3A_895 : i32
      %get3A_897 = arith.index_cast %add3A_714 : i32 to index
      %get3A_898 = arith.index_cast %add3A_896 : i32 to index
      %get3A_899 = tpu.vector_load %arg7[%get3A_897, %get3A_898] {strides = array<i32>} : memref<32x1024xf32, #tpu.memory_space<vmem>>, vector<1x16xf32>,
      %get3A_900 = vector.shape_cast %get3A_899 : vector<1x16xf32> to vector<16xf32>
      %add3A_901 = arith.addf %get3A_900, %get3A_325 : vector<16xf32>
      %swap3A_902 = arith.index_cast %add3A_714 : i32 to index
      %swap3A_903 = arith.index_cast %add3A_896 : i32 to index
      %swap3A_904 = tpu.vector_load %arg7[%swap3A_902, %swap3A_903] {strides = array<i32>} : memref<32x1024xf32, #tpu.memory_space<vmem>>, vector<1x16xf32>,
      %swap3A_905 = vector.shape_cast %swap3A_904 : vector<1x16xf32> to vector<16xf32>
      %swap3A_906 = vector.shape_cast %add3A_901 : vector<16xf32> to vector<1x16xf32>
      tpu.vector_store %arg7[%swap3A_902, %swap3A_903], %swap3A_906 {strides = array<i32>} : memref<32x1024xf32, #tpu.memory_space<vmem>>, vector<1x16xf32>,
      %add3A_907 = arith.constant 24 : i32
      %add3A_908 = arith.addi %add3A_907, %select_n3A : i32
      %add3A_909 = arith.constant 0 : i32
      %add3A_910 = arith.addi %mul3A_230, %add3A_909 : i32
      %get3A_911 = arith.index_cast %add3A_908 : i32 to index
      %get3A_912 = arith.index_cast %add3A_910 : i32 to index
      %get3A_913 = tpu.vector_load %arg7[%get3A_911, %get3A_912] {strides = array<i32>} : memref<32x1024xf32, #tpu.memory_space<vmem>>, vector<1x16xf32>,
      %get3A_914 = vector.shape_cast %get3A_913 : vector<1x16xf32> to vector<16xf32>
      %add3A_915 = arith.addf %get3A_914, %get3A_235 : vector<16xf32>
      %swap3A_916 = arith.index_cast %add3A_908 : i32 to index
      %swap3A_917 = arith.index_cast %add3A_910 : i32 to index
      %swap3A_918 = tpu.vector_load %arg7[%swap3A_916, %swap3A_917] {strides = array<i32>} : memref<32x1024xf32, #tpu.memory_space<vmem>>, vector<1x16xf32>,
      %swap3A_919 = vector.shape_cast %swap3A_918 : vector<1x16xf32> to vector<16xf32>
      %swap3A_920 = vector.shape_cast %add3A_915 : vector<16xf32> to vector<1x16xf32>
      tpu.vector_store %arg7[%swap3A_916, %swap3A_917], %swap3A_920 {strides = array<i32>} : memref<32x1024xf32, #tpu.memory_space<vmem>>, vector<1x16xf32>,
      %add3A_921 = arith.constant 16 : i32
      %add3A_922 = arith.addi %mul3A_230, %add3A_921 : i32
      %get3A_923 = arith.index_cast %add3A_908 : i32 to index
      %get3A_924 = arith.index_cast %add3A_922 : i32 to index
      %get3A_925 = tpu.vector_load %arg7[%get3A_923, %get3A_924] {strides = array<i32>} : memref<32x1024xf32, #tpu.memory_space<vmem>>, vector<1x16xf32>,
      %get3A_926 = vector.shape_cast %get3A_925 : vector<1x16xf32> to vector<16xf32>
      %add3A_927 = arith.addf %get3A_926, %get3A_241 : vector<16xf32>
      %swap3A_928 = arith.index_cast %add3A_908 : i32 to index
      %swap3A_929 = arith.index_cast %add3A_922 : i32 to index
      %swap3A_930 = tpu.vector_load %arg7[%swap3A_928, %swap3A_929] {strides = array<i32>} : memref<32x1024xf32, #tpu.memory_space<vmem>>, vector<1x16xf32>,
      %swap3A_931 = vector.shape_cast %swap3A_930 : vector<1x16xf32> to vector<16xf32>
      %swap3A_932 = vector.shape_cast %add3A_927 : vector<16xf32> to vector<1x16xf32>
      tpu.vector_store %arg7[%swap3A_928, %swap3A_929], %swap3A_932 {strides = array<i32>} : memref<32x1024xf32, #tpu.memory_space<vmem>>, vector<1x16xf32>,
      %add3A_933 = arith.constant 32 : i32
      %add3A_934 = arith.addi %mul3A_230, %add3A_933 : i32
      %get3A_935 = arith.index_cast %add3A_908 : i32 to index
      %get3A_936 = arith.index_cast %add3A_934 : i32 to index
      %get3A_937 = tpu.vector_load %arg7[%get3A_935, %get3A_936] {strides = array<i32>} : memref<32x1024xf32, #tpu.memory_space<vmem>>, vector<1x16xf32>,
      %get3A_938 = vector.shape_cast %get3A_937 : vector<1x16xf32> to vector<16xf32>
      %add3A_939 = arith.addf %get3A_938, %get3A_247 : vector<16xf32>
      %swap3A_940 = arith.index_cast %add3A_908 : i32 to index
      %swap3A_941 = arith.index_cast %add3A_934 : i32 to index
      %swap3A_942 = tpu.vector_load %arg7[%swap3A_940, %swap3A_941] {strides = array<i32>} : memref<32x1024xf32, #tpu.memory_space<vmem>>, vector<1x16xf32>,
      %swap3A_943 = vector.shape_cast %swap3A_942 : vector<1x16xf32> to vector<16xf32>
      %swap3A_944 = vector.shape_cast %add3A_939 : vector<16xf32> to vector<1x16xf32>
      tpu.vector_store %arg7[%swap3A_940, %swap3A_941], %swap3A_944 {strides = array<i32>} : memref<32x1024xf32, #tpu.memory_space<vmem>>, vector<1x16xf32>,
      %add3A_945 = arith.constant 48 : i32
      %add3A_946 = arith.addi %mul3A_230, %add3A_945 : i32
      %get3A_947 = arith.index_cast %add3A_908 : i32 to index
      %get3A_948 = arith.index_cast %add3A_946 : i32 to index
      %get3A_949 = tpu.vector_load %arg7[%get3A_947, %get3A_948] {strides = array<i32>} : memref<32x1024xf32, #tpu.memory_space<vmem>>, vector<1x16xf32>,
      %get3A_950 = vector.shape_cast %get3A_949 : vector<1x16xf32> to vector<16xf32>
      %add3A_951 = arith.addf %get3A_950, %get3A_253 : vector<16xf32>
      %swap3A_952 = arith.index_cast %add3A_908 : i32 to index
      %swap3A_953 = arith.index_cast %add3A_946 : i32 to index
      %swap3A_954 = tpu.vector_load %arg7[%swap3A_952, %swap3A_953] {strides = array<i32>} : memref<32x1024xf32, #tpu.memory_space<vmem>>, vector<1x16xf32>,
      %swap3A_955 = vector.shape_cast %swap3A_954 : vector<1x16xf32> to vector<16xf32>
      %swap3A_956 = vector.shape_cast %add3A_951 : vector<16xf32> to vector<1x16xf32>
      tpu.vector_store %arg7[%swap3A_952, %swap3A_953], %swap3A_956 {strides = array<i32>} : memref<32x1024xf32, #tpu.memory_space<vmem>>, vector<1x16xf32>,
      %add3A_957 = arith.constant 64 : i32
      %add3A_958 = arith.addi %mul3A_230, %add3A_957 : i32
      %get3A_959 = arith.index_cast %add3A_908 : i32 to index
      %get3A_960 = arith.index_cast %add3A_958 : i32 to index
      %get3A_961 = tpu.vector_load %arg7[%get3A_959, %get3A_960] {strides = array<i32>} : memref<32x1024xf32, #tpu.memory_space<vmem>>, vector<1x16xf32>,
      %get3A_962 = vector.shape_cast %get3A_961 : vector<1x16xf32> to vector<16xf32>
      %add3A_963 = arith.addf %get3A_962, %get3A_259 : vector<16xf32>
      %swap3A_964 = arith.index_cast %add3A_908 : i32 to index
      %swap3A_965 = arith.index_cast %add3A_958 : i32 to index
      %swap3A_966 = tpu.vector_load %arg7[%swap3A_964, %swap3A_965] {strides = array<i32>} : memref<32x1024xf32, #tpu.memory_space<vmem>>, vector<1x16xf32>,
      %swap3A_967 = vector.shape_cast %swap3A_966 : vector<1x16xf32> to vector<16xf32>
      %swap3A_968 = vector.shape_cast %add3A_963 : vector<16xf32> to vector<1x16xf32>
      tpu.vector_store %arg7[%swap3A_964, %swap3A_965], %swap3A_968 {strides = array<i32>} : memref<32x1024xf32, #tpu.memory_space<vmem>>, vector<1x16xf32>,
      %add3A_969 = arith.constant 80 : i32
      %add3A_970 = arith.addi %mul3A_230, %add3A_969 : i32
      %get3A_971 = arith.index_cast %add3A_908 : i32 to index
      %get3A_972 = arith.index_cast %add3A_970 : i32 to index
      %get3A_973 = tpu.vector_load %arg7[%get3A_971, %get3A_972] {strides = array<i32>} : memref<32x1024xf32, #tpu.memory_space<vmem>>, vector<1x16xf32>,
      %get3A_974 = vector.shape_cast %get3A_973 : vector<1x16xf32> to vector<16xf32>
      %add3A_975 = arith.addf %get3A_974, %get3A_265 : vector<16xf32>
      %swap3A_976 = arith.index_cast %add3A_908 : i32 to index
      %swap3A_977 = arith.index_cast %add3A_970 : i32 to index
      %swap3A_978 = tpu.vector_load %arg7[%swap3A_976, %swap3A_977] {strides = array<i32>} : memref<32x1024xf32, #tpu.memory_space<vmem>>, vector<1x16xf32>,
      %swap3A_979 = vector.shape_cast %swap3A_978 : vector<1x16xf32> to vector<16xf32>
      %swap3A_980 = vector.shape_cast %add3A_975 : vector<16xf32> to vector<1x16xf32>
      tpu.vector_store %arg7[%swap3A_976, %swap3A_977], %swap3A_980 {strides = array<i32>} : memref<32x1024xf32, #tpu.memory_space<vmem>>, vector<1x16xf32>,
      %add3A_981 = arith.constant 96 : i32
      %add3A_982 = arith.addi %mul3A_230, %add3A_981 : i32
      %get3A_983 = arith.index_cast %add3A_908 : i32 to index
      %get3A_984 = arith.index_cast %add3A_982 : i32 to index
      %get3A_985 = tpu.vector_load %arg7[%get3A_983, %get3A_984] {strides = array<i32>} : memref<32x1024xf32, #tpu.memory_space<vmem>>, vector<1x16xf32>,
      %get3A_986 = vector.shape_cast %get3A_985 : vector<1x16xf32> to vector<16xf32>
      %add3A_987 = arith.addf %get3A_986, %get3A_271 : vector<16xf32>
      %swap3A_988 = arith.index_cast %add3A_908 : i32 to index
      %swap3A_989 = arith.index_cast %add3A_982 : i32 to index
      %swap3A_990 = tpu.vector_load %arg7[%swap3A_988, %swap3A_989] {strides = array<i32>} : memref<32x1024xf32, #tpu.memory_space<vmem>>, vector<1x16xf32>,
      %swap3A_991 = vector.shape_cast %swap3A_990 : vector<1x16xf32> to vector<16xf32>
      %swap3A_992 = vector.shape_cast %add3A_987 : vector<16xf32> to vector<1x16xf32>
      tpu.vector_store %arg7[%swap3A_988, %swap3A_989], %swap3A_992 {strides = array<i32>} : memref<32x1024xf32, #tpu.memory_space<vmem>>, vector<1x16xf32>,
      %add3A_993 = arith.constant 112 : i32
      %add3A_994 = arith.addi %mul3A_230, %add3A_993 : i32
      %get3A_995 = arith.index_cast %add3A_908 : i32 to index
      %get3A_996 = arith.index_cast %add3A_994 : i32 to index
      %get3A_997 = tpu.vector_load %arg7[%get3A_995, %get3A_996] {strides = array<i32>} : memref<32x1024xf32, #tpu.memory_space<vmem>>, vector<1x16xf32>,
      %get3A_998 = vector.shape_cast %get3A_997 : vector<1x16xf32> to vector<16xf32>
      %add3A_999 = arith.addf %get3A_998, %get3A_277 : vector<16xf32>
      %swap3A_1000 = arith.index_cast %add3A_908 : i32 to index
      %swap3A_1001 = arith.index_cast %add3A_994 : i32 to index
      %swap3A_1002 = tpu.vector_load %arg7[%swap3A_1000, %swap3A_1001] {strides = array<i32>} : memref<32x1024xf32, #tpu.memory_space<vmem>>, vector<1x16xf32>,
      %swap3A_1003 = vector.shape_cast %swap3A_1002 : vector<1x16xf32> to vector<16xf32>
      %swap3A_1004 = vector.shape_cast %add3A_999 : vector<16xf32> to vector<1x16xf32>
      tpu.vector_store %arg7[%swap3A_1000, %swap3A_1001], %swap3A_1004 {strides = array<i32>} : memref<32x1024xf32, #tpu.memory_space<vmem>>, vector<1x16xf32>,
      %add3A_1005 = arith.constant 128 : i32
      %add3A_1006 = arith.addi %mul3A_230, %add3A_1005 : i32
      %get3A_1007 = arith.index_cast %add3A_908 : i32 to index
      %get3A_1008 = arith.index_cast %add3A_1006 : i32 to index
      %get3A_1009 = tpu.vector_load %arg7[%get3A_1007, %get3A_1008] {strides = array<i32>} : memref<32x1024xf32, #tpu.memory_space<vmem>>, vector<1x16xf32>,
      %get3A_1010 = vector.shape_cast %get3A_1009 : vector<1x16xf32> to vector<16xf32>
      %add3A_1011 = arith.addf %get3A_1010, %get3A_283 : vector<16xf32>
      %swap3A_1012 = arith.index_cast %add3A_908 : i32 to index
      %swap3A_1013 = arith.index_cast %add3A_1006 : i32 to index
      %swap3A_1014 = tpu.vector_load %arg7[%swap3A_1012, %swap3A_1013] {strides = array<i32>} : memref<32x1024xf32, #tpu.memory_space<vmem>>, vector<1x16xf32>,
      %swap3A_1015 = vector.shape_cast %swap3A_1014 : vector<1x16xf32> to vector<16xf32>
      %swap3A_1016 = vector.shape_cast %add3A_1011 : vector<16xf32> to vector<1x16xf32>
      tpu.vector_store %arg7[%swap3A_1012, %swap3A_1013], %swap3A_1016 {strides = array<i32>} : memref<32x1024xf32, #tpu.memory_space<vmem>>, vector<1x16xf32>,
      %add3A_1017 = arith.constant 144 : i32
      %add3A_1018 = arith.addi %mul3A_230, %add3A_1017 : i32
      %get3A_1019 = arith.index_cast %add3A_908 : i32 to index
      %get3A_1020 = arith.index_cast %add3A_1018 : i32 to index
      %get3A_1021 = tpu.vector_load %arg7[%get3A_1019, %get3A_1020] {strides = array<i32>} : memref<32x1024xf32, #tpu.memory_space<vmem>>, vector<1x16xf32>,
      %get3A_1022 = vector.shape_cast %get3A_1021 : vector<1x16xf32> to vector<16xf32>
      %add3A_1023 = arith.addf %get3A_1022, %get3A_289 : vector<16xf32>
      %swap3A_1024 = arith.index_cast %add3A_908 : i32 to index
      %swap3A_1025 = arith.index_cast %add3A_1018 : i32 to index
      %swap3A_1026 = tpu.vector_load %arg7[%swap3A_1024, %swap3A_1025] {strides = array<i32>} : memref<32x1024xf32, #tpu.memory_space<vmem>>, vector<1x16xf32>,
      %swap3A_1027 = vector.shape_cast %swap3A_1026 : vector<1x16xf32> to vector<16xf32>
      %swap3A_1028 = vector.shape_cast %add3A_1023 : vector<16xf32> to vector<1x16xf32>
      tpu.vector_store %arg7[%swap3A_1024, %swap3A_1025], %swap3A_1028 {strides = array<i32>} : memref<32x1024xf32, #tpu.memory_space<vmem>>, vector<1x16xf32>,
      %add3A_1029 = arith.constant 160 : i32
      %add3A_1030 = arith.addi %mul3A_230, %add3A_1029 : i32
      %get3A_1031 = arith.index_cast %add3A_908 : i32 to index
      %get3A_1032 = arith.index_cast %add3A_1030 : i32 to index
      %get3A_1033 = tpu.vector_load %arg7[%get3A_1031, %get3A_1032] {strides = array<i32>} : memref<32x1024xf32, #tpu.memory_space<vmem>>, vector<1x16xf32>,
      %get3A_1034 = vector.shape_cast %get3A_1033 : vector<1x16xf32> to vector<16xf32>
      %add3A_1035 = arith.addf %get3A_1034, %get3A_295 : vector<16xf32>
      %swap3A_1036 = arith.index_cast %add3A_908 : i32 to index
      %swap3A_1037 = arith.index_cast %add3A_1030 : i32 to index
      %swap3A_1038 = tpu.vector_load %arg7[%swap3A_1036, %swap3A_1037] {strides = array<i32>} : memref<32x1024xf32, #tpu.memory_space<vmem>>, vector<1x16xf32>,
      %swap3A_1039 = vector.shape_cast %swap3A_1038 : vector<1x16xf32> to vector<16xf32>
      %swap3A_1040 = vector.shape_cast %add3A_1035 : vector<16xf32> to vector<1x16xf32>
      tpu.vector_store %arg7[%swap3A_1036, %swap3A_1037], %swap3A_1040 {strides = array<i32>} : memref<32x1024xf32, #tpu.memory_space<vmem>>, vector<1x16xf32>,
      %add3A_1041 = arith.constant 176 : i32
      %add3A_1042 = arith.addi %mul3A_230, %add3A_1041 : i32
      %get3A_1043 = arith.index_cast %add3A_908 : i32 to index
      %get3A_1044 = arith.index_cast %add3A_1042 : i32 to index
      %get3A_1045 = tpu.vector_load %arg7[%get3A_1043, %get3A_1044] {strides = array<i32>} : memref<32x1024xf32, #tpu.memory_space<vmem>>, vector<1x16xf32>,
      %get3A_1046 = vector.shape_cast %get3A_1045 : vector<1x16xf32> to vector<16xf32>
      %add3A_1047 = arith.addf %get3A_1046, %get3A_301 : vector<16xf32>
      %swap3A_1048 = arith.index_cast %add3A_908 : i32 to index
      %swap3A_1049 = arith.index_cast %add3A_1042 : i32 to index
      %swap3A_1050 = tpu.vector_load %arg7[%swap3A_1048, %swap3A_1049] {strides = array<i32>} : memref<32x1024xf32, #tpu.memory_space<vmem>>, vector<1x16xf32>,
      %swap3A_1051 = vector.shape_cast %swap3A_1050 : vector<1x16xf32> to vector<16xf32>
      %swap3A_1052 = vector.shape_cast %add3A_1047 : vector<16xf32> to vector<1x16xf32>
      tpu.vector_store %arg7[%swap3A_1048, %swap3A_1049], %swap3A_1052 {strides = array<i32>} : memref<32x1024xf32, #tpu.memory_space<vmem>>, vector<1x16xf32>,
      %add3A_1053 = arith.constant 192 : i32
      %add3A_1054 = arith.addi %mul3A_230, %add3A_1053 : i32
      %get3A_1055 = arith.index_cast %add3A_908 : i32 to index
      %get3A_1056 = arith.index_cast %add3A_1054 : i32 to index
      %get3A_1057 = tpu.vector_load %arg7[%get3A_1055, %get3A_1056] {strides = array<i32>} : memref<32x1024xf32, #tpu.memory_space<vmem>>, vector<1x16xf32>,
      %get3A_1058 = vector.shape_cast %get3A_1057 : vector<1x16xf32> to vector<16xf32>
      %add3A_1059 = arith.addf %get3A_1058, %get3A_307 : vector<16xf32>
      %swap3A_1060 = arith.index_cast %add3A_908 : i32 to index
      %swap3A_1061 = arith.index_cast %add3A_1054 : i32 to index
      %swap3A_1062 = tpu.vector_load %arg7[%swap3A_1060, %swap3A_1061] {strides = array<i32>} : memref<32x1024xf32, #tpu.memory_space<vmem>>, vector<1x16xf32>,
      %swap3A_1063 = vector.shape_cast %swap3A_1062 : vector<1x16xf32> to vector<16xf32>
      %swap3A_1064 = vector.shape_cast %add3A_1059 : vector<16xf32> to vector<1x16xf32>
      tpu.vector_store %arg7[%swap3A_1060, %swap3A_1061], %swap3A_1064 {strides = array<i32>} : memref<32x1024xf32, #tpu.memory_space<vmem>>, vector<1x16xf32>,
      %add3A_1065 = arith.constant 208 : i32
      %add3A_1066 = arith.addi %mul3A_230, %add3A_1065 : i32
      %get3A_1067 = arith.index_cast %add3A_908 : i32 to index
      %get3A_1068 = arith.index_cast %add3A_1066 : i32 to index
      %get3A_1069 = tpu.vector_load %arg7[%get3A_1067, %get3A_1068] {strides = array<i32>} : memref<32x1024xf32, #tpu.memory_space<vmem>>, vector<1x16xf32>,
      %get3A_1070 = vector.shape_cast %get3A_1069 : vector<1x16xf32> to vector<16xf32>
      %add3A_1071 = arith.addf %get3A_1070, %get3A_313 : vector<16xf32>
      %swap3A_1072 = arith.index_cast %add3A_908 : i32 to index
      %swap3A_1073 = arith.index_cast %add3A_1066 : i32 to index
      %swap3A_1074 = tpu.vector_load %arg7[%swap3A_1072, %swap3A_1073] {strides = array<i32>} : memref<32x1024xf32, #tpu.memory_space<vmem>>, vector<1x16xf32>,
      %swap3A_1075 = vector.shape_cast %swap3A_1074 : vector<1x16xf32> to vector<16xf32>
      %swap3A_1076 = vector.shape_cast %add3A_1071 : vector<16xf32> to vector<1x16xf32>
      tpu.vector_store %arg7[%swap3A_1072, %swap3A_1073], %swap3A_1076 {strides = array<i32>} : memref<32x1024xf32, #tpu.memory_space<vmem>>, vector<1x16xf32>,
      %add3A_1077 = arith.constant 224 : i32
      %add3A_1078 = arith.addi %mul3A_230, %add3A_1077 : i32
      %get3A_1079 = arith.index_cast %add3A_908 : i32 to index
      %get3A_1080 = arith.index_cast %add3A_1078 : i32 to index
      %get3A_1081 = tpu.vector_load %arg7[%get3A_1079, %get3A_1080] {strides = array<i32>} : memref<32x1024xf32, #tpu.memory_space<vmem>>, vector<1x16xf32>,
      %get3A_1082 = vector.shape_cast %get3A_1081 : vector<1x16xf32> to vector<16xf32>
      %add3A_1083 = arith.addf %get3A_1082, %get3A_319 : vector<16xf32>
      %swap3A_1084 = arith.index_cast %add3A_908 : i32 to index
      %swap3A_1085 = arith.index_cast %add3A_1078 : i32 to index
      %swap3A_1086 = tpu.vector_load %arg7[%swap3A_1084, %swap3A_1085] {strides = array<i32>} : memref<32x1024xf32, #tpu.memory_space<vmem>>, vector<1x16xf32>,
      %swap3A_1087 = vector.shape_cast %swap3A_1086 : vector<1x16xf32> to vector<16xf32>
      %swap3A_1088 = vector.shape_cast %add3A_1083 : vector<16xf32> to vector<1x16xf32>
      tpu.vector_store %arg7[%swap3A_1084, %swap3A_1085], %swap3A_1088 {strides = array<i32>} : memref<32x1024xf32, #tpu.memory_space<vmem>>, vector<1x16xf32>,
      %add3A_1089 = arith.constant 240 : i32
      %add3A_1090 = arith.addi %mul3A_230, %add3A_1089 : i32
      %get3A_1091 = arith.index_cast %add3A_908 : i32 to index
      %get3A_1092 = arith.index_cast %add3A_1090 : i32 to index
      %get3A_1093 = tpu.vector_load %arg7[%get3A_1091, %get3A_1092] {strides = array<i32>} : memref<32x1024xf32, #tpu.memory_space<vmem>>, vector<1x16xf32>,
      %get3A_1094 = vector.shape_cast %get3A_1093 : vector<1x16xf32> to vector<16xf32>
      %add3A_1095 = arith.addf %get3A_1094, %get3A_325 : vector<16xf32>
      %swap3A_1096 = arith.index_cast %add3A_908 : i32 to index
      %swap3A_1097 = arith.index_cast %add3A_1090 : i32 to index
      %swap3A_1098 = tpu.vector_load %arg7[%swap3A_1096, %swap3A_1097] {strides = array<i32>} : memref<32x1024xf32, #tpu.memory_space<vmem>>, vector<1x16xf32>,
      %swap3A_1099 = vector.shape_cast %swap3A_1098 : vector<1x16xf32> to vector<16xf32>
      %swap3A_1100 = vector.shape_cast %add3A_1095 : vector<16xf32> to vector<1x16xf32>
      tpu.vector_store %arg7[%swap3A_1096, %swap3A_1097], %swap3A_1100 {strides = array<i32>} : memref<32x1024xf32, #tpu.memory_space<vmem>>, vector<1x16xf32>,
    }
    %scan3A_129 = arith.constant 32 : i32
    %add3A_130 = arith.constant 0 : i32
    %add3A_131 = arith.addi %add3A_130, %mul3A_2 : i32
    %add3A_132 = arith.constant 120 : i32
    %add3A_133 = arith.addi %add3A_131, %add3A_132 : i32
    %dma_start3A_134 = arith.constant 0 : i32
    %dma_start3A_135 = arith.constant 0 : i32
    %dma_start3A_136 = tpu.memref_slice %arg7[%dma_start3A_134, %dma_start3A_135] : memref<32x1024xf32, #tpu.memory_space<vmem>> -> memref<8x1024xf32, #tpu.memory_space<vmem>>
    %dma_start3A_137 = arith.constant 0 : i32
    %dma_start3A_138 = tpu.memref_slice %arg5[%add3A_133, %dma_start3A_137] : memref<16384x1024xf32, #tpu.memory_space<hbm>> -> memref<8x1024xf32, #tpu.memory_space<hbm>>
    %dma_start3A_139 = arith.constant 0 : i32
    %dma_start3A_140 = tpu.memref_slice %arg5[%add3A_133, %dma_start3A_139] : memref<16384x1024xf32, #tpu.memory_space<hbm>> -> memref<8x1024xf32, #tpu.memory_space<hbm>>
    %dma_start3A_141 = arith.constant 0 : i32
    %dma_start3A_142 = arith.constant 0 : i32
    %dma_start3A_143 = tpu.memref_slice %arg7[%dma_start3A_141, %dma_start3A_142] : memref<32x1024xf32, #tpu.memory_space<vmem>> -> memref<8x1024xf32, #tpu.memory_space<vmem>>
    tpu.enqueue_dma source(%dma_start3A_143 : memref<8x1024xf32, #tpu.memory_space<vmem>>) target(%dma_start3A_140 : memref<8x1024xf32, #tpu.memory_space<hbm>>) target_semaphore(%arg19 : memref<!tpu.dma_semaphore, #tpu.memory_space<semaphore_mem>>)
    %add3A_144 = arith.constant 4096 : i32
    %add3A_145 = arith.addi %add3A_144, %mul3A_2 : i32
    %add3A_146 = arith.constant 120 : i32
    %add3A_147 = arith.addi %add3A_145, %add3A_146 : i32
    %dma_start3A_148 = arith.constant 8 : i32
    %dma_start3A_149 = arith.constant 0 : i32
    %dma_start3A_150 = tpu.memref_slice %arg7[%dma_start3A_148, %dma_start3A_149] : memref<32x1024xf32, #tpu.memory_space<vmem>> -> memref<8x1024xf32, #tpu.memory_space<vmem>>
    %dma_start3A_151 = arith.constant 0 : i32
    %dma_start3A_152 = tpu.memref_slice %arg5[%add3A_147, %dma_start3A_151] : memref<16384x1024xf32, #tpu.memory_space<hbm>> -> memref<8x1024xf32, #tpu.memory_space<hbm>>
    %dma_start3A_153 = arith.constant 0 : i32
    %dma_start3A_154 = tpu.memref_slice %arg5[%add3A_147, %dma_start3A_153] : memref<16384x1024xf32, #tpu.memory_space<hbm>> -> memref<8x1024xf32, #tpu.memory_space<hbm>>
    %dma_start3A_155 = arith.constant 8 : i32
    %dma_start3A_156 = arith.constant 0 : i32
    %dma_start3A_157 = tpu.memref_slice %arg7[%dma_start3A_155, %dma_start3A_156] : memref<32x1024xf32, #tpu.memory_space<vmem>> -> memref<8x1024xf32, #tpu.memory_space<vmem>>
    tpu.enqueue_dma source(%dma_start3A_157 : memref<8x1024xf32, #tpu.memory_space<vmem>>) target(%dma_start3A_154 : memref<8x1024xf32, #tpu.memory_space<hbm>>) target_semaphore(%arg19 : memref<!tpu.dma_semaphore, #tpu.memory_space<semaphore_mem>>)
    %add3A_158 = arith.constant 8192 : i32
    %add3A_159 = arith.addi %add3A_158, %mul3A_2 : i32
    %add3A_160 = arith.constant 120 : i32
    %add3A_161 = arith.addi %add3A_159, %add3A_160 : i32
    %dma_start3A_162 = arith.constant 16 : i32
    %dma_start3A_163 = arith.constant 0 : i32
    %dma_start3A_164 = tpu.memref_slice %arg7[%dma_start3A_162, %dma_start3A_163] : memref<32x1024xf32, #tpu.memory_space<vmem>> -> memref<8x1024xf32, #tpu.memory_space<vmem>>
    %dma_start3A_165 = arith.constant 0 : i32
    %dma_start3A_166 = tpu.memref_slice %arg5[%add3A_161, %dma_start3A_165] : memref<16384x1024xf32, #tpu.memory_space<hbm>> -> memref<8x1024xf32, #tpu.memory_space<hbm>>
    %dma_start3A_167 = arith.constant 0 : i32
    %dma_start3A_168 = tpu.memref_slice %arg5[%add3A_161, %dma_start3A_167] : memref<16384x1024xf32, #tpu.memory_space<hbm>> -> memref<8x1024xf32, #tpu.memory_space<hbm>>
    %dma_start3A_169 = arith.constant 16 : i32
    %dma_start3A_170 = arith.constant 0 : i32
    %dma_start3A_171 = tpu.memref_slice %arg7[%dma_start3A_169, %dma_start3A_170] : memref<32x1024xf32, #tpu.memory_space<vmem>> -> memref<8x1024xf32, #tpu.memory_space<vmem>>
    tpu.enqueue_dma source(%dma_start3A_171 : memref<8x1024xf32, #tpu.memory_space<vmem>>) target(%dma_start3A_168 : memref<8x1024xf32, #tpu.memory_space<hbm>>) target_semaphore(%arg19 : memref<!tpu.dma_semaphore, #tpu.memory_space<semaphore_mem>>)
    %add3A_172 = arith.constant 12288 : i32
    %add3A_173 = arith.addi %add3A_172, %mul3A_2 : i32
    %add3A_174 = arith.constant 120 : i32
    %add3A_175 = arith.addi %add3A_173, %add3A_174 : i32
    %dma_start3A_176 = arith.constant 24 : i32
    %dma_start3A_177 = arith.constant 0 : i32
    %dma_start3A_178 = tpu.memref_slice %arg7[%dma_start3A_176, %dma_start3A_177] : memref<32x1024xf32, #tpu.memory_space<vmem>> -> memref<8x1024xf32, #tpu.memory_space<vmem>>
    %dma_start3A_179 = arith.constant 0 : i32
    %dma_start3A_180 = tpu.memref_slice %arg5[%add3A_175, %dma_start3A_179] : memref<16384x1024xf32, #tpu.memory_space<hbm>> -> memref<8x1024xf32, #tpu.memory_space<hbm>>
    %dma_start3A_181 = arith.constant 0 : i32
    %dma_start3A_182 = tpu.memref_slice %arg5[%add3A_175, %dma_start3A_181] : memref<16384x1024xf32, #tpu.memory_space<hbm>> -> memref<8x1024xf32, #tpu.memory_space<hbm>>
    %dma_start3A_183 = arith.constant 24 : i32
    %dma_start3A_184 = arith.constant 0 : i32
    %dma_start3A_185 = tpu.memref_slice %arg7[%dma_start3A_183, %dma_start3A_184] : memref<32x1024xf32, #tpu.memory_space<vmem>> -> memref<8x1024xf32, #tpu.memory_space<vmem>>
    tpu.enqueue_dma source(%dma_start3A_185 : memref<8x1024xf32, #tpu.memory_space<vmem>>) target(%dma_start3A_182 : memref<8x1024xf32, #tpu.memory_space<hbm>>) target_semaphore(%arg19 : memref<!tpu.dma_semaphore, #tpu.memory_space<semaphore_mem>>)
    %dma_wait3A_186 = arith.constant 0 : i32
    %dma_wait3A_187 = arith.constant 0 : i32
    %dma_wait3A_188 = tpu.memref_slice %arg3[%dma_wait3A_186, %dma_wait3A_187] : memref<100000x1024xf32, #tpu.memory_space<hbm>> -> memref<32x1024xf32, #tpu.memory_space<hbm>>
    %dma_wait3A_189 = arith.constant 0 : i32
    %dma_wait3A_190 = arith.constant 0 : i32
    %dma_wait3A_191 = tpu.memref_slice %arg3[%dma_wait3A_189, %dma_wait3A_190] : memref<100000x1024xf32, #tpu.memory_space<hbm>> -> memref<32x1024xf32, #tpu.memory_space<hbm>>
    tpu.wait_dma2 semaphore(%arg21 : memref<!tpu.dma_semaphore, #tpu.memory_space<semaphore_mem>>) src(%dma_wait3A_191 : memref<32x1024xf32, #tpu.memory_space<hbm>>) dst(%arg9 : memref<32x1024xf32, #tpu.memory_space<vmem>>)
    %dma_wait3A_192 = arith.constant 0 : i32
    %dma_wait3A_193 = arith.constant 0 : i32
    %dma_wait3A_194 = tpu.memref_slice %arg3[%dma_wait3A_192, %dma_wait3A_193] : memref<100000x1024xf32, #tpu.memory_space<hbm>> -> memref<32x1024xf32, #tpu.memory_space<hbm>>
    %dma_wait3A_195 = arith.constant 0 : i32
    %dma_wait3A_196 = arith.constant 0 : i32
    %dma_wait3A_197 = tpu.memref_slice %arg3[%dma_wait3A_195, %dma_wait3A_196] : memref<100000x1024xf32, #tpu.memory_space<hbm>> -> memref<32x1024xf32, #tpu.memory_space<hbm>>
    tpu.wait_dma2 semaphore(%arg19 : memref<!tpu.dma_semaphore, #tpu.memory_space<semaphore_mem>>) src(%dma_wait3A_197 : memref<32x1024xf32, #tpu.memory_space<hbm>>) dst(%arg7 : memref<32x1024xf32, #tpu.memory_space<vmem>>)
    return
  }
}

</mosaic_0001>

<sc_bundles>
// kernel: kernel.3.cloned.1.call-start
scs
__scs_entry_jumppad:
0x0: {  	(pc) =	sbr.rel $0x88, $3  }
0x1: {  	(tag) =	ssettag $0x0;
	lr =	simm.s32 $0x1  }
0x2: {  	[smem:$0x3F9F] =	sst lr;
	_ =	strace $0xD0000000  }
0x3: {  	_ = 	snop  }
0x4: {  	_ = 	snop  }
0x5: {  	_ = 	snop  }
0x6: {  	_ = 	snop  }
0x7: {  	_ = 	snop  }
__scs_overlays_trampoline_lowered:
0x8: {  	[smem:$0x3FAE] =	sst s0  }
0x9: {  	[smem:$0x3FAF] =	sst s1  }
0xa: {  	[smem:$0x3FB0] =	sst s2  }
0xb: {  	[smem:$0x3FB1] =	sst s3  }
0xc: {  	[smem:$0x3FB2] =	sst s4  }
0xd: {  	[smem:$0x3FB3] =	sst s5  }
0xe: {  	[smem:$0x3FB4] =	sst s6  }
0xf: {  	[smem:$0x3FB5] =	sst s7  }
0x10: {  	[smem:$0x3FB6] =	sst s8  }
0x11: {  	[smem:$0x3FB7] =	sst s9;
	s0 =	simm.s32 @!p0 $0x0  }
0x12: {  	s1 =	sld [smem:$0x3F9D];
	s0 =	simm.s32 @p0 $0x1  }
0x13: {  	[smem:$0x3FB8] =	sst s0;
	s0 =	simm.s32 @!p1 $0x0  }
0x14: {  	s2 =	sld [smem:$0x3F9C];
	s0 =	simm.s32 @p1 $0x1  }
0x15: {  	[smem:$0x3FB9] =	sst s0;
	s0 =	simm.s32 @!p2 $0x0  }
0x16: {  	s3 =	sld [smem:$0x3FDB];
	s0 =	simm.s32 @p2 $0x1  }
0x17: {  	s4 =	simm.s32 $0x1BF5;
	[smem:$0x3FBB] =	sst s0  }
0x18: {  	s0 =	sld [smem:$0x3F9E];
	_ =	swait.ge [sflag:s4], $0x0  }
0x19: {  	s7 =	sld [smem:$0x3F9F]  }
0x1a: {  	s8 =	sadd.s32 $0xFFFFE003, lr  }
0x1b: {  	s9 =	sadd.s32 $0xFFFFFEF7, lr;
	s5 =	simm.s32 $0xFFFFFFFF;
	p2 =	slt.u32 s8, $0xFFFFF086  }
0x1c: {  	p1 =	slt.u32 s9, $0xF7A;
	s5 =	simm.s32 @!p2 $0x0  }
0x1d: {  	s5 =	simm.s32 @p1 $0x1;
	p0 =	seq.s32 s7, s2  }
0x1e: {  	s7 =	smul.u32 @!p0 $0xF7A, s2;
	p2 =	seq.s32 @!p0 s5, $0x0  }
0x1f: {  	s9 =	smul.u32 $0xF7A, s1;
	s8 =	simm.s32 @!p0 $0x1BF5;
	p2 =	por !p2, p0  }
0x20: {  	[sflag:s8] =	ssyncset.s32 @!p0 $0xFFFFF086;
	s6 =	sadd.s32 @!p0 s3, s7;
	s7 =	simm.s32 @!p0 $0x108  }
0x21: {  	s3 =	sadd.s32 s3, s9;
	s6 =	sadd.s32 @!p0 $0x88, s6;
	s7 =	simm.s32 @p2 $0x1082  }
0x22: {  	[simem:s7], [sflag:s8] =	dma.local @!p0 [hbm:s6], $0xF7A  }
0x23: {  	s9 =	sor.u32 $0xD0000000, s2;
	s6 =	simm.s32 $0x108;
	_ =	swait.ge @!p0 [sflag:s8], $0x0  }
0x24: {  	s3 =	sadd.s32 $0x88, s3;
	s6 =	simm.s32 @!p1 $0x1082;
	[sflag:s4] =	ssyncset.s32 $0xFFFFF086  }
0x25: {  	[simem:s6], [sflag:s4] =	dma.local [hbm:s3], $0xF7A  }
0x26: {  	[smem:$0x3F9F] =	sst s1;
	(tag) =	ssettag s2;
	_ =	strace s9  }
0x27: {  	s1 =	sld [smem:$0x3FAF]  }
0x28: {  	s2 =	sld [smem:$0x3FB0]  }
0x29: {  	s4 =	sld [smem:$0x3FB2]  }
0x2a: {  	p0 =	seq.s32 s5, $0x0;
	s5 =	sld [smem:$0x3FB3]  }
0x2b: {  	s6 =	sld [smem:$0x3FB4]  }
0x2c: {  	s7 =	sld [smem:$0x3FB5]  }
0x2d: {  	s3 =	simm.s32 $0x108;
	s8 =	sld [smem:$0x3FB6]  }
0x2e: {  	s3 =	simm.s32 @!p0 $0x1082;
	s9 =	sld [smem:$0x3FB7]  }
0x2f: {  	lr =	sadd.s32 s0, s3;
	s0 =	sld [smem:$0x3FAE]  }
0x30: {  	s3 =	sld [smem:$0x3FB1]  }
0x31: {  	[smem:$0x3FBA] =	sst s10  }
0x32: {  	s10 =	sld [smem:$0x3FB8];
	_ =	sdelay $0x3  }
0x33: {  	p0 =	seq.s32 s10, $0x1;
	s10 =	sld [smem:$0x3FBA];
	_ =	sdelay $0x3  }
0x34: {  	[smem:$0x3FBA] =	sst s10  }
0x35: {  	s10 =	sld [smem:$0x3FB9];
	_ =	sdelay $0x3  }
0x36: {  	p1 =	seq.s32 s10, $0x1;
	s10 =	sld [smem:$0x3FBA];
	_ =	sdelay $0x3  }
0x37: {  	[smem:$0x3FBA] =	sst s10  }
0x38: {  	s10 =	sld [smem:$0x3FBB]  }
0x39: {  	_ = 	snop;
	(pc) =	sbr.ind lr, $3  }
0x3a: {  	_ = 	snop  }
0x3b: {  	_ = 	snop  }
0x3c: {  	p2 =	seq.s32 s10, $0x1;
	s10 =	sld [smem:$0x3FBA]  }
0x3d: {  	_ =	shalt  }
0x3e: {  	_ =	shalt  }
0x3f: {  	_ =	shalt  }
0x40: {  	_ =	shalt  }
0x41: {  	_ =	shalt  }
0x42: {  	_ =	shalt  }
0x43: {  	_ =	shalt  }
0x44: {  	_ =	shalt  }
0x45: {  	_ =	shalt  }
0x46: {  	_ =	shalt  }
0x47: {  	_ =	shalt  }
0x48: {  	_ =	shalt  }
0x49: {  	_ =	shalt  }
0x4a: {  	_ =	shalt  }
0x4b: {  	_ =	shalt  }
0x4c: {  	_ =	shalt  }
0x4d: {  	_ =	shalt  }
0x4e: {  	_ =	shalt  }
0x4f: {  	_ =	shalt  }
0x50: {  	_ =	shalt  }
0x51: {  	_ =	shalt  }
0x52: {  	_ =	shalt  }
0x53: {  	_ =	shalt  }
0x54: {  	_ =	shalt  }
0x55: {  	_ =	shalt  }
0x56: {  	_ =	shalt  }
0x57: {  	_ =	shalt  }
0x58: {  	_ =	shalt  }
0x59: {  	_ =	shalt  }
0x5a: {  	_ =	shalt  }
0x5b: {  	_ =	shalt  }
0x5c: {  	_ =	shalt  }
0x5d: {  	_ =	shalt  }
0x5e: {  	_ =	shalt  }
0x5f: {  	_ =	shalt  }
0x60: {  	_ =	shalt  }
0x61: {  	_ =	shalt  }
0x62: {  	_ =	shalt  }
0x63: {  	_ =	shalt  }
0x64: {  	_ =	shalt  }
0x65: {  	_ =	shalt  }
0x66: {  	_ =	shalt  }
0x67: {  	_ =	shalt  }
0x68: {  	_ =	shalt  }
0x69: {  	_ =	shalt  }
0x6a: {  	_ =	shalt  }
0x6b: {  	_ =	shalt  }
0x6c: {  	_ =	shalt  }
0x6d: {  	_ =	shalt  }
0x6e: {  	_ =	shalt  }
0x6f: {  	_ =	shalt  }
0x70: {  	_ =	shalt  }
0x71: {  	_ =	shalt  }
0x72: {  	_ =	shalt  }
0x73: {  	_ =	shalt  }
0x74: {  	_ =	shalt  }
0x75: {  	_ =	shalt  }
0x76: {  	_ =	shalt  }
0x77: {  	_ =	shalt  }
0x78: {  	_ =	shalt  }
0x79: {  	_ =	shalt  }
0x7a: {  	_ =	shalt  }
0x7b: {  	_ =	shalt  }
0x7c: {  	_ =	shalt  }
0x7d: {  	_ =	shalt  }
0x7e: {  	_ =	shalt  }
0x7f: {  	_ =	shalt  }
0x80: {  	_ =	shalt  }
0x81: {  	_ =	shalt  }
0x82: {  	_ =	shalt  }
0x83: {  	_ =	shalt  }
0x84: {  	_ =	shalt  }
0x85: {  	_ =	shalt  }
0x86: {  	_ =	shalt  }
0x87: {  	_ =	shalt  }
.Lfunc_end0:
.L_simem_size_0:
called_computation_lowered:
.L_overlay_start_0:
0x88: {  	s2 =	sld [smem:$0x3FD9]  }
0x89: {  	s3 =	sld [smem:$0x3FFE];
	_ =	sdelay $0x1  }
0x8a: {  	s1 =	srdreg.scid  }
0x8b: {  	s0 =	sand.u32 $0x1, s1  }
0x8c: {  	s17 =	sshll.u32 s0, $0xA;
	s2 =	sadd.s32 s3, s2  }
0x8d: {  	s2 =	sadd.s32 s2, s17  }
0x8e: {  	[smem:$0x3FC6] =	sst s2  }
0x8f: {  	_ = 	snop  }
0x90: {  	s2 =	sld [smem:$0x3FC9]  }
0x91: {  	s18 =	sld [smem:$0x3FC8]  }
0x92: {  	s4 =	sld [smem:$0x3FD0];
	(tm) =	ssettm $0x1  }
0x93: {  	s5 =	sld [smem:$0x3FFB];
	_ =	sdelay $0x3  }
0x94: {  	_ =	strace s5  }
0x95: {  	s5 =	sld [smem:$0x3FFC];
	_ =	sdelay $0x3  }
0x96: {  	_ =	strace s5  }
0x97: {  	s5 =	sld [smem:$0x3FFD];
	_ =	sdelay $0x3  }
0x98: {  	_ =	strace s5  }
0x99: {  	_ =	strace $0x8FFFFFFF  }
0x9a: {  	s19 =	sld [smem:$0x3FDB];
	_ =	sdelay $0x1  }
0x9b: {  	s6 =	simm.s32 $_scs_section_size  }
0x9c: {  	s7 =	simm.s32 $_size__tile_overlayer_lowered;
	s8 =	simm.s32 $_tile_overlayer_lowered  }
0x9d: {  	s22 =	simm.s32 $0x1BFF;
	s21 =	sshll.u32 s8, $0x1;
	s5 =	sadd.s32 s6, s19  }
0x9e: {  	s9 =	simm.s32 $0x0;
	s20 =	sshll.u32 s7, $0x1;
	s7 =	sadd.s32 s21, s5  }
0x9f: {  	[timem:s9], [sflag:s22] =	dma.local [hbm:s7], s20  }
0xa0: {  	_ =	swait.ge [sflag:s22], s20  }
0xa1: {  	s6 =	ssub.s32 $0x0, s20;
	[sflag:s22] =	ssyncset.done $0x0  }
0xa2: {  	[sflag:s22] =	ssyncadd.s32 s6;
	_ =	sdelay $0x1  }
0xa3: {  	s23 =	simm.s32 $0x1B8B  }
0xa4: {  	_ =	swait.ge [sflag:s23], $0x1  }
0xa5: {  	[sflag:s23] =	ssyncset.done $0x0  }
0xa6: {  	s25 =	simm.s32 $0x1B8E;
	s24 =	sld [smem:$0x3FFE];
	[sflag:s23] =	ssyncadd.s32 $0xFFFFFFFF  }
0xa7: {  	s26 =	simm.s32 $execute0_lowered;
	[smem:$0x3FD2] =	sst s25  }
0xa8: {  	s7 =	sshll.u32 s26, $0x1;
	_ =	strace $0x80000046;
	[dreg:$0x1] =	wrdreg $0xFFFFFFFF  }
0xa9: {  	s28 =	simm.s32 $_size_execute0_lowered;
	s5 =	sadd.s32 s5, s7;
	[dreg:$0x0] =	wrdreg $0x0  }
0xaa: {  	s7 =	sshll.u32 s28, $0x1;
	[dreg:$0x2] =	wrdreg s5  }
0xab: {  	[dreg:$0x3] =	wrdreg s7  }
0xac: {  	[dreg:$0x4] =	wrdreg $0xC0  }
0xad: {  	_ =	task [dreg:s9], $0x5FFFF  }
0xae: {  	[dreg:$0x1] =	wrdreg $0xFFFFFFFF  }
0xaf: {  	[dreg:$0x0] =	wrdreg $0x60  }
0xb0: {  	[dreg:$0x2] =	wrdreg s2  }
0xb1: {  	[dreg:$0x3] =	wrdreg s18  }
0xb2: {  	[dreg:$0x4] =	wrdreg s24  }
0xb3: {  	[dreg:$0x5] =	wrdreg s4  }
0xb4: {  	[dreg:$0x6] =	wrdreg $0x9  }
0xb5: {  	_ =	task.clear_ibuf [dreg:s9], $0x7FFFF;
	_ =	strace $0x90000046  }
0xb6: {  	s29 =	simm.s32 $0x9;
	_ =	strace $0x80000048  }
0xb7: {  	_ =	swait.ge [sflag:s29], $0x1  }
0xb8: {  	[sflag:s29] =	ssyncadd.s32 $0xFFFFFFFF  }
0xb9: {  	_ =	strace $0x90000048  }
0xba: {  	_ =	sfence  }
0xbb: {  	s30 =	sld [smem:$0x0];
	_ =	sdelay $0x2  }
0xbc: {  	s31 =	sshll.u32 s1, $0xD;
	s1 =	sshrl.u32 s1, $0x2  }
0xbd: {  	s3 =	sand.u32 $0x4000, s31;
	s1 =	sadd.s32 s1, s30  }
0xbe: {  	s0 =	sor.u32 s3, s0;
	s1 =	sshll.u32 s1, $0x11  }
0xbf: {  	s0 =	sor.u32 s1, s0  }
0xc0: {  	s0 =	sadd.s32 $0x8F2B, s0  }
0xc1: {  	[sflag:s0] =	ssyncadd.remote.s32 $0x1  }
0xc2: {  	_ =	sfence.sel $0xFFFF  }
0xc3: {  	[dreg:$0x0] =	wrdreg $0xFFFFFFFF;
	(pc) =	sbr.abs _section_cstart, $3  }
0xc4: {  	[dreg:$0x1] =	wrdreg $0xFFFFFFFF  }
0xc5: {  	_ =	task.clear_ibuf [dreg:s9], $0x2FFFF;
	_ =	strace $0x9FFFFFFF  }
0xc6: {  	(tm) =	ssettm $0x7FFFFFFF  }
0xc7: {  	_ =	shalt  }
tec
execute0_lowered:
.L_overlay_start_1:
0x0: {  	(tag) =	ssettag $0x1  }
0x1: {  	s0 =	rddreg [dreg:$0x0]  }
0x2: {  	s1 =	rddreg [dreg:$0x1]  }
0x3: {  	s2 =	rddreg [dreg:$0x2]  }
0x4: {  	s3 =	rddreg [dreg:$0x3];
	s4 =	srdreg.scid  }
0x5: {  	s6 =	stileid.u32;
	s28 =	simm.s32 $0x200;
	s31 =	simm.s32 $0x1  }
0x6: {  	s10 =	simm.s32 $0x5;
	s18 =	simm.s32 $0x7;
	s14 =	simm.s32 $0x6200  }
0x7: {  	s5 =	sand.u32 $0x1, s4;
	s4 =	simm.s32 $0x0;
	s6 =	sshll.u32 s6, $0x8  }
0x8: {  	s11 =	sadd.s32 $0x100, s1;
	s12 =	sadd.s32 $0x200, s1;
	s13 =	sadd.s32 $0x300, s1  }
0x9: {  	s7 =	sshll.u32 s5, $0x7;
	[smem:$0x7FF] =	sst s4;
	s8 =	ssub.s32 $0x2, s5  }
0xa: {  	s5 =	sor.u32 s7, s6;
	_ =	strace $0x80000047;
	s19 =	sshrl.u32 s8, $0x1  }
0xb: {  	s6 =	sadd.s32 $0x400, s2;
	s7 =	simm.s32 $0x4200;
	s9 =	sshrl.u32 s5, $0x1  }
0xc: {  	s2 =	simm.s32 $0x0;
	s23 =	sshll.u32 s5, $0x7;
	s0 =	sadd.s32 s0, s9  }
0xd: {  	s20 =	ssub.s32 s8, s19;
	s24 =	sadd.s32 s6, s23;
	[dreg:$0x5] =	wrdreg s0  }
0xe: {  	s15 =	sor.u32 $0x1000, s5;
	s30 =	smax.u32 s20, $0x1;
	[dreg:$0x9] =	wrdreg s24  }
0xf: {  	s16 =	sor.u32 $0x2000, s5;
	s21 =	sadd.s32 $0x10, s0;
	[dreg:$0xe] =	wrdreg s30  }
0x10: {  	s22 =	sadd.s32 $0x20, s0;
	s0 =	sadd.s32 $0x30, s0;
	[dreg:$0x6] =	wrdreg s21  }
0x11: {  	s17 =	sor.u32 $0x3000, s5;
	[dreg:$0x8] =	wrdreg s0;
	s0 =	sadd.s32 s23, s3  }
0x12: {  	s8 =	simm.s32 $0x6200;
	[dreg:$0x7] =	wrdreg s22;
	s25 =	sadd.s32 $0x3C00, s0  }
0x13: {  	s19 =	simm.s32 $0x3;
	s26 =	sadd.s32 $0x83C00, s0;
	[dreg:$0xa] =	wrdreg s25  }
0x14: {  	v0 =	vlaneseq.u32;
	s9 =	simm.s32 $0x2;
	s29 =	sadd.s32 $0x103C00, s0;
	[dreg:$0xb] =	wrdreg s26  }
0x15: {  	v1 =	vshrl.u32 v0, $0x3;
	s20 =	simm.s32 $0x6;
	s0 =	sadd.s32 $0x183C00, s0;
	[dreg:$0xc] =	wrdreg s29  }
0x16: {  	vm0 =	vmmov $0xffff;
	v0 =	vand.u32 $0x7, v0;
	v1 =	vmul.u32 $0x8, v1;
	[dreg:$0xd] =	wrdreg s0;
	s26 =	simm.s32 $0x4;
	s25 =	simm.s32 $0x2200  }
.LBB2_1:
0x17: {  	[dreg:$0xf] =	wrdreg s2  }
0x18: {  	s0 =	rddreg [dreg:$0x5]  }
0x19: {  	[tilespmem:s4], [sflag:$0x4] =	stream.linear.gather [hbm4b:s0+s4], $0x80, $0x38;
	[tilespmem:$0x1E200] =	vst v63  }
0x1a: {  	s23 =	rddreg [dreg:$0x6];
	s24 =	simm.s32 $0x80  }
0x1b: {  	[tilespmem:s24], [sflag:$0x4] =	stream.linear.gather [hbm4b:s23+s4], $0x80, $0x38;
	[tilespmem:$0x1E200] =	vst v63  }
0x1c: {  	s29 =	rddreg [dreg:$0x7];
	s30 =	simm.s32 $0x100  }
0x1d: {  	[tilespmem:s30], [sflag:$0x4] =	stream.linear.gather [hbm4b:s29+s4], $0x80, $0x38;
	[tilespmem:$0x1E200] =	vst v63  }
0x1e: {  	s2 =	rddreg [dreg:$0x8];
	s21 =	simm.s32 $0x180  }
0x1f: {  	[tilespmem:s21], [sflag:$0x4] =	stream.linear.gather [hbm4b:s2+s4], $0x80, $0x38;
	[tilespmem:$0x1E200] =	vst v63  }
0x20: {  	_ =	swait.ge [sflag:s26], $0x200  }
0x21: {  	[sflag:s26] =	ssyncset.done $0x0  }
0x22: {  	[sflag:s26] =	ssyncadd.s32 $0xFFFFFE00  }
0x23: {  	v2 =	vld.msk [tilespmem:$0x0], $0xff;
	_ =	sdelay $0x4  }
0x24: {  	v3 =	vshll.u32 v2, $0x3  }
0x25: {  	v2 =	vand.u32 $0x7, v2;
	v3 =	vand.u32 $0xFFFFFFC0, v3  }
0x26: {  	v2 =	vor.u32 v2, v3  }
0x27: {  	v2 =	vperm.xlane v2, v0;
	_ =	sdelay $0x1  }
0x28: {  	v2 =	vadd.s32 v1, v2;
	_ =	sdelay $0x4  }
0x29: {  	[tilespmem:s28], [sflag:$0x1] =	stream.indirect_vreg.gather [hbm4b:s1+s4], $0x80, v2, vm0, $0xb8;
	[tilespmem:$0x1E200] =	vst v63  }
0x2a: {  	s22 =	simm.s32 $0xA00  }
0x2b: {  	[tilespmem:s22], [sflag:$0x1] =	stream.indirect_vreg.gather [hbm4b:s11+s4], $0x80, v2, vm0, $0xb8;
	[tilespmem:$0x1E200] =	vst v63  }
0x2c: {  	s23 =	simm.s32 $0x1200  }
0x2d: {  	[tilespmem:s23], [sflag:$0x1] =	stream.indirect_vreg.gather [hbm4b:s12+s4], $0x80, v2, vm0, $0xb8;
	[tilespmem:$0x1E200] =	vst v63  }
0x2e: {  	s24 =	simm.s32 $0x1A00  }
0x2f: {  	[tilespmem:s24], [sflag:$0x1] =	stream.indirect_vreg.gather [hbm4b:s13+s4], $0x80, v2, vm0, $0xb8;
	[tilespmem:$0x1E200] =	vst v63  }
0x30: {  	v2 =	vld.msk [tilespmem:$0x80], $0xff;
	_ =	sdelay $0x4  }
0x31: {  	v3 =	vshll.u32 v2, $0x3  }
0x32: {  	v2 =	vand.u32 $0x7, v2;
	v3 =	vand.u32 $0xFFFFFFC0, v3  }
0x33: {  	v2 =	vor.u32 v2, v3  }
0x34: {  	v2 =	vperm.xlane v2, v0;
	_ =	sdelay $0x1  }
0x35: {  	v2 =	vadd.s32 v1, v2;
	_ =	sdelay $0x4  }
0x36: {  	[tilespmem:s25], [sflag:$0x1] =	stream.indirect_vreg.gather [hbm4b:s1+s4], $0x80, v2, vm0, $0xb8;
	[tilespmem:$0x1E200] =	vst v63  }
0x37: {  	s29 =	simm.s32 $0x2A00  }
0x38: {  	[tilespmem:s29], [sflag:$0x1] =	stream.indirect_vreg.gather [hbm4b:s11+s4], $0x80, v2, vm0, $0xb8;
	[tilespmem:$0x1E200] =	vst v63  }
0x39: {  	s30 =	simm.s32 $0x3200  }
0x3a: {  	[tilespmem:s30], [sflag:$0x1] =	stream.indirect_vreg.gather [hbm4b:s12+s4], $0x80, v2, vm0, $0xb8;
	[tilespmem:$0x1E200] =	vst v63  }
0x3b: {  	s2 =	simm.s32 $0x3A00  }
0x3c: {  	[tilespmem:s2], [sflag:$0x1] =	stream.indirect_vreg.gather [hbm4b:s13+s4], $0x80, v2, vm0, $0xb8;
	[tilespmem:$0x1E200] =	vst v63  }
0x3d: {  	v2 =	vld.msk [tilespmem:$0x100], $0xff;
	_ =	sdelay $0x4  }
0x3e: {  	v3 =	vshll.u32 v2, $0x3  }
0x3f: {  	v2 =	vand.u32 $0x7, v2;
	v3 =	vand.u32 $0xFFFFFFC0, v3  }
0x40: {  	v2 =	vor.u32 v2, v3  }
0x41: {  	v2 =	vperm.xlane v2, v0;
	_ =	sdelay $0x1  }
0x42: {  	v2 =	vadd.s32 v1, v2;
	_ =	sdelay $0x4  }
0x43: {  	[tilespmem:s7], [sflag:$0x1] =	stream.indirect_vreg.gather [hbm4b:s1+s4], $0x80, v2, vm0, $0xb8;
	[tilespmem:$0x1E200] =	vst v63  }
0x44: {  	s7 =	simm.s32 $0x4A00  }
0x45: {  	[tilespmem:s7], [sflag:$0x1] =	stream.indirect_vreg.gather [hbm4b:s11+s4], $0x80, v2, vm0, $0xb8;
	[tilespmem:$0x1E200] =	vst v63  }
0x46: {  	s21 =	simm.s32 $0x5200  }
0x47: {  	[tilespmem:s21], [sflag:$0x1] =	stream.indirect_vreg.gather [hbm4b:s12+s4], $0x80, v2, vm0, $0xb8;
	[tilespmem:$0x1E200] =	vst v63  }
0x48: {  	s22 =	simm.s32 $0x5A00  }
0x49: {  	[tilespmem:s22], [sflag:$0x1] =	stream.indirect_vreg.gather [hbm4b:s13+s4], $0x80, v2, vm0, $0xb8;
	[tilespmem:$0x1E200] =	vst v63  }
0x4a: {  	v2 =	vld.msk [tilespmem:$0x180], $0xff;
	_ =	sdelay $0x4  }
0x4b: {  	v3 =	vshll.u32 v2, $0x3  }
0x4c: {  	v2 =	vand.u32 $0x7, v2;
	v3 =	vand.u32 $0xFFFFFFC0, v3  }
0x4d: {  	v2 =	vor.u32 v2, v3  }
0x4e: {  	v2 =	vperm.xlane v2, v0;
	_ =	sdelay $0x1  }
0x4f: {  	v2 =	vadd.s32 v1, v2;
	_ =	sdelay $0x4  }
0x50: {  	[tilespmem:s8], [sflag:$0x1] =	stream.indirect_vreg.gather [hbm4b:s1+s4], $0x80, v2, vm0, $0xb8;
	[tilespmem:$0x1E200] =	vst v63  }
0x51: {  	s23 =	simm.s32 $0x6A00  }
0x52: {  	[tilespmem:s23], [sflag:$0x1] =	stream.indirect_vreg.gather [hbm4b:s11+s4], $0x80, v2, vm0, $0xb8;
	[tilespmem:$0x1E200] =	vst v63  }
0x53: {  	s24 =	simm.s32 $0x7200  }
0x54: {  	[tilespmem:s24], [sflag:$0x1] =	stream.indirect_vreg.gather [hbm4b:s12+s4], $0x80, v2, vm0, $0xb8;
	[tilespmem:$0x1E200] =	vst v63  }
0x55: {  	s25 =	simm.s32 $0x7A00  }
0x56: {  	[tilespmem:s25], [sflag:$0x1] =	stream.indirect_vreg.gather [hbm4b:s13+s4], $0x80, v2, vm0, $0xb8;
	[tilespmem:$0x1E200] =	vst v63  }
0x57: {  	s29 =	rddreg [dreg:$0x9];
	s30 =	simm.s32 $0x18200;
	s21 =	simm.s32 $0x0  }
0x58: {  	[tilespmem:s30], [sflag:$0x4] =	stream.linear.gather [hbm4b:s29+s4], $0x2000, $0x38;
	[tilespmem:$0x1E200] =	vst v63  }
.LBB2_2:
0x59: {  	p0 =	seq.s32 s21, $0x0  }
0x5a: {  	s2 =	simm.s32 @!p0 $0x8  }
0x5b: {  	_ =	swait.ge @!p0 [sflag:s2], $0x8000  }
0x5c: {  	s22 =	smul.u32 $0x18, s21;
	[sflag:s2] =	ssyncset.done @!p0 $0x0  }
0x5d: {  	[sflag:s2] =	ssyncadd.s32 @!p0 $0xFFFF8000  }
0x5e: {  	v2 =	vld.msk [tilespmem:s22+$0x8], $0xff;
	_ =	sdelay $0x4  }
0x5f: {  	v3 =	vshll.u32 v2, $0x3  }
0x60: {  	v2 =	vand.u32 $0x7, v2;
	v3 =	vand.u32 $0xFFFFFFC0, v3  }
0x61: {  	v2 =	vor.u32 v2, v3  }
0x62: {  	v2 =	vperm.xlane v2, v0;
	_ =	sdelay $0x1  }
0x63: {  	v2 =	vadd.s32 v1, v2;
	_ =	sdelay $0x3  }
0x64: {  	s7 =	simm.s32 $0x0;
	s30 =	simm.s32 $0x8200  }
0x65: {  	[tilespmem:s30], [sflag:$0x2] =	stream.indirect_vreg.gather [hbm4b:s1+s7], $0x80, v2, vm0, $0xb8;
	[tilespmem:$0x1E200] =	vst v63  }
0x66: {  	s8 =	simm.s32 $0x8A00;
	s29 =	sadd.s32 $0x8, s22  }
0x67: {  	[tilespmem:s8], [sflag:$0x2] =	stream.indirect_vreg.gather [hbm4b:s11+s7], $0x80, v2, vm0, $0xb8;
	[tilespmem:$0x1E200] =	vst v63  }
0x68: {  	s23 =	simm.s32 $0x9200;
	s24 =	sand.u32 $0x180, s29  }
0x69: {  	[tilespmem:s23], [sflag:$0x2] =	stream.indirect_vreg.gather [hbm4b:s12+s7], $0x80, v2, vm0, $0xb8;
	[tilespmem:$0x1E200] =	vst v63  }
0x6a: {  	s2 =	sadd.s32 s29, s24;
	s8 =	simm.s32 $0x9A00  }
0x6b: {  	[tilespmem:s8], [sflag:$0x2] =	stream.indirect_vreg.gather [hbm4b:s13+s7], $0x80, v2, vm0, $0xb8;
	[tilespmem:$0x1E200] =	vst v63  }
0x6c: {  	v2 =	vld.msk [tilespmem:s2+$0x80], $0xff;
	_ =	sdelay $0x4  }
0x6d: {  	v3 =	vshll.u32 v2, $0x3  }
0x6e: {  	v2 =	vand.u32 $0x7, v2;
	v3 =	vand.u32 $0xFFFFFFC0, v3  }
0x6f: {  	v2 =	vor.u32 v2, v3  }
0x70: {  	v2 =	vperm.xlane v2, v0;
	_ =	sdelay $0x1  }
0x71: {  	v2 =	vadd.s32 v1, v2;
	_ =	sdelay $0x3  }
0x72: {  	s25 =	simm.s32 $0xA200  }
0x73: {  	[tilespmem:s25], [sflag:$0x2] =	stream.indirect_vreg.gather [hbm4b:s1+s7], $0x80, v2, vm0, $0xb8;
	[tilespmem:$0x1E200] =	vst v63  }
0x74: {  	s30 =	simm.s32 $0xAA00  }
0x75: {  	[tilespmem:s30], [sflag:$0x2] =	stream.indirect_vreg.gather [hbm4b:s11+s7], $0x80, v2, vm0, $0xb8;
	[tilespmem:$0x1E200] =	vst v63  }
0x76: {  	s23 =	simm.s32 $0xB200  }
0x77: {  	[tilespmem:s23], [sflag:$0x2] =	stream.indirect_vreg.gather [hbm4b:s12+s7], $0x80, v2, vm0, $0xb8;
	[tilespmem:$0x1E200] =	vst v63  }
0x78: {  	s24 =	simm.s32 $0xBA00  }
0x79: {  	[tilespmem:s24], [sflag:$0x2] =	stream.indirect_vreg.gather [hbm4b:s13+s7], $0x80, v2, vm0, $0xb8;
	[tilespmem:$0x1E200] =	vst v63  }
0x7a: {  	v2 =	vld.msk [tilespmem:s2+$0x100], $0xff;
	_ =	sdelay $0x4  }
0x7b: {  	v3 =	vshll.u32 v2, $0x3  }
0x7c: {  	v2 =	vand.u32 $0x7, v2;
	v3 =	vand.u32 $0xFFFFFFC0, v3  }
0x7d: {  	v2 =	vor.u32 v2, v3  }
0x7e: {  	v2 =	vperm.xlane v2, v0;
	_ =	sdelay $0x1  }
0x7f: {  	v2 =	vadd.s32 v1, v2;
	_ =	sdelay $0x3  }
0x80: {  	s25 =	simm.s32 $0xC200  }
0x81: {  	[tilespmem:s25], [sflag:$0x2] =	stream.indirect_vreg.gather [hbm4b:s1+s7], $0x80, v2, vm0, $0xb8;
	[tilespmem:$0x1E200] =	vst v63  }
0x82: {  	s30 =	simm.s32 $0xCA00  }
0x83: {  	[tilespmem:s30], [sflag:$0x2] =	stream.indirect_vreg.gather [hbm4b:s11+s7], $0x80, v2, vm0, $0xb8;
	[tilespmem:$0x1E200] =	vst v63  }
0x84: {  	s23 =	simm.s32 $0xD200  }
0x85: {  	[tilespmem:s23], [sflag:$0x2] =	stream.indirect_vreg.gather [hbm4b:s12+s7], $0x80, v2, vm0, $0xb8;
	[tilespmem:$0x1E200] =	vst v63  }
0x86: {  	s24 =	simm.s32 $0xDA00  }
0x87: {  	[tilespmem:s24], [sflag:$0x2] =	stream.indirect_vreg.gather [hbm4b:s13+s7], $0x80, v2, vm0, $0xb8;
	[tilespmem:$0x1E200] =	vst v63  }
0x88: {  	v2 =	vld.msk [tilespmem:s2+$0x180], $0xff;
	_ =	sdelay $0x4  }
0x89: {  	v3 =	vshll.u32 v2, $0x3  }
0x8a: {  	v2 =	vand.u32 $0x7, v2;
	v3 =	vand.u32 $0xFFFFFFC0, v3  }
0x8b: {  	v2 =	vor.u32 v2, v3  }
0x8c: {  	v2 =	vperm.xlane v2, v0;
	_ =	sdelay $0x1  }
0x8d: {  	v2 =	vadd.s32 v1, v2;
	_ =	sdelay $0x3  }
0x8e: {  	s25 =	simm.s32 $0xE200  }
0x8f: {  	[tilespmem:s25], [sflag:$0x2] =	stream.indirect_vreg.gather [hbm4b:s1+s7], $0x80, v2, vm0, $0xb8;
	[tilespmem:$0x1E200] =	vst v63  }
0x90: {  	s30 =	simm.s32 $0xEA00  }
0x91: {  	[tilespmem:s30], [sflag:$0x2] =	stream.indirect_vreg.gather [hbm4b:s11+s7], $0x80, v2, vm0, $0xb8;
	[tilespmem:$0x1E200] =	vst v63  }
0x92: {  	s8 =	simm.s32 $0xF200;
	s24 =	sadd.s32 s5, s29  }
0x93: {  	[tilespmem:s8], [sflag:$0x2] =	stream.indirect_vreg.gather [hbm4b:s12+s7], $0x80, v2, vm0, $0xb8;
	[tilespmem:$0x1E200] =	vst v63  }
0x94: {  	s23 =	simm.s32 $0xFA00;
	s2 =	sshll.u32 s24, $0x7  }
0x95: {  	[tilespmem:s23], [sflag:$0x2] =	stream.indirect_vreg.gather [hbm4b:s13+s7], $0x80, v2, vm0, $0xb8;
	[tilespmem:$0x1E200] =	vst v63  }
0x96: {  	s25 =	sadd.s32 s6, s2;
	s23 =	simm.s32 $0x1A200  }
0x97: {  	[tilespmem:s23], [sflag:$0x5] =	stream.linear.gather [hbm4b:s25+s7], $0x2000, $0x38;
	[tilespmem:$0x1E200] =	vst v63  }
0x98: {  	_ =	swait.ge [sflag:s31], $0x8000  }
0x99: {  	[sflag:s31] =	ssyncset.done $0x0  }
0x9a: {  	[sflag:s31] =	ssyncadd.s32 $0xFFFF8000  }
0x9b: {  	_ =	swait.ge [sflag:s26], $0x2000  }
0x9c: {  	s30 =	sand.u32 $0x1800, s7;
	s7 =	sand.u32 $0x380, s7;
	[sflag:s26] =	ssyncset.done $0x0  }
0x9d: {  	s7 =	sor.u32 s7, s30;
	[sflag:s26] =	ssyncadd.s32 $0xFFFFE000  }
0x9e: {  	v17 =	vld [tilespmem:s7+$0x18200]  }
0x9f: {  	v16 =	vld [tilespmem:s7+$0x18210]  }
0xa0: {  	v15 =	vld [tilespmem:s7+$0x18220]  }
0xa1: {  	v14 =	vld [tilespmem:s7+$0x18230]  }
0xa2: {  	v13 =	vld [tilespmem:s7+$0x18240]  }
0xa3: {  	v12 =	vld [tilespmem:s7+$0x18250]  }
0xa4: {  	v11 =	vld [tilespmem:s7+$0x18260]  }
0xa5: {  	v10 =	vld [tilespmem:s7+$0x18270]  }
0xa6: {  	v9 =	vld [tilespmem:s7+$0x18600]  }
0xa7: {  	v8 =	vld [tilespmem:s7+$0x18610]  }
0xa8: {  	v7 =	vld [tilespmem:s7+$0x18620]  }
0xa9: {  	v6 =	vld [tilespmem:s7+$0x18630]  }
0xaa: {  	v5 =	vld [tilespmem:s7+$0x18640]  }
0xab: {  	v2 =	vld [tilespmem:s7+$0x200]  }
0xac: {  	v18 =	vld [tilespmem:s7+$0x210]  }
0xad: {  	v4 =	vld [tilespmem:s7+$0x18650]  }
0xae: {  	v19 =	vld [tilespmem:s7+$0x220]  }
0xaf: {  	v3 =	vld [tilespmem:s7+$0x18660]  }
0xb0: {  	v20 =	vld [tilespmem:s7+$0x230]  }
0xb1: {  	v22 =	vld [tilespmem:s7+$0x240]  }
0xb2: {  	v50 =	vld [tilespmem:s7+$0x250]  }
0xb3: {  	v23 =	vld [tilespmem:s7+$0x260];
	v21 =	vadd.f32 v2, v17  }
0xb4: {  	v24 =	vld [tilespmem:s7+$0x270];
	v18 =	vadd.f32 v18, v16  }
0xb5: {  	v53 =	vld [tilespmem:s7+$0x620];
	v19 =	vadd.f32 v19, v15;
	[tilespmem:s7+$0x200] =	vst v21  }
0xb6: {  	v54 =	vld [tilespmem:s7+$0x630];
	v20 =	vadd.f32 v20, v14;
	[tilespmem:s7+$0x210] =	vst v18  }
0xb7: {  	v55 =	vld [tilespmem:s7+$0x640];
	v22 =	vadd.f32 v22, v13;
	[tilespmem:s7+$0x220] =	vst v19  }
0xb8: {  	v56 =	vld [tilespmem:s7+$0x650];
	v23 =	vadd.f32 v23, v11;
	[tilespmem:s7+$0x230] =	vst v20  }
0xb9: {  	v57 =	vld [tilespmem:s7+$0x660];
	v24 =	vadd.f32 v24, v10;
	[tilespmem:s7+$0x240] =	vst v22  }
0xba: {  	v61 =	vld [tilespmem:s7+$0x2200];
	v58 =	vadd.f32 v53, v7;
	[tilespmem:s7+$0x260] =	vst v23  }
0xbb: {  	v63 =	vld [tilespmem:s7+$0x2210];
	v60 =	vadd.f32 v54, v6;
	[tilespmem:s7+$0x270] =	vst v24  }
0xbc: {  	v29 =	vld [tilespmem:s7+$0x2220];
	v62 =	vadd.f32 v55, v5;
	[tilespmem:s7+$0x620] =	vst v58  }
0xbd: {  	v31 =	vld [tilespmem:s7+$0x2230];
	v28 =	vadd.f32 v56, v4;
	[tilespmem:s7+$0x630] =	vst v60  }
0xbe: {  	v33 =	vld [tilespmem:s7+$0x2240];
	v30 =	vadd.f32 v57, v3;
	[tilespmem:s7+$0x640] =	vst v62  }
0xbf: {  	v35 =	vld [tilespmem:s7+$0x2250];
	v34 =	vadd.f32 v61, v17;
	[tilespmem:s7+$0x650] =	vst v28  }
0xc0: {  	v37 =	vld [tilespmem:s7+$0x2260];
	v36 =	vadd.f32 v63, v16;
	[tilespmem:s7+$0x660] =	vst v30  }
0xc1: {  	v39 =	vld [tilespmem:s7+$0x2270];
	v38 =	vadd.f32 v29, v15;
	[tilespmem:s7+$0x2200] =	vst v34  }
0xc2: {  	v45 =	vld [tilespmem:s7+$0x2620];
	v40 =	vadd.f32 v31, v14;
	[tilespmem:s7+$0x2210] =	vst v36  }
0xc3: {  	v47 =	vld [tilespmem:s7+$0x2630];
	v42 =	vadd.f32 v33, v13;
	[tilespmem:s7+$0x2220] =	vst v38  }
0xc4: {  	v51 =	vld [tilespmem:s7+$0x600];
	v44 =	vadd.f32 v35, v12;
	[tilespmem:s7+$0x2230] =	vst v40  }
0xc5: {  	v52 =	vld [tilespmem:s7+$0x610];
	v46 =	vadd.f32 v37, v11;
	[tilespmem:s7+$0x2240] =	vst v42  }
0xc6: {  	v59 =	vld [tilespmem:s7+$0x670];
	v48 =	vadd.f32 v39, v10;
	[tilespmem:s7+$0x2250] =	vst v44  }
0xc7: {  	v41 =	vld [tilespmem:s7+$0x2600];
	v54 =	vadd.f32 v45, v7;
	[tilespmem:s7+$0x2260] =	vst v46  }
0xc8: {  	v43 =	vld [tilespmem:s7+$0x2610];
	v56 =	vadd.f32 v47, v6;
	[tilespmem:s7+$0x2270] =	vst v48  }
0xc9: {  	v49 =	vld [tilespmem:s7+$0x2640];
	v21 =	vadd.f32 v50, v12;
	[tilespmem:s7+$0x2620] =	vst v54  }
0xca: {  	v2 =	vld [tilespmem:s7+$0x18670];
	v18 =	vadd.f32 v51, v9;
	[tilespmem:s7+$0x2630] =	vst v56  }
0xcb: {  	v53 =	vld [tilespmem:s7+$0x2660];
	v19 =	vadd.f32 v52, v8;
	[tilespmem:s7+$0x250] =	vst v21  }
0xcc: {  	v55 =	vld [tilespmem:s7+$0x2670];
	v50 =	vadd.f32 v41, v9;
	[tilespmem:s7+$0x600] =	vst v18  }
0xcd: {  	v57 =	vld [tilespmem:s7+$0x4200];
	v52 =	vadd.f32 v43, v8;
	[tilespmem:s7+$0x610] =	vst v19  }
0xce: {  	v61 =	vld [tilespmem:s7+$0x4220];
	v58 =	vadd.f32 v49, v5;
	[tilespmem:s7+$0x2600] =	vst v50  }
0xcf: {  	v63 =	vld [tilespmem:s7+$0x4230];
	[tilespmem:s7+$0x2610] =	vst v52;
	v32 =	vadd.f32 v59, v2  }
0xd0: {  	v51 =	vld [tilespmem:s7+$0x2650];
	[tilespmem:s7+$0x2640] =	vst v58;
	v62 =	vadd.f32 v53, v3  }
0xd1: {  	v28 =	vld [tilespmem:s7+$0x4240];
	v27 =	vadd.f32 v55, v2;
	[tilespmem:s7+$0x670] =	vst v32  }
0xd2: {  	v30 =	vld [tilespmem:s7+$0x4250];
	v29 =	vadd.f32 v57, v17;
	[tilespmem:s7+$0x2660] =	vst v62  }
0xd3: {  	v34 =	vld [tilespmem:s7+$0x4270];
	v33 =	vadd.f32 v61, v15;
	[tilespmem:s7+$0x2670] =	vst v27  }
0xd4: {  	v36 =	vld [tilespmem:s7+$0x4600];
	v35 =	vadd.f32 v63, v14;
	[tilespmem:s7+$0x4200] =	vst v29  }
0xd5: {  	v38 =	vld [tilespmem:s7+$0x4610];
	v60 =	vadd.f32 v51, v4;
	[tilespmem:s7+$0x4220] =	vst v33  }
0xd6: {  	v40 =	vld [tilespmem:s7+$0x4620];
	v37 =	vadd.f32 v28, v13;
	[tilespmem:s7+$0x4230] =	vst v35  }
0xd7: {  	v42 =	vld [tilespmem:s7+$0x4630];
	v39 =	vadd.f32 v30, v12;
	[tilespmem:s7+$0x2650] =	vst v60  }
0xd8: {  	v44 =	vld [tilespmem:s7+$0x4640];
	v43 =	vadd.f32 v34, v10;
	[tilespmem:s7+$0x4240] =	vst v37  }
0xd9: {  	v46 =	vld [tilespmem:s7+$0x4650];
	v45 =	vadd.f32 v36, v9;
	[tilespmem:s7+$0x4250] =	vst v39  }
0xda: {  	v48 =	vld [tilespmem:s7+$0x4660];
	v47 =	vadd.f32 v38, v8;
	[tilespmem:s7+$0x4270] =	vst v43  }
0xdb: {  	v56 =	vld [tilespmem:s7+$0x6220];
	v49 =	vadd.f32 v40, v7;
	[tilespmem:s7+$0x4600] =	vst v45  }
0xdc: {  	v52 =	vld [tilespmem:s7+$0x6200];
	v51 =	vadd.f32 v42, v6;
	[tilespmem:s7+$0x4610] =	vst v47  }
0xdd: {  	v59 =	vld [tilespmem:s7+$0x4210];
	v53 =	vadd.f32 v44, v5;
	[tilespmem:s7+$0x4620] =	vst v49  }
0xde: {  	v50 =	vld [tilespmem:s7+$0x4670];
	v55 =	vadd.f32 v46, v4;
	[tilespmem:s7+$0x4630] =	vst v51  }
0xdf: {  	v54 =	vld [tilespmem:s7+$0x6210];
	v57 =	vadd.f32 v48, v3;
	[tilespmem:s7+$0x4640] =	vst v53  }
0xe0: {  	v61 =	vld [tilespmem:s7+$0x6250];
	v15 =	vadd.f32 v56, v15;
	[tilespmem:s7+$0x4650] =	vst v55  }
0xe1: {  	v58 =	vld [tilespmem:s7+$0x6230];
	[tilespmem:s7+$0x4660] =	vst v57;
	v17 =	vadd.f32 v52, v17  }
0xe2: {  	v60 =	vld [tilespmem:s7+$0x6240];
	[tilespmem:s7+$0x6220] =	vst v15;
	v31 =	vadd.f32 v59, v16  }
0xe3: {  	v32 =	vld [tilespmem:s7+$0x4260];
	v59 =	vadd.f32 v50, v2;
	[tilespmem:s7+$0x6200] =	vst v17  }
0xe4: {  	v62 =	vld [tilespmem:s7+$0x6260];
	v16 =	vadd.f32 v54, v16;
	[tilespmem:s7+$0x4210] =	vst v31  }
0xe5: {  	v15 =	vadd.f32 v61, v12;
	v17 =	vld [tilespmem:s7+$0x6270];
	[tilespmem:s7+$0x4670] =	vst v59  }
0xe6: {  	v63 =	vld [tilespmem:s7+$0x6600];
	[tilespmem:s7+$0x6210] =	vst v16;
	v16 =	vadd.f32 v58, v14  }
0xe7: {  	v14 =	vld [tilespmem:s7+$0x6610];
	[tilespmem:s7+$0x6250] =	vst v15;
	v13 =	vadd.f32 v60, v13  }
0xe8: {  	v12 =	vld [tilespmem:s7+$0x6620];
	v41 =	vadd.f32 v32, v11;
	[tilespmem:s7+$0x6230] =	vst v16  }
0xe9: {  	v16 =	vadd.f32 v62, v11;
	[tilespmem:s7+$0x6240] =	vst v13;
	v13 =	vld [tilespmem:s7+$0x6630]  }
0xea: {  	[tilespmem:s7+$0x4260] =	vst v41;
	v11 =	vld [tilespmem:s7+$0x6640];
	v15 =	vadd.f32 v17, v10  }
0xeb: {  	s0 =	simm.s32 $0x2200;
	s24 =	simm.s32 $0x20;
	s23 =	simm.s32 $0x800;
	[tilespmem:s7+$0x6260] =	vst v16;
	v10 =	vadd.f32 v63, v9;
	v9 =	vld [tilespmem:s7+$0x6650]  }
.LBB2_3:
0xec: {  	s8 =	sand.u32 $0x1800, s23;
	s30 =	sand.u32 $0x380, s24;
	p1 =	sne.s32 s24, $0x3E0;
	[tilespmem:s7+$0x6270] =	vst v15;
	v8 =	vadd.f32 v14, v8;
	v16 =	vld [tilespmem:s7+$0x6660]  }
0xed: {  	s8 =	sor.u32 s30, s8;
	[tilespmem:s7+$0x6600] =	vst v10;
	v7 =	vadd.f32 v12, v7;
	v10 =	vld [tilespmem:s7+$0x6670]  }
0xee: {  	v12 =	vld [tilespmem:s8+$0x18200];
	[tilespmem:s7+$0x6610] =	vst v8;
	v6 =	vadd.f32 v13, v6  }
0xef: {  	v13 =	vld [tilespmem:s8+$0x18210];
	[tilespmem:s7+$0x6620] =	vst v7;
	v5 =	vadd.f32 v11, v5  }
0xf0: {  	v14 =	vld [tilespmem:s8+$0x18220];
	[tilespmem:s7+$0x6630] =	vst v6;
	v4 =	vadd.f32 v9, v4  }
0xf1: {  	v15 =	vld [tilespmem:s8+$0x18230];
	[tilespmem:s7+$0x6640] =	vst v5;
	v3 =	vadd.f32 v16, v3  }
0xf2: {  	v16 =	vld [tilespmem:s8+$0x18240];
	[tilespmem:s7+$0x6650] =	vst v4;
	v2 =	vadd.f32 v10, v2  }
0xf3: {  	v17 =	vld [tilespmem:s8+$0x18250];
	[tilespmem:s7+$0x6660] =	vst v3  }
0xf4: {  	v10 =	vld [tilespmem:s8+$0x18260];
	[tilespmem:s7+$0x6670] =	vst v2;
	s7 =	smov.u32 s8  }
0xf5: {  	v11 =	vld [tilespmem:s7+$0x18270]  }
0xf6: {  	v9 =	vld [tilespmem:s7+$0x18600]  }
0xf7: {  	v8 =	vld [tilespmem:s7+$0x18610]  }
0xf8: {  	v7 =	vld [tilespmem:s7+$0x18620]  }
0xf9: {  	v6 =	vld [tilespmem:s7+$0x18630]  }
0xfa: {  	v5 =	vld [tilespmem:s7+$0x18640]  }
0xfb: {  	v4 =	vld [tilespmem:s7+$0x18650]  }
0xfc: {  	v3 =	vld [tilespmem:s7+$0x18660]  }
0xfd: {  	v2 =	vld [tilespmem:s7+$0x18670]  }
0xfe: {  	v18 =	vld [tilespmem:s7+$0x200]  }
0xff: {  	v19 =	vld [tilespmem:s7+$0x210]  }
0x100: {  	v20 =	vld [tilespmem:s7+$0x220]  }
0x101: {  	v21 =	vld [tilespmem:s7+$0x230]  }
0x102: {  	v22 =	vld [tilespmem:s7+$0x240]  }
0x103: {  	v18 =	vadd.f32 v18, v12;
	v23 =	vld [tilespmem:s7+$0x250]  }
0x104: {  	v19 =	vadd.f32 v19, v13;
	v24 =	vld [tilespmem:s7+$0x260]  }
0x105: {  	[tilespmem:s7+$0x200] =	vst v18;
	v18 =	vadd.f32 v20, v14;
	v20 =	vld [tilespmem:s7+$0x270]  }
0x106: {  	[tilespmem:s7+$0x210] =	vst v19;
	v19 =	vadd.f32 v21, v15;
	v21 =	vld [tilespmem:s7+$0x600]  }
0x107: {  	[tilespmem:s7+$0x220] =	vst v18;
	v18 =	vadd.f32 v22, v16;
	v22 =	vld [tilespmem:s7+$0x610]  }
0x108: {  	[tilespmem:s7+$0x230] =	vst v19;
	v19 =	vadd.f32 v23, v17;
	v23 =	vld [tilespmem:s7+$0x620]  }
0x109: {  	[tilespmem:s7+$0x240] =	vst v18;
	v18 =	vadd.f32 v24, v10;
	v24 =	vld [tilespmem:s7+$0x630]  }
0x10a: {  	[tilespmem:s7+$0x250] =	vst v19;
	v19 =	vadd.f32 v20, v11;
	v20 =	vld [tilespmem:s7+$0x640]  }
0x10b: {  	[tilespmem:s7+$0x260] =	vst v18;
	v18 =	vadd.f32 v21, v9;
	v21 =	vld [tilespmem:s7+$0x650]  }
0x10c: {  	[tilespmem:s7+$0x270] =	vst v19;
	v19 =	vadd.f32 v22, v8;
	v22 =	vld [tilespmem:s7+$0x660]  }
0x10d: {  	[tilespmem:s7+$0x600] =	vst v18;
	v18 =	vadd.f32 v23, v7;
	v23 =	vld [tilespmem:s7+$0x670]  }
0x10e: {  	[tilespmem:s7+$0x610] =	vst v19;
	v19 =	vadd.f32 v24, v6;
	v24 =	vld [tilespmem:s7+$0x2200]  }
0x10f: {  	[tilespmem:s7+$0x620] =	vst v18;
	v18 =	vadd.f32 v20, v5;
	v20 =	vld [tilespmem:s7+$0x2210]  }
0x110: {  	[tilespmem:s7+$0x630] =	vst v19;
	v19 =	vadd.f32 v21, v4;
	v21 =	vld [tilespmem:s7+$0x2220]  }
0x111: {  	[tilespmem:s7+$0x640] =	vst v18;
	v18 =	vadd.f32 v22, v3;
	v22 =	vld [tilespmem:s7+$0x2230]  }
0x112: {  	[tilespmem:s7+$0x650] =	vst v19;
	v19 =	vadd.f32 v23, v2;
	v23 =	vld [tilespmem:s7+$0x2240]  }
0x113: {  	[tilespmem:s7+$0x660] =	vst v18;
	v18 =	vadd.f32 v24, v12;
	v24 =	vld [tilespmem:s7+$0x2250]  }
0x114: {  	[tilespmem:s7+$0x670] =	vst v19;
	v19 =	vadd.f32 v20, v13;
	v20 =	vld [tilespmem:s7+$0x2260]  }
0x115: {  	[tilespmem:s7+$0x2200] =	vst v18;
	v18 =	vadd.f32 v21, v14;
	v21 =	vld [tilespmem:s7+$0x2270]  }
0x116: {  	[tilespmem:s7+$0x2210] =	vst v19;
	v19 =	vadd.f32 v22, v15;
	v22 =	vld [tilespmem:s7+$0x2600]  }
0x117: {  	[tilespmem:s7+$0x2220] =	vst v18;
	v18 =	vadd.f32 v23, v16;
	v23 =	vld [tilespmem:s7+$0x2610]  }
0x118: {  	[tilespmem:s7+$0x2230] =	vst v19;
	v19 =	vadd.f32 v24, v17;
	v24 =	vld [tilespmem:s7+$0x2620]  }
0x119: {  	[tilespmem:s7+$0x2240] =	vst v18;
	v18 =	vadd.f32 v20, v10;
	v20 =	vld [tilespmem:s7+$0x2630]  }
0x11a: {  	[tilespmem:s7+$0x2250] =	vst v19;
	v19 =	vadd.f32 v21, v11;
	v21 =	vld [tilespmem:s7+$0x2640]  }
0x11b: {  	[tilespmem:s7+$0x2260] =	vst v18;
	v18 =	vadd.f32 v22, v9;
	v22 =	vld [tilespmem:s7+$0x2650]  }
0x11c: {  	[tilespmem:s7+$0x2270] =	vst v19;
	v19 =	vadd.f32 v23, v8;
	v23 =	vld [tilespmem:s7+$0x2660]  }
0x11d: {  	[tilespmem:s7+$0x2600] =	vst v18;
	v18 =	vadd.f32 v24, v7;
	v24 =	vld [tilespmem:s7+$0x2670]  }
0x11e: {  	[tilespmem:s7+$0x2610] =	vst v19;
	v19 =	vadd.f32 v20, v6;
	v20 =	vld [tilespmem:s7+$0x4200]  }
0x11f: {  	[tilespmem:s7+$0x2620] =	vst v18;
	v18 =	vadd.f32 v21, v5;
	v21 =	vld [tilespmem:s7+$0x4210]  }
0x120: {  	[tilespmem:s7+$0x2630] =	vst v19;
	v19 =	vadd.f32 v22, v4;
	v22 =	vld [tilespmem:s7+$0x4220]  }
0x121: {  	[tilespmem:s7+$0x2640] =	vst v18;
	v18 =	vadd.f32 v23, v3;
	v23 =	vld [tilespmem:s7+$0x4230]  }
0x122: {  	[tilespmem:s7+$0x2650] =	vst v19;
	v19 =	vadd.f32 v24, v2;
	v24 =	vld [tilespmem:s7+$0x4240]  }
0x123: {  	[tilespmem:s7+$0x2660] =	vst v18;
	v18 =	vadd.f32 v20, v12;
	v20 =	vld [tilespmem:s7+$0x4250]  }
0x124: {  	[tilespmem:s7+$0x2670] =	vst v19;
	v19 =	vadd.f32 v21, v13;
	v21 =	vld [tilespmem:s7+$0x4260]  }
0x125: {  	[tilespmem:s7+$0x4200] =	vst v18;
	v18 =	vadd.f32 v22, v14;
	v22 =	vld [tilespmem:s7+$0x4270]  }
0x126: {  	[tilespmem:s7+$0x4210] =	vst v19;
	v19 =	vadd.f32 v23, v15;
	v23 =	vld [tilespmem:s7+$0x4600]  }
0x127: {  	[tilespmem:s7+$0x4220] =	vst v18;
	v18 =	vadd.f32 v24, v16;
	v24 =	vld [tilespmem:s7+$0x4610]  }
0x128: {  	[tilespmem:s7+$0x4230] =	vst v19;
	v19 =	vadd.f32 v20, v17;
	v20 =	vld [tilespmem:s7+$0x4620]  }
0x129: {  	[tilespmem:s7+$0x4240] =	vst v18;
	v18 =	vadd.f32 v21, v10;
	v21 =	vld [tilespmem:s7+$0x4630]  }
0x12a: {  	[tilespmem:s7+$0x4250] =	vst v19;
	v19 =	vadd.f32 v22, v11;
	v22 =	vld [tilespmem:s7+$0x4640]  }
0x12b: {  	[tilespmem:s7+$0x4260] =	vst v18;
	v18 =	vadd.f32 v23, v9;
	v23 =	vld [tilespmem:s7+$0x4650]  }
0x12c: {  	[tilespmem:s7+$0x4270] =	vst v19;
	v19 =	vadd.f32 v24, v8;
	v24 =	vld [tilespmem:s7+$0x4660]  }
0x12d: {  	[tilespmem:s7+$0x4600] =	vst v18;
	v18 =	vadd.f32 v20, v7;
	v20 =	vld [tilespmem:s7+$0x4670]  }
0x12e: {  	[tilespmem:s7+$0x4610] =	vst v19;
	v19 =	vadd.f32 v21, v6;
	v21 =	vld [tilespmem:s7+$0x6200]  }
0x12f: {  	[tilespmem:s7+$0x4620] =	vst v18;
	v18 =	vadd.f32 v22, v5;
	v22 =	vld [tilespmem:s7+$0x6210]  }
0x130: {  	[tilespmem:s7+$0x4630] =	vst v19;
	v19 =	vadd.f32 v23, v4;
	v23 =	vld [tilespmem:s7+$0x6220]  }
0x131: {  	[tilespmem:s7+$0x4640] =	vst v18;
	v18 =	vadd.f32 v24, v3;
	v24 =	vld [tilespmem:s7+$0x6230]  }
0x132: {  	[tilespmem:s7+$0x4650] =	vst v19;
	v19 =	vadd.f32 v20, v2;
	v20 =	vld [tilespmem:s7+$0x6240]  }
0x133: {  	[tilespmem:s7+$0x4660] =	vst v18;
	v12 =	vadd.f32 v21, v12;
	v18 =	vld [tilespmem:s7+$0x6250]  }
0x134: {  	[tilespmem:s7+$0x4670] =	vst v19;
	v13 =	vadd.f32 v22, v13;
	v19 =	vld [tilespmem:s7+$0x6260]  }
0x135: {  	[tilespmem:s7+$0x6200] =	vst v12;
	v12 =	vadd.f32 v23, v14;
	v21 =	vld [tilespmem:s7+$0x6270]  }
0x136: {  	[tilespmem:s7+$0x6210] =	vst v13;
	v13 =	vadd.f32 v24, v15;
	v22 =	vld [tilespmem:s7+$0x6600]  }
.Ltmp0:
0x137: {  	[tilespmem:s7+$0x6220] =	vst v12;
	v15 =	vadd.f32 v20, v16;
	v14 =	vld [tilespmem:s7+$0x6610];
	(pc) =	sbr.rel @p1 .LBB2_3-.Ltmp0, $4  }
0x138: {  	[tilespmem:s7+$0x6230] =	vst v13;
	v16 =	vadd.f32 v18, v17;
	v12 =	vld [tilespmem:s7+$0x6620]  }
0x139: {  	[tilespmem:s7+$0x6240] =	vst v15;
	v10 =	vadd.f32 v19, v10;
	v13 =	vld [tilespmem:s7+$0x6630]  }
0x13a: {  	[tilespmem:s7+$0x6250] =	vst v16;
	v15 =	vadd.f32 v21, v11;
	v11 =	vld [tilespmem:s7+$0x6640]  }
0x13b: {  	s23 =	sadd.s32 $0x800, s23;
	s24 =	sadd.s32 $0x20, s24;
	[tilespmem:s7+$0x6260] =	vst v10;
	v10 =	vadd.f32 v22, v9;
	v9 =	vld [tilespmem:s7+$0x6650]  }
0x13c: {  	[tilespmem:s7+$0x6270] =	vst v15;
	v8 =	vadd.f32 v14, v8;
	v14 =	vld [tilespmem:s7+$0x6660]  }
0x13d: {  	[tilespmem:s7+$0x6600] =	vst v10;
	v7 =	vadd.f32 v12, v7;
	v10 =	vld [tilespmem:s7+$0x6670]  }
0x13e: {  	[tilespmem:s7+$0x6610] =	vst v8;
	v6 =	vadd.f32 v13, v6  }
0x13f: {  	[tilespmem:s7+$0x6620] =	vst v7;
	v5 =	vadd.f32 v11, v5  }
0x140: {  	[tilespmem:s7+$0x6630] =	vst v6;
	v4 =	vadd.f32 v9, v4  }
0x141: {  	[tilespmem:s7+$0x6640] =	vst v5;
	v3 =	vadd.f32 v14, v3  }
0x142: {  	s8 =	sadd.s32 s5, s22;
	[tilespmem:s7+$0x6650] =	vst v4;
	v2 =	vadd.f32 v10, v2  }
0x143: {  	s8 =	sshll.u32 s8, $0x7;
	[tilespmem:s7+$0x6660] =	vst v3  }
0x144: {  	s24 =	sadd.s32 s3, s8;
	[tilespmem:s7+$0x6670] =	vst v2  }
0x145: {  	[hbm4b:s24+s4] =	stream.linear.scatter [tilespmem:s28], [sflag:$0x7], $0x2000, $0x38;
	[tilespmem:$0x1E200] =	vst v63  }
0x146: {  	s28 =	sadd.s32 s15, s22  }
0x147: {  	s7 =	sshll.u32 s28, $0x7  }
0x148: {  	s8 =	sadd.s32 s16, s22;
	s7 =	sadd.s32 s3, s7  }
0x149: {  	[hbm4b:s7+s4] =	stream.linear.scatter [tilespmem:s0], [sflag:$0x7], $0x2000, $0x38;
	[tilespmem:$0x1E200] =	vst v63  }
0x14a: {  	s7 =	sshll.u32 s8, $0x7  }
0x14b: {  	s23 =	simm.s32 $0x4200;
	s24 =	sadd.s32 s17, s22;
	s7 =	sadd.s32 s3, s7  }
0x14c: {  	[hbm4b:s7+s4] =	stream.linear.scatter [tilespmem:s23], [sflag:$0x7], $0x2000, $0x38;
	[tilespmem:$0x1E200] =	vst v63  }
0x14d: {  	s7 =	sshll.u32 s24, $0x7  }
0x14e: {  	s7 =	sadd.s32 s3, s7  }
0x14f: {  	[hbm4b:s7+s4] =	stream.linear.scatter [tilespmem:s14], [sflag:$0x7], $0x2000, $0x38;
	[tilespmem:$0x1E200] =	vst v63  }
0x150: {  	s7 =	simm.s32 @!p0 $0x9  }
0x151: {  	_ =	swait.ge @!p0 [sflag:s7], $0x8000  }
0x152: {  	[sflag:s7] =	ssyncset.done @!p0 $0x0  }
0x153: {  	[sflag:s7] =	ssyncadd.s32 @!p0 $0xFFFF8000  }
0x154: {  	v2 =	vld.msk [tilespmem:s22+$0x10], $0xff;
	_ =	sdelay $0x4  }
0x155: {  	v3 =	vshll.u32 v2, $0x3  }
0x156: {  	v2 =	vand.u32 $0x7, v2;
	v3 =	vand.u32 $0xFFFFFFC0, v3  }
0x157: {  	v2 =	vor.u32 v2, v3  }
0x158: {  	v2 =	vperm.xlane v2, v0;
	_ =	sdelay $0x1  }
0x159: {  	v2 =	vadd.s32 v1, v2;
	_ =	sdelay $0x3  }
0x15a: {  	s28 =	simm.s32 $0x10200;
	s8 =	simm.s32 $0x0  }
0x15b: {  	[tilespmem:s28], [sflag:$0x3] =	stream.indirect_vreg.gather [hbm4b:s1+s8], $0x80, v2, vm0, $0xb8;
	[tilespmem:$0x1E200] =	vst v63  }
0x15c: {  	s7 =	simm.s32 $0x10A00  }
0x15d: {  	[tilespmem:s7], [sflag:$0x3] =	stream.indirect_vreg.gather [hbm4b:s11+s8], $0x80, v2, vm0, $0xb8;
	[tilespmem:$0x1E200] =	vst v63  }
0x15e: {  	s23 =	simm.s32 $0x11200;
	s7 =	sadd.s32 $0x10, s22  }
0x15f: {  	[tilespmem:s23], [sflag:$0x3] =	stream.indirect_vreg.gather [hbm4b:s12+s8], $0x80, v2, vm0, $0xb8;
	[tilespmem:$0x1E200] =	vst v63  }
0x160: {  	s23 =	sand.u32 $0x180, s7  }
0x161: {  	s24 =	simm.s32 $0x11A00;
	s23 =	sadd.s32 s7, s23  }
0x162: {  	[tilespmem:s24], [sflag:$0x3] =	stream.indirect_vreg.gather [hbm4b:s13+s8], $0x80, v2, vm0, $0xb8;
	[tilespmem:$0x1E200] =	vst v63  }
0x163: {  	v2 =	vld.msk [tilespmem:s23+$0x80], $0xff;
	_ =	sdelay $0x4  }
0x164: {  	v3 =	vshll.u32 v2, $0x3  }
0x165: {  	v2 =	vand.u32 $0x7, v2;
	v3 =	vand.u32 $0xFFFFFFC0, v3  }
0x166: {  	v2 =	vor.u32 v2, v3  }
0x167: {  	v2 =	vperm.xlane v2, v0;
	_ =	sdelay $0x1  }
0x168: {  	v2 =	vadd.s32 v1, v2;
	_ =	sdelay $0x3  }
0x169: {  	s28 =	simm.s32 $0x12200  }
0x16a: {  	[tilespmem:s28], [sflag:$0x3] =	stream.indirect_vreg.gather [hbm4b:s1+s8], $0x80, v2, vm0, $0xb8;
	[tilespmem:$0x1E200] =	vst v63  }
0x16b: {  	s24 =	simm.s32 $0x12A00  }
0x16c: {  	[tilespmem:s24], [sflag:$0x3] =	stream.indirect_vreg.gather [hbm4b:s11+s8], $0x80, v2, vm0, $0xb8;
	[tilespmem:$0x1E200] =	vst v63  }
0x16d: {  	s28 =	simm.s32 $0x13200  }
0x16e: {  	[tilespmem:s28], [sflag:$0x3] =	stream.indirect_vreg.gather [hbm4b:s12+s8], $0x80, v2, vm0, $0xb8;
	[tilespmem:$0x1E200] =	vst v63  }
0x16f: {  	s24 =	simm.s32 $0x13A00  }
0x170: {  	[tilespmem:s24], [sflag:$0x3] =	stream.indirect_vreg.gather [hbm4b:s13+s8], $0x80, v2, vm0, $0xb8;
	[tilespmem:$0x1E200] =	vst v63  }
0x171: {  	v2 =	vld.msk [tilespmem:s23+$0x100], $0xff;
	_ =	sdelay $0x4  }
0x172: {  	v3 =	vshll.u32 v2, $0x3  }
0x173: {  	v2 =	vand.u32 $0x7, v2;
	v3 =	vand.u32 $0xFFFFFFC0, v3  }
0x174: {  	v2 =	vor.u32 v2, v3  }
0x175: {  	v2 =	vperm.xlane v2, v0;
	_ =	sdelay $0x1  }
0x176: {  	v2 =	vadd.s32 v1, v2;
	_ =	sdelay $0x3  }
0x177: {  	s28 =	simm.s32 $0x14200  }
0x178: {  	[tilespmem:s28], [sflag:$0x3] =	stream.indirect_vreg.gather [hbm4b:s1+s8], $0x80, v2, vm0, $0xb8;
	[tilespmem:$0x1E200] =	vst v63  }
0x179: {  	s24 =	simm.s32 $0x14A00  }
0x17a: {  	[tilespmem:s24], [sflag:$0x3] =	stream.indirect_vreg.gather [hbm4b:s11+s8], $0x80, v2, vm0, $0xb8;
	[tilespmem:$0x1E200] =	vst v63  }
0x17b: {  	s28 =	simm.s32 $0x15200  }
0x17c: {  	[tilespmem:s28], [sflag:$0x3] =	stream.indirect_vreg.gather [hbm4b:s12+s8], $0x80, v2, vm0, $0xb8;
	[tilespmem:$0x1E200] =	vst v63  }
0x17d: {  	s24 =	simm.s32 $0x15A00  }
0x17e: {  	[tilespmem:s24], [sflag:$0x3] =	stream.indirect_vreg.gather [hbm4b:s13+s8], $0x80, v2, vm0, $0xb8;
	[tilespmem:$0x1E200] =	vst v63  }
0x17f: {  	v2 =	vld.msk [tilespmem:s23+$0x180], $0xff;
	_ =	sdelay $0x4  }
0x180: {  	v3 =	vshll.u32 v2, $0x3  }
0x181: {  	v2 =	vand.u32 $0x7, v2;
	v3 =	vand.u32 $0xFFFFFFC0, v3  }
0x182: {  	v2 =	vor.u32 v2, v3  }
0x183: {  	v2 =	vperm.xlane v2, v0;
	_ =	sdelay $0x1  }
0x184: {  	v2 =	vadd.s32 v1, v2;
	_ =	sdelay $0x3  }
0x185: {  	s28 =	simm.s32 $0x16200  }
0x186: {  	[tilespmem:s28], [sflag:$0x3] =	stream.indirect_vreg.gather [hbm4b:s1+s8], $0x80, v2, vm0, $0xb8;
	[tilespmem:$0x1E200] =	vst v63  }
0x187: {  	s23 =	simm.s32 $0x16A00  }
0x188: {  	[tilespmem:s23], [sflag:$0x3] =	stream.indirect_vreg.gather [hbm4b:s11+s8], $0x80, v2, vm0, $0xb8;
	[tilespmem:$0x1E200] =	vst v63  }
0x189: {  	s0 =	sadd.s32 s5, s7;
	s24 =	simm.s32 $0x17200  }
0x18a: {  	[tilespmem:s24], [sflag:$0x3] =	stream.indirect_vreg.gather [hbm4b:s12+s8], $0x80, v2, vm0, $0xb8;
	[tilespmem:$0x1E200] =	vst v63  }
0x18b: {  	s30 =	sshll.u32 s0, $0x7;
	s28 =	simm.s32 $0x17A00  }
0x18c: {  	[tilespmem:s28], [sflag:$0x3] =	stream.indirect_vreg.gather [hbm4b:s13+s8], $0x80, v2, vm0, $0xb8;
	[tilespmem:$0x1E200] =	vst v63  }
0x18d: {  	s23 =	sadd.s32 s6, s30;
	s24 =	simm.s32 $0x1C200  }
0x18e: {  	[tilespmem:s24], [sflag:$0x6] =	stream.linear.gather [hbm4b:s23+s8], $0x2000, $0x38;
	[tilespmem:$0x1E200] =	vst v63  }
0x18f: {  	_ =	swait.ge [sflag:s9], $0x8000  }
0x190: {  	[sflag:s9] =	ssyncset.done $0x0  }
0x191: {  	[sflag:s9] =	ssyncadd.s32 $0xFFFF8000  }
0x192: {  	_ =	swait.ge [sflag:s10], $0x2000  }
0x193: {  	s28 =	sand.u32 $0x1800, s8;
	s8 =	sand.u32 $0x380, s8;
	[sflag:s10] =	ssyncset.done $0x0  }
0x194: {  	s23 =	sor.u32 s8, s28;
	[sflag:s10] =	ssyncadd.s32 $0xFFFFE000  }
0x195: {  	v17 =	vld [tilespmem:s23+$0x1A200]  }
0x196: {  	v16 =	vld [tilespmem:s23+$0x1A210]  }
0x197: {  	v15 =	vld [tilespmem:s23+$0x1A220]  }
0x198: {  	v14 =	vld [tilespmem:s23+$0x1A230]  }
0x199: {  	v13 =	vld [tilespmem:s23+$0x1A240]  }
0x19a: {  	v12 =	vld [tilespmem:s23+$0x1A250]  }
0x19b: {  	v11 =	vld [tilespmem:s23+$0x1A260]  }
0x19c: {  	v10 =	vld [tilespmem:s23+$0x1A270]  }
0x19d: {  	v9 =	vld [tilespmem:s23+$0x1A600]  }
0x19e: {  	v8 =	vld [tilespmem:s23+$0x1A610]  }
0x19f: {  	v7 =	vld [tilespmem:s23+$0x1A620]  }
0x1a0: {  	v6 =	vld [tilespmem:s23+$0x1A630]  }
0x1a1: {  	v5 =	vld [tilespmem:s23+$0x1A640]  }
0x1a2: {  	v2 =	vld [tilespmem:s23+$0x8200]  }
0x1a3: {  	v18 =	vld [tilespmem:s23+$0x8210]  }
0x1a4: {  	v4 =	vld [tilespmem:s23+$0x1A650]  }
0x1a5: {  	v19 =	vld [tilespmem:s23+$0x8220]  }
0x1a6: {  	v3 =	vld [tilespmem:s23+$0x1A660]  }
0x1a7: {  	v20 =	vld [tilespmem:s23+$0x8230]  }
0x1a8: {  	v22 =	vld [tilespmem:s23+$0x8240]  }
0x1a9: {  	v50 =	vld [tilespmem:s23+$0x8250]  }
0x1aa: {  	v23 =	vld [tilespmem:s23+$0x8260];
	v21 =	vadd.f32 v2, v17  }
0x1ab: {  	v24 =	vld [tilespmem:s23+$0x8270];
	v18 =	vadd.f32 v18, v16  }
0x1ac: {  	v53 =	vld [tilespmem:s23+$0x8620];
	v19 =	vadd.f32 v19, v15;
	[tilespmem:s23+$0x8200] =	vst v21  }
0x1ad: {  	v54 =	vld [tilespmem:s23+$0x8630];
	v20 =	vadd.f32 v20, v14;
	[tilespmem:s23+$0x8210] =	vst v18  }
0x1ae: {  	v55 =	vld [tilespmem:s23+$0x8640];
	v22 =	vadd.f32 v22, v13;
	[tilespmem:s23+$0x8220] =	vst v19  }
0x1af: {  	v56 =	vld [tilespmem:s23+$0x8650];
	v23 =	vadd.f32 v23, v11;
	[tilespmem:s23+$0x8230] =	vst v20  }
0x1b0: {  	v57 =	vld [tilespmem:s23+$0x8660];
	v24 =	vadd.f32 v24, v10;
	[tilespmem:s23+$0x8240] =	vst v22  }
0x1b1: {  	v61 =	vld [tilespmem:s23+$0xA200];
	v58 =	vadd.f32 v53, v7;
	[tilespmem:s23+$0x8260] =	vst v23  }
0x1b2: {  	v63 =	vld [tilespmem:s23+$0xA210];
	v60 =	vadd.f32 v54, v6;
	[tilespmem:s23+$0x8270] =	vst v24  }
0x1b3: {  	v29 =	vld [tilespmem:s23+$0xA220];
	v62 =	vadd.f32 v55, v5;
	[tilespmem:s23+$0x8620] =	vst v58  }
0x1b4: {  	v31 =	vld [tilespmem:s23+$0xA230];
	v28 =	vadd.f32 v56, v4;
	[tilespmem:s23+$0x8630] =	vst v60  }
0x1b5: {  	v33 =	vld [tilespmem:s23+$0xA240];
	v30 =	vadd.f32 v57, v3;
	[tilespmem:s23+$0x8640] =	vst v62  }
0x1b6: {  	v35 =	vld [tilespmem:s23+$0xA250];
	v34 =	vadd.f32 v61, v17;
	[tilespmem:s23+$0x8650] =	vst v28  }
0x1b7: {  	v37 =	vld [tilespmem:s23+$0xA260];
	v36 =	vadd.f32 v63, v16;
	[tilespmem:s23+$0x8660] =	vst v30  }
0x1b8: {  	v39 =	vld [tilespmem:s23+$0xA270];
	v38 =	vadd.f32 v29, v15;
	[tilespmem:s23+$0xA200] =	vst v34  }
0x1b9: {  	v45 =	vld [tilespmem:s23+$0xA620];
	v40 =	vadd.f32 v31, v14;
	[tilespmem:s23+$0xA210] =	vst v36  }
0x1ba: {  	v47 =	vld [tilespmem:s23+$0xA630];
	v42 =	vadd.f32 v33, v13;
	[tilespmem:s23+$0xA220] =	vst v38  }
0x1bb: {  	v51 =	vld [tilespmem:s23+$0x8600];
	v44 =	vadd.f32 v35, v12;
	[tilespmem:s23+$0xA230] =	vst v40  }
0x1bc: {  	v52 =	vld [tilespmem:s23+$0x8610];
	v46 =	vadd.f32 v37, v11;
	[tilespmem:s23+$0xA240] =	vst v42  }
0x1bd: {  	v59 =	vld [tilespmem:s23+$0x8670];
	v48 =	vadd.f32 v39, v10;
	[tilespmem:s23+$0xA250] =	vst v44  }
0x1be: {  	v41 =	vld [tilespmem:s23+$0xA600];
	v54 =	vadd.f32 v45, v7;
	[tilespmem:s23+$0xA260] =	vst v46  }
0x1bf: {  	v43 =	vld [tilespmem:s23+$0xA610];
	v56 =	vadd.f32 v47, v6;
	[tilespmem:s23+$0xA270] =	vst v48  }
0x1c0: {  	v49 =	vld [tilespmem:s23+$0xA640];
	v21 =	vadd.f32 v50, v12;
	[tilespmem:s23+$0xA620] =	vst v54  }
0x1c1: {  	v2 =	vld [tilespmem:s23+$0x1A670];
	v18 =	vadd.f32 v51, v9;
	[tilespmem:s23+$0xA630] =	vst v56  }
0x1c2: {  	v53 =	vld [tilespmem:s23+$0xA660];
	v19 =	vadd.f32 v52, v8;
	[tilespmem:s23+$0x8250] =	vst v21  }
0x1c3: {  	v55 =	vld [tilespmem:s23+$0xA670];
	v50 =	vadd.f32 v41, v9;
	[tilespmem:s23+$0x8600] =	vst v18  }
0x1c4: {  	v57 =	vld [tilespmem:s23+$0xC200];
	v52 =	vadd.f32 v43, v8;
	[tilespmem:s23+$0x8610] =	vst v19  }
0x1c5: {  	v61 =	vld [tilespmem:s23+$0xC220];
	v58 =	vadd.f32 v49, v5;
	[tilespmem:s23+$0xA600] =	vst v50  }
0x1c6: {  	v63 =	vld [tilespmem:s23+$0xC230];
	[tilespmem:s23+$0xA610] =	vst v52;
	v32 =	vadd.f32 v59, v2  }
0x1c7: {  	v51 =	vld [tilespmem:s23+$0xA650];
	[tilespmem:s23+$0xA640] =	vst v58;
	v62 =	vadd.f32 v53, v3  }
0x1c8: {  	v28 =	vld [tilespmem:s23+$0xC240];
	v27 =	vadd.f32 v55, v2;
	[tilespmem:s23+$0x8670] =	vst v32  }
0x1c9: {  	v30 =	vld [tilespmem:s23+$0xC250];
	v29 =	vadd.f32 v57, v17;
	[tilespmem:s23+$0xA660] =	vst v62  }
0x1ca: {  	v34 =	vld [tilespmem:s23+$0xC270];
	v33 =	vadd.f32 v61, v15;
	[tilespmem:s23+$0xA670] =	vst v27  }
0x1cb: {  	v36 =	vld [tilespmem:s23+$0xC600];
	v35 =	vadd.f32 v63, v14;
	[tilespmem:s23+$0xC200] =	vst v29  }
0x1cc: {  	v38 =	vld [tilespmem:s23+$0xC610];
	v60 =	vadd.f32 v51, v4;
	[tilespmem:s23+$0xC220] =	vst v33  }
0x1cd: {  	v40 =	vld [tilespmem:s23+$0xC620];
	v37 =	vadd.f32 v28, v13;
	[tilespmem:s23+$0xC230] =	vst v35  }
0x1ce: {  	v42 =	vld [tilespmem:s23+$0xC630];
	v39 =	vadd.f32 v30, v12;
	[tilespmem:s23+$0xA650] =	vst v60  }
0x1cf: {  	v44 =	vld [tilespmem:s23+$0xC640];
	v43 =	vadd.f32 v34, v10;
	[tilespmem:s23+$0xC240] =	vst v37  }
0x1d0: {  	v46 =	vld [tilespmem:s23+$0xC650];
	v45 =	vadd.f32 v36, v9;
	[tilespmem:s23+$0xC250] =	vst v39  }
0x1d1: {  	v48 =	vld [tilespmem:s23+$0xC660];
	v47 =	vadd.f32 v38, v8;
	[tilespmem:s23+$0xC270] =	vst v43  }
0x1d2: {  	v56 =	vld [tilespmem:s23+$0xE220];
	v49 =	vadd.f32 v40, v7;
	[tilespmem:s23+$0xC600] =	vst v45  }
0x1d3: {  	v52 =	vld [tilespmem:s23+$0xE200];
	v51 =	vadd.f32 v42, v6;
	[tilespmem:s23+$0xC610] =	vst v47  }
0x1d4: {  	v59 =	vld [tilespmem:s23+$0xC210];
	v53 =	vadd.f32 v44, v5;
	[tilespmem:s23+$0xC620] =	vst v49  }
0x1d5: {  	v50 =	vld [tilespmem:s23+$0xC670];
	v55 =	vadd.f32 v46, v4;
	[tilespmem:s23+$0xC630] =	vst v51  }
0x1d6: {  	v54 =	vld [tilespmem:s23+$0xE210];
	v57 =	vadd.f32 v48, v3;
	[tilespmem:s23+$0xC640] =	vst v53  }
0x1d7: {  	v61 =	vld [tilespmem:s23+$0xE250];
	v15 =	vadd.f32 v56, v15;
	[tilespmem:s23+$0xC650] =	vst v55  }
0x1d8: {  	v58 =	vld [tilespmem:s23+$0xE230];
	[tilespmem:s23+$0xC660] =	vst v57;
	v17 =	vadd.f32 v52, v17  }
0x1d9: {  	v60 =	vld [tilespmem:s23+$0xE240];
	[tilespmem:s23+$0xE220] =	vst v15;
	v31 =	vadd.f32 v59, v16  }
0x1da: {  	v32 =	vld [tilespmem:s23+$0xC260];
	v59 =	vadd.f32 v50, v2;
	[tilespmem:s23+$0xE200] =	vst v17  }
0x1db: {  	v62 =	vld [tilespmem:s23+$0xE260];
	v16 =	vadd.f32 v54, v16;
	[tilespmem:s23+$0xC210] =	vst v31  }
0x1dc: {  	v15 =	vadd.f32 v61, v12;
	v17 =	vld [tilespmem:s23+$0xE270];
	[tilespmem:s23+$0xC670] =	vst v59  }
0x1dd: {  	v63 =	vld [tilespmem:s23+$0xE600];
	[tilespmem:s23+$0xE210] =	vst v16;
	v16 =	vadd.f32 v58, v14  }
0x1de: {  	v14 =	vld [tilespmem:s23+$0xE610];
	[tilespmem:s23+$0xE250] =	vst v15;
	v13 =	vadd.f32 v60, v13  }
0x1df: {  	v12 =	vld [tilespmem:s23+$0xE620];
	v41 =	vadd.f32 v32, v11;
	[tilespmem:s23+$0xE230] =	vst v16  }
0x1e0: {  	v16 =	vadd.f32 v62, v11;
	[tilespmem:s23+$0xE240] =	vst v13;
	v13 =	vld [tilespmem:s23+$0xE630]  }
0x1e1: {  	[tilespmem:s23+$0xC260] =	vst v41;
	v11 =	vld [tilespmem:s23+$0xE640];
	v15 =	vadd.f32 v17, v10  }
0x1e2: {  	s25 =	simm.s32 $0x200;
	s24 =	simm.s32 $0x800;
	s8 =	simm.s32 $0x20;
	[tilespmem:s23+$0xE260] =	vst v16;
	v10 =	vadd.f32 v63, v9;
	v9 =	vld [tilespmem:s23+$0xE650]  }
.LBB2_5:
0x1e3: {  	s28 =	sand.u32 $0x1800, s24;
	s0 =	sand.u32 $0x380, s8;
	p0 =	sne.s32 s8, $0x3E0;
	[tilespmem:s23+$0xE270] =	vst v15;
	v8 =	vadd.f32 v14, v8;
	v16 =	vld [tilespmem:s23+$0xE660]  }
0x1e4: {  	s0 =	sor.u32 s0, s28;
	[tilespmem:s23+$0xE600] =	vst v10;
	v7 =	vadd.f32 v12, v7;
	v10 =	vld [tilespmem:s23+$0xE670]  }
0x1e5: {  	v12 =	vld [tilespmem:s0+$0x1A200];
	[tilespmem:s23+$0xE610] =	vst v8;
	v6 =	vadd.f32 v13, v6  }
0x1e6: {  	v13 =	vld [tilespmem:s0+$0x1A210];
	[tilespmem:s23+$0xE620] =	vst v7;
	v5 =	vadd.f32 v11, v5  }
0x1e7: {  	v14 =	vld [tilespmem:s0+$0x1A220];
	[tilespmem:s23+$0xE630] =	vst v6;
	v4 =	vadd.f32 v9, v4  }
0x1e8: {  	v15 =	vld [tilespmem:s0+$0x1A230];
	[tilespmem:s23+$0xE640] =	vst v5;
	v3 =	vadd.f32 v16, v3  }
0x1e9: {  	v16 =	vld [tilespmem:s0+$0x1A240];
	[tilespmem:s23+$0xE650] =	vst v4;
	v2 =	vadd.f32 v10, v2  }
0x1ea: {  	v17 =	vld [tilespmem:s0+$0x1A250];
	[tilespmem:s23+$0xE660] =	vst v3  }
0x1eb: {  	v10 =	vld [tilespmem:s0+$0x1A260];
	[tilespmem:s23+$0xE670] =	vst v2;
	s23 =	smov.u32 s0  }
0x1ec: {  	v11 =	vld [tilespmem:s23+$0x1A270]  }
0x1ed: {  	v9 =	vld [tilespmem:s23+$0x1A600]  }
0x1ee: {  	v8 =	vld [tilespmem:s23+$0x1A610]  }
0x1ef: {  	v7 =	vld [tilespmem:s23+$0x1A620]  }
0x1f0: {  	v6 =	vld [tilespmem:s23+$0x1A630]  }
0x1f1: {  	v5 =	vld [tilespmem:s23+$0x1A640]  }
0x1f2: {  	v4 =	vld [tilespmem:s23+$0x1A650]  }
0x1f3: {  	v3 =	vld [tilespmem:s23+$0x1A660]  }
0x1f4: {  	v2 =	vld [tilespmem:s23+$0x1A670]  }
0x1f5: {  	v18 =	vld [tilespmem:s23+$0x8200]  }
0x1f6: {  	v19 =	vld [tilespmem:s23+$0x8210]  }
0x1f7: {  	v20 =	vld [tilespmem:s23+$0x8220]  }
0x1f8: {  	v21 =	vld [tilespmem:s23+$0x8230]  }
0x1f9: {  	v22 =	vld [tilespmem:s23+$0x8240]  }
0x1fa: {  	v18 =	vadd.f32 v18, v12;
	v23 =	vld [tilespmem:s23+$0x8250]  }
0x1fb: {  	v19 =	vadd.f32 v19, v13;
	v24 =	vld [tilespmem:s23+$0x8260]  }
0x1fc: {  	[tilespmem:s23+$0x8200] =	vst v18;
	v18 =	vadd.f32 v20, v14;
	v20 =	vld [tilespmem:s23+$0x8270]  }
0x1fd: {  	[tilespmem:s23+$0x8210] =	vst v19;
	v19 =	vadd.f32 v21, v15;
	v21 =	vld [tilespmem:s23+$0x8600]  }
0x1fe: {  	[tilespmem:s23+$0x8220] =	vst v18;
	v18 =	vadd.f32 v22, v16;
	v22 =	vld [tilespmem:s23+$0x8610]  }
0x1ff: {  	[tilespmem:s23+$0x8230] =	vst v19;
	v19 =	vadd.f32 v23, v17;
	v23 =	vld [tilespmem:s23+$0x8620]  }
0x200: {  	[tilespmem:s23+$0x8240] =	vst v18;
	v18 =	vadd.f32 v24, v10;
	v24 =	vld [tilespmem:s23+$0x8630]  }
0x201: {  	[tilespmem:s23+$0x8250] =	vst v19;
	v19 =	vadd.f32 v20, v11;
	v20 =	vld [tilespmem:s23+$0x8640]  }
0x202: {  	[tilespmem:s23+$0x8260] =	vst v18;
	v18 =	vadd.f32 v21, v9;
	v21 =	vld [tilespmem:s23+$0x8650]  }
0x203: {  	[tilespmem:s23+$0x8270] =	vst v19;
	v19 =	vadd.f32 v22, v8;
	v22 =	vld [tilespmem:s23+$0x8660]  }
0x204: {  	[tilespmem:s23+$0x8600] =	vst v18;
	v18 =	vadd.f32 v23, v7;
	v23 =	vld [tilespmem:s23+$0x8670]  }
0x205: {  	[tilespmem:s23+$0x8610] =	vst v19;
	v19 =	vadd.f32 v24, v6;
	v24 =	vld [tilespmem:s23+$0xA200]  }
0x206: {  	[tilespmem:s23+$0x8620] =	vst v18;
	v18 =	vadd.f32 v20, v5;
	v20 =	vld [tilespmem:s23+$0xA210]  }
0x207: {  	[tilespmem:s23+$0x8630] =	vst v19;
	v19 =	vadd.f32 v21, v4;
	v21 =	vld [tilespmem:s23+$0xA220]  }
0x208: {  	[tilespmem:s23+$0x8640] =	vst v18;
	v18 =	vadd.f32 v22, v3;
	v22 =	vld [tilespmem:s23+$0xA230]  }
0x209: {  	[tilespmem:s23+$0x8650] =	vst v19;
	v19 =	vadd.f32 v23, v2;
	v23 =	vld [tilespmem:s23+$0xA240]  }
0x20a: {  	[tilespmem:s23+$0x8660] =	vst v18;
	v18 =	vadd.f32 v24, v12;
	v24 =	vld [tilespmem:s23+$0xA250]  }
0x20b: {  	[tilespmem:s23+$0x8670] =	vst v19;
	v19 =	vadd.f32 v20, v13;
	v20 =	vld [tilespmem:s23+$0xA260]  }
0x20c: {  	[tilespmem:s23+$0xA200] =	vst v18;
	v18 =	vadd.f32 v21, v14;
	v21 =	vld [tilespmem:s23+$0xA270]  }
0x20d: {  	[tilespmem:s23+$0xA210] =	vst v19;
	v19 =	vadd.f32 v22, v15;
	v22 =	vld [tilespmem:s23+$0xA600]  }
0x20e: {  	[tilespmem:s23+$0xA220] =	vst v18;
	v18 =	vadd.f32 v23, v16;
	v23 =	vld [tilespmem:s23+$0xA610]  }
0x20f: {  	[tilespmem:s23+$0xA230] =	vst v19;
	v19 =	vadd.f32 v24, v17;
	v24 =	vld [tilespmem:s23+$0xA620]  }
0x210: {  	[tilespmem:s23+$0xA240] =	vst v18;
	v18 =	vadd.f32 v20, v10;
	v20 =	vld [tilespmem:s23+$0xA630]  }
0x211: {  	[tilespmem:s23+$0xA250] =	vst v19;
	v19 =	vadd.f32 v21, v11;
	v21 =	vld [tilespmem:s23+$0xA640]  }
0x212: {  	[tilespmem:s23+$0xA260] =	vst v18;
	v18 =	vadd.f32 v22, v9;
	v22 =	vld [tilespmem:s23+$0xA650]  }
0x213: {  	[tilespmem:s23+$0xA270] =	vst v19;
	v19 =	vadd.f32 v23, v8;
	v23 =	vld [tilespmem:s23+$0xA660]  }
0x214: {  	[tilespmem:s23+$0xA600] =	vst v18;
	v18 =	vadd.f32 v24, v7;
	v24 =	vld [tilespmem:s23+$0xA670]  }
0x215: {  	[tilespmem:s23+$0xA610] =	vst v19;
	v19 =	vadd.f32 v20, v6;
	v20 =	vld [tilespmem:s23+$0xC200]  }
0x216: {  	[tilespmem:s23+$0xA620] =	vst v18;
	v18 =	vadd.f32 v21, v5;
	v21 =	vld [tilespmem:s23+$0xC210]  }
0x217: {  	[tilespmem:s23+$0xA630] =	vst v19;
	v19 =	vadd.f32 v22, v4;
	v22 =	vld [tilespmem:s23+$0xC220]  }
0x218: {  	[tilespmem:s23+$0xA640] =	vst v18;
	v18 =	vadd.f32 v23, v3;
	v23 =	vld [tilespmem:s23+$0xC230]  }
0x219: {  	[tilespmem:s23+$0xA650] =	vst v19;
	v19 =	vadd.f32 v24, v2;
	v24 =	vld [tilespmem:s23+$0xC240]  }
0x21a: {  	[tilespmem:s23+$0xA660] =	vst v18;
	v18 =	vadd.f32 v20, v12;
	v20 =	vld [tilespmem:s23+$0xC250]  }
0x21b: {  	[tilespmem:s23+$0xA670] =	vst v19;
	v19 =	vadd.f32 v21, v13;
	v21 =	vld [tilespmem:s23+$0xC260]  }
0x21c: {  	[tilespmem:s23+$0xC200] =	vst v18;
	v18 =	vadd.f32 v22, v14;
	v22 =	vld [tilespmem:s23+$0xC270]  }
0x21d: {  	[tilespmem:s23+$0xC210] =	vst v19;
	v19 =	vadd.f32 v23, v15;
	v23 =	vld [tilespmem:s23+$0xC600]  }
0x21e: {  	[tilespmem:s23+$0xC220] =	vst v18;
	v18 =	vadd.f32 v24, v16;
	v24 =	vld [tilespmem:s23+$0xC610]  }
0x21f: {  	[tilespmem:s23+$0xC230] =	vst v19;
	v19 =	vadd.f32 v20, v17;
	v20 =	vld [tilespmem:s23+$0xC620]  }
0x220: {  	[tilespmem:s23+$0xC240] =	vst v18;
	v18 =	vadd.f32 v21, v10;
	v21 =	vld [tilespmem:s23+$0xC630]  }
0x221: {  	[tilespmem:s23+$0xC250] =	vst v19;
	v19 =	vadd.f32 v22, v11;
	v22 =	vld [tilespmem:s23+$0xC640]  }
0x222: {  	[tilespmem:s23+$0xC260] =	vst v18;
	v18 =	vadd.f32 v23, v9;
	v23 =	vld [tilespmem:s23+$0xC650]  }
0x223: {  	[tilespmem:s23+$0xC270] =	vst v19;
	v19 =	vadd.f32 v24, v8;
	v24 =	vld [tilespmem:s23+$0xC660]  }
0x224: {  	[tilespmem:s23+$0xC600] =	vst v18;
	v18 =	vadd.f32 v20, v7;
	v20 =	vld [tilespmem:s23+$0xC670]  }
0x225: {  	[tilespmem:s23+$0xC610] =	vst v19;
	v19 =	vadd.f32 v21, v6;
	v21 =	vld [tilespmem:s23+$0xE200]  }
0x226: {  	[tilespmem:s23+$0xC620] =	vst v18;
	v18 =	vadd.f32 v22, v5;
	v22 =	vld [tilespmem:s23+$0xE210]  }
0x227: {  	[tilespmem:s23+$0xC630] =	vst v19;
	v19 =	vadd.f32 v23, v4;
	v23 =	vld [tilespmem:s23+$0xE220]  }
0x228: {  	[tilespmem:s23+$0xC640] =	vst v18;
	v18 =	vadd.f32 v24, v3;
	v24 =	vld [tilespmem:s23+$0xE230]  }
0x229: {  	[tilespmem:s23+$0xC650] =	vst v19;
	v19 =	vadd.f32 v20, v2;
	v20 =	vld [tilespmem:s23+$0xE240]  }
0x22a: {  	[tilespmem:s23+$0xC660] =	vst v18;
	v12 =	vadd.f32 v21, v12;
	v18 =	vld [tilespmem:s23+$0xE250]  }
0x22b: {  	[tilespmem:s23+$0xC670] =	vst v19;
	v13 =	vadd.f32 v22, v13;
	v19 =	vld [tilespmem:s23+$0xE260]  }
0x22c: {  	[tilespmem:s23+$0xE200] =	vst v12;
	v12 =	vadd.f32 v23, v14;
	v21 =	vld [tilespmem:s23+$0xE270]  }
0x22d: {  	[tilespmem:s23+$0xE210] =	vst v13;
	v13 =	vadd.f32 v24, v15;
	v22 =	vld [tilespmem:s23+$0xE600]  }
.Ltmp1:
0x22e: {  	[tilespmem:s23+$0xE220] =	vst v12;
	v15 =	vadd.f32 v20, v16;
	v14 =	vld [tilespmem:s23+$0xE610];
	(pc) =	sbr.rel @p0 .LBB2_5-.Ltmp1, $4  }
0x22f: {  	[tilespmem:s23+$0xE230] =	vst v13;
	v16 =	vadd.f32 v18, v17;
	v12 =	vld [tilespmem:s23+$0xE620]  }
0x230: {  	[tilespmem:s23+$0xE240] =	vst v15;
	v10 =	vadd.f32 v19, v10;
	v13 =	vld [tilespmem:s23+$0xE630]  }
0x231: {  	[tilespmem:s23+$0xE250] =	vst v16;
	v15 =	vadd.f32 v21, v11;
	v11 =	vld [tilespmem:s23+$0xE640]  }
0x232: {  	s24 =	sadd.s32 $0x800, s24;
	s8 =	sadd.s32 $0x20, s8;
	[tilespmem:s23+$0xE260] =	vst v10;
	v10 =	vadd.f32 v22, v9;
	v9 =	vld [tilespmem:s23+$0xE650]  }
0x233: {  	[tilespmem:s23+$0xE270] =	vst v15;
	v8 =	vadd.f32 v14, v8;
	v14 =	vld [tilespmem:s23+$0xE660]  }
0x234: {  	[tilespmem:s23+$0xE600] =	vst v10;
	v7 =	vadd.f32 v12, v7;
	v10 =	vld [tilespmem:s23+$0xE670]  }
0x235: {  	[tilespmem:s23+$0xE610] =	vst v8;
	v6 =	vadd.f32 v13, v6  }
0x236: {  	[tilespmem:s23+$0xE620] =	vst v7;
	v5 =	vadd.f32 v11, v5  }
0x237: {  	[tilespmem:s23+$0xE630] =	vst v6;
	v4 =	vadd.f32 v9, v4  }
0x238: {  	[tilespmem:s23+$0xE640] =	vst v5;
	v3 =	vadd.f32 v14, v3  }
0x239: {  	[tilespmem:s23+$0xE650] =	vst v4;
	v2 =	vadd.f32 v10, v2  }
0x23a: {  	[tilespmem:s23+$0xE660] =	vst v3  }
0x23b: {  	s0 =	sadd.s32 s3, s2;
	s2 =	simm.s32 $0x0;
	s8 =	simm.s32 $0x8200;
	[tilespmem:s23+$0xE670] =	vst v2  }
0x23c: {  	[hbm4b:s0+s2] =	stream.linear.scatter [tilespmem:s8], [sflag:$0x8], $0x2000, $0x38;
	[tilespmem:$0x1E200] =	vst v63  }
0x23d: {  	s8 =	sadd.s32 s15, s29  }
0x23e: {  	s0 =	sshll.u32 s8, $0x7  }
0x23f: {  	s24 =	sadd.s32 s16, s29;
	s23 =	simm.s32 $0xA200;
	s0 =	sadd.s32 s3, s0  }
0x240: {  	[hbm4b:s0+s2] =	stream.linear.scatter [tilespmem:s23], [sflag:$0x8], $0x2000, $0x38;
	[tilespmem:$0x1E200] =	vst v63  }
0x241: {  	s0 =	sshll.u32 s24, $0x7  }
0x242: {  	s28 =	simm.s32 $0xC200;
	s8 =	sadd.s32 s17, s29;
	s0 =	sadd.s32 s3, s0  }
0x243: {  	[hbm4b:s0+s2] =	stream.linear.scatter [tilespmem:s28], [sflag:$0x8], $0x2000, $0x38;
	[tilespmem:$0x1E200] =	vst v63  }
0x244: {  	s0 =	sshll.u32 s8, $0x7  }
0x245: {  	s23 =	simm.s32 $0xE200;
	s0 =	sadd.s32 s3, s0  }
0x246: {  	[hbm4b:s0+s2] =	stream.linear.scatter [tilespmem:s23], [sflag:$0x8], $0x2000, $0x38;
	[tilespmem:$0x1E200] =	vst v63  }
0x247: {  	_ =	swait.ge [sflag:s18], $0x8000  }
0x248: {  	[sflag:s18] =	ssyncset.done $0x0  }
0x249: {  	[sflag:s18] =	ssyncadd.s32 $0xFFFF8000  }
0x24a: {  	v2 =	vld.msk [tilespmem:s22+$0x18], $0xff;
	_ =	sdelay $0x4  }
0x24b: {  	v3 =	vshll.u32 v2, $0x3  }
0x24c: {  	v2 =	vand.u32 $0x7, v2;
	v3 =	vand.u32 $0xFFFFFFC0, v3  }
0x24d: {  	v2 =	vor.u32 v2, v3  }
0x24e: {  	v2 =	vperm.xlane v2, v0;
	_ =	sdelay $0x1  }
0x24f: {  	v2 =	vadd.s32 v1, v2;
	_ =	sdelay $0x4  }
0x250: {  	[tilespmem:s25], [sflag:$0x1] =	stream.indirect_vreg.gather [hbm4b:s1+s2], $0x80, v2, vm0, $0xb8;
	[tilespmem:$0x1E200] =	vst v63  }
0x251: {  	s24 =	simm.s32 $0xA00;
	s0 =	sadd.s32 $0x18, s22  }
0x252: {  	[tilespmem:s24], [sflag:$0x1] =	stream.indirect_vreg.gather [hbm4b:s11+s2], $0x80, v2, vm0, $0xb8;
	[tilespmem:$0x1E200] =	vst v63  }
0x253: {  	s28 =	sand.u32 $0x180, s0;
	s25 =	simm.s32 $0x1200  }
0x254: {  	[tilespmem:s25], [sflag:$0x1] =	stream.indirect_vreg.gather [hbm4b:s12+s2], $0x80, v2, vm0, $0xb8;
	[tilespmem:$0x1E200] =	vst v63  }
0x255: {  	s23 =	simm.s32 $0x1A00;
	s8 =	sadd.s32 s0, s28  }
0x256: {  	[tilespmem:s23], [sflag:$0x1] =	stream.indirect_vreg.gather [hbm4b:s13+s2], $0x80, v2, vm0, $0xb8;
	[tilespmem:$0x1E200] =	vst v63  }
0x257: {  	v2 =	vld.msk [tilespmem:s8+$0x80], $0xff;
	_ =	sdelay $0x4  }
0x258: {  	v3 =	vshll.u32 v2, $0x3  }
0x259: {  	v2 =	vand.u32 $0x7, v2;
	v3 =	vand.u32 $0xFFFFFFC0, v3  }
0x25a: {  	v2 =	vor.u32 v2, v3  }
0x25b: {  	v2 =	vperm.xlane v2, v0;
	_ =	sdelay $0x1  }
0x25c: {  	v2 =	vadd.s32 v1, v2;
	_ =	sdelay $0x3  }
0x25d: {  	s25 =	simm.s32 $0x2200  }
0x25e: {  	[tilespmem:s25], [sflag:$0x1] =	stream.indirect_vreg.gather [hbm4b:s1+s2], $0x80, v2, vm0, $0xb8;
	[tilespmem:$0x1E200] =	vst v63  }
0x25f: {  	s24 =	simm.s32 $0x2A00  }
0x260: {  	[tilespmem:s24], [sflag:$0x1] =	stream.indirect_vreg.gather [hbm4b:s11+s2], $0x80, v2, vm0, $0xb8;
	[tilespmem:$0x1E200] =	vst v63  }
0x261: {  	s28 =	simm.s32 $0x3200  }
0x262: {  	[tilespmem:s28], [sflag:$0x1] =	stream.indirect_vreg.gather [hbm4b:s12+s2], $0x80, v2, vm0, $0xb8;
	[tilespmem:$0x1E200] =	vst v63  }
0x263: {  	s23 =	simm.s32 $0x3A00  }
0x264: {  	[tilespmem:s23], [sflag:$0x1] =	stream.indirect_vreg.gather [hbm4b:s13+s2], $0x80, v2, vm0, $0xb8;
	[tilespmem:$0x1E200] =	vst v63  }
0x265: {  	v2 =	vld.msk [tilespmem:s8+$0x100], $0xff;
	_ =	sdelay $0x4  }
0x266: {  	v3 =	vshll.u32 v2, $0x3  }
0x267: {  	v2 =	vand.u32 $0x7, v2;
	v3 =	vand.u32 $0xFFFFFFC0, v3  }
0x268: {  	v2 =	vor.u32 v2, v3  }
0x269: {  	v2 =	vperm.xlane v2, v0;
	_ =	sdelay $0x1  }
0x26a: {  	v2 =	vadd.s32 v1, v2;
	_ =	sdelay $0x3  }
0x26b: {  	s24 =	simm.s32 $0x4200  }
0x26c: {  	[tilespmem:s24], [sflag:$0x1] =	stream.indirect_vreg.gather [hbm4b:s1+s2], $0x80, v2, vm0, $0xb8;
	[tilespmem:$0x1E200] =	vst v63  }
0x26d: {  	s28 =	simm.s32 $0x4A00  }
0x26e: {  	[tilespmem:s28], [sflag:$0x1] =	stream.indirect_vreg.gather [hbm4b:s11+s2], $0x80, v2, vm0, $0xb8;
	[tilespmem:$0x1E200] =	vst v63  }
0x26f: {  	s23 =	simm.s32 $0x5200  }
0x270: {  	[tilespmem:s23], [sflag:$0x1] =	stream.indirect_vreg.gather [hbm4b:s12+s2], $0x80, v2, vm0, $0xb8;
	[tilespmem:$0x1E200] =	vst v63  }
0x271: {  	s24 =	simm.s32 $0x5A00  }
0x272: {  	[tilespmem:s24], [sflag:$0x1] =	stream.indirect_vreg.gather [hbm4b:s13+s2], $0x80, v2, vm0, $0xb8;
	[tilespmem:$0x1E200] =	vst v63  }
0x273: {  	v2 =	vld.msk [tilespmem:s8+$0x180], $0xff;
	_ =	sdelay $0x4  }
0x274: {  	v3 =	vshll.u32 v2, $0x3  }
0x275: {  	v2 =	vand.u32 $0x7, v2;
	v3 =	vand.u32 $0xFFFFFFC0, v3  }
0x276: {  	v2 =	vor.u32 v2, v3  }
0x277: {  	v2 =	vperm.xlane v2, v0;
	_ =	sdelay $0x1  }
0x278: {  	v2 =	vadd.s32 v1, v2;
	_ =	sdelay $0x4  }
0x279: {  	[tilespmem:s14], [sflag:$0x1] =	stream.indirect_vreg.gather [hbm4b:s1+s2], $0x80, v2, vm0, $0xb8;
	[tilespmem:$0x1E200] =	vst v63  }
0x27a: {  	s28 =	simm.s32 $0x6A00  }
0x27b: {  	[tilespmem:s28], [sflag:$0x1] =	stream.indirect_vreg.gather [hbm4b:s11+s2], $0x80, v2, vm0, $0xb8;
	[tilespmem:$0x1E200] =	vst v63  }
0x27c: {  	s0 =	sadd.s32 s5, s0;
	s22 =	simm.s32 $0x7200  }
0x27d: {  	[tilespmem:s22], [sflag:$0x1] =	stream.indirect_vreg.gather [hbm4b:s12+s2], $0x80, v2, vm0, $0xb8;
	[tilespmem:$0x1E200] =	vst v63  }
0x27e: {  	s0 =	sshll.u32 s0, $0x7;
	s23 =	simm.s32 $0x7A00  }
0x27f: {  	[tilespmem:s23], [sflag:$0x1] =	stream.indirect_vreg.gather [hbm4b:s13+s2], $0x80, v2, vm0, $0xb8;
	[tilespmem:$0x1E200] =	vst v63  }
0x280: {  	s0 =	sadd.s32 s6, s0;
	s24 =	simm.s32 $0x18200  }
0x281: {  	[tilespmem:s24], [sflag:$0x4] =	stream.linear.gather [hbm4b:s0+s2], $0x2000, $0x38;
	[tilespmem:$0x1E200] =	vst v63  }
0x282: {  	_ =	swait.ge [sflag:s19], $0x8000  }
0x283: {  	[sflag:s19] =	ssyncset.done $0x0  }
0x284: {  	[sflag:s19] =	ssyncadd.s32 $0xFFFF8000  }
0x285: {  	_ =	swait.ge [sflag:s20], $0x2000  }
0x286: {  	s28 =	sand.u32 $0x1800, s2;
	s2 =	sand.u32 $0x380, s2;
	[sflag:s20] =	ssyncset.done $0x0  }
0x287: {  	s22 =	sor.u32 s2, s28;
	[sflag:s20] =	ssyncadd.s32 $0xFFFFE000  }
0x288: {  	v10 =	vld [tilespmem:s22+$0x10630]  }
0x289: {  	v4 =	vld [tilespmem:s22+$0x10260]  }
0x28a: {  	v3 =	vld [tilespmem:s22+$0x10220]  }
0x28b: {  	v5 =	vld [tilespmem:s22+$0x10240]  }
0x28c: {  	v9 =	vld [tilespmem:s22+$0x10640]  }
0x28d: {  	v6 =	vld [tilespmem:s22+$0x10250]  }
0x28e: {  	v7 =	vld [tilespmem:s22+$0x16600]  }
0x28f: {  	v8 =	vld [tilespmem:s22+$0x10270]  }
0x290: {  	v11 =	vld [tilespmem:s22+$0x10650]  }
0x291: {  	v12 =	vld [tilespmem:s22+$0x10620]  }
0x292: {  	v17 =	vld [tilespmem:s22+$0x10610]  }
0x293: {  	v20 =	vld [tilespmem:s22+$0x14200]  }
0x294: {  	s2 =	sadd.s32 $0x10200, s22;
	v19 =	vld [tilespmem:s22+$0x10660]  }
0x295: {  	v21 =	vld [tilespmem:s2+$0x4060]  }
0x296: {  	v22 =	vld [tilespmem:s22+$0x16200]  }
0x297: {  	v23 =	vld [tilespmem:s2+$0x4070]  }
0x298: {  	v24 =	vld [tilespmem:s22+$0x10230]  }
0x299: {  	v25 =	vld [tilespmem:s22+$0x12600]  }
0x29a: {  	v26 =	vld [tilespmem:s2+$0x2050]  }
0x29b: {  	v27 =	vld [tilespmem:s22+$0x1C200]  }
0x29c: {  	v28 =	vld [tilespmem:s22+$0x14600]  }
0x29d: {  	v29 =	vld [tilespmem:s22+$0x12200]  }
0x29e: {  	v16 =	vld [tilespmem:s22+$0x1C670]  }
0x29f: {  	v18 =	vld [tilespmem:s22+$0x1C660]  }
0x2a0: {  	v2 =	vld [tilespmem:s22+$0x1C600]  }
0x2a1: {  	v15 =	vld [tilespmem:s22+$0x1C210]  }
0x2a2: {  	v14 =	vld [tilespmem:s22+$0x1C220]  }
0x2a3: {  	v30 =	vld [tilespmem:s22+$0x10670]  }
0x2a4: {  	v13 =	vld [tilespmem:s22+$0x1C230]  }
0x2a5: {  	s23 =	sadd.s32 $0x10600, s22;
	v31 =	vld [tilespmem:s22+$0x1C240]  }
0x2a6: {  	v32 =	vld [tilespmem:s23+$0x6050]  }
0x2a7: {  	v33 =	vld [tilespmem:s23+$0x2050]  }
0x2a8: {  	v47 =	vld [tilespmem:s22+$0x1C250]  }
0x2a9: {  	v34 =	vld [tilespmem:s23+$0x4040]  }
0x2aa: {  	v35 =	vld [tilespmem:s23+$0x2040]  }
0x2ab: {  	v36 =	vld [tilespmem:s2+$0x6050]  }
0x2ac: {  	v37 =	vld [tilespmem:s2+$0x2060]  }
0x2ad: {  	v38 =	vld [tilespmem:s2+$0x2070];
	v19 =	vadd.f32 v19, v18  }
0x2ae: {  	v48 =	vld [tilespmem:s2+$0x6040];
	v28 =	vadd.f32 v28, v2  }
0x2af: {  	v39 =	vld [tilespmem:s22+$0x1C650];
	v3 =	vadd.f32 v3, v14;
	[tilespmem:s22+$0x10660] =	vst v19  }
0x2b0: {  	v49 =	vld [tilespmem:s2+$0x4040];
	v7 =	vadd.f32 v7, v2;
	[tilespmem:s22+$0x14600] =	vst v28  }
0x2b1: {  	v40 =	vld [tilespmem:s22+$0x1C640];
	v5 =	vadd.f32 v5, v31;
	[tilespmem:s22+$0x10220] =	vst v3  }
0x2b2: {  	v50 =	vld [tilespmem:s22+$0x10210];
	v20 =	vadd.f32 v20, v27;
	[tilespmem:s22+$0x16600] =	vst v7  }
0x2b3: {  	v41 =	vld [tilespmem:s2+$0x4050];
	v29 =	vadd.f32 v29, v27;
	[tilespmem:s22+$0x10240] =	vst v5  }
0x2b4: {  	v51 =	vld [tilespmem:s23+$0x6040];
	v11 =	vadd.f32 v11, v39;
	[tilespmem:s22+$0x14200] =	vst v20  }
0x2b5: {  	v3 =	vadd.f32 v25, v2;
	v7 =	vld [tilespmem:s22+$0x1C260];
	[tilespmem:s22+$0x12200] =	vst v29  }
0x2b6: {  	v19 =	vadd.f32 v24, v13;
	v24 =	vld [tilespmem:s22+$0x1C270];
	[tilespmem:s22+$0x10650] =	vst v11  }
0x2b7: {  	v5 =	vadd.f32 v6, v47;
	v20 =	vld [tilespmem:s2+$0x2040];
	[tilespmem:s22+$0x12600] =	vst v3  }
0x2b8: {  	v6 =	vld [tilespmem:s22+$0x1C630];
	v29 =	vadd.f32 v50, v15;
	[tilespmem:s22+$0x10230] =	vst v19  }
0x2b9: {  	v53 =	vld [tilespmem:s23+$0x6030];
	v3 =	vadd.f32 v22, v27;
	[tilespmem:s22+$0x10250] =	vst v5  }
0x2ba: {  	v25 =	vld [tilespmem:s23+$0x4050];
	[tilespmem:s22+$0x10210] =	vst v29;
	v4 =	vadd.f32 v4, v7  }
0x2bb: {  	v19 =	vld [tilespmem:s22+$0x1C610];
	[tilespmem:s22+$0x16200] =	vst v3;
	v8 =	vadd.f32 v8, v24  }
0x2bc: {  	v55 =	vld [tilespmem:s2+$0x2030];
	v20 =	vadd.f32 v20, v31;
	[tilespmem:s22+$0x10260] =	vst v4  }
0x2bd: {  	v5 =	vld [tilespmem:s22+$0x10200];
	v21 =	vadd.f32 v21, v7;
	[tilespmem:s22+$0x10270] =	vst v8  }
0x2be: {  	v3 =	vld [tilespmem:s22+$0x1C620];
	v11 =	vadd.f32 v53, v6;
	[tilespmem:s2+$0x2040] =	vst v20  }
0x2bf: {  	v57 =	vld [tilespmem:s2+$0x4010];
	v4 =	vadd.f32 v30, v16;
	[tilespmem:s2+$0x4060] =	vst v21  }
0x2c0: {  	v62 =	vld [tilespmem:s23+$0x4010];
	v17 =	vadd.f32 v17, v19;
	[tilespmem:s23+$0x6030] =	vst v11  }
0x2c1: {  	v8 =	vld [tilespmem:s2+$0x6070];
	v21 =	vadd.f32 v41, v47;
	[tilespmem:s22+$0x10670] =	vst v4  }
0x2c2: {  	v22 =	vld [tilespmem:s2+$0x6060];
	v5 =	vadd.f32 v5, v27;
	[tilespmem:s22+$0x10610] =	vst v17  }
0x2c3: {  	v54 =	vld [tilespmem:s2+$0x6010];
	v4 =	vadd.f32 v48, v31;
	[tilespmem:s2+$0x4050] =	vst v21  }
0x2c4: {  	v20 =	vld [tilespmem:s23+$0x6060];
	v17 =	vadd.f32 v37, v7;
	[tilespmem:s22+$0x10200] =	vst v5  }
0x2c5: {  	v27 =	vld [tilespmem:s23+$0x6010];
	v12 =	vadd.f32 v12, v3;
	[tilespmem:s2+$0x6040] =	vst v4  }
0x2c6: {  	v21 =	vld [tilespmem:s23+$0x6020];
	[tilespmem:s2+$0x2060] =	vst v17;
	v8 =	vadd.f32 v8, v24  }
0x2c7: {  	v4 =	vadd.f32 v26, v47;
	v17 =	vld [tilespmem:s23+$0x2060];
	[tilespmem:s22+$0x10620] =	vst v12  }
0x2c8: {  	v5 =	vadd.f32 v22, v7;
	v22 =	vadd.f32 v9, v40;
	[tilespmem:s2+$0x6070] =	vst v8;
	v8 =	vld [tilespmem:s2+$0x2020]  }
0x2c9: {  	v12 =	vld [tilespmem:s23+$0x6070];
	[tilespmem:s2+$0x2050] =	vst v4;
	v4 =	vadd.f32 v23, v24  }
0x2ca: {  	v61 =	vadd.f32 v10, v6;
	[tilespmem:s22+$0x10640] =	vst v22;
	v22 =	vld [tilespmem:s23+$0x2030]  }
0x2cb: {  	v30 =	vadd.f32 v49, v31;
	v11 =	vadd.f32 v33, v39;
	[tilespmem:s2+$0x4070] =	vst v4;
	v4 =	vld [tilespmem:s23+$0x4070]  }
0x2cc: {  	[tilespmem:s22+$0x10630] =	vst v61;
	v7 =	vadd.f32 v38, v24;
	v28 =	vadd.f32 v54, v15;
	v26 =	vld [tilespmem:s23+$0x2070]  }
0x2cd: {  	[tilespmem:s2+$0x4040] =	vst v30;
	v9 =	vadd.f32 v35, v40;
	v52 =	vld [tilespmem:s2+$0x2010];
	v8 =	vadd.f32 v8, v14  }
0x2ce: {  	[tilespmem:s2+$0x6010] =	vst v28;
	v23 =	vld [tilespmem:s23+$0x4060];
	v21 =	vadd.f32 v21, v3;
	v17 =	vadd.f32 v17, v18  }
0x2cf: {  	v24 =	vld [tilespmem:s23+$0x2010];
	v12 =	vadd.f32 v12, v16;
	[tilespmem:s2+$0x2020] =	vst v8;
	v8 =	vadd.f32 v20, v18  }
0x2d0: {  	v10 =	vadd.f32 v22, v6;
	[tilespmem:s23+$0x2060] =	vst v17;
	v17 =	vadd.f32 v4, v16;
	v20 =	vld [tilespmem:s2+$0x6030]  }
0x2d1: {  	v63 =	vadd.f32 v26, v16;
	[tilespmem:s23+$0x6060] =	vst v8;
	v8 =	vadd.f32 v25, v39;
	v25 =	vld [tilespmem:s23+$0x2020]  }
0x2d2: {  	v22 =	vadd.f32 v52, v15;
	v26 =	vadd.f32 v57, v15;
	[tilespmem:s23+$0x4070] =	vst v17;
	v17 =	vld [tilespmem:s2+$0x6020]  }
0x2d3: {  	v60 =	vld [tilespmem:s2+$0x4030];
	v15 =	vadd.f32 v62, v19;
	[tilespmem:s23+$0x6070] =	vst v12;
	v12 =	vadd.f32 v34, v40  }
0x2d4: {  	v59 =	vld [tilespmem:s2+$0x4020];
	[tilespmem:s23+$0x6020] =	vst v21;
	v21 =	vadd.f32 v24, v19;
	v4 =	vadd.f32 v36, v47  }
0x2d5: {  	[tilespmem:s23+$0x2030] =	vst v10;
	v16 =	vadd.f32 v23, v18;
	v58 =	vadd.f32 v20, v13  }
0x2d6: {  	[tilespmem:s23+$0x2070] =	vst v63;
	v23 =	vadd.f32 v55, v13;
	v25 =	vadd.f32 v25, v3  }
0x2d7: {  	v10 =	vld [tilespmem:s23+$0x4030];
	v18 =	vadd.f32 v27, v19;
	v56 =	vadd.f32 v17, v14;
	[tilespmem:s2+$0x6030] =	vst v58  }
0x2d8: {  	v20 =	vadd.f32 v32, v39;
	v13 =	vadd.f32 v60, v13;
	[tilespmem:s23+$0x2020] =	vst v25;
	v25 =	vld [tilespmem:s22+$0x10600]  }
0x2d9: {  	s29 =	simm.s32 $0x800;
	s24 =	simm.s32 $0x20;
	v24 =	vld [tilespmem:s23+$0x4020];
	v17 =	vadd.f32 v51, v40;
	v14 =	vadd.f32 v59, v14;
	[tilespmem:s2+$0x6020] =	vst v56  }
.LBB2_7:
0x2da: {  	s8 =	smov.u32 s24  }
0x2db: {  	s0 =	sand.u32 $0x1800, s29;
	s28 =	sand.u32 $0x380, s24;
	[tilespmem:s2+$0x4010] =	vst v26;
	s8 =	sadd.s32 $0x20, s24  }
0x2dc: {  	p0 =	sne.s32 s24, $0x3E0;
	s0 =	sor.u32 s28, s0;
	v19 =	vadd.f32 v10, v6;
	[tilespmem:s2+$0x2030] =	vst v23  }
0x2dd: {  	v2 =	vadd.f32 v25, v2;
	v10 =	vld [tilespmem:s0+$0x10630];
	[tilespmem:s23+$0x4010] =	vst v15  }
0x2de: {  	v6 =	vld [tilespmem:s0+$0x10260];
	[tilespmem:s2+$0x2010] =	vst v22  }
0x2df: {  	v25 =	vld [tilespmem:s0+$0x10220];
	[tilespmem:s22+$0x10600] =	vst v2;
	s22 =	smov.u32 s0  }
0x2e0: {  	v26 =	vld [tilespmem:s22+$0x10240];
	[tilespmem:s23+$0x4060] =	vst v16  }
0x2e1: {  	v16 =	vld [tilespmem:s22+$0x10640];
	[tilespmem:s23+$0x6050] =	vst v20  }
0x2e2: {  	v27 =	vld [tilespmem:s22+$0x10250];
	[tilespmem:s23+$0x6010] =	vst v18  }
0x2e3: {  	v15 =	vld [tilespmem:s22+$0x16600];
	[tilespmem:s23+$0x2010] =	vst v21  }
0x2e4: {  	v23 =	vld [tilespmem:s22+$0x10270];
	[tilespmem:s23+$0x6040] =	vst v17  }
0x2e5: {  	v17 =	vld [tilespmem:s22+$0x10650];
	[tilespmem:s23+$0x4040] =	vst v12  }
0x2e6: {  	v2 =	vadd.f32 v24, v3;
	v12 =	vld [tilespmem:s22+$0x10620];
	[tilespmem:s2+$0x4020] =	vst v14  }
0x2e7: {  	v22 =	vld [tilespmem:s22+$0x10610];
	[tilespmem:s2+$0x4030] =	vst v13  }
0x2e8: {  	v3 =	vld [tilespmem:s22+$0x14200];
	[tilespmem:s23+$0x4020] =	vst v2  }
0x2e9: {  	s0 =	sadd.s32 $0x10200, s22;
	v24 =	vld [tilespmem:s22+$0x10660];
	[tilespmem:s23+$0x2050] =	vst v11  }
0x2ea: {  	v11 =	vld [tilespmem:s0+$0x4060];
	[tilespmem:s23+$0x2040] =	vst v9  }
0x2eb: {  	v9 =	vld [tilespmem:s22+$0x16200];
	[tilespmem:s23+$0x4050] =	vst v8  }
0x2ec: {  	v8 =	vld [tilespmem:s0+$0x4070];
	[tilespmem:s2+$0x2070] =	vst v7  }
0x2ed: {  	v7 =	vld [tilespmem:s22+$0x10230];
	[tilespmem:s2+$0x6050] =	vst v4  }
0x2ee: {  	v4 =	vld [tilespmem:s22+$0x12600];
	[tilespmem:s2+$0x6060] =	vst v5;
	s2 =	smov.u32 s0  }
0x2ef: {  	v5 =	vld [tilespmem:s2+$0x2050];
	[tilespmem:s23+$0x4030] =	vst v19  }
0x2f0: {  	v28 =	vld [tilespmem:s22+$0x1C200]  }
0x2f1: {  	s23 =	sadd.s32 $0x10600, s22;
	v13 =	vld [tilespmem:s22+$0x14600]  }
0x2f2: {  	v14 =	vld [tilespmem:s22+$0x12200]  }
0x2f3: {  	v18 =	vld [tilespmem:s22+$0x1C670]  }
0x2f4: {  	v2 =	vld [tilespmem:s22+$0x1C600]  }
0x2f5: {  	v20 =	vld [tilespmem:s23+$0x6050]  }
0x2f6: {  	v29 =	vld [tilespmem:s23+$0x2050]  }
0x2f7: {  	v30 =	vld [tilespmem:s23+$0x4040]  }
0x2f8: {  	v31 =	vld [tilespmem:s23+$0x2040]  }
0x2f9: {  	v4 =	vadd.f32 v4, v2;
	v32 =	vld [tilespmem:s23+$0x4050];
	v19 =	vadd.f32 v15, v2  }
0x2fa: {  	v33 =	vadd.f32 v13, v2;
	v34 =	vld [tilespmem:s2+$0x6050]  }
0x2fb: {  	v13 =	vld [tilespmem:s22+$0x1C210]  }
0x2fc: {  	v15 =	vld [tilespmem:s22+$0x10670]  }
0x2fd: {  	v21 =	vld [tilespmem:s22+$0x1C660]  }
0x2fe: {  	v9 =	vadd.f32 v9, v28;
	v35 =	vadd.f32 v14, v28;
	v36 =	vld [tilespmem:s2+$0x6060]  }
0x2ff: {  	v37 =	vadd.f32 v3, v28;
	v14 =	vld [tilespmem:s22+$0x1C220]  }
0x300: {  	v38 =	vld [tilespmem:s2+$0x2060]  }
0x301: {  	v39 =	vadd.f32 v15, v18;
	v40 =	vld [tilespmem:s2+$0x2070]  }
0x302: {  	v15 =	vld [tilespmem:s22+$0x1C230];
	v3 =	vadd.f32 v24, v21  }
0x303: {  	v24 =	vld [tilespmem:s2+$0x4050]  }
0x304: {  	v41 =	vld [tilespmem:s22+$0x1C240];
	v25 =	vadd.f32 v25, v14;
	[tilespmem:s22+$0x10660] =	vst v3  }
0x305: {  	v3 =	vld [tilespmem:s2+$0x2040];
	[tilespmem:s22+$0x14600] =	vst v33  }
0x306: {  	v33 =	vld [tilespmem:s22+$0x1C250];
	[tilespmem:s22+$0x10220] =	vst v25  }
0x307: {  	v7 =	vadd.f32 v7, v15;
	v25 =	vld [tilespmem:s2+$0x6070];
	[tilespmem:s22+$0x16600] =	vst v19  }
0x308: {  	v42 =	vld [tilespmem:s22+$0x1C260];
	[tilespmem:s22+$0x12600] =	vst v4  }
0x309: {  	v43 =	vld [tilespmem:s22+$0x1C270];
	[tilespmem:s22+$0x10230] =	vst v7;
	v4 =	vadd.f32 v26, v41  }
0x30a: {  	v19 =	vld [tilespmem:s22+$0x1C610];
	v26 =	vadd.f32 v3, v41;
	[tilespmem:s22+$0x16200] =	vst v9  }
0x30b: {  	v3 =	vld [tilespmem:s22+$0x1C620];
	[tilespmem:s22+$0x10240] =	vst v4;
	v9 =	vadd.f32 v5, v33;
	v24 =	vadd.f32 v24, v33  }
0x30c: {  	v7 =	vadd.f32 v27, v33;
	v4 =	vadd.f32 v34, v33;
	[tilespmem:s22+$0x14200] =	vst v37;
	v27 =	vld [tilespmem:s2+$0x6040]  }
0x30d: {  	v33 =	vld [tilespmem:s22+$0x10200];
	v34 =	vadd.f32 v6, v42;
	[tilespmem:s22+$0x12200] =	vst v35;
	v5 =	vadd.f32 v36, v42  }
0x30e: {  	[tilespmem:s22+$0x10250] =	vst v7;
	v7 =	vadd.f32 v23, v43;
	v23 =	vld [tilespmem:s2+$0x4040];
	v25 =	vadd.f32 v25, v43  }
0x30f: {  	v35 =	vadd.f32 v8, v43;
	v6 =	vld [tilespmem:s22+$0x1C630];
	[tilespmem:s22+$0x10260] =	vst v34;
	v34 =	vadd.f32 v11, v42  }
0x310: {  	v36 =	vld [tilespmem:s22+$0x1C650];
	[tilespmem:s22+$0x10270] =	vst v7;
	v7 =	vadd.f32 v22, v19;
	v22 =	vadd.f32 v12, v3  }
0x311: {  	v37 =	vld [tilespmem:s22+$0x1C640];
	[tilespmem:s22+$0x10670] =	vst v39;
	v8 =	vadd.f32 v27, v41  }
0x312: {  	v12 =	vadd.f32 v38, v42;
	v11 =	vld [tilespmem:s22+$0x10210];
	[tilespmem:s22+$0x10610] =	vst v7;
	v7 =	vadd.f32 v40, v43  }
0x313: {  	v23 =	vadd.f32 v23, v41;
	[tilespmem:s2+$0x6040] =	vst v8;
	v27 =	vld [tilespmem:s23+$0x6040]  }
0x314: {  	v28 =	vadd.f32 v33, v28;
	[tilespmem:s2+$0x2060] =	vst v12;
	v33 =	vld [tilespmem:s23+$0x2060]  }
0x315: {  	v38 =	vadd.f32 v17, v36;
	v39 =	vld [tilespmem:s23+$0x2070];
	[tilespmem:s2+$0x4040] =	vst v23;
	v8 =	vadd.f32 v32, v36  }
0x316: {  	[tilespmem:s2+$0x2050] =	vst v9;
	v9 =	vadd.f32 v31, v37;
	v12 =	vadd.f32 v30, v37;
	v23 =	vld [tilespmem:s23+$0x4060]  }
0x317: {  	v31 =	vadd.f32 v16, v37;
	v30 =	vadd.f32 v11, v13;
	v32 =	vld [tilespmem:s2+$0x2010];
	[tilespmem:s2+$0x6070] =	vst v25  }
0x318: {  	v11 =	vadd.f32 v29, v36;
	v25 =	vld [tilespmem:s2+$0x2020];
	[tilespmem:s2+$0x2040] =	vst v26;
	v17 =	vadd.f32 v27, v37  }
0x319: {  	v20 =	vadd.f32 v20, v36;
	v26 =	vadd.f32 v33, v21;
	[tilespmem:s2+$0x4070] =	vst v35;
	v27 =	vld [tilespmem:s23+$0x4070]  }
0x31a: {  	v29 =	vadd.f32 v10, v6;
	[tilespmem:s2+$0x4060] =	vst v34;
	v10 =	vld [tilespmem:s23+$0x6060]  }
0x31b: {  	v33 =	vadd.f32 v39, v18;
	[tilespmem:s22+$0x10620] =	vst v22;
	v16 =	vadd.f32 v23, v21;
	v23 =	vld [tilespmem:s23+$0x6070]  }
0x31c: {  	v22 =	vadd.f32 v32, v13;
	[tilespmem:s23+$0x2060] =	vst v26;
	v26 =	vld [tilespmem:s23+$0x6010]  }
0x31d: {  	v25 =	vadd.f32 v25, v14;
	[tilespmem:s2+$0x4050] =	vst v24;
	v24 =	vld [tilespmem:s23+$0x6020]  }
0x31e: {  	[tilespmem:s22+$0x10200] =	vst v28;
	v27 =	vadd.f32 v27, v18;
	v28 =	vld [tilespmem:s23+$0x6030]  }
0x31f: {  	[tilespmem:s2+$0x2020] =	vst v25;
	v25 =	vld [tilespmem:s2+$0x6010];
	v10 =	vadd.f32 v10, v21  }
0x320: {  	[tilespmem:s23+$0x4070] =	vst v27;
	v21 =	vld [tilespmem:s2+$0x6020];
	v23 =	vadd.f32 v23, v18  }
0x321: {  	v27 =	vld [tilespmem:s2+$0x6030];
	v18 =	vadd.f32 v26, v19;
	[tilespmem:s23+$0x6060] =	vst v10  }
0x322: {  	v10 =	vld [tilespmem:s23+$0x2010];
	v24 =	vadd.f32 v24, v3;
	[tilespmem:s23+$0x6070] =	vst v23  }
0x323: {  	[tilespmem:s22+$0x10650] =	vst v38;
	v23 =	vld [tilespmem:s23+$0x2020];
	v26 =	vadd.f32 v28, v6  }
0x324: {  	[tilespmem:s22+$0x10640] =	vst v31;
	v28 =	vld [tilespmem:s23+$0x2030];
	v25 =	vadd.f32 v25, v13  }
0x325: {  	v31 =	vld [tilespmem:s2+$0x2030];
	v32 =	vadd.f32 v21, v14;
	[tilespmem:s23+$0x6030] =	vst v26  }
0x326: {  	v26 =	vld [tilespmem:s2+$0x4010];
	[tilespmem:s2+$0x6010] =	vst v25;
	v25 =	vadd.f32 v27, v15  }
0x327: {  	v21 =	vadd.f32 v10, v19;
	v27 =	vld [tilespmem:s2+$0x4020];
	[tilespmem:s2+$0x6020] =	vst v32  }
0x328: {  	v10 =	vadd.f32 v23, v3;
	v32 =	vld [tilespmem:s2+$0x4030];
	[tilespmem:s2+$0x6030] =	vst v25  }
0x329: {  	v25 =	vadd.f32 v28, v6;
	v28 =	vld [tilespmem:s23+$0x4010];
	[tilespmem:s23+$0x6020] =	vst v24  }
.Ltmp2:
0x32a: {  	v23 =	vadd.f32 v31, v15;
	[tilespmem:s23+$0x2020] =	vst v10;
	v24 =	vld [tilespmem:s23+$0x4020];
	(pc) =	sbr.rel @p0 .LBB2_7-.Ltmp2, $4  }
0x32b: {  	[tilespmem:s23+$0x2030] =	vst v25;
	v26 =	vadd.f32 v26, v13;
	v10 =	vld [tilespmem:s23+$0x4030]  }
0x32c: {  	[tilespmem:s22+$0x10210] =	vst v30;
	v25 =	vld [tilespmem:s22+$0x10600];
	v14 =	vadd.f32 v27, v14  }
0x32d: {  	[tilespmem:s23+$0x2070] =	vst v33;
	v13 =	vadd.f32 v32, v15  }
0x32e: {  	s29 =	sadd.s32 $0x800, s29;
	s24 =	smov.u32 s8;
	[tilespmem:s22+$0x10630] =	vst v29;
	v15 =	vadd.f32 v28, v19  }
0x32f: {  	[tilespmem:s2+$0x4010] =	vst v26  }
0x330: {  	[tilespmem:s2+$0x2030] =	vst v23  }
0x331: {  	[tilespmem:s2+$0x2010] =	vst v22  }
0x332: {  	[tilespmem:s23+$0x4060] =	vst v16  }
0x333: {  	[tilespmem:s23+$0x6050] =	vst v20  }
0x334: {  	[tilespmem:s23+$0x6010] =	vst v18  }
0x335: {  	[tilespmem:s23+$0x2010] =	vst v21  }
0x336: {  	[tilespmem:s23+$0x6040] =	vst v17  }
0x337: {  	[tilespmem:s23+$0x4040] =	vst v12  }
0x338: {  	[tilespmem:s2+$0x4020] =	vst v14  }
0x339: {  	[tilespmem:s2+$0x4030] =	vst v13  }
0x33a: {  	[tilespmem:s23+$0x2050] =	vst v11  }
0x33b: {  	[tilespmem:s23+$0x2040] =	vst v9  }
0x33c: {  	[tilespmem:s23+$0x4050] =	vst v8  }
0x33d: {  	[tilespmem:s2+$0x2070] =	vst v7;
	v2 =	vadd.f32 v25, v2  }
0x33e: {  	[tilespmem:s2+$0x6050] =	vst v4  }
0x33f: {  	[tilespmem:s22+$0x10600] =	vst v2;
	v2 =	vadd.f32 v24, v3  }
0x340: {  	[tilespmem:s2+$0x6060] =	vst v5  }
0x341: {  	[tilespmem:s23+$0x4020] =	vst v2;
	v2 =	vadd.f32 v10, v6  }
0x342: {  	[tilespmem:s23+$0x4010] =	vst v15  }
0x343: {  	s0 =	sadd.s32 s3, s30;
	s30 =	simm.s32 $0x10200;
	s8 =	sadd.s32 s15, s7;
	[tilespmem:s23+$0x4030] =	vst v2  }
0x344: {  	[hbm4b:s0+s4] =	stream.linear.scatter [tilespmem:s30], [sflag:$0x9], $0x2000, $0x38;
	[tilespmem:$0x1E200] =	vst v63  }
0x345: {  	s21 =	sadd.s32 $0x1, s21;
	s0 =	sshll.u32 s8, $0x7  }
0x346: {  	s22 =	simm.s32 $0x12200;
	s23 =	sadd.s32 s16, s7;
	s0 =	sadd.s32 s3, s0  }
0x347: {  	[hbm4b:s0+s4] =	stream.linear.scatter [tilespmem:s22], [sflag:$0x9], $0x2000, $0x38;
	[tilespmem:$0x1E200] =	vst v63  }
0x348: {  	s24 =	simm.s32 $0x14200;
	p0 =	sne.s32 s21, $0x5;
	s0 =	sshll.u32 s23, $0x7  }
.Ltmp3:
0x349: {  	s29 =	sadd.s32 s17, s7;
	s0 =	sadd.s32 s3, s0;
	(pc) =	sbr.rel @p0 .LBB2_2-.Ltmp3, $4  }
0x34a: {  	[hbm4b:s0+s4] =	stream.linear.scatter [tilespmem:s24], [sflag:$0x9], $0x2000, $0x38;
	[tilespmem:$0x1E200] =	vst v63  }
0x34b: {  	s0 =	sshll.u32 s29, $0x7  }
0x34c: {  	s28 =	simm.s32 $0x200;
	s30 =	simm.s32 $0x16200;
	s0 =	sadd.s32 s3, s0  }
0x34d: {  	[hbm4b:s0+s4] =	stream.linear.scatter [tilespmem:s30], [sflag:$0x9], $0x2000, $0x38;
	[tilespmem:$0x1E200] =	vst v63  }
0x34e: {  	s0 =	simm.s32 $0x8  }
0x34f: {  	_ =	swait.ge [sflag:s0], $0x8000  }
0x350: {  	[sflag:s0] =	ssyncset.done $0x0  }
0x351: {  	[sflag:s0] =	ssyncadd.s32 $0xFFFF8000  }
0x352: {  	_ =	swait.ge [sflag:s31], $0x8000  }
0x353: {  	[sflag:s31] =	ssyncset.done $0x0  }
0x354: {  	[sflag:s31] =	ssyncadd.s32 $0xFFFF8000  }
0x355: {  	s30 =	simm.s32 $0x0;
	_ =	swait.ge [sflag:s26], $0x2000  }
0x356: {  	s2 =	sand.u32 $0x1800, s30;
	s0 =	sand.u32 $0x380, s30;
	[sflag:s26] =	ssyncset.done $0x0  }
0x357: {  	s2 =	sor.u32 s0, s2;
	[sflag:s26] =	ssyncadd.s32 $0xFFFFE000  }
0x358: {  	v17 =	vld [tilespmem:s2+$0x18200]  }
0x359: {  	v16 =	vld [tilespmem:s2+$0x18210]  }
0x35a: {  	v15 =	vld [tilespmem:s2+$0x18220]  }
0x35b: {  	v14 =	vld [tilespmem:s2+$0x18230]  }
0x35c: {  	v13 =	vld [tilespmem:s2+$0x18240]  }
0x35d: {  	v12 =	vld [tilespmem:s2+$0x18250]  }
0x35e: {  	v11 =	vld [tilespmem:s2+$0x18260]  }
0x35f: {  	v10 =	vld [tilespmem:s2+$0x18270]  }
0x360: {  	v9 =	vld [tilespmem:s2+$0x18600]  }
0x361: {  	v8 =	vld [tilespmem:s2+$0x18610]  }
0x362: {  	v7 =	vld [tilespmem:s2+$0x18620]  }
0x363: {  	v6 =	vld [tilespmem:s2+$0x18630]  }
0x364: {  	v5 =	vld [tilespmem:s2+$0x18640]  }
0x365: {  	v2 =	vld [tilespmem:s2+$0x200]  }
0x366: {  	v18 =	vld [tilespmem:s2+$0x210]  }
0x367: {  	v4 =	vld [tilespmem:s2+$0x18650]  }
0x368: {  	v19 =	vld [tilespmem:s2+$0x220]  }
0x369: {  	v3 =	vld [tilespmem:s2+$0x18660]  }
0x36a: {  	v20 =	vld [tilespmem:s2+$0x230]  }
0x36b: {  	v22 =	vld [tilespmem:s2+$0x240]  }
0x36c: {  	v50 =	vld [tilespmem:s2+$0x250]  }
0x36d: {  	v23 =	vld [tilespmem:s2+$0x260];
	v21 =	vadd.f32 v2, v17  }
0x36e: {  	v24 =	vld [tilespmem:s2+$0x270];
	v18 =	vadd.f32 v18, v16  }
0x36f: {  	v53 =	vld [tilespmem:s2+$0x620];
	v19 =	vadd.f32 v19, v15;
	[tilespmem:s2+$0x200] =	vst v21  }
0x370: {  	v54 =	vld [tilespmem:s2+$0x630];
	v20 =	vadd.f32 v20, v14;
	[tilespmem:s2+$0x210] =	vst v18  }
0x371: {  	v55 =	vld [tilespmem:s2+$0x640];
	v22 =	vadd.f32 v22, v13;
	[tilespmem:s2+$0x220] =	vst v19  }
0x372: {  	v56 =	vld [tilespmem:s2+$0x650];
	v23 =	vadd.f32 v23, v11;
	[tilespmem:s2+$0x230] =	vst v20  }
0x373: {  	v57 =	vld [tilespmem:s2+$0x660];
	v24 =	vadd.f32 v24, v10;
	[tilespmem:s2+$0x240] =	vst v22  }
0x374: {  	v61 =	vld [tilespmem:s2+$0x2200];
	v58 =	vadd.f32 v53, v7;
	[tilespmem:s2+$0x260] =	vst v23  }
0x375: {  	v63 =	vld [tilespmem:s2+$0x2210];
	v60 =	vadd.f32 v54, v6;
	[tilespmem:s2+$0x270] =	vst v24  }
0x376: {  	v29 =	vld [tilespmem:s2+$0x2220];
	v62 =	vadd.f32 v55, v5;
	[tilespmem:s2+$0x620] =	vst v58  }
0x377: {  	v31 =	vld [tilespmem:s2+$0x2230];
	v28 =	vadd.f32 v56, v4;
	[tilespmem:s2+$0x630] =	vst v60  }
0x378: {  	v33 =	vld [tilespmem:s2+$0x2240];
	v30 =	vadd.f32 v57, v3;
	[tilespmem:s2+$0x640] =	vst v62  }
0x379: {  	v35 =	vld [tilespmem:s2+$0x2250];
	v34 =	vadd.f32 v61, v17;
	[tilespmem:s2+$0x650] =	vst v28  }
0x37a: {  	v37 =	vld [tilespmem:s2+$0x2260];
	v36 =	vadd.f32 v63, v16;
	[tilespmem:s2+$0x660] =	vst v30  }
0x37b: {  	v39 =	vld [tilespmem:s2+$0x2270];
	v38 =	vadd.f32 v29, v15;
	[tilespmem:s2+$0x2200] =	vst v34  }
0x37c: {  	v45 =	vld [tilespmem:s2+$0x2620];
	v40 =	vadd.f32 v31, v14;
	[tilespmem:s2+$0x2210] =	vst v36  }
0x37d: {  	v47 =	vld [tilespmem:s2+$0x2630];
	v42 =	vadd.f32 v33, v13;
	[tilespmem:s2+$0x2220] =	vst v38  }
0x37e: {  	v51 =	vld [tilespmem:s2+$0x600];
	v44 =	vadd.f32 v35, v12;
	[tilespmem:s2+$0x2230] =	vst v40  }
0x37f: {  	v52 =	vld [tilespmem:s2+$0x610];
	v46 =	vadd.f32 v37, v11;
	[tilespmem:s2+$0x2240] =	vst v42  }
0x380: {  	v59 =	vld [tilespmem:s2+$0x670];
	v48 =	vadd.f32 v39, v10;
	[tilespmem:s2+$0x2250] =	vst v44  }
0x381: {  	v41 =	vld [tilespmem:s2+$0x2600];
	v54 =	vadd.f32 v45, v7;
	[tilespmem:s2+$0x2260] =	vst v46  }
0x382: {  	v43 =	vld [tilespmem:s2+$0x2610];
	v56 =	vadd.f32 v47, v6;
	[tilespmem:s2+$0x2270] =	vst v48  }
0x383: {  	v49 =	vld [tilespmem:s2+$0x2640];
	v21 =	vadd.f32 v50, v12;
	[tilespmem:s2+$0x2620] =	vst v54  }
0x384: {  	v2 =	vld [tilespmem:s2+$0x18670];
	v18 =	vadd.f32 v51, v9;
	[tilespmem:s2+$0x2630] =	vst v56  }
0x385: {  	v53 =	vld [tilespmem:s2+$0x2660];
	v19 =	vadd.f32 v52, v8;
	[tilespmem:s2+$0x250] =	vst v21  }
0x386: {  	v55 =	vld [tilespmem:s2+$0x2670];
	v50 =	vadd.f32 v41, v9;
	[tilespmem:s2+$0x600] =	vst v18  }
0x387: {  	v57 =	vld [tilespmem:s2+$0x4200];
	v52 =	vadd.f32 v43, v8;
	[tilespmem:s2+$0x610] =	vst v19  }
0x388: {  	v61 =	vld [tilespmem:s2+$0x4220];
	v58 =	vadd.f32 v49, v5;
	[tilespmem:s2+$0x2600] =	vst v50  }
0x389: {  	v63 =	vld [tilespmem:s2+$0x4230];
	[tilespmem:s2+$0x2610] =	vst v52;
	v32 =	vadd.f32 v59, v2  }
0x38a: {  	v51 =	vld [tilespmem:s2+$0x2650];
	[tilespmem:s2+$0x2640] =	vst v58;
	v62 =	vadd.f32 v53, v3  }
0x38b: {  	v28 =	vld [tilespmem:s2+$0x4240];
	v27 =	vadd.f32 v55, v2;
	[tilespmem:s2+$0x670] =	vst v32  }
0x38c: {  	v30 =	vld [tilespmem:s2+$0x4250];
	v29 =	vadd.f32 v57, v17;
	[tilespmem:s2+$0x2660] =	vst v62  }
0x38d: {  	v34 =	vld [tilespmem:s2+$0x4270];
	v33 =	vadd.f32 v61, v15;
	[tilespmem:s2+$0x2670] =	vst v27  }
0x38e: {  	v36 =	vld [tilespmem:s2+$0x4600];
	v35 =	vadd.f32 v63, v14;
	[tilespmem:s2+$0x4200] =	vst v29  }
0x38f: {  	v38 =	vld [tilespmem:s2+$0x4610];
	v60 =	vadd.f32 v51, v4;
	[tilespmem:s2+$0x4220] =	vst v33  }
0x390: {  	v40 =	vld [tilespmem:s2+$0x4620];
	v37 =	vadd.f32 v28, v13;
	[tilespmem:s2+$0x4230] =	vst v35  }
0x391: {  	v42 =	vld [tilespmem:s2+$0x4630];
	v39 =	vadd.f32 v30, v12;
	[tilespmem:s2+$0x2650] =	vst v60  }
0x392: {  	v44 =	vld [tilespmem:s2+$0x4640];
	v43 =	vadd.f32 v34, v10;
	[tilespmem:s2+$0x4240] =	vst v37  }
0x393: {  	v46 =	vld [tilespmem:s2+$0x4650];
	v45 =	vadd.f32 v36, v9;
	[tilespmem:s2+$0x4250] =	vst v39  }
0x394: {  	v48 =	vld [tilespmem:s2+$0x4660];
	v47 =	vadd.f32 v38, v8;
	[tilespmem:s2+$0x4270] =	vst v43  }
0x395: {  	v56 =	vld [tilespmem:s2+$0x6220];
	v49 =	vadd.f32 v40, v7;
	[tilespmem:s2+$0x4600] =	vst v45  }
0x396: {  	v52 =	vld [tilespmem:s2+$0x6200];
	v51 =	vadd.f32 v42, v6;
	[tilespmem:s2+$0x4610] =	vst v47  }
0x397: {  	v59 =	vld [tilespmem:s2+$0x4210];
	v53 =	vadd.f32 v44, v5;
	[tilespmem:s2+$0x4620] =	vst v49  }
0x398: {  	v50 =	vld [tilespmem:s2+$0x4670];
	v55 =	vadd.f32 v46, v4;
	[tilespmem:s2+$0x4630] =	vst v51  }
0x399: {  	v54 =	vld [tilespmem:s2+$0x6210];
	v57 =	vadd.f32 v48, v3;
	[tilespmem:s2+$0x4640] =	vst v53  }
0x39a: {  	v61 =	vld [tilespmem:s2+$0x6250];
	v15 =	vadd.f32 v56, v15;
	[tilespmem:s2+$0x4650] =	vst v55  }
0x39b: {  	v58 =	vld [tilespmem:s2+$0x6230];
	[tilespmem:s2+$0x4660] =	vst v57;
	v17 =	vadd.f32 v52, v17  }
0x39c: {  	v60 =	vld [tilespmem:s2+$0x6240];
	[tilespmem:s2+$0x6220] =	vst v15;
	v31 =	vadd.f32 v59, v16  }
0x39d: {  	v32 =	vld [tilespmem:s2+$0x4260];
	v59 =	vadd.f32 v50, v2;
	[tilespmem:s2+$0x6200] =	vst v17  }
0x39e: {  	v62 =	vld [tilespmem:s2+$0x6260];
	v16 =	vadd.f32 v54, v16;
	[tilespmem:s2+$0x4210] =	vst v31  }
0x39f: {  	v15 =	vadd.f32 v61, v12;
	v17 =	vld [tilespmem:s2+$0x6270];
	[tilespmem:s2+$0x4670] =	vst v59  }
0x3a0: {  	v63 =	vld [tilespmem:s2+$0x6600];
	[tilespmem:s2+$0x6210] =	vst v16;
	v16 =	vadd.f32 v58, v14  }
0x3a1: {  	v14 =	vld [tilespmem:s2+$0x6610];
	[tilespmem:s2+$0x6250] =	vst v15;
	v13 =	vadd.f32 v60, v13  }
0x3a2: {  	v12 =	vld [tilespmem:s2+$0x6620];
	v41 =	vadd.f32 v32, v11;
	[tilespmem:s2+$0x6230] =	vst v16  }
0x3a3: {  	v16 =	vadd.f32 v62, v11;
	[tilespmem:s2+$0x6240] =	vst v13;
	v13 =	vld [tilespmem:s2+$0x6630]  }
0x3a4: {  	[tilespmem:s2+$0x4260] =	vst v41;
	v11 =	vld [tilespmem:s2+$0x6640];
	v15 =	vadd.f32 v17, v10  }
0x3a5: {  	s7 =	simm.s32 $0x800;
	s8 =	simm.s32 $0x20;
	[tilespmem:s2+$0x6260] =	vst v16;
	v10 =	vadd.f32 v63, v9;
	v9 =	vld [tilespmem:s2+$0x6650]  }
.LBB2_10:
0x3a6: {  	s0 =	sand.u32 $0x1800, s7;
	s21 =	sand.u32 $0x380, s8;
	p0 =	sne.s32 s8, $0x3E0;
	[tilespmem:s2+$0x6270] =	vst v15;
	v8 =	vadd.f32 v14, v8;
	v16 =	vld [tilespmem:s2+$0x6660]  }
0x3a7: {  	s0 =	sor.u32 s21, s0;
	[tilespmem:s2+$0x6600] =	vst v10;
	v7 =	vadd.f32 v12, v7;
	v10 =	vld [tilespmem:s2+$0x6670]  }
0x3a8: {  	v12 =	vld [tilespmem:s0+$0x18200];
	[tilespmem:s2+$0x6610] =	vst v8;
	v6 =	vadd.f32 v13, v6  }
0x3a9: {  	v13 =	vld [tilespmem:s0+$0x18210];
	[tilespmem:s2+$0x6620] =	vst v7;
	v5 =	vadd.f32 v11, v5  }
0x3aa: {  	v14 =	vld [tilespmem:s0+$0x18220];
	[tilespmem:s2+$0x6630] =	vst v6;
	v4 =	vadd.f32 v9, v4  }
0x3ab: {  	v15 =	vld [tilespmem:s0+$0x18230];
	[tilespmem:s2+$0x6640] =	vst v5;
	v3 =	vadd.f32 v16, v3  }
0x3ac: {  	v16 =	vld [tilespmem:s0+$0x18240];
	[tilespmem:s2+$0x6650] =	vst v4;
	v2 =	vadd.f32 v10, v2  }
0x3ad: {  	v17 =	vld [tilespmem:s0+$0x18250];
	[tilespmem:s2+$0x6660] =	vst v3  }
0x3ae: {  	v10 =	vld [tilespmem:s0+$0x18260];
	[tilespmem:s2+$0x6670] =	vst v2;
	s2 =	smov.u32 s0  }
0x3af: {  	v11 =	vld [tilespmem:s2+$0x18270]  }
0x3b0: {  	v9 =	vld [tilespmem:s2+$0x18600]  }
0x3b1: {  	v8 =	vld [tilespmem:s2+$0x18610]  }
0x3b2: {  	v7 =	vld [tilespmem:s2+$0x18620]  }
0x3b3: {  	v6 =	vld [tilespmem:s2+$0x18630]  }
0x3b4: {  	v5 =	vld [tilespmem:s2+$0x18640]  }
0x3b5: {  	v4 =	vld [tilespmem:s2+$0x18650]  }
0x3b6: {  	v3 =	vld [tilespmem:s2+$0x18660]  }
0x3b7: {  	v2 =	vld [tilespmem:s2+$0x18670]  }
0x3b8: {  	v18 =	vld [tilespmem:s2+$0x200]  }
0x3b9: {  	v19 =	vld [tilespmem:s2+$0x210]  }
0x3ba: {  	v20 =	vld [tilespmem:s2+$0x220]  }
0x3bb: {  	v21 =	vld [tilespmem:s2+$0x230]  }
0x3bc: {  	v22 =	vld [tilespmem:s2+$0x240]  }
0x3bd: {  	v18 =	vadd.f32 v18, v12;
	v23 =	vld [tilespmem:s2+$0x250]  }
0x3be: {  	v19 =	vadd.f32 v19, v13;
	v24 =	vld [tilespmem:s2+$0x260]  }
0x3bf: {  	[tilespmem:s2+$0x200] =	vst v18;
	v18 =	vadd.f32 v20, v14;
	v20 =	vld [tilespmem:s2+$0x270]  }
0x3c0: {  	[tilespmem:s2+$0x210] =	vst v19;
	v19 =	vadd.f32 v21, v15;
	v21 =	vld [tilespmem:s2+$0x600]  }
0x3c1: {  	[tilespmem:s2+$0x220] =	vst v18;
	v18 =	vadd.f32 v22, v16;
	v22 =	vld [tilespmem:s2+$0x610]  }
0x3c2: {  	[tilespmem:s2+$0x230] =	vst v19;
	v19 =	vadd.f32 v23, v17;
	v23 =	vld [tilespmem:s2+$0x620]  }
0x3c3: {  	[tilespmem:s2+$0x240] =	vst v18;
	v18 =	vadd.f32 v24, v10;
	v24 =	vld [tilespmem:s2+$0x630]  }
0x3c4: {  	[tilespmem:s2+$0x250] =	vst v19;
	v19 =	vadd.f32 v20, v11;
	v20 =	vld [tilespmem:s2+$0x640]  }
0x3c5: {  	[tilespmem:s2+$0x260] =	vst v18;
	v18 =	vadd.f32 v21, v9;
	v21 =	vld [tilespmem:s2+$0x650]  }
0x3c6: {  	[tilespmem:s2+$0x270] =	vst v19;
	v19 =	vadd.f32 v22, v8;
	v22 =	vld [tilespmem:s2+$0x660]  }
0x3c7: {  	[tilespmem:s2+$0x600] =	vst v18;
	v18 =	vadd.f32 v23, v7;
	v23 =	vld [tilespmem:s2+$0x670]  }
0x3c8: {  	[tilespmem:s2+$0x610] =	vst v19;
	v19 =	vadd.f32 v24, v6;
	v24 =	vld [tilespmem:s2+$0x2200]  }
0x3c9: {  	[tilespmem:s2+$0x620] =	vst v18;
	v18 =	vadd.f32 v20, v5;
	v20 =	vld [tilespmem:s2+$0x2210]  }
0x3ca: {  	[tilespmem:s2+$0x630] =	vst v19;
	v19 =	vadd.f32 v21, v4;
	v21 =	vld [tilespmem:s2+$0x2220]  }
0x3cb: {  	[tilespmem:s2+$0x640] =	vst v18;
	v18 =	vadd.f32 v22, v3;
	v22 =	vld [tilespmem:s2+$0x2230]  }
0x3cc: {  	[tilespmem:s2+$0x650] =	vst v19;
	v19 =	vadd.f32 v23, v2;
	v23 =	vld [tilespmem:s2+$0x2240]  }
0x3cd: {  	[tilespmem:s2+$0x660] =	vst v18;
	v18 =	vadd.f32 v24, v12;
	v24 =	vld [tilespmem:s2+$0x2250]  }
0x3ce: {  	[tilespmem:s2+$0x670] =	vst v19;
	v19 =	vadd.f32 v20, v13;
	v20 =	vld [tilespmem:s2+$0x2260]  }
0x3cf: {  	[tilespmem:s2+$0x2200] =	vst v18;
	v18 =	vadd.f32 v21, v14;
	v21 =	vld [tilespmem:s2+$0x2270]  }
0x3d0: {  	[tilespmem:s2+$0x2210] =	vst v19;
	v19 =	vadd.f32 v22, v15;
	v22 =	vld [tilespmem:s2+$0x2600]  }
0x3d1: {  	[tilespmem:s2+$0x2220] =	vst v18;
	v18 =	vadd.f32 v23, v16;
	v23 =	vld [tilespmem:s2+$0x2610]  }
0x3d2: {  	[tilespmem:s2+$0x2230] =	vst v19;
	v19 =	vadd.f32 v24, v17;
	v24 =	vld [tilespmem:s2+$0x2620]  }
0x3d3: {  	[tilespmem:s2+$0x2240] =	vst v18;
	v18 =	vadd.f32 v20, v10;
	v20 =	vld [tilespmem:s2+$0x2630]  }
0x3d4: {  	[tilespmem:s2+$0x2250] =	vst v19;
	v19 =	vadd.f32 v21, v11;
	v21 =	vld [tilespmem:s2+$0x2640]  }
0x3d5: {  	[tilespmem:s2+$0x2260] =	vst v18;
	v18 =	vadd.f32 v22, v9;
	v22 =	vld [tilespmem:s2+$0x2650]  }
0x3d6: {  	[tilespmem:s2+$0x2270] =	vst v19;
	v19 =	vadd.f32 v23, v8;
	v23 =	vld [tilespmem:s2+$0x2660]  }
0x3d7: {  	[tilespmem:s2+$0x2600] =	vst v18;
	v18 =	vadd.f32 v24, v7;
	v24 =	vld [tilespmem:s2+$0x2670]  }
0x3d8: {  	[tilespmem:s2+$0x2610] =	vst v19;
	v19 =	vadd.f32 v20, v6;
	v20 =	vld [tilespmem:s2+$0x4200]  }
0x3d9: {  	[tilespmem:s2+$0x2620] =	vst v18;
	v18 =	vadd.f32 v21, v5;
	v21 =	vld [tilespmem:s2+$0x4210]  }
0x3da: {  	[tilespmem:s2+$0x2630] =	vst v19;
	v19 =	vadd.f32 v22, v4;
	v22 =	vld [tilespmem:s2+$0x4220]  }
0x3db: {  	[tilespmem:s2+$0x2640] =	vst v18;
	v18 =	vadd.f32 v23, v3;
	v23 =	vld [tilespmem:s2+$0x4230]  }
0x3dc: {  	[tilespmem:s2+$0x2650] =	vst v19;
	v19 =	vadd.f32 v24, v2;
	v24 =	vld [tilespmem:s2+$0x4240]  }
0x3dd: {  	[tilespmem:s2+$0x2660] =	vst v18;
	v18 =	vadd.f32 v20, v12;
	v20 =	vld [tilespmem:s2+$0x4250]  }
0x3de: {  	[tilespmem:s2+$0x2670] =	vst v19;
	v19 =	vadd.f32 v21, v13;
	v21 =	vld [tilespmem:s2+$0x4260]  }
0x3df: {  	[tilespmem:s2+$0x4200] =	vst v18;
	v18 =	vadd.f32 v22, v14;
	v22 =	vld [tilespmem:s2+$0x4270]  }
0x3e0: {  	[tilespmem:s2+$0x4210] =	vst v19;
	v19 =	vadd.f32 v23, v15;
	v23 =	vld [tilespmem:s2+$0x4600]  }
0x3e1: {  	[tilespmem:s2+$0x4220] =	vst v18;
	v18 =	vadd.f32 v24, v16;
	v24 =	vld [tilespmem:s2+$0x4610]  }
0x3e2: {  	[tilespmem:s2+$0x4230] =	vst v19;
	v19 =	vadd.f32 v20, v17;
	v20 =	vld [tilespmem:s2+$0x4620]  }
0x3e3: {  	[tilespmem:s2+$0x4240] =	vst v18;
	v18 =	vadd.f32 v21, v10;
	v21 =	vld [tilespmem:s2+$0x4630]  }
0x3e4: {  	[tilespmem:s2+$0x4250] =	vst v19;
	v19 =	vadd.f32 v22, v11;
	v22 =	vld [tilespmem:s2+$0x4640]  }
0x3e5: {  	[tilespmem:s2+$0x4260] =	vst v18;
	v18 =	vadd.f32 v23, v9;
	v23 =	vld [tilespmem:s2+$0x4650]  }
0x3e6: {  	[tilespmem:s2+$0x4270] =	vst v19;
	v19 =	vadd.f32 v24, v8;
	v24 =	vld [tilespmem:s2+$0x4660]  }
0x3e7: {  	[tilespmem:s2+$0x4600] =	vst v18;
	v18 =	vadd.f32 v20, v7;
	v20 =	vld [tilespmem:s2+$0x4670]  }
0x3e8: {  	[tilespmem:s2+$0x4610] =	vst v19;
	v19 =	vadd.f32 v21, v6;
	v21 =	vld [tilespmem:s2+$0x6200]  }
0x3e9: {  	[tilespmem:s2+$0x4620] =	vst v18;
	v18 =	vadd.f32 v22, v5;
	v22 =	vld [tilespmem:s2+$0x6210]  }
0x3ea: {  	[tilespmem:s2+$0x4630] =	vst v19;
	v19 =	vadd.f32 v23, v4;
	v23 =	vld [tilespmem:s2+$0x6220]  }
0x3eb: {  	[tilespmem:s2+$0x4640] =	vst v18;
	v18 =	vadd.f32 v24, v3;
	v24 =	vld [tilespmem:s2+$0x6230]  }
0x3ec: {  	[tilespmem:s2+$0x4650] =	vst v19;
	v19 =	vadd.f32 v20, v2;
	v20 =	vld [tilespmem:s2+$0x6240]  }
0x3ed: {  	[tilespmem:s2+$0x4660] =	vst v18;
	v12 =	vadd.f32 v21, v12;
	v18 =	vld [tilespmem:s2+$0x6250]  }
0x3ee: {  	[tilespmem:s2+$0x4670] =	vst v19;
	v13 =	vadd.f32 v22, v13;
	v19 =	vld [tilespmem:s2+$0x6260]  }
0x3ef: {  	[tilespmem:s2+$0x6200] =	vst v12;
	v12 =	vadd.f32 v23, v14;
	v21 =	vld [tilespmem:s2+$0x6270]  }
0x3f0: {  	[tilespmem:s2+$0x6210] =	vst v13;
	v13 =	vadd.f32 v24, v15;
	v22 =	vld [tilespmem:s2+$0x6600]  }
.Ltmp4:
0x3f1: {  	[tilespmem:s2+$0x6220] =	vst v12;
	v15 =	vadd.f32 v20, v16;
	v14 =	vld [tilespmem:s2+$0x6610];
	(pc) =	sbr.rel @p0 .LBB2_10-.Ltmp4, $4  }
0x3f2: {  	[tilespmem:s2+$0x6230] =	vst v13;
	v16 =	vadd.f32 v18, v17;
	v12 =	vld [tilespmem:s2+$0x6620]  }
0x3f3: {  	[tilespmem:s2+$0x6240] =	vst v15;
	v10 =	vadd.f32 v19, v10;
	v13 =	vld [tilespmem:s2+$0x6630]  }
0x3f4: {  	[tilespmem:s2+$0x6250] =	vst v16;
	v15 =	vadd.f32 v21, v11;
	v11 =	vld [tilespmem:s2+$0x6640]  }
0x3f5: {  	s7 =	sadd.s32 $0x800, s7;
	s8 =	sadd.s32 $0x20, s8;
	[tilespmem:s2+$0x6260] =	vst v10;
	v10 =	vadd.f32 v22, v9;
	v9 =	vld [tilespmem:s2+$0x6650]  }
0x3f6: {  	[tilespmem:s2+$0x6270] =	vst v15;
	v8 =	vadd.f32 v14, v8;
	v62 =	vld [tilespmem:s2+$0x6660]  }
0x3f7: {  	v63 =	vld [tilespmem:s2+$0x6670];
	[tilespmem:s2+$0x6600] =	vst v10;
	v7 =	vadd.f32 v12, v7  }
0x3f8: {  	[tilespmem:s2+$0x6610] =	vst v8;
	v6 =	vadd.f32 v13, v6  }
0x3f9: {  	[tilespmem:s2+$0x6620] =	vst v7;
	v5 =	vadd.f32 v11, v5  }
0x3fa: {  	[tilespmem:s2+$0x6630] =	vst v6;
	v4 =	vadd.f32 v9, v4  }
0x3fb: {  	[tilespmem:s2+$0x6640] =	vst v5;
	v3 =	vadd.f32 v62, v3  }
0x3fc: {  	v2 =	vadd.f32 v63, v2;
	[tilespmem:s2+$0x6650] =	vst v4  }
0x3fd: {  	[tilespmem:s2+$0x6660] =	vst v3  }
0x3fe: {  	s0 =	rddreg [dreg:$0xa];
	[tilespmem:s2+$0x6670] =	vst v2  }
0x3ff: {  	[hbm4b:s0+s4] =	stream.linear.scatter [tilespmem:s28], [sflag:$0x7], $0x2000, $0x38;
	[tilespmem:$0x1E200] =	vst v63  }
0x400: {  	s21 =	rddreg [dreg:$0xb]  }
0x401: {  	[hbm4b:s21+s4] =	stream.linear.scatter [tilespmem:s25], [sflag:$0x7], $0x2000, $0x38;
	[tilespmem:$0x1E200] =	vst v63  }
0x402: {  	s22 =	rddreg [dreg:$0xc];
	s7 =	simm.s32 $0x4200  }
0x403: {  	[hbm4b:s22+s4] =	stream.linear.scatter [tilespmem:s7], [sflag:$0x7], $0x2000, $0x38;
	[tilespmem:$0x1E200] =	vst v63  }
0x404: {  	s23 =	rddreg [dreg:$0xd];
	s8 =	simm.s32 $0x6200;
	s24 =	simm.s32 $0x9  }
0x405: {  	[hbm4b:s23+s4] =	stream.linear.scatter [tilespmem:s8], [sflag:$0x7], $0x2000, $0x38;
	[tilespmem:$0x1E200] =	vst v63  }
0x406: {  	_ =	swait.ge [sflag:s24], $0x8000  }
0x407: {  	[sflag:s24] =	ssyncset.done $0x0  }
0x408: {  	[sflag:s24] =	ssyncadd.s32 $0xFFFF8000  }
0x409: {  	_ =	swait.ge [sflag:s18], $0x8000  }
0x40a: {  	s29 =	rddreg [dreg:$0xf]  }
0x40b: {  	s30 =	rddreg [dreg:$0xe];
	s2 =	sadd.s32 $0x1, s29  }
0x40c: {  	p0 =	sne.s32 s2, s30  }
.Ltmp5:
0x40d: {  	_ = 	snop;
	(pc) =	sbr.rel @p0 .LBB2_1-.Ltmp5, $3  }
0x40e: {  	_ =	sdelay $0x1  }
0x40f: {  	[sflag:s18] =	ssyncset.done $0x0  }
0x410: {  	[sflag:s18] =	ssyncadd.s32 $0xFFFF8000  }
0x411: {  	_ =	sfence.sel $0x180000  }
0x412: {  	[bflag:$0x0] =	sbarrier.arrive $0xFFFF  }
0x413: {  	_ =	strace $0x90000047  }
0x414: {  	s0 =	stileid.u32;
	[bflag:$0x2] =	sbarrier.arrive $0xFFFF  }
0x415: {  	p0 =	sne.s32 s0, $0x0;
	s0 =	rddreg [dreg:$0x4]  }
0x416: {  	s0 =	sadd.s32 @!p0 $0x100000, s0  }
0x417: {  	[sflag:s0] =	ssyncadd.tile.s32 @!p0 $0x1;
	_ =	shalt  }
.Lfunc_end2:
_tile_overlayer_lowered:
.L_overlay_start_2:
0x418: {  	(tag) =	ssettag $0x2  }
0x419: {  	s0 =	rddreg [dreg:$0x0];
	s2 =	stileid.u32  }
0x41a: {  	s1 =	rddreg [dreg:$0x1];
	p0 =	sne.s32 s2, $0x0  }
0x41b: {  	s3 =	rddreg [dreg:$0x2];
	[bflag:$0x3] =	sbarrier.arrive $0xFFFF;
	s2 =	simm.s32 @!p0 $0x1C0A  }
0x41c: {  	[timem:s3], [sflag:s2] =	dma.local @!p0 [hbm:s0], s1  }
0x41d: {  	s0 =	simm.s32 @!p0 $0xA  }
0x41e: {  	_ =	swait.ge @!p0 [sflag:s0], s1  }
0x41f: {  	s1 =	ssub.s32 @!p0 $0x0, s1;
	[sflag:s0] =	ssyncset.done @!p0 $0x0  }
0x420: {  	[sflag:s0] =	ssyncadd.s32 @!p0 s1  }
0x421: {  	[bflag:$0x3] =	sbarrier.arrive $0xFFFF  }
0x422: {  	_ =	shalt  }

</sc_bundles>
